<compile_context>
chip_gen: v7x
topology: tpu7x:2x2x1
jax: 0.10.2.dev20260603
libtpu: 0.0.44.dev20260713+nightly
codegen_flags: <defaults>
</compile_context>

<pallas_src>
import functools

import jax
import jax.numpy as jnp
from jax import lax
from jax.experimental import pallas as pl
from jax.experimental.pallas import tpu as pltpu
from jax.experimental.pallas import tpu_sc as plsc

_NC = 2
_NS = 16


def _edge_premix(x, w1a, w1b, b1, blk):
    n, d = x.shape

    def body(x_ref, wa_ref, wb_ref, b1_ref, a_ref, b_ref):
        xv = x_ref[...]
        a_ref[...] = jnp.dot(xv, wa_ref[...], preferred_element_type=jnp.float32)
        b_ref[...] = (
            jnp.dot(xv, wb_ref[...], preferred_element_type=jnp.float32)
            + b1_ref[...]
        )

    return pl.pallas_call(
        body,
        grid=(n // blk,),
        in_specs=[
            pl.BlockSpec((blk, d), lambda i: (i, 0)),
            pl.BlockSpec((d, d), lambda i: (0, 0)),
            pl.BlockSpec((d, d), lambda i: (0, 0)),
            pl.BlockSpec((1, d), lambda i: (0, 0)),
        ],
        out_specs=[
            pl.BlockSpec((blk, d), lambda i: (i, 0)),
            pl.BlockSpec((blk, d), lambda i: (i, 0)),
        ],
        out_shape=[
            jax.ShapeDtypeStruct((n, d), jnp.float32),
            jax.ShapeDtypeStruct((n, d), jnp.float32),
        ],
    )(x, w1a, w1b, b1)


def _sc_gather(a, b, src, dst, ch, nslot=4):
    n, d = a.shape
    e = src.shape[0]
    nw = _NC * _NS
    epw = e // nw
    nchunk = epw // ch
    assert nchunk >= nslot
    mesh = plsc.VectorSubcoreMesh(
        core_axis_name="c", subcore_axis_name="s",
        num_cores=_NC, num_subcores=_NS,
    )

    @functools.partial(
        pl.kernel,
        mesh=mesh,
        out_type=(
            jax.ShapeDtypeStruct((e, d), jnp.float32),
            jax.ShapeDtypeStruct((e, d), jnp.float32),
        ),
        scratch_types=[pltpu.VMEM((epw,), jnp.int32)] * 2
        + [pltpu.VMEM((ch, d), jnp.float32)] * (2 * nslot)
        + [pltpu.SemaphoreType.DMA] * (4 * nslot),
    )
    def k(a_hbm, b_hbm, src_hbm, dst_hbm, ao_hbm, bo_hbm, src_v, dst_v,
          *rest):
        ra = rest[0:nslot]
        rb = rest[nslot:2 * nslot]
        sga = rest[2 * nslot:3 * nslot]
        sgb = rest[3 * nslot:4 * nslot]
        swa = rest[4 * nslot:5 * nslot]
        swb = rest[5 * nslot:6 * nslot]
        wid = lax.axis_index("s") * _NC + lax.axis_index("c")
        base = wid * epw
        pltpu.sync_copy(src_hbm.at[pl.ds(base, epw)], src_v)
        pltpu.sync_copy(dst_hbm.at[pl.ds(base, epw)], dst_v)

        def fire_g(j, q):
            off = j * ch
            pltpu.async_copy(a_hbm.at[src_v.at[pl.ds(off, ch)]], ra[q], sga[q])
            pltpu.async_copy(b_hbm.at[dst_v.at[pl.ds(off, ch)]], rb[q], sgb[q])

        def wait_g(q):
            pltpu.make_async_copy(a_hbm.at[pl.ds(0, ch)], ra[q], sga[q]).wait()
            pltpu.make_async_copy(b_hbm.at[pl.ds(0, ch)], rb[q], sgb[q]).wait()

        def fire_w(j, q):
            off = base + j * ch
            pltpu.async_copy(ra[q], ao_hbm.at[pl.ds(off, ch)], swa[q])
            pltpu.async_copy(rb[q], bo_hbm.at[pl.ds(off, ch)], swb[q])

        def wait_w(q):
            pltpu.make_async_copy(ra[q], ao_hbm.at[pl.ds(0, ch)], swa[q]).wait()
            pltpu.make_async_copy(rb[q], bo_hbm.at[pl.ds(0, ch)], swb[q]).wait()

        for q in range(nslot):
            fire_g(q, q)

        def step(j, q):
            wait_g(q)
            fire_w(j, q)

            @pl.when(j + nslot < nchunk)
            def _():
                wait_w(q)
                fire_g(j + nslot, q)

        def body(p, carry):
            for q in range(nslot):
                step(p * nslot + q, q)
            return carry

        nb = nchunk // nslot
        lax.fori_loop(0, nb, body, 0)
        for q in range(nchunk - nb * nslot):
            step(nb * nslot + q, q)
        for q in range(nslot):
            wait_w(q)

    return k(a, b, src, dst)


def _edge_mlp(ga, gb, w2, b2):
    e, d = ga.shape
    blk = 2048
    while e % blk or blk % 8:
        blk -= 8

    def body(ga_ref, gb_ref, w2_ref, b2_ref, o_ref):
        h = jnp.maximum(ga_ref[...] + gb_ref[...], 0.0)
        m = (
            jnp.dot(h, w2_ref[...], preferred_element_type=jnp.float32)
            + b2_ref[...]
        )
        o_ref[...] = jnp.maximum(m, 0.0)

    return pl.pallas_call(
        body,
        grid=(e // blk,),
        in_specs=[
            pl.BlockSpec((blk, d), lambda i: (i, 0)),
            pl.BlockSpec((blk, d), lambda i: (i, 0)),
            pl.BlockSpec((d, d), lambda i: (0, 0)),
            pl.BlockSpec((1, d), lambda i: (0, 0)),
        ],
        out_specs=pl.BlockSpec((blk, d), lambda i: (i, 0)),
        out_shape=jax.ShapeDtypeStruct((e, d), jnp.float32),
    )(ga, gb, w2, b2)


def _sc_scatter(msg, dst4, n, ch, nslot=4):
    e, d = msg.shape
    nchunk = dst4.shape[2]
    assert nchunk >= nslot
    nps = ((n + _NS * 128 - 1) // (_NS * 128)) * 128
    npad = _NS * nps
    mesh = plsc.VectorSubcoreMesh(
        core_axis_name="c", subcore_axis_name="s",
        num_cores=_NC, num_subcores=_NS,
    )

    @functools.partial(
        pl.kernel,
        mesh=mesh,
        out_type=jax.ShapeDtypeStruct((_NC, npad, d), jnp.float32),
        scratch_types=[pltpu.VMEM((nchunk, ch), jnp.int32)]
        + [pltpu.VMEM((ch, d), jnp.float32)] * nslot
        + [pltpu.VMEM_SHARED((npad, d), jnp.float32)]
        + [pltpu.SemaphoreType.DMA] * (2 * nslot),
    )
    def k(msg_hbm, dst_hbm, out_hbm, idx_v, *rest):
        m = rest[0:nslot]
        acc_sh = rest[nslot]
        sr = rest[nslot + 1:2 * nslot + 1]
        ss = rest[2 * nslot + 1:3 * nslot + 1]
        cid = lax.axis_index("c")
        sid = lax.axis_index("s")
        ebase = cid * (e // _NC) + sid * (e // (_NC * _NS))

        z = jnp.zeros((16,), jnp.float32)

        def zbody(r, carry):
            for q in range(d // 16):
                m[0][r, pl.ds(q * 16, 16)] = z
            return carry

        lax.fori_loop(0, ch, zbody, 0)
        for t in range(nps // ch):
            pltpu.sync_copy(m[0], acc_sh.at[pl.ds(sid * nps + t * ch, ch)])
        plsc.subcore_barrier()

        pltpu.sync_copy(dst_hbm.at[cid, sid], idx_v)

        def fire_r(j, q):
            pltpu.async_copy(msg_hbm.at[pl.ds(ebase + j * ch, ch)], m[q], sr[q])

        def wait_r(q):
            pltpu.make_async_copy(msg_hbm.at[pl.ds(0, ch)], m[q], sr[q]).wait()

        def fire_s(j, q):
            pltpu.async_copy(m[q], acc_sh.at[idx_v.at[j]], ss[q], add=True)

        def wait_s(q):
            pltpu.make_async_copy(m[q], acc_sh.at[pl.ds(0, ch)], ss[q]).wait()

        for q in range(nslot):
            fire_r(q, q)

        def step(j, q):
            wait_r(q)
            fire_s(j, q)

            @pl.when(j + nslot < nchunk)
            def _():
                wait_s(q)
                fire_r(j + nslot, q)

        def body(p, carry):
            for q in range(nslot):
                step(p * nslot + q, q)
            return carry

        nb = nchunk // nslot
        lax.fori_loop(0, nb, body, 0)
        for q in range(nchunk - nb * nslot):
            step(nb * nslot + q, q)
        for q in range(nslot):
            wait_s(q)
        plsc.subcore_barrier()

        r0 = sid * nps
        pltpu.sync_copy(acc_sh.at[pl.ds(r0, nps)], out_hbm.at[cid, pl.ds(r0, nps)])

    return k(msg, dst4)


def _node_mlp(x, partials, w1a, w1b, b1, w2, b2, blk):
    n, d = x.shape
    nparts = len(partials)

    def body(x_ref, *refs):
        part_refs = refs[:nparts]
        wa_ref, wb_ref, b1_ref, w2_ref, b2_ref, o_ref = refs[nparts:]
        agg = part_refs[0][...]
        for pr in part_refs[1:]:
            agg = agg + pr[...]
        h = jnp.maximum(
            jnp.dot(x_ref[...], wa_ref[...], preferred_element_type=jnp.float32)
            + jnp.dot(agg, wb_ref[...], preferred_element_type=jnp.float32)
            + b1_ref[...],
            0.0,
        )
        o_ref[...] = (
            jnp.dot(h, w2_ref[...], preferred_element_type=jnp.float32)
            + b2_ref[...]
        )

    return pl.pallas_call(
        body,
        grid=(n // blk,),
        in_specs=[pl.BlockSpec((blk, d), lambda i: (i, 0))] * (1 + nparts)
        + [
            pl.BlockSpec((d, d), lambda i: (0, 0)),
            pl.BlockSpec((d, d), lambda i: (0, 0)),
            pl.BlockSpec((1, d), lambda i: (0, 0)),
            pl.BlockSpec((d, d), lambda i: (0, 0)),
            pl.BlockSpec((1, d), lambda i: (0, 0)),
        ],
        out_specs=pl.BlockSpec((blk, d), lambda i: (i, 0)),
        out_shape=jax.ShapeDtypeStruct((n, d), jnp.float32),
    )(x, *partials, w1a, w1b, b1, w2, b2)


def kernel(node_tensor, edge_idx_tensor, We1, be1, We2, be2, Wn1, bn1, Wn2,
           bn2):
    x = node_tensor
    n, d = x.shape
    e = edge_idx_tensor.shape[1]
    src = edge_idx_tensor[0]
    dst = edge_idx_tensor[1]

    a, b = _edge_premix(x, We1[:d], We1[d:], be1.reshape(1, d), 2000)

    nhalf = 2
    chg, gslot = 40, 4
    chs, sslot = 40, 4
    nw = _NC * _NS
    eh = e // nhalf
    epw = eh // nw
    epw_pad = epw
    while not (epw_pad % 8 == 0 and epw_pad % chg == 0
               and epw_pad % chs == 0):
        epw_pad += 8
    nps = ((n + _NS * 128 - 1) // (_NS * 128)) * 128
    npad = _NS * nps
    pad = epw_pad - epw

    partials = []
    for hh in range(nhalf):
        src_h = lax.slice_in_dim(src, hh * eh, (hh + 1) * eh)
        dst_h = lax.slice_in_dim(dst, hh * eh, (hh + 1) * eh)
        if pad:
            ar = jnp.arange(nw * pad, dtype=jnp.int32)
            ps = (ar % n).reshape(nw, pad)
            pd = (n + ar % (npad - n)).reshape(nw, pad)
            src_h = jnp.concatenate([src_h.reshape(nw, epw), ps], 1).reshape(-1)
            dst_h = jnp.concatenate([dst_h.reshape(nw, epw), pd], 1).reshape(-1)
        ga, gb = _sc_gather(a, b, src_h, dst_h, chg, gslot)
        msg = _edge_mlp(ga, gb, We2, be2.reshape(1, d))
        dst4 = dst_h.reshape(_NC, _NS, epw_pad // chs, chs)
        pp = _sc_scatter(msg, dst4, n, chs, sslot)[:, :n]
        partials.extend([pp[0], pp[1]])
    out = _node_mlp(x, partials, Wn1[:d], Wn1[d:],
                    bn1.reshape(1, d), Wn2, bn2.reshape(1, d), 2000)
    return (out, edge_idx_tensor)

# --- scband reference (transcript-rebuilt; emitter-appended) ---
"""Pipeline reference for scband-mp-layer-85203561218543 (READ-ONLY COPY).

The authoritative reference and input builder live on the scoring server;
editing this copy changes nothing except your own understanding.
"""

import jax, jax.numpy as jnp
import numpy as np

N, E, D = 10000, 320000, 128

def _linear_params(key, fan_in, fan_out):
    k1, k2 = jax.random.split(key)
    s = 1.0 / np.sqrt(fan_in)
    W = jax.random.uniform(k1, (fan_in, fan_out), minval=-s, maxval=s, dtype=jnp.float32)
    b = jax.random.uniform(k2, (fan_out,), minval=-s, maxval=s, dtype=jnp.float32)
    return W, b

def setup_inputs(seed: int = 0) -> dict:
    key = jax.random.key(seed)
    ks = jax.random.split(key, 6)
    x = jax.random.normal(ks[0], (N, D), dtype=jnp.float32)
    edge_index = jax.random.randint(ks[1], (2, E), 0, N, dtype=jnp.int32)
    We1, be1 = _linear_params(ks[2], 2 * D, D)
    We2, be2 = _linear_params(ks[3], D, D)
    Wn1, bn1 = _linear_params(ks[4], 2 * D, D)
    Wn2, bn2 = _linear_params(ks[5], D, D)
    return {"node_tensor": x, "edge_idx_tensor": edge_index,
            "We1": We1, "be1": be1, "We2": We2, "be2": be2,
            "Wn1": Wn1, "bn1": bn1, "Wn2": Wn2, "bn2": bn2}

def reference(node_tensor, edge_idx_tensor, We1, be1, We2, be2, Wn1, bn1, Wn2, bn2):
    src = jnp.take(node_tensor, edge_idx_tensor[0], axis=0)
    dst = jnp.take(node_tensor, edge_idx_tensor[1], axis=0)
    edge_messages_input = jnp.concatenate([src, dst], axis=-1)
    h = jax.nn.relu(edge_messages_input @ We1 + be1)
    edge_messages_output = jax.nn.relu(h @ We2 + be2)
    node_agg_messages = jnp.zeros_like(node_tensor).at[edge_idx_tensor[1]].add(edge_messages_output)
    node_in = jnp.concatenate([node_tensor, node_agg_messages], axis=-1)
    h2 = jax.nn.relu(node_in @ Wn1 + bn1)
    node_out = h2 @ Wn2 + bn2
    return (node_out, edge_idx_tensor)

if __name__ == "__main__":
    import jax
    _d = setup_inputs()
    print(jax.jit(kernel)(*tuple(_d.values())))

</pallas_src>

<mosaic_0001>
#map = affine_map<(d0, d1) -> (0, 0)>
#map1 = affine_map<(d0, d1) -> (0, 0, 0, 0)>
#map2 = affine_map<(d0, d1) -> (0, 0, 0)>
module attributes {stable_mosaic.version = 14 : i64} {
  func.func @k(%arg0: i32, %arg1: i32, %arg2: memref<160000x128xf32, #tpu.memory_space<hbm>>, %arg3: memref<2x16x125x40xi32, #tpu.memory_space<hbm>>, %arg4: memref<2x10240x128xf32, #tpu.memory_space<hbm>>, %arg5: memref<125x40xi32, #tpu.memory_space<vmem>>, %arg6: memref<40x128xf32, #tpu.memory_space<vmem>>, %arg7: memref<40x128xf32, #tpu.memory_space<vmem>>, %arg8: memref<40x128xf32, #tpu.memory_space<vmem>>, %arg9: memref<40x128xf32, #tpu.memory_space<vmem>>, %arg10: memref<10240x128xf32, #tpu.memory_space<vmem_shared>>, %arg11: memref<!tpu.dma_semaphore, #tpu.memory_space<semaphore_mem>>, %arg12: memref<!tpu.dma_semaphore, #tpu.memory_space<semaphore_mem>>, %arg13: memref<!tpu.dma_semaphore, #tpu.memory_space<semaphore_mem>>, %arg14: memref<!tpu.dma_semaphore, #tpu.memory_space<semaphore_mem>>, %arg15: memref<!tpu.dma_semaphore, #tpu.memory_space<semaphore_mem>>, %arg16: memref<!tpu.dma_semaphore, #tpu.memory_space<semaphore_mem>>, %arg17: memref<!tpu.dma_semaphore, #tpu.memory_space<semaphore_mem>>, %arg18: memref<!tpu.dma_semaphore, #tpu.memory_space<semaphore_mem>>) attributes {dimension_semantics = [#tpu.dimension_semantics<core_parallel>, #tpu.dimension_semantics<subcore_parallel>], iteration_bounds = array<i64: 2, 16>, scalar_prefetch = 0 : i64, scratch_operands = 14 : i64, tpu.core_type = #tpu.core_type<sc_vector_subcore>, window_params = [{transform_indices = #map}, {transform_indices = #map1}, {transform_indices = #map2}]} {
    %mul3A = arith.constant 80000 : i32
    %mul3A_0 = arith.muli %arg0, %mul3A : i32
    %mul3A_1 = arith.constant 5000 : i32
    %mul3A_2 = arith.muli %arg1, %mul3A_1 : i32
    %add3A = arith.addi %mul3A_0, %mul3A_2 : i32
    %broadcast_in_dim3A = arith.constant 0.000000e+00 : f32
    %broadcast_in_dim3A_3 = vector.broadcast %broadcast_in_dim3A : f32 to vector<16xf32>
    %scan3A = arith.constant 0 : i32
    %scan3A_4 = arith.constant 0 : i32
    %scan3A_5 = arith.constant 40 : i32
    %scan3A_6 = arith.addi %scan3A_4, %scan3A_5 : i32
    %scan3A_7 = arith.constant 1 : i32
    scf.for %scan3A_141 = %scan3A_4 to %scan3A_6 step %scan3A_7  : i32 {
      %swap3A = arith.index_cast %scan3A_141 : i32 to index
      %swap3A_142 = arith.constant 0 : index
      %swap3A_143 = tpu.vector_load %arg6[%swap3A, %swap3A_142] {strides = array<i32>} : memref<40x128xf32, #tpu.memory_space<vmem>>, vector<1x16xf32>,
      %swap3A_144 = vector.shape_cast %swap3A_143 : vector<1x16xf32> to vector<16xf32>
      %swap3A_145 = vector.shape_cast %broadcast_in_dim3A_3 : vector<16xf32> to vector<1x16xf32>
      tpu.vector_store %arg6[%swap3A, %swap3A_142], %swap3A_145 {strides = array<i32>} : memref<40x128xf32, #tpu.memory_space<vmem>>, vector<1x16xf32>,
      %swap3A_146 = arith.index_cast %scan3A_141 : i32 to index
      %swap3A_147 = arith.constant 16 : index
      %swap3A_148 = tpu.vector_load %arg6[%swap3A_146, %swap3A_147] {strides = array<i32>} : memref<40x128xf32, #tpu.memory_space<vmem>>, vector<1x16xf32>,
      %swap3A_149 = vector.shape_cast %swap3A_148 : vector<1x16xf32> to vector<16xf32>
      %swap3A_150 = vector.shape_cast %broadcast_in_dim3A_3 : vector<16xf32> to vector<1x16xf32>
      tpu.vector_store %arg6[%swap3A_146, %swap3A_147], %swap3A_150 {strides = array<i32>} : memref<40x128xf32, #tpu.memory_space<vmem>>, vector<1x16xf32>,
      %swap3A_151 = arith.index_cast %scan3A_141 : i32 to index
      %swap3A_152 = arith.constant 32 : index
      %swap3A_153 = tpu.vector_load %arg6[%swap3A_151, %swap3A_152] {strides = array<i32>} : memref<40x128xf32, #tpu.memory_space<vmem>>, vector<1x16xf32>,
      %swap3A_154 = vector.shape_cast %swap3A_153 : vector<1x16xf32> to vector<16xf32>
      %swap3A_155 = vector.shape_cast %broadcast_in_dim3A_3 : vector<16xf32> to vector<1x16xf32>
      tpu.vector_store %arg6[%swap3A_151, %swap3A_152], %swap3A_155 {strides = array<i32>} : memref<40x128xf32, #tpu.memory_space<vmem>>, vector<1x16xf32>,
      %swap3A_156 = arith.index_cast %scan3A_141 : i32 to index
      %swap3A_157 = arith.constant 48 : index
      %swap3A_158 = tpu.vector_load %arg6[%swap3A_156, %swap3A_157] {strides = array<i32>} : memref<40x128xf32, #tpu.memory_space<vmem>>, vector<1x16xf32>,
      %swap3A_159 = vector.shape_cast %swap3A_158 : vector<1x16xf32> to vector<16xf32>
      %swap3A_160 = vector.shape_cast %broadcast_in_dim3A_3 : vector<16xf32> to vector<1x16xf32>
      tpu.vector_store %arg6[%swap3A_156, %swap3A_157], %swap3A_160 {strides = array<i32>} : memref<40x128xf32, #tpu.memory_space<vmem>>, vector<1x16xf32>,
      %swap3A_161 = arith.index_cast %scan3A_141 : i32 to index
      %swap3A_162 = arith.constant 64 : index
      %swap3A_163 = tpu.vector_load %arg6[%swap3A_161, %swap3A_162] {strides = array<i32>} : memref<40x128xf32, #tpu.memory_space<vmem>>, vector<1x16xf32>,
      %swap3A_164 = vector.shape_cast %swap3A_163 : vector<1x16xf32> to vector<16xf32>
      %swap3A_165 = vector.shape_cast %broadcast_in_dim3A_3 : vector<16xf32> to vector<1x16xf32>
      tpu.vector_store %arg6[%swap3A_161, %swap3A_162], %swap3A_165 {strides = array<i32>} : memref<40x128xf32, #tpu.memory_space<vmem>>, vector<1x16xf32>,
      %swap3A_166 = arith.index_cast %scan3A_141 : i32 to index
      %swap3A_167 = arith.constant 80 : index
      %swap3A_168 = tpu.vector_load %arg6[%swap3A_166, %swap3A_167] {strides = array<i32>} : memref<40x128xf32, #tpu.memory_space<vmem>>, vector<1x16xf32>,
      %swap3A_169 = vector.shape_cast %swap3A_168 : vector<1x16xf32> to vector<16xf32>
      %swap3A_170 = vector.shape_cast %broadcast_in_dim3A_3 : vector<16xf32> to vector<1x16xf32>
      tpu.vector_store %arg6[%swap3A_166, %swap3A_167], %swap3A_170 {strides = array<i32>} : memref<40x128xf32, #tpu.memory_space<vmem>>, vector<1x16xf32>,
      %swap3A_171 = arith.index_cast %scan3A_141 : i32 to index
      %swap3A_172 = arith.constant 96 : index
      %swap3A_173 = tpu.vector_load %arg6[%swap3A_171, %swap3A_172] {strides = array<i32>} : memref<40x128xf32, #tpu.memory_space<vmem>>, vector<1x16xf32>,
      %swap3A_174 = vector.shape_cast %swap3A_173 : vector<1x16xf32> to vector<16xf32>
      %swap3A_175 = vector.shape_cast %broadcast_in_dim3A_3 : vector<16xf32> to vector<1x16xf32>
      tpu.vector_store %arg6[%swap3A_171, %swap3A_172], %swap3A_175 {strides = array<i32>} : memref<40x128xf32, #tpu.memory_space<vmem>>, vector<1x16xf32>,
      %swap3A_176 = arith.index_cast %scan3A_141 : i32 to index
      %swap3A_177 = arith.constant 112 : index
      %swap3A_178 = tpu.vector_load %arg6[%swap3A_176, %swap3A_177] {strides = array<i32>} : memref<40x128xf32, #tpu.memory_space<vmem>>, vector<1x16xf32>,
      %swap3A_179 = vector.shape_cast %swap3A_178 : vector<1x16xf32> to vector<16xf32>
      %swap3A_180 = vector.shape_cast %broadcast_in_dim3A_3 : vector<16xf32> to vector<1x16xf32>
      tpu.vector_store %arg6[%swap3A_176, %swap3A_177], %swap3A_180 {strides = array<i32>} : memref<40x128xf32, #tpu.memory_space<vmem>>, vector<1x16xf32>,
    }
    %scan3A_8 = arith.constant 40 : i32
    %mul3A_9 = arith.constant 640 : i32
    %mul3A_10 = arith.muli %arg1, %mul3A_9 : i32
    %add3A_11 = arith.constant 0 : i32
    %add3A_12 = arith.addi %mul3A_10, %add3A_11 : i32
    "tpu.region"() ({
      %run_scoped3A = tpu.sem_alloc : memref<!tpu.dma_semaphore, #tpu.memory_space<semaphore_mem>>
      %dma_start3A_141 = arith.constant 0 : i32
      %dma_start3A_142 = tpu.memref_slice %arg10[%add3A_12, %dma_start3A_141] : memref<10240x128xf32, #tpu.memory_space<vmem_shared>> -> memref<40x128xf32, #tpu.memory_space<vmem_shared>>
      %dma_start3A_143 = arith.constant 0 : i32
      %dma_start3A_144 = tpu.memref_slice %arg10[%add3A_12, %dma_start3A_143] : memref<10240x128xf32, #tpu.memory_space<vmem_shared>> -> memref<40x128xf32, #tpu.memory_space<vmem_shared>>
      tpu.enqueue_dma source(%arg6 : memref<40x128xf32, #tpu.memory_space<vmem>>) target(%dma_start3A_144 : memref<40x128xf32, #tpu.memory_space<vmem_shared>>) target_semaphore(%run_scoped3A : memref<!tpu.dma_semaphore, #tpu.memory_space<semaphore_mem>>)
      %dma_wait3A_145 = arith.constant 0 : i32
      %dma_wait3A_146 = tpu.memref_slice %arg10[%add3A_12, %dma_wait3A_145] : memref<10240x128xf32, #tpu.memory_space<vmem_shared>> -> memref<40x128xf32, #tpu.memory_space<vmem_shared>>
      %dma_wait3A_147 = arith.constant 0 : i32
      %dma_wait3A_148 = tpu.memref_slice %arg10[%add3A_12, %dma_wait3A_147] : memref<10240x128xf32, #tpu.memory_space<vmem_shared>> -> memref<40x128xf32, #tpu.memory_space<vmem_shared>>
      tpu.wait_dma2 semaphore(%run_scoped3A : memref<!tpu.dma_semaphore, #tpu.memory_space<semaphore_mem>>) src(%arg6 : memref<40x128xf32, #tpu.memory_space<vmem>>) dst(%dma_wait3A_148 : memref<40x128xf32, #tpu.memory_space<vmem_shared>>)
      tpu.yield
    }) : () -> ()
    %mul3A_13 = arith.constant 640 : i32
    %mul3A_14 = arith.muli %arg1, %mul3A_13 : i32
    %add3A_15 = arith.constant 40 : i32
    %add3A_16 = arith.addi %mul3A_14, %add3A_15 : i32
    "tpu.region"() ({
      %run_scoped3A = tpu.sem_alloc : memref<!tpu.dma_semaphore, #tpu.memory_space<semaphore_mem>>
      %dma_start3A_141 = arith.constant 0 : i32
      %dma_start3A_142 = tpu.memref_slice %arg10[%add3A_16, %dma_start3A_141] : memref<10240x128xf32, #tpu.memory_space<vmem_shared>> -> memref<40x128xf32, #tpu.memory_space<vmem_shared>>
      %dma_start3A_143 = arith.constant 0 : i32
      %dma_start3A_144 = tpu.memref_slice %arg10[%add3A_16, %dma_start3A_143] : memref<10240x128xf32, #tpu.memory_space<vmem_shared>> -> memref<40x128xf32, #tpu.memory_space<vmem_shared>>
      tpu.enqueue_dma source(%arg6 : memref<40x128xf32, #tpu.memory_space<vmem>>) target(%dma_start3A_144 : memref<40x128xf32, #tpu.memory_space<vmem_shared>>) target_semaphore(%run_scoped3A : memref<!tpu.dma_semaphore, #tpu.memory_space<semaphore_mem>>)
      %dma_wait3A_145 = arith.constant 0 : i32
      %dma_wait3A_146 = tpu.memref_slice %arg10[%add3A_16, %dma_wait3A_145] : memref<10240x128xf32, #tpu.memory_space<vmem_shared>> -> memref<40x128xf32, #tpu.memory_space<vmem_shared>>
      %dma_wait3A_147 = arith.constant 0 : i32
      %dma_wait3A_148 = tpu.memref_slice %arg10[%add3A_16, %dma_wait3A_147] : memref<10240x128xf32, #tpu.memory_space<vmem_shared>> -> memref<40x128xf32, #tpu.memory_space<vmem_shared>>
      tpu.wait_dma2 semaphore(%run_scoped3A : memref<!tpu.dma_semaphore, #tpu.memory_space<semaphore_mem>>) src(%arg6 : memref<40x128xf32, #tpu.memory_space<vmem>>) dst(%dma_wait3A_148 : memref<40x128xf32, #tpu.memory_space<vmem_shared>>)
      tpu.yield
    }) : () -> ()
    %mul3A_17 = arith.constant 640 : i32
    %mul3A_18 = arith.muli %arg1, %mul3A_17 : i32
    %add3A_19 = arith.constant 80 : i32
    %add3A_20 = arith.addi %mul3A_18, %add3A_19 : i32
    "tpu.region"() ({
      %run_scoped3A = tpu.sem_alloc : memref<!tpu.dma_semaphore, #tpu.memory_space<semaphore_mem>>
      %dma_start3A_141 = arith.constant 0 : i32
      %dma_start3A_142 = tpu.memref_slice %arg10[%add3A_20, %dma_start3A_141] : memref<10240x128xf32, #tpu.memory_space<vmem_shared>> -> memref<40x128xf32, #tpu.memory_space<vmem_shared>>
      %dma_start3A_143 = arith.constant 0 : i32
      %dma_start3A_144 = tpu.memref_slice %arg10[%add3A_20, %dma_start3A_143] : memref<10240x128xf32, #tpu.memory_space<vmem_shared>> -> memref<40x128xf32, #tpu.memory_space<vmem_shared>>
      tpu.enqueue_dma source(%arg6 : memref<40x128xf32, #tpu.memory_space<vmem>>) target(%dma_start3A_144 : memref<40x128xf32, #tpu.memory_space<vmem_shared>>) target_semaphore(%run_scoped3A : memref<!tpu.dma_semaphore, #tpu.memory_space<semaphore_mem>>)
      %dma_wait3A_145 = arith.constant 0 : i32
      %dma_wait3A_146 = tpu.memref_slice %arg10[%add3A_20, %dma_wait3A_145] : memref<10240x128xf32, #tpu.memory_space<vmem_shared>> -> memref<40x128xf32, #tpu.memory_space<vmem_shared>>
      %dma_wait3A_147 = arith.constant 0 : i32
      %dma_wait3A_148 = tpu.memref_slice %arg10[%add3A_20, %dma_wait3A_147] : memref<10240x128xf32, #tpu.memory_space<vmem_shared>> -> memref<40x128xf32, #tpu.memory_space<vmem_shared>>
      tpu.wait_dma2 semaphore(%run_scoped3A : memref<!tpu.dma_semaphore, #tpu.memory_space<semaphore_mem>>) src(%arg6 : memref<40x128xf32, #tpu.memory_space<vmem>>) dst(%dma_wait3A_148 : memref<40x128xf32, #tpu.memory_space<vmem_shared>>)
      tpu.yield
    }) : () -> ()
    %mul3A_21 = arith.constant 640 : i32
    %mul3A_22 = arith.muli %arg1, %mul3A_21 : i32
    %add3A_23 = arith.constant 120 : i32
    %add3A_24 = arith.addi %mul3A_22, %add3A_23 : i32
    "tpu.region"() ({
      %run_scoped3A = tpu.sem_alloc : memref<!tpu.dma_semaphore, #tpu.memory_space<semaphore_mem>>
      %dma_start3A_141 = arith.constant 0 : i32
      %dma_start3A_142 = tpu.memref_slice %arg10[%add3A_24, %dma_start3A_141] : memref<10240x128xf32, #tpu.memory_space<vmem_shared>> -> memref<40x128xf32, #tpu.memory_space<vmem_shared>>
      %dma_start3A_143 = arith.constant 0 : i32
      %dma_start3A_144 = tpu.memref_slice %arg10[%add3A_24, %dma_start3A_143] : memref<10240x128xf32, #tpu.memory_space<vmem_shared>> -> memref<40x128xf32, #tpu.memory_space<vmem_shared>>
      tpu.enqueue_dma source(%arg6 : memref<40x128xf32, #tpu.memory_space<vmem>>) target(%dma_start3A_144 : memref<40x128xf32, #tpu.memory_space<vmem_shared>>) target_semaphore(%run_scoped3A : memref<!tpu.dma_semaphore, #tpu.memory_space<semaphore_mem>>)
      %dma_wait3A_145 = arith.constant 0 : i32
      %dma_wait3A_146 = tpu.memref_slice %arg10[%add3A_24, %dma_wait3A_145] : memref<10240x128xf32, #tpu.memory_space<vmem_shared>> -> memref<40x128xf32, #tpu.memory_space<vmem_shared>>
      %dma_wait3A_147 = arith.constant 0 : i32
      %dma_wait3A_148 = tpu.memref_slice %arg10[%add3A_24, %dma_wait3A_147] : memref<10240x128xf32, #tpu.memory_space<vmem_shared>> -> memref<40x128xf32, #tpu.memory_space<vmem_shared>>
      tpu.wait_dma2 semaphore(%run_scoped3A : memref<!tpu.dma_semaphore, #tpu.memory_space<semaphore_mem>>) src(%arg6 : memref<40x128xf32, #tpu.memory_space<vmem>>) dst(%dma_wait3A_148 : memref<40x128xf32, #tpu.memory_space<vmem_shared>>)
      tpu.yield
    }) : () -> ()
    %mul3A_25 = arith.constant 640 : i32
    %mul3A_26 = arith.muli %arg1, %mul3A_25 : i32
    %add3A_27 = arith.constant 160 : i32
    %add3A_28 = arith.addi %mul3A_26, %add3A_27 : i32
    "tpu.region"() ({
      %run_scoped3A = tpu.sem_alloc : memref<!tpu.dma_semaphore, #tpu.memory_space<semaphore_mem>>
      %dma_start3A_141 = arith.constant 0 : i32
      %dma_start3A_142 = tpu.memref_slice %arg10[%add3A_28, %dma_start3A_141] : memref<10240x128xf32, #tpu.memory_space<vmem_shared>> -> memref<40x128xf32, #tpu.memory_space<vmem_shared>>
      %dma_start3A_143 = arith.constant 0 : i32
      %dma_start3A_144 = tpu.memref_slice %arg10[%add3A_28, %dma_start3A_143] : memref<10240x128xf32, #tpu.memory_space<vmem_shared>> -> memref<40x128xf32, #tpu.memory_space<vmem_shared>>
      tpu.enqueue_dma source(%arg6 : memref<40x128xf32, #tpu.memory_space<vmem>>) target(%dma_start3A_144 : memref<40x128xf32, #tpu.memory_space<vmem_shared>>) target_semaphore(%run_scoped3A : memref<!tpu.dma_semaphore, #tpu.memory_space<semaphore_mem>>)
      %dma_wait3A_145 = arith.constant 0 : i32
      %dma_wait3A_146 = tpu.memref_slice %arg10[%add3A_28, %dma_wait3A_145] : memref<10240x128xf32, #tpu.memory_space<vmem_shared>> -> memref<40x128xf32, #tpu.memory_space<vmem_shared>>
      %dma_wait3A_147 = arith.constant 0 : i32
      %dma_wait3A_148 = tpu.memref_slice %arg10[%add3A_28, %dma_wait3A_147] : memref<10240x128xf32, #tpu.memory_space<vmem_shared>> -> memref<40x128xf32, #tpu.memory_space<vmem_shared>>
      tpu.wait_dma2 semaphore(%run_scoped3A : memref<!tpu.dma_semaphore, #tpu.memory_space<semaphore_mem>>) src(%arg6 : memref<40x128xf32, #tpu.memory_space<vmem>>) dst(%dma_wait3A_148 : memref<40x128xf32, #tpu.memory_space<vmem_shared>>)
      tpu.yield
    }) : () -> ()
    %mul3A_29 = arith.constant 640 : i32
    %mul3A_30 = arith.muli %arg1, %mul3A_29 : i32
    %add3A_31 = arith.constant 200 : i32
    %add3A_32 = arith.addi %mul3A_30, %add3A_31 : i32
    "tpu.region"() ({
      %run_scoped3A = tpu.sem_alloc : memref<!tpu.dma_semaphore, #tpu.memory_space<semaphore_mem>>
      %dma_start3A_141 = arith.constant 0 : i32
      %dma_start3A_142 = tpu.memref_slice %arg10[%add3A_32, %dma_start3A_141] : memref<10240x128xf32, #tpu.memory_space<vmem_shared>> -> memref<40x128xf32, #tpu.memory_space<vmem_shared>>
      %dma_start3A_143 = arith.constant 0 : i32
      %dma_start3A_144 = tpu.memref_slice %arg10[%add3A_32, %dma_start3A_143] : memref<10240x128xf32, #tpu.memory_space<vmem_shared>> -> memref<40x128xf32, #tpu.memory_space<vmem_shared>>
      tpu.enqueue_dma source(%arg6 : memref<40x128xf32, #tpu.memory_space<vmem>>) target(%dma_start3A_144 : memref<40x128xf32, #tpu.memory_space<vmem_shared>>) target_semaphore(%run_scoped3A : memref<!tpu.dma_semaphore, #tpu.memory_space<semaphore_mem>>)
      %dma_wait3A_145 = arith.constant 0 : i32
      %dma_wait3A_146 = tpu.memref_slice %arg10[%add3A_32, %dma_wait3A_145] : memref<10240x128xf32, #tpu.memory_space<vmem_shared>> -> memref<40x128xf32, #tpu.memory_space<vmem_shared>>
      %dma_wait3A_147 = arith.constant 0 : i32
      %dma_wait3A_148 = tpu.memref_slice %arg10[%add3A_32, %dma_wait3A_147] : memref<10240x128xf32, #tpu.memory_space<vmem_shared>> -> memref<40x128xf32, #tpu.memory_space<vmem_shared>>
      tpu.wait_dma2 semaphore(%run_scoped3A : memref<!tpu.dma_semaphore, #tpu.memory_space<semaphore_mem>>) src(%arg6 : memref<40x128xf32, #tpu.memory_space<vmem>>) dst(%dma_wait3A_148 : memref<40x128xf32, #tpu.memory_space<vmem_shared>>)
      tpu.yield
    }) : () -> ()
    %mul3A_33 = arith.constant 640 : i32
    %mul3A_34 = arith.muli %arg1, %mul3A_33 : i32
    %add3A_35 = arith.constant 240 : i32
    %add3A_36 = arith.addi %mul3A_34, %add3A_35 : i32
    "tpu.region"() ({
      %run_scoped3A = tpu.sem_alloc : memref<!tpu.dma_semaphore, #tpu.memory_space<semaphore_mem>>
      %dma_start3A_141 = arith.constant 0 : i32
      %dma_start3A_142 = tpu.memref_slice %arg10[%add3A_36, %dma_start3A_141] : memref<10240x128xf32, #tpu.memory_space<vmem_shared>> -> memref<40x128xf32, #tpu.memory_space<vmem_shared>>
      %dma_start3A_143 = arith.constant 0 : i32
      %dma_start3A_144 = tpu.memref_slice %arg10[%add3A_36, %dma_start3A_143] : memref<10240x128xf32, #tpu.memory_space<vmem_shared>> -> memref<40x128xf32, #tpu.memory_space<vmem_shared>>
      tpu.enqueue_dma source(%arg6 : memref<40x128xf32, #tpu.memory_space<vmem>>) target(%dma_start3A_144 : memref<40x128xf32, #tpu.memory_space<vmem_shared>>) target_semaphore(%run_scoped3A : memref<!tpu.dma_semaphore, #tpu.memory_space<semaphore_mem>>)
      %dma_wait3A_145 = arith.constant 0 : i32
      %dma_wait3A_146 = tpu.memref_slice %arg10[%add3A_36, %dma_wait3A_145] : memref<10240x128xf32, #tpu.memory_space<vmem_shared>> -> memref<40x128xf32, #tpu.memory_space<vmem_shared>>
      %dma_wait3A_147 = arith.constant 0 : i32
      %dma_wait3A_148 = tpu.memref_slice %arg10[%add3A_36, %dma_wait3A_147] : memref<10240x128xf32, #tpu.memory_space<vmem_shared>> -> memref<40x128xf32, #tpu.memory_space<vmem_shared>>
      tpu.wait_dma2 semaphore(%run_scoped3A : memref<!tpu.dma_semaphore, #tpu.memory_space<semaphore_mem>>) src(%arg6 : memref<40x128xf32, #tpu.memory_space<vmem>>) dst(%dma_wait3A_148 : memref<40x128xf32, #tpu.memory_space<vmem_shared>>)
      tpu.yield
    }) : () -> ()
    %mul3A_37 = arith.constant 640 : i32
    %mul3A_38 = arith.muli %arg1, %mul3A_37 : i32
    %add3A_39 = arith.constant 280 : i32
    %add3A_40 = arith.addi %mul3A_38, %add3A_39 : i32
    "tpu.region"() ({
      %run_scoped3A = tpu.sem_alloc : memref<!tpu.dma_semaphore, #tpu.memory_space<semaphore_mem>>
      %dma_start3A_141 = arith.constant 0 : i32
      %dma_start3A_142 = tpu.memref_slice %arg10[%add3A_40, %dma_start3A_141] : memref<10240x128xf32, #tpu.memory_space<vmem_shared>> -> memref<40x128xf32, #tpu.memory_space<vmem_shared>>
      %dma_start3A_143 = arith.constant 0 : i32
      %dma_start3A_144 = tpu.memref_slice %arg10[%add3A_40, %dma_start3A_143] : memref<10240x128xf32, #tpu.memory_space<vmem_shared>> -> memref<40x128xf32, #tpu.memory_space<vmem_shared>>
      tpu.enqueue_dma source(%arg6 : memref<40x128xf32, #tpu.memory_space<vmem>>) target(%dma_start3A_144 : memref<40x128xf32, #tpu.memory_space<vmem_shared>>) target_semaphore(%run_scoped3A : memref<!tpu.dma_semaphore, #tpu.memory_space<semaphore_mem>>)
      %dma_wait3A_145 = arith.constant 0 : i32
      %dma_wait3A_146 = tpu.memref_slice %arg10[%add3A_40, %dma_wait3A_145] : memref<10240x128xf32, #tpu.memory_space<vmem_shared>> -> memref<40x128xf32, #tpu.memory_space<vmem_shared>>
      %dma_wait3A_147 = arith.constant 0 : i32
      %dma_wait3A_148 = tpu.memref_slice %arg10[%add3A_40, %dma_wait3A_147] : memref<10240x128xf32, #tpu.memory_space<vmem_shared>> -> memref<40x128xf32, #tpu.memory_space<vmem_shared>>
      tpu.wait_dma2 semaphore(%run_scoped3A : memref<!tpu.dma_semaphore, #tpu.memory_space<semaphore_mem>>) src(%arg6 : memref<40x128xf32, #tpu.memory_space<vmem>>) dst(%dma_wait3A_148 : memref<40x128xf32, #tpu.memory_space<vmem_shared>>)
      tpu.yield
    }) : () -> ()
    %mul3A_41 = arith.constant 640 : i32
    %mul3A_42 = arith.muli %arg1, %mul3A_41 : i32
    %add3A_43 = arith.constant 320 : i32
    %add3A_44 = arith.addi %mul3A_42, %add3A_43 : i32
    "tpu.region"() ({
      %run_scoped3A = tpu.sem_alloc : memref<!tpu.dma_semaphore, #tpu.memory_space<semaphore_mem>>
      %dma_start3A_141 = arith.constant 0 : i32
      %dma_start3A_142 = tpu.memref_slice %arg10[%add3A_44, %dma_start3A_141] : memref<10240x128xf32, #tpu.memory_space<vmem_shared>> -> memref<40x128xf32, #tpu.memory_space<vmem_shared>>
      %dma_start3A_143 = arith.constant 0 : i32
      %dma_start3A_144 = tpu.memref_slice %arg10[%add3A_44, %dma_start3A_143] : memref<10240x128xf32, #tpu.memory_space<vmem_shared>> -> memref<40x128xf32, #tpu.memory_space<vmem_shared>>
      tpu.enqueue_dma source(%arg6 : memref<40x128xf32, #tpu.memory_space<vmem>>) target(%dma_start3A_144 : memref<40x128xf32, #tpu.memory_space<vmem_shared>>) target_semaphore(%run_scoped3A : memref<!tpu.dma_semaphore, #tpu.memory_space<semaphore_mem>>)
      %dma_wait3A_145 = arith.constant 0 : i32
      %dma_wait3A_146 = tpu.memref_slice %arg10[%add3A_44, %dma_wait3A_145] : memref<10240x128xf32, #tpu.memory_space<vmem_shared>> -> memref<40x128xf32, #tpu.memory_space<vmem_shared>>
      %dma_wait3A_147 = arith.constant 0 : i32
      %dma_wait3A_148 = tpu.memref_slice %arg10[%add3A_44, %dma_wait3A_147] : memref<10240x128xf32, #tpu.memory_space<vmem_shared>> -> memref<40x128xf32, #tpu.memory_space<vmem_shared>>
      tpu.wait_dma2 semaphore(%run_scoped3A : memref<!tpu.dma_semaphore, #tpu.memory_space<semaphore_mem>>) src(%arg6 : memref<40x128xf32, #tpu.memory_space<vmem>>) dst(%dma_wait3A_148 : memref<40x128xf32, #tpu.memory_space<vmem_shared>>)
      tpu.yield
    }) : () -> ()
    %mul3A_45 = arith.constant 640 : i32
    %mul3A_46 = arith.muli %arg1, %mul3A_45 : i32
    %add3A_47 = arith.constant 360 : i32
    %add3A_48 = arith.addi %mul3A_46, %add3A_47 : i32
    "tpu.region"() ({
      %run_scoped3A = tpu.sem_alloc : memref<!tpu.dma_semaphore, #tpu.memory_space<semaphore_mem>>
      %dma_start3A_141 = arith.constant 0 : i32
      %dma_start3A_142 = tpu.memref_slice %arg10[%add3A_48, %dma_start3A_141] : memref<10240x128xf32, #tpu.memory_space<vmem_shared>> -> memref<40x128xf32, #tpu.memory_space<vmem_shared>>
      %dma_start3A_143 = arith.constant 0 : i32
      %dma_start3A_144 = tpu.memref_slice %arg10[%add3A_48, %dma_start3A_143] : memref<10240x128xf32, #tpu.memory_space<vmem_shared>> -> memref<40x128xf32, #tpu.memory_space<vmem_shared>>
      tpu.enqueue_dma source(%arg6 : memref<40x128xf32, #tpu.memory_space<vmem>>) target(%dma_start3A_144 : memref<40x128xf32, #tpu.memory_space<vmem_shared>>) target_semaphore(%run_scoped3A : memref<!tpu.dma_semaphore, #tpu.memory_space<semaphore_mem>>)
      %dma_wait3A_145 = arith.constant 0 : i32
      %dma_wait3A_146 = tpu.memref_slice %arg10[%add3A_48, %dma_wait3A_145] : memref<10240x128xf32, #tpu.memory_space<vmem_shared>> -> memref<40x128xf32, #tpu.memory_space<vmem_shared>>
      %dma_wait3A_147 = arith.constant 0 : i32
      %dma_wait3A_148 = tpu.memref_slice %arg10[%add3A_48, %dma_wait3A_147] : memref<10240x128xf32, #tpu.memory_space<vmem_shared>> -> memref<40x128xf32, #tpu.memory_space<vmem_shared>>
      tpu.wait_dma2 semaphore(%run_scoped3A : memref<!tpu.dma_semaphore, #tpu.memory_space<semaphore_mem>>) src(%arg6 : memref<40x128xf32, #tpu.memory_space<vmem>>) dst(%dma_wait3A_148 : memref<40x128xf32, #tpu.memory_space<vmem_shared>>)
      tpu.yield
    }) : () -> ()
    %mul3A_49 = arith.constant 640 : i32
    %mul3A_50 = arith.muli %arg1, %mul3A_49 : i32
    %add3A_51 = arith.constant 400 : i32
    %add3A_52 = arith.addi %mul3A_50, %add3A_51 : i32
    "tpu.region"() ({
      %run_scoped3A = tpu.sem_alloc : memref<!tpu.dma_semaphore, #tpu.memory_space<semaphore_mem>>
      %dma_start3A_141 = arith.constant 0 : i32
      %dma_start3A_142 = tpu.memref_slice %arg10[%add3A_52, %dma_start3A_141] : memref<10240x128xf32, #tpu.memory_space<vmem_shared>> -> memref<40x128xf32, #tpu.memory_space<vmem_shared>>
      %dma_start3A_143 = arith.constant 0 : i32
      %dma_start3A_144 = tpu.memref_slice %arg10[%add3A_52, %dma_start3A_143] : memref<10240x128xf32, #tpu.memory_space<vmem_shared>> -> memref<40x128xf32, #tpu.memory_space<vmem_shared>>
      tpu.enqueue_dma source(%arg6 : memref<40x128xf32, #tpu.memory_space<vmem>>) target(%dma_start3A_144 : memref<40x128xf32, #tpu.memory_space<vmem_shared>>) target_semaphore(%run_scoped3A : memref<!tpu.dma_semaphore, #tpu.memory_space<semaphore_mem>>)
      %dma_wait3A_145 = arith.constant 0 : i32
      %dma_wait3A_146 = tpu.memref_slice %arg10[%add3A_52, %dma_wait3A_145] : memref<10240x128xf32, #tpu.memory_space<vmem_shared>> -> memref<40x128xf32, #tpu.memory_space<vmem_shared>>
      %dma_wait3A_147 = arith.constant 0 : i32
      %dma_wait3A_148 = tpu.memref_slice %arg10[%add3A_52, %dma_wait3A_147] : memref<10240x128xf32, #tpu.memory_space<vmem_shared>> -> memref<40x128xf32, #tpu.memory_space<vmem_shared>>
      tpu.wait_dma2 semaphore(%run_scoped3A : memref<!tpu.dma_semaphore, #tpu.memory_space<semaphore_mem>>) src(%arg6 : memref<40x128xf32, #tpu.memory_space<vmem>>) dst(%dma_wait3A_148 : memref<40x128xf32, #tpu.memory_space<vmem_shared>>)
      tpu.yield
    }) : () -> ()
    %mul3A_53 = arith.constant 640 : i32
    %mul3A_54 = arith.muli %arg1, %mul3A_53 : i32
    %add3A_55 = arith.constant 440 : i32
    %add3A_56 = arith.addi %mul3A_54, %add3A_55 : i32
    "tpu.region"() ({
      %run_scoped3A = tpu.sem_alloc : memref<!tpu.dma_semaphore, #tpu.memory_space<semaphore_mem>>
      %dma_start3A_141 = arith.constant 0 : i32
      %dma_start3A_142 = tpu.memref_slice %arg10[%add3A_56, %dma_start3A_141] : memref<10240x128xf32, #tpu.memory_space<vmem_shared>> -> memref<40x128xf32, #tpu.memory_space<vmem_shared>>
      %dma_start3A_143 = arith.constant 0 : i32
      %dma_start3A_144 = tpu.memref_slice %arg10[%add3A_56, %dma_start3A_143] : memref<10240x128xf32, #tpu.memory_space<vmem_shared>> -> memref<40x128xf32, #tpu.memory_space<vmem_shared>>
      tpu.enqueue_dma source(%arg6 : memref<40x128xf32, #tpu.memory_space<vmem>>) target(%dma_start3A_144 : memref<40x128xf32, #tpu.memory_space<vmem_shared>>) target_semaphore(%run_scoped3A : memref<!tpu.dma_semaphore, #tpu.memory_space<semaphore_mem>>)
      %dma_wait3A_145 = arith.constant 0 : i32
      %dma_wait3A_146 = tpu.memref_slice %arg10[%add3A_56, %dma_wait3A_145] : memref<10240x128xf32, #tpu.memory_space<vmem_shared>> -> memref<40x128xf32, #tpu.memory_space<vmem_shared>>
      %dma_wait3A_147 = arith.constant 0 : i32
      %dma_wait3A_148 = tpu.memref_slice %arg10[%add3A_56, %dma_wait3A_147] : memref<10240x128xf32, #tpu.memory_space<vmem_shared>> -> memref<40x128xf32, #tpu.memory_space<vmem_shared>>
      tpu.wait_dma2 semaphore(%run_scoped3A : memref<!tpu.dma_semaphore, #tpu.memory_space<semaphore_mem>>) src(%arg6 : memref<40x128xf32, #tpu.memory_space<vmem>>) dst(%dma_wait3A_148 : memref<40x128xf32, #tpu.memory_space<vmem_shared>>)
      tpu.yield
    }) : () -> ()
    %mul3A_57 = arith.constant 640 : i32
    %mul3A_58 = arith.muli %arg1, %mul3A_57 : i32
    %add3A_59 = arith.constant 480 : i32
    %add3A_60 = arith.addi %mul3A_58, %add3A_59 : i32
    "tpu.region"() ({
      %run_scoped3A = tpu.sem_alloc : memref<!tpu.dma_semaphore, #tpu.memory_space<semaphore_mem>>
      %dma_start3A_141 = arith.constant 0 : i32
      %dma_start3A_142 = tpu.memref_slice %arg10[%add3A_60, %dma_start3A_141] : memref<10240x128xf32, #tpu.memory_space<vmem_shared>> -> memref<40x128xf32, #tpu.memory_space<vmem_shared>>
      %dma_start3A_143 = arith.constant 0 : i32
      %dma_start3A_144 = tpu.memref_slice %arg10[%add3A_60, %dma_start3A_143] : memref<10240x128xf32, #tpu.memory_space<vmem_shared>> -> memref<40x128xf32, #tpu.memory_space<vmem_shared>>
      tpu.enqueue_dma source(%arg6 : memref<40x128xf32, #tpu.memory_space<vmem>>) target(%dma_start3A_144 : memref<40x128xf32, #tpu.memory_space<vmem_shared>>) target_semaphore(%run_scoped3A : memref<!tpu.dma_semaphore, #tpu.memory_space<semaphore_mem>>)
      %dma_wait3A_145 = arith.constant 0 : i32
      %dma_wait3A_146 = tpu.memref_slice %arg10[%add3A_60, %dma_wait3A_145] : memref<10240x128xf32, #tpu.memory_space<vmem_shared>> -> memref<40x128xf32, #tpu.memory_space<vmem_shared>>
      %dma_wait3A_147 = arith.constant 0 : i32
      %dma_wait3A_148 = tpu.memref_slice %arg10[%add3A_60, %dma_wait3A_147] : memref<10240x128xf32, #tpu.memory_space<vmem_shared>> -> memref<40x128xf32, #tpu.memory_space<vmem_shared>>
      tpu.wait_dma2 semaphore(%run_scoped3A : memref<!tpu.dma_semaphore, #tpu.memory_space<semaphore_mem>>) src(%arg6 : memref<40x128xf32, #tpu.memory_space<vmem>>) dst(%dma_wait3A_148 : memref<40x128xf32, #tpu.memory_space<vmem_shared>>)
      tpu.yield
    }) : () -> ()
    %mul3A_61 = arith.constant 640 : i32
    %mul3A_62 = arith.muli %arg1, %mul3A_61 : i32
    %add3A_63 = arith.constant 520 : i32
    %add3A_64 = arith.addi %mul3A_62, %add3A_63 : i32
    "tpu.region"() ({
      %run_scoped3A = tpu.sem_alloc : memref<!tpu.dma_semaphore, #tpu.memory_space<semaphore_mem>>
      %dma_start3A_141 = arith.constant 0 : i32
      %dma_start3A_142 = tpu.memref_slice %arg10[%add3A_64, %dma_start3A_141] : memref<10240x128xf32, #tpu.memory_space<vmem_shared>> -> memref<40x128xf32, #tpu.memory_space<vmem_shared>>
      %dma_start3A_143 = arith.constant 0 : i32
      %dma_start3A_144 = tpu.memref_slice %arg10[%add3A_64, %dma_start3A_143] : memref<10240x128xf32, #tpu.memory_space<vmem_shared>> -> memref<40x128xf32, #tpu.memory_space<vmem_shared>>
      tpu.enqueue_dma source(%arg6 : memref<40x128xf32, #tpu.memory_space<vmem>>) target(%dma_start3A_144 : memref<40x128xf32, #tpu.memory_space<vmem_shared>>) target_semaphore(%run_scoped3A : memref<!tpu.dma_semaphore, #tpu.memory_space<semaphore_mem>>)
      %dma_wait3A_145 = arith.constant 0 : i32
      %dma_wait3A_146 = tpu.memref_slice %arg10[%add3A_64, %dma_wait3A_145] : memref<10240x128xf32, #tpu.memory_space<vmem_shared>> -> memref<40x128xf32, #tpu.memory_space<vmem_shared>>
      %dma_wait3A_147 = arith.constant 0 : i32
      %dma_wait3A_148 = tpu.memref_slice %arg10[%add3A_64, %dma_wait3A_147] : memref<10240x128xf32, #tpu.memory_space<vmem_shared>> -> memref<40x128xf32, #tpu.memory_space<vmem_shared>>
      tpu.wait_dma2 semaphore(%run_scoped3A : memref<!tpu.dma_semaphore, #tpu.memory_space<semaphore_mem>>) src(%arg6 : memref<40x128xf32, #tpu.memory_space<vmem>>) dst(%dma_wait3A_148 : memref<40x128xf32, #tpu.memory_space<vmem_shared>>)
      tpu.yield
    }) : () -> ()
    %mul3A_65 = arith.constant 640 : i32
    %mul3A_66 = arith.muli %arg1, %mul3A_65 : i32
    %add3A_67 = arith.constant 560 : i32
    %add3A_68 = arith.addi %mul3A_66, %add3A_67 : i32
    "tpu.region"() ({
      %run_scoped3A = tpu.sem_alloc : memref<!tpu.dma_semaphore, #tpu.memory_space<semaphore_mem>>
      %dma_start3A_141 = arith.constant 0 : i32
      %dma_start3A_142 = tpu.memref_slice %arg10[%add3A_68, %dma_start3A_141] : memref<10240x128xf32, #tpu.memory_space<vmem_shared>> -> memref<40x128xf32, #tpu.memory_space<vmem_shared>>
      %dma_start3A_143 = arith.constant 0 : i32
      %dma_start3A_144 = tpu.memref_slice %arg10[%add3A_68, %dma_start3A_143] : memref<10240x128xf32, #tpu.memory_space<vmem_shared>> -> memref<40x128xf32, #tpu.memory_space<vmem_shared>>
      tpu.enqueue_dma source(%arg6 : memref<40x128xf32, #tpu.memory_space<vmem>>) target(%dma_start3A_144 : memref<40x128xf32, #tpu.memory_space<vmem_shared>>) target_semaphore(%run_scoped3A : memref<!tpu.dma_semaphore, #tpu.memory_space<semaphore_mem>>)
      %dma_wait3A_145 = arith.constant 0 : i32
      %dma_wait3A_146 = tpu.memref_slice %arg10[%add3A_68, %dma_wait3A_145] : memref<10240x128xf32, #tpu.memory_space<vmem_shared>> -> memref<40x128xf32, #tpu.memory_space<vmem_shared>>
      %dma_wait3A_147 = arith.constant 0 : i32
      %dma_wait3A_148 = tpu.memref_slice %arg10[%add3A_68, %dma_wait3A_147] : memref<10240x128xf32, #tpu.memory_space<vmem_shared>> -> memref<40x128xf32, #tpu.memory_space<vmem_shared>>
      tpu.wait_dma2 semaphore(%run_scoped3A : memref<!tpu.dma_semaphore, #tpu.memory_space<semaphore_mem>>) src(%arg6 : memref<40x128xf32, #tpu.memory_space<vmem>>) dst(%dma_wait3A_148 : memref<40x128xf32, #tpu.memory_space<vmem_shared>>)
      tpu.yield
    }) : () -> ()
    %mul3A_69 = arith.constant 640 : i32
    %mul3A_70 = arith.muli %arg1, %mul3A_69 : i32
    %add3A_71 = arith.constant 600 : i32
    %add3A_72 = arith.addi %mul3A_70, %add3A_71 : i32
    "tpu.region"() ({
      %run_scoped3A = tpu.sem_alloc : memref<!tpu.dma_semaphore, #tpu.memory_space<semaphore_mem>>
      %dma_start3A_141 = arith.constant 0 : i32
      %dma_start3A_142 = tpu.memref_slice %arg10[%add3A_72, %dma_start3A_141] : memref<10240x128xf32, #tpu.memory_space<vmem_shared>> -> memref<40x128xf32, #tpu.memory_space<vmem_shared>>
      %dma_start3A_143 = arith.constant 0 : i32
      %dma_start3A_144 = tpu.memref_slice %arg10[%add3A_72, %dma_start3A_143] : memref<10240x128xf32, #tpu.memory_space<vmem_shared>> -> memref<40x128xf32, #tpu.memory_space<vmem_shared>>
      tpu.enqueue_dma source(%arg6 : memref<40x128xf32, #tpu.memory_space<vmem>>) target(%dma_start3A_144 : memref<40x128xf32, #tpu.memory_space<vmem_shared>>) target_semaphore(%run_scoped3A : memref<!tpu.dma_semaphore, #tpu.memory_space<semaphore_mem>>)
      %dma_wait3A_145 = arith.constant 0 : i32
      %dma_wait3A_146 = tpu.memref_slice %arg10[%add3A_72, %dma_wait3A_145] : memref<10240x128xf32, #tpu.memory_space<vmem_shared>> -> memref<40x128xf32, #tpu.memory_space<vmem_shared>>
      %dma_wait3A_147 = arith.constant 0 : i32
      %dma_wait3A_148 = tpu.memref_slice %arg10[%add3A_72, %dma_wait3A_147] : memref<10240x128xf32, #tpu.memory_space<vmem_shared>> -> memref<40x128xf32, #tpu.memory_space<vmem_shared>>
      tpu.wait_dma2 semaphore(%run_scoped3A : memref<!tpu.dma_semaphore, #tpu.memory_space<semaphore_mem>>) src(%arg6 : memref<40x128xf32, #tpu.memory_space<vmem>>) dst(%dma_wait3A_148 : memref<40x128xf32, #tpu.memory_space<vmem_shared>>)
      tpu.yield
    }) : () -> ()
    %barrier3A = arith.constant 0 : index
    tpu.barrier barrier_id(%barrier3A)
    "tpu.region"() ({
      %run_scoped3A = tpu.sem_alloc : memref<!tpu.dma_semaphore, #tpu.memory_space<semaphore_mem>>
      %dma_start3A_141 = arith.constant 0 : i32
      %dma_start3A_142 = arith.constant 0 : i32
      %dma_start3A_143 = tpu.memref_slice %arg3[%arg0, %arg1, %dma_start3A_141, %dma_start3A_142] : memref<2x16x125x40xi32, #tpu.memory_space<hbm>> -> memref<1x1x125x40xi32, #tpu.memory_space<hbm>>
      %dma_start3A_144 = tpu.memref_squeeze %dma_start3A_143 : memref<1x1x125x40xi32, #tpu.memory_space<hbm>> -> memref<125x40xi32, #tpu.memory_space<hbm>>
      %dma_start3A_145 = arith.constant 0 : i32
      %dma_start3A_146 = arith.constant 0 : i32
      %dma_start3A_147 = tpu.memref_slice %arg3[%arg0, %arg1, %dma_start3A_145, %dma_start3A_146] : memref<2x16x125x40xi32, #tpu.memory_space<hbm>> -> memref<1x1x125x40xi32, #tpu.memory_space<hbm>>
      %dma_start3A_148 = tpu.memref_squeeze %dma_start3A_147 : memref<1x1x125x40xi32, #tpu.memory_space<hbm>> -> memref<125x40xi32, #tpu.memory_space<hbm>>
      tpu.enqueue_dma source(%dma_start3A_148 : memref<125x40xi32, #tpu.memory_space<hbm>>) target(%arg5 : memref<125x40xi32, #tpu.memory_space<vmem>>) target_semaphore(%run_scoped3A : memref<!tpu.dma_semaphore, #tpu.memory_space<semaphore_mem>>)
      %dma_wait3A_149 = arith.constant 0 : i32
      %dma_wait3A_150 = arith.constant 0 : i32
      %dma_wait3A_151 = tpu.memref_slice %arg3[%arg0, %arg1, %dma_wait3A_149, %dma_wait3A_150] : memref<2x16x125x40xi32, #tpu.memory_space<hbm>> -> memref<1x1x125x40xi32, #tpu.memory_space<hbm>>
      %dma_wait3A_152 = tpu.memref_squeeze %dma_wait3A_151 : memref<1x1x125x40xi32, #tpu.memory_space<hbm>> -> memref<125x40xi32, #tpu.memory_space<hbm>>
      %dma_wait3A_153 = arith.constant 0 : i32
      %dma_wait3A_154 = arith.constant 0 : i32
      %dma_wait3A_155 = tpu.memref_slice %arg3[%arg0, %arg1, %dma_wait3A_153, %dma_wait3A_154] : memref<2x16x125x40xi32, #tpu.memory_space<hbm>> -> memref<1x1x125x40xi32, #tpu.memory_space<hbm>>
      %dma_wait3A_156 = tpu.memref_squeeze %dma_wait3A_155 : memref<1x1x125x40xi32, #tpu.memory_space<hbm>> -> memref<125x40xi32, #tpu.memory_space<hbm>>
      tpu.wait_dma2 semaphore(%run_scoped3A : memref<!tpu.dma_semaphore, #tpu.memory_space<semaphore_mem>>) src(%dma_wait3A_156 : memref<125x40xi32, #tpu.memory_space<hbm>>) dst(%arg5 : memref<125x40xi32, #tpu.memory_space<vmem>>)
      tpu.yield
    }) : () -> ()
    %add3A_73 = arith.constant 0 : i32
    %add3A_74 = arith.addi %add3A, %add3A_73 : i32
    %dma_start3A = arith.constant 0 : i32
    %dma_start3A_75 = tpu.memref_slice %arg2[%add3A_74, %dma_start3A] : memref<160000x128xf32, #tpu.memory_space<hbm>> -> memref<40x128xf32, #tpu.memory_space<hbm>>
    %dma_start3A_76 = arith.constant 0 : i32
    %dma_start3A_77 = tpu.memref_slice %arg2[%add3A_74, %dma_start3A_76] : memref<160000x128xf32, #tpu.memory_space<hbm>> -> memref<40x128xf32, #tpu.memory_space<hbm>>
    tpu.enqueue_dma source(%dma_start3A_77 : memref<40x128xf32, #tpu.memory_space<hbm>>) target(%arg6 : memref<40x128xf32, #tpu.memory_space<vmem>>) target_semaphore(%arg11 : memref<!tpu.dma_semaphore, #tpu.memory_space<semaphore_mem>>)
    %add3A_78 = arith.constant 40 : i32
    %add3A_79 = arith.addi %add3A, %add3A_78 : i32
    %dma_start3A_80 = arith.constant 0 : i32
    %dma_start3A_81 = tpu.memref_slice %arg2[%add3A_79, %dma_start3A_80] : memref<160000x128xf32, #tpu.memory_space<hbm>> -> memref<40x128xf32, #tpu.memory_space<hbm>>
    %dma_start3A_82 = arith.constant 0 : i32
    %dma_start3A_83 = tpu.memref_slice %arg2[%add3A_79, %dma_start3A_82] : memref<160000x128xf32, #tpu.memory_space<hbm>> -> memref<40x128xf32, #tpu.memory_space<hbm>>
    tpu.enqueue_dma source(%dma_start3A_83 : memref<40x128xf32, #tpu.memory_space<hbm>>) target(%arg7 : memref<40x128xf32, #tpu.memory_space<vmem>>) target_semaphore(%arg12 : memref<!tpu.dma_semaphore, #tpu.memory_space<semaphore_mem>>)
    %add3A_84 = arith.constant 80 : i32
    %add3A_85 = arith.addi %add3A, %add3A_84 : i32
    %dma_start3A_86 = arith.constant 0 : i32
    %dma_start3A_87 = tpu.memref_slice %arg2[%add3A_85, %dma_start3A_86] : memref<160000x128xf32, #tpu.memory_space<hbm>> -> memref<40x128xf32, #tpu.memory_space<hbm>>
    %dma_start3A_88 = arith.constant 0 : i32
    %dma_start3A_89 = tpu.memref_slice %arg2[%add3A_85, %dma_start3A_88] : memref<160000x128xf32, #tpu.memory_space<hbm>> -> memref<40x128xf32, #tpu.memory_space<hbm>>
    tpu.enqueue_dma source(%dma_start3A_89 : memref<40x128xf32, #tpu.memory_space<hbm>>) target(%arg8 : memref<40x128xf32, #tpu.memory_space<vmem>>) target_semaphore(%arg13 : memref<!tpu.dma_semaphore, #tpu.memory_space<semaphore_mem>>)
    %add3A_90 = arith.constant 120 : i32
    %add3A_91 = arith.addi %add3A, %add3A_90 : i32
    %dma_start3A_92 = arith.constant 0 : i32
    %dma_start3A_93 = tpu.memref_slice %arg2[%add3A_91, %dma_start3A_92] : memref<160000x128xf32, #tpu.memory_space<hbm>> -> memref<40x128xf32, #tpu.memory_space<hbm>>
    %dma_start3A_94 = arith.constant 0 : i32
    %dma_start3A_95 = tpu.memref_slice %arg2[%add3A_91, %dma_start3A_94] : memref<160000x128xf32, #tpu.memory_space<hbm>> -> memref<40x128xf32, #tpu.memory_space<hbm>>
    tpu.enqueue_dma source(%dma_start3A_95 : memref<40x128xf32, #tpu.memory_space<hbm>>) target(%arg9 : memref<40x128xf32, #tpu.memory_space<vmem>>) target_semaphore(%arg14 : memref<!tpu.dma_semaphore, #tpu.memory_space<semaphore_mem>>)
    %scan3A_96 = arith.constant 0 : i32
    %scan3A_97 = arith.constant 0 : i32
    %scan3A_98 = arith.constant 31 : i32
    %scan3A_99 = arith.addi %scan3A_97, %scan3A_98 : i32
    %scan3A_100 = arith.constant 1 : i32
    scf.for %scan3A_141 = %scan3A_97 to %scan3A_99 step %scan3A_100  : i32 {
      %mul3A_142 = arith.constant 4 : i32
      %mul3A_143 = arith.muli %scan3A_141, %mul3A_142 : i32
      %add3A_144 = arith.constant 0 : i32
      %add3A_145 = arith.addi %mul3A_143, %add3A_144 : i32
      %dma_wait3A_146 = arith.constant 0 : i32
      %dma_wait3A_147 = arith.constant 0 : i32
      %dma_wait3A_148 = tpu.memref_slice %arg2[%dma_wait3A_146, %dma_wait3A_147] : memref<160000x128xf32, #tpu.memory_space<hbm>> -> memref<40x128xf32, #tpu.memory_space<hbm>>
      %dma_wait3A_149 = arith.constant 0 : i32
      %dma_wait3A_150 = arith.constant 0 : i32
      %dma_wait3A_151 = tpu.memref_slice %arg2[%dma_wait3A_149, %dma_wait3A_150] : memref<160000x128xf32, #tpu.memory_space<hbm>> -> memref<40x128xf32, #tpu.memory_space<hbm>>
      tpu.wait_dma2 semaphore(%arg11 : memref<!tpu.dma_semaphore, #tpu.memory_space<semaphore_mem>>) src(%dma_wait3A_151 : memref<40x128xf32, #tpu.memory_space<hbm>>) dst(%arg6 : memref<40x128xf32, #tpu.memory_space<vmem>>)
      %dma_start3A_152 = arith.constant 0 : i32
      %dma_start3A_153 = tpu.memref_slice %arg5[%add3A_145, %dma_start3A_152] : memref<125x40xi32, #tpu.memory_space<vmem>> -> memref<1x40xi32, #tpu.memory_space<vmem>>
      %dma_start3A_154 = tpu.memref_squeeze %dma_start3A_153 : memref<1x40xi32, #tpu.memory_space<vmem>> -> memref<40xi32, #tpu.memory_space<vmem>>
      %dma_start3A_155 = arith.constant 0 : i32
      %dma_start3A_156 = arith.constant 0 : i32
      %dma_start3A_157 = tpu.memref_slice %arg10[%dma_start3A_155, %dma_start3A_156] : memref<10240x128xf32, #tpu.memory_space<vmem_shared>> -> memref<10240x128xf32, #tpu.memory_space<vmem_shared>>
      tpu.enqueue_indirect_dma source(%arg6 : memref<40x128xf32, #tpu.memory_space<vmem>>) target(%dma_start3A_157 : memref<10240x128xf32, #tpu.memory_space<vmem_shared>>) offsets(%dma_start3A_154 : memref<40xi32, #tpu.memory_space<vmem>>) semaphore(%arg15 : memref<!tpu.dma_semaphore, #tpu.memory_space<semaphore_mem>>) {add = true}
      %add3A_158 = arith.constant 4 : i32
      %add3A_159 = arith.addi %add3A_145, %add3A_158 : i32
      %lt3A = arith.constant 125 : i32
      %lt3A_160 = arith.cmpi slt, %add3A_159, %lt3A : i32
      %convert_element_type3A = arith.extui %lt3A_160 : i1 to i32
      %cond3A = arith.constant 0 : i32
      %cond3A_161 = arith.cmpi ne, %convert_element_type3A, %cond3A : i32
      scf.if %cond3A_161 {
        %dma_wait3A_231 = arith.constant 0 : i32
        %dma_wait3A_232 = arith.constant 0 : i32
        %dma_wait3A_233 = tpu.memref_slice %arg10[%dma_wait3A_231, %dma_wait3A_232] : memref<10240x128xf32, #tpu.memory_space<vmem_shared>> -> memref<40x128xf32, #tpu.memory_space<vmem_shared>>
        %dma_wait3A_234 = arith.constant 0 : i32
        %dma_wait3A_235 = arith.constant 0 : i32
        %dma_wait3A_236 = tpu.memref_slice %arg10[%dma_wait3A_234, %dma_wait3A_235] : memref<10240x128xf32, #tpu.memory_space<vmem_shared>> -> memref<40x128xf32, #tpu.memory_space<vmem_shared>>
        tpu.wait_dma2 semaphore(%arg15 : memref<!tpu.dma_semaphore, #tpu.memory_space<semaphore_mem>>) src(%arg6 : memref<40x128xf32, #tpu.memory_space<vmem>>) dst(%dma_wait3A_236 : memref<40x128xf32, #tpu.memory_space<vmem_shared>>)
        %add3A_237 = arith.constant 4 : i32
        %add3A_238 = arith.addi %add3A_145, %add3A_237 : i32
        %mul3A_239 = arith.constant 40 : i32
        %mul3A_240 = arith.muli %add3A_238, %mul3A_239 : i32
        %add3A_241 = arith.addi %add3A, %mul3A_240 : i32
        %dma_start3A_242 = arith.constant 0 : i32
        %dma_start3A_243 = tpu.memref_slice %arg2[%add3A_241, %dma_start3A_242] : memref<160000x128xf32, #tpu.memory_space<hbm>> -> memref<40x128xf32, #tpu.memory_space<hbm>>
        %dma_start3A_244 = arith.constant 0 : i32
        %dma_start3A_245 = tpu.memref_slice %arg2[%add3A_241, %dma_start3A_244] : memref<160000x128xf32, #tpu.memory_space<hbm>> -> memref<40x128xf32, #tpu.memory_space<hbm>>
        tpu.enqueue_dma source(%dma_start3A_245 : memref<40x128xf32, #tpu.memory_space<hbm>>) target(%arg6 : memref<40x128xf32, #tpu.memory_space<vmem>>) target_semaphore(%arg11 : memref<!tpu.dma_semaphore, #tpu.memory_space<semaphore_mem>>)
      } else {
      }
      %mul3A_162 = arith.constant 4 : i32
      %mul3A_163 = arith.muli %scan3A_141, %mul3A_162 : i32
      %add3A_164 = arith.constant 1 : i32
      %add3A_165 = arith.addi %mul3A_163, %add3A_164 : i32
      %dma_wait3A_166 = arith.constant 0 : i32
      %dma_wait3A_167 = arith.constant 0 : i32
      %dma_wait3A_168 = tpu.memref_slice %arg2[%dma_wait3A_166, %dma_wait3A_167] : memref<160000x128xf32, #tpu.memory_space<hbm>> -> memref<40x128xf32, #tpu.memory_space<hbm>>
      %dma_wait3A_169 = arith.constant 0 : i32
      %dma_wait3A_170 = arith.constant 0 : i32
      %dma_wait3A_171 = tpu.memref_slice %arg2[%dma_wait3A_169, %dma_wait3A_170] : memref<160000x128xf32, #tpu.memory_space<hbm>> -> memref<40x128xf32, #tpu.memory_space<hbm>>
      tpu.wait_dma2 semaphore(%arg12 : memref<!tpu.dma_semaphore, #tpu.memory_space<semaphore_mem>>) src(%dma_wait3A_171 : memref<40x128xf32, #tpu.memory_space<hbm>>) dst(%arg7 : memref<40x128xf32, #tpu.memory_space<vmem>>)
      %dma_start3A_172 = arith.constant 0 : i32
      %dma_start3A_173 = tpu.memref_slice %arg5[%add3A_165, %dma_start3A_172] : memref<125x40xi32, #tpu.memory_space<vmem>> -> memref<1x40xi32, #tpu.memory_space<vmem>>
      %dma_start3A_174 = tpu.memref_squeeze %dma_start3A_173 : memref<1x40xi32, #tpu.memory_space<vmem>> -> memref<40xi32, #tpu.memory_space<vmem>>
      %dma_start3A_175 = arith.constant 0 : i32
      %dma_start3A_176 = arith.constant 0 : i32
      %dma_start3A_177 = tpu.memref_slice %arg10[%dma_start3A_175, %dma_start3A_176] : memref<10240x128xf32, #tpu.memory_space<vmem_shared>> -> memref<10240x128xf32, #tpu.memory_space<vmem_shared>>
      tpu.enqueue_indirect_dma source(%arg7 : memref<40x128xf32, #tpu.memory_space<vmem>>) target(%dma_start3A_177 : memref<10240x128xf32, #tpu.memory_space<vmem_shared>>) offsets(%dma_start3A_174 : memref<40xi32, #tpu.memory_space<vmem>>) semaphore(%arg16 : memref<!tpu.dma_semaphore, #tpu.memory_space<semaphore_mem>>) {add = true}
      %add3A_178 = arith.constant 4 : i32
      %add3A_179 = arith.addi %add3A_165, %add3A_178 : i32
      %lt3A_180 = arith.constant 125 : i32
      %lt3A_181 = arith.cmpi slt, %add3A_179, %lt3A_180 : i32
      %convert_element_type3A_182 = arith.extui %lt3A_181 : i1 to i32
      %cond3A_183 = arith.constant 0 : i32
      %cond3A_184 = arith.cmpi ne, %convert_element_type3A_182, %cond3A_183 : i32
      scf.if %cond3A_184 {
        %dma_wait3A_231 = arith.constant 0 : i32
        %dma_wait3A_232 = arith.constant 0 : i32
        %dma_wait3A_233 = tpu.memref_slice %arg10[%dma_wait3A_231, %dma_wait3A_232] : memref<10240x128xf32, #tpu.memory_space<vmem_shared>> -> memref<40x128xf32, #tpu.memory_space<vmem_shared>>
        %dma_wait3A_234 = arith.constant 0 : i32
        %dma_wait3A_235 = arith.constant 0 : i32
        %dma_wait3A_236 = tpu.memref_slice %arg10[%dma_wait3A_234, %dma_wait3A_235] : memref<10240x128xf32, #tpu.memory_space<vmem_shared>> -> memref<40x128xf32, #tpu.memory_space<vmem_shared>>
        tpu.wait_dma2 semaphore(%arg16 : memref<!tpu.dma_semaphore, #tpu.memory_space<semaphore_mem>>) src(%arg7 : memref<40x128xf32, #tpu.memory_space<vmem>>) dst(%dma_wait3A_236 : memref<40x128xf32, #tpu.memory_space<vmem_shared>>)
        %add3A_237 = arith.constant 4 : i32
        %add3A_238 = arith.addi %add3A_165, %add3A_237 : i32
        %mul3A_239 = arith.constant 40 : i32
        %mul3A_240 = arith.muli %add3A_238, %mul3A_239 : i32
        %add3A_241 = arith.addi %add3A, %mul3A_240 : i32
        %dma_start3A_242 = arith.constant 0 : i32
        %dma_start3A_243 = tpu.memref_slice %arg2[%add3A_241, %dma_start3A_242] : memref<160000x128xf32, #tpu.memory_space<hbm>> -> memref<40x128xf32, #tpu.memory_space<hbm>>
        %dma_start3A_244 = arith.constant 0 : i32
        %dma_start3A_245 = tpu.memref_slice %arg2[%add3A_241, %dma_start3A_244] : memref<160000x128xf32, #tpu.memory_space<hbm>> -> memref<40x128xf32, #tpu.memory_space<hbm>>
        tpu.enqueue_dma source(%dma_start3A_245 : memref<40x128xf32, #tpu.memory_space<hbm>>) target(%arg7 : memref<40x128xf32, #tpu.memory_space<vmem>>) target_semaphore(%arg12 : memref<!tpu.dma_semaphore, #tpu.memory_space<semaphore_mem>>)
      } else {
      }
      %mul3A_185 = arith.constant 4 : i32
      %mul3A_186 = arith.muli %scan3A_141, %mul3A_185 : i32
      %add3A_187 = arith.constant 2 : i32
      %add3A_188 = arith.addi %mul3A_186, %add3A_187 : i32
      %dma_wait3A_189 = arith.constant 0 : i32
      %dma_wait3A_190 = arith.constant 0 : i32
      %dma_wait3A_191 = tpu.memref_slice %arg2[%dma_wait3A_189, %dma_wait3A_190] : memref<160000x128xf32, #tpu.memory_space<hbm>> -> memref<40x128xf32, #tpu.memory_space<hbm>>
      %dma_wait3A_192 = arith.constant 0 : i32
      %dma_wait3A_193 = arith.constant 0 : i32
      %dma_wait3A_194 = tpu.memref_slice %arg2[%dma_wait3A_192, %dma_wait3A_193] : memref<160000x128xf32, #tpu.memory_space<hbm>> -> memref<40x128xf32, #tpu.memory_space<hbm>>
      tpu.wait_dma2 semaphore(%arg13 : memref<!tpu.dma_semaphore, #tpu.memory_space<semaphore_mem>>) src(%dma_wait3A_194 : memref<40x128xf32, #tpu.memory_space<hbm>>) dst(%arg8 : memref<40x128xf32, #tpu.memory_space<vmem>>)
      %dma_start3A_195 = arith.constant 0 : i32
      %dma_start3A_196 = tpu.memref_slice %arg5[%add3A_188, %dma_start3A_195] : memref<125x40xi32, #tpu.memory_space<vmem>> -> memref<1x40xi32, #tpu.memory_space<vmem>>
      %dma_start3A_197 = tpu.memref_squeeze %dma_start3A_196 : memref<1x40xi32, #tpu.memory_space<vmem>> -> memref<40xi32, #tpu.memory_space<vmem>>
      %dma_start3A_198 = arith.constant 0 : i32
      %dma_start3A_199 = arith.constant 0 : i32
      %dma_start3A_200 = tpu.memref_slice %arg10[%dma_start3A_198, %dma_start3A_199] : memref<10240x128xf32, #tpu.memory_space<vmem_shared>> -> memref<10240x128xf32, #tpu.memory_space<vmem_shared>>
      tpu.enqueue_indirect_dma source(%arg8 : memref<40x128xf32, #tpu.memory_space<vmem>>) target(%dma_start3A_200 : memref<10240x128xf32, #tpu.memory_space<vmem_shared>>) offsets(%dma_start3A_197 : memref<40xi32, #tpu.memory_space<vmem>>) semaphore(%arg17 : memref<!tpu.dma_semaphore, #tpu.memory_space<semaphore_mem>>) {add = true}
      %add3A_201 = arith.constant 4 : i32
      %add3A_202 = arith.addi %add3A_188, %add3A_201 : i32
      %lt3A_203 = arith.constant 125 : i32
      %lt3A_204 = arith.cmpi slt, %add3A_202, %lt3A_203 : i32
      %convert_element_type3A_205 = arith.extui %lt3A_204 : i1 to i32
      %cond3A_206 = arith.constant 0 : i32
      %cond3A_207 = arith.cmpi ne, %convert_element_type3A_205, %cond3A_206 : i32
      scf.if %cond3A_207 {
        %dma_wait3A_231 = arith.constant 0 : i32
        %dma_wait3A_232 = arith.constant 0 : i32
        %dma_wait3A_233 = tpu.memref_slice %arg10[%dma_wait3A_231, %dma_wait3A_232] : memref<10240x128xf32, #tpu.memory_space<vmem_shared>> -> memref<40x128xf32, #tpu.memory_space<vmem_shared>>
        %dma_wait3A_234 = arith.constant 0 : i32
        %dma_wait3A_235 = arith.constant 0 : i32
        %dma_wait3A_236 = tpu.memref_slice %arg10[%dma_wait3A_234, %dma_wait3A_235] : memref<10240x128xf32, #tpu.memory_space<vmem_shared>> -> memref<40x128xf32, #tpu.memory_space<vmem_shared>>
        tpu.wait_dma2 semaphore(%arg17 : memref<!tpu.dma_semaphore, #tpu.memory_space<semaphore_mem>>) src(%arg8 : memref<40x128xf32, #tpu.memory_space<vmem>>) dst(%dma_wait3A_236 : memref<40x128xf32, #tpu.memory_space<vmem_shared>>)
        %add3A_237 = arith.constant 4 : i32
        %add3A_238 = arith.addi %add3A_188, %add3A_237 : i32
        %mul3A_239 = arith.constant 40 : i32
        %mul3A_240 = arith.muli %add3A_238, %mul3A_239 : i32
        %add3A_241 = arith.addi %add3A, %mul3A_240 : i32
        %dma_start3A_242 = arith.constant 0 : i32
        %dma_start3A_243 = tpu.memref_slice %arg2[%add3A_241, %dma_start3A_242] : memref<160000x128xf32, #tpu.memory_space<hbm>> -> memref<40x128xf32, #tpu.memory_space<hbm>>
        %dma_start3A_244 = arith.constant 0 : i32
        %dma_start3A_245 = tpu.memref_slice %arg2[%add3A_241, %dma_start3A_244] : memref<160000x128xf32, #tpu.memory_space<hbm>> -> memref<40x128xf32, #tpu.memory_space<hbm>>
        tpu.enqueue_dma source(%dma_start3A_245 : memref<40x128xf32, #tpu.memory_space<hbm>>) target(%arg8 : memref<40x128xf32, #tpu.memory_space<vmem>>) target_semaphore(%arg13 : memref<!tpu.dma_semaphore, #tpu.memory_space<semaphore_mem>>)
      } else {
      }
      %mul3A_208 = arith.constant 4 : i32
      %mul3A_209 = arith.muli %scan3A_141, %mul3A_208 : i32
      %add3A_210 = arith.constant 3 : i32
      %add3A_211 = arith.addi %mul3A_209, %add3A_210 : i32
      %dma_wait3A_212 = arith.constant 0 : i32
      %dma_wait3A_213 = arith.constant 0 : i32
      %dma_wait3A_214 = tpu.memref_slice %arg2[%dma_wait3A_212, %dma_wait3A_213] : memref<160000x128xf32, #tpu.memory_space<hbm>> -> memref<40x128xf32, #tpu.memory_space<hbm>>
      %dma_wait3A_215 = arith.constant 0 : i32
      %dma_wait3A_216 = arith.constant 0 : i32
      %dma_wait3A_217 = tpu.memref_slice %arg2[%dma_wait3A_215, %dma_wait3A_216] : memref<160000x128xf32, #tpu.memory_space<hbm>> -> memref<40x128xf32, #tpu.memory_space<hbm>>
      tpu.wait_dma2 semaphore(%arg14 : memref<!tpu.dma_semaphore, #tpu.memory_space<semaphore_mem>>) src(%dma_wait3A_217 : memref<40x128xf32, #tpu.memory_space<hbm>>) dst(%arg9 : memref<40x128xf32, #tpu.memory_space<vmem>>)
      %dma_start3A_218 = arith.constant 0 : i32
      %dma_start3A_219 = tpu.memref_slice %arg5[%add3A_211, %dma_start3A_218] : memref<125x40xi32, #tpu.memory_space<vmem>> -> memref<1x40xi32, #tpu.memory_space<vmem>>
      %dma_start3A_220 = tpu.memref_squeeze %dma_start3A_219 : memref<1x40xi32, #tpu.memory_space<vmem>> -> memref<40xi32, #tpu.memory_space<vmem>>
      %dma_start3A_221 = arith.constant 0 : i32
      %dma_start3A_222 = arith.constant 0 : i32
      %dma_start3A_223 = tpu.memref_slice %arg10[%dma_start3A_221, %dma_start3A_222] : memref<10240x128xf32, #tpu.memory_space<vmem_shared>> -> memref<10240x128xf32, #tpu.memory_space<vmem_shared>>
      tpu.enqueue_indirect_dma source(%arg9 : memref<40x128xf32, #tpu.memory_space<vmem>>) target(%dma_start3A_223 : memref<10240x128xf32, #tpu.memory_space<vmem_shared>>) offsets(%dma_start3A_220 : memref<40xi32, #tpu.memory_space<vmem>>) semaphore(%arg18 : memref<!tpu.dma_semaphore, #tpu.memory_space<semaphore_mem>>) {add = true}
      %add3A_224 = arith.constant 4 : i32
      %add3A_225 = arith.addi %add3A_211, %add3A_224 : i32
      %lt3A_226 = arith.constant 125 : i32
      %lt3A_227 = arith.cmpi slt, %add3A_225, %lt3A_226 : i32
      %convert_element_type3A_228 = arith.extui %lt3A_227 : i1 to i32
      %cond3A_229 = arith.constant 0 : i32
      %cond3A_230 = arith.cmpi ne, %convert_element_type3A_228, %cond3A_229 : i32
      scf.if %cond3A_230 {
        %dma_wait3A_231 = arith.constant 0 : i32
        %dma_wait3A_232 = arith.constant 0 : i32
        %dma_wait3A_233 = tpu.memref_slice %arg10[%dma_wait3A_231, %dma_wait3A_232] : memref<10240x128xf32, #tpu.memory_space<vmem_shared>> -> memref<40x128xf32, #tpu.memory_space<vmem_shared>>
        %dma_wait3A_234 = arith.constant 0 : i32
        %dma_wait3A_235 = arith.constant 0 : i32
        %dma_wait3A_236 = tpu.memref_slice %arg10[%dma_wait3A_234, %dma_wait3A_235] : memref<10240x128xf32, #tpu.memory_space<vmem_shared>> -> memref<40x128xf32, #tpu.memory_space<vmem_shared>>
        tpu.wait_dma2 semaphore(%arg18 : memref<!tpu.dma_semaphore, #tpu.memory_space<semaphore_mem>>) src(%arg9 : memref<40x128xf32, #tpu.memory_space<vmem>>) dst(%dma_wait3A_236 : memref<40x128xf32, #tpu.memory_space<vmem_shared>>)
        %add3A_237 = arith.constant 4 : i32
        %add3A_238 = arith.addi %add3A_211, %add3A_237 : i32
        %mul3A_239 = arith.constant 40 : i32
        %mul3A_240 = arith.muli %add3A_238, %mul3A_239 : i32
        %add3A_241 = arith.addi %add3A, %mul3A_240 : i32
        %dma_start3A_242 = arith.constant 0 : i32
        %dma_start3A_243 = tpu.memref_slice %arg2[%add3A_241, %dma_start3A_242] : memref<160000x128xf32, #tpu.memory_space<hbm>> -> memref<40x128xf32, #tpu.memory_space<hbm>>
        %dma_start3A_244 = arith.constant 0 : i32
        %dma_start3A_245 = tpu.memref_slice %arg2[%add3A_241, %dma_start3A_244] : memref<160000x128xf32, #tpu.memory_space<hbm>> -> memref<40x128xf32, #tpu.memory_space<hbm>>
        tpu.enqueue_dma source(%dma_start3A_245 : memref<40x128xf32, #tpu.memory_space<hbm>>) target(%arg9 : memref<40x128xf32, #tpu.memory_space<vmem>>) target_semaphore(%arg14 : memref<!tpu.dma_semaphore, #tpu.memory_space<semaphore_mem>>)
      } else {
      }
    }
    %scan3A_101 = arith.constant 31 : i32
    %dma_wait3A = arith.constant 0 : i32
    %dma_wait3A_102 = arith.constant 0 : i32
    %dma_wait3A_103 = tpu.memref_slice %arg2[%dma_wait3A, %dma_wait3A_102] : memref<160000x128xf32, #tpu.memory_space<hbm>> -> memref<40x128xf32, #tpu.memory_space<hbm>>
    %dma_wait3A_104 = arith.constant 0 : i32
    %dma_wait3A_105 = arith.constant 0 : i32
    %dma_wait3A_106 = tpu.memref_slice %arg2[%dma_wait3A_104, %dma_wait3A_105] : memref<160000x128xf32, #tpu.memory_space<hbm>> -> memref<40x128xf32, #tpu.memory_space<hbm>>
    tpu.wait_dma2 semaphore(%arg11 : memref<!tpu.dma_semaphore, #tpu.memory_space<semaphore_mem>>) src(%dma_wait3A_106 : memref<40x128xf32, #tpu.memory_space<hbm>>) dst(%arg6 : memref<40x128xf32, #tpu.memory_space<vmem>>)
    %dma_start3A_107 = arith.constant 124 : i32
    %dma_start3A_108 = arith.constant 0 : i32
    %dma_start3A_109 = tpu.memref_slice %arg5[%dma_start3A_107, %dma_start3A_108] : memref<125x40xi32, #tpu.memory_space<vmem>> -> memref<1x40xi32, #tpu.memory_space<vmem>>
    %dma_start3A_110 = tpu.memref_squeeze %dma_start3A_109 : memref<1x40xi32, #tpu.memory_space<vmem>> -> memref<40xi32, #tpu.memory_space<vmem>>
    %dma_start3A_111 = arith.constant 0 : i32
    %dma_start3A_112 = arith.constant 0 : i32
    %dma_start3A_113 = tpu.memref_slice %arg10[%dma_start3A_111, %dma_start3A_112] : memref<10240x128xf32, #tpu.memory_space<vmem_shared>> -> memref<10240x128xf32, #tpu.memory_space<vmem_shared>>
    tpu.enqueue_indirect_dma source(%arg6 : memref<40x128xf32, #tpu.memory_space<vmem>>) target(%dma_start3A_113 : memref<10240x128xf32, #tpu.memory_space<vmem_shared>>) offsets(%dma_start3A_110 : memref<40xi32, #tpu.memory_space<vmem>>) semaphore(%arg15 : memref<!tpu.dma_semaphore, #tpu.memory_space<semaphore_mem>>) {add = true}
    %dma_wait3A_114 = arith.constant 0 : i32
    %dma_wait3A_115 = arith.constant 0 : i32
    %dma_wait3A_116 = tpu.memref_slice %arg10[%dma_wait3A_114, %dma_wait3A_115] : memref<10240x128xf32, #tpu.memory_space<vmem_shared>> -> memref<40x128xf32, #tpu.memory_space<vmem_shared>>
    %dma_wait3A_117 = arith.constant 0 : i32
    %dma_wait3A_118 = arith.constant 0 : i32
    %dma_wait3A_119 = tpu.memref_slice %arg10[%dma_wait3A_117, %dma_wait3A_118] : memref<10240x128xf32, #tpu.memory_space<vmem_shared>> -> memref<40x128xf32, #tpu.memory_space<vmem_shared>>
    tpu.wait_dma2 semaphore(%arg15 : memref<!tpu.dma_semaphore, #tpu.memory_space<semaphore_mem>>) src(%arg6 : memref<40x128xf32, #tpu.memory_space<vmem>>) dst(%dma_wait3A_119 : memref<40x128xf32, #tpu.memory_space<vmem_shared>>)
    %dma_wait3A_120 = arith.constant 0 : i32
    %dma_wait3A_121 = arith.constant 0 : i32
    %dma_wait3A_122 = tpu.memref_slice %arg10[%dma_wait3A_120, %dma_wait3A_121] : memref<10240x128xf32, #tpu.memory_space<vmem_shared>> -> memref<40x128xf32, #tpu.memory_space<vmem_shared>>
    %dma_wait3A_123 = arith.constant 0 : i32
    %dma_wait3A_124 = arith.constant 0 : i32
    %dma_wait3A_125 = tpu.memref_slice %arg10[%dma_wait3A_123, %dma_wait3A_124] : memref<10240x128xf32, #tpu.memory_space<vmem_shared>> -> memref<40x128xf32, #tpu.memory_space<vmem_shared>>
    tpu.wait_dma2 semaphore(%arg16 : memref<!tpu.dma_semaphore, #tpu.memory_space<semaphore_mem>>) src(%arg7 : memref<40x128xf32, #tpu.memory_space<vmem>>) dst(%dma_wait3A_125 : memref<40x128xf32, #tpu.memory_space<vmem_shared>>)
    %dma_wait3A_126 = arith.constant 0 : i32
    %dma_wait3A_127 = arith.constant 0 : i32
    %dma_wait3A_128 = tpu.memref_slice %arg10[%dma_wait3A_126, %dma_wait3A_127] : memref<10240x128xf32, #tpu.memory_space<vmem_shared>> -> memref<40x128xf32, #tpu.memory_space<vmem_shared>>
    %dma_wait3A_129 = arith.constant 0 : i32
    %dma_wait3A_130 = arith.constant 0 : i32
    %dma_wait3A_131 = tpu.memref_slice %arg10[%dma_wait3A_129, %dma_wait3A_130] : memref<10240x128xf32, #tpu.memory_space<vmem_shared>> -> memref<40x128xf32, #tpu.memory_space<vmem_shared>>
    tpu.wait_dma2 semaphore(%arg17 : memref<!tpu.dma_semaphore, #tpu.memory_space<semaphore_mem>>) src(%arg8 : memref<40x128xf32, #tpu.memory_space<vmem>>) dst(%dma_wait3A_131 : memref<40x128xf32, #tpu.memory_space<vmem_shared>>)
    %dma_wait3A_132 = arith.constant 0 : i32
    %dma_wait3A_133 = arith.constant 0 : i32
    %dma_wait3A_134 = tpu.memref_slice %arg10[%dma_wait3A_132, %dma_wait3A_133] : memref<10240x128xf32, #tpu.memory_space<vmem_shared>> -> memref<40x128xf32, #tpu.memory_space<vmem_shared>>
    %dma_wait3A_135 = arith.constant 0 : i32
    %dma_wait3A_136 = arith.constant 0 : i32
    %dma_wait3A_137 = tpu.memref_slice %arg10[%dma_wait3A_135, %dma_wait3A_136] : memref<10240x128xf32, #tpu.memory_space<vmem_shared>> -> memref<40x128xf32, #tpu.memory_space<vmem_shared>>
    tpu.wait_dma2 semaphore(%arg18 : memref<!tpu.dma_semaphore, #tpu.memory_space<semaphore_mem>>) src(%arg9 : memref<40x128xf32, #tpu.memory_space<vmem>>) dst(%dma_wait3A_137 : memref<40x128xf32, #tpu.memory_space<vmem_shared>>)
    %barrier3A_138 = arith.constant 0 : index
    tpu.barrier barrier_id(%barrier3A_138)
    %mul3A_139 = arith.constant 640 : i32
    %mul3A_140 = arith.muli %arg1, %mul3A_139 : i32
    "tpu.region"() ({
      %run_scoped3A = tpu.sem_alloc : memref<!tpu.dma_semaphore, #tpu.memory_space<semaphore_mem>>
      %dma_start3A_141 = arith.constant 0 : i32
      %dma_start3A_142 = tpu.memref_slice %arg4[%arg0, %mul3A_140, %dma_start3A_141] : memref<2x10240x128xf32, #tpu.memory_space<hbm>> -> memref<1x640x128xf32, #tpu.memory_space<hbm>>
      %dma_start3A_143 = tpu.memref_squeeze %dma_start3A_142 : memref<1x640x128xf32, #tpu.memory_space<hbm>> -> memref<640x128xf32, #tpu.memory_space<hbm>>
      %dma_start3A_144 = arith.constant 0 : i32
      %dma_start3A_145 = tpu.memref_slice %arg10[%mul3A_140, %dma_start3A_144] : memref<10240x128xf32, #tpu.memory_space<vmem_shared>> -> memref<640x128xf32, #tpu.memory_space<vmem_shared>>
      tpu.enqueue_dma source(%dma_start3A_145 : memref<640x128xf32, #tpu.memory_space<vmem_shared>>) target(%dma_start3A_143 : memref<640x128xf32, #tpu.memory_space<hbm>>) target_semaphore(%run_scoped3A : memref<!tpu.dma_semaphore, #tpu.memory_space<semaphore_mem>>)
      %dma_wait3A_146 = arith.constant 0 : i32
      %dma_wait3A_147 = tpu.memref_slice %arg4[%arg0, %mul3A_140, %dma_wait3A_146] : memref<2x10240x128xf32, #tpu.memory_space<hbm>> -> memref<1x640x128xf32, #tpu.memory_space<hbm>>
      %dma_wait3A_148 = tpu.memref_squeeze %dma_wait3A_147 : memref<1x640x128xf32, #tpu.memory_space<hbm>> -> memref<640x128xf32, #tpu.memory_space<hbm>>
      %dma_wait3A_149 = arith.constant 0 : i32
      %dma_wait3A_150 = tpu.memref_slice %arg10[%mul3A_140, %dma_wait3A_149] : memref<10240x128xf32, #tpu.memory_space<vmem_shared>> -> memref<640x128xf32, #tpu.memory_space<vmem_shared>>
      tpu.wait_dma2 semaphore(%run_scoped3A : memref<!tpu.dma_semaphore, #tpu.memory_space<semaphore_mem>>) src(%dma_wait3A_150 : memref<640x128xf32, #tpu.memory_space<vmem_shared>>) dst(%dma_wait3A_148 : memref<640x128xf32, #tpu.memory_space<hbm>>)
      tpu.yield
    }) : () -> ()
    return
  }
}

#map = affine_map<(d0, d1) -> (0, 0)>
#map1 = affine_map<(d0, d1) -> (0, 0, 0, 0)>
#map2 = affine_map<(d0, d1) -> (0, 0, 0)>
module attributes {stable_mosaic.version = 14 : i64} {
  func.func @k(%arg0: i32, %arg1: i32, %arg2: memref<160000x128xf32, #tpu.memory_space<hbm>>, %arg3: memref<2x16x125x40xi32, #tpu.memory_space<hbm>>, %arg4: memref<2x10240x128xf32, #tpu.memory_space<hbm>>, %arg5: memref<125x40xi32, #tpu.memory_space<vmem>>, %arg6: memref<40x128xf32, #tpu.memory_space<vmem>>, %arg7: memref<40x128xf32, #tpu.memory_space<vmem>>, %arg8: memref<40x128xf32, #tpu.memory_space<vmem>>, %arg9: memref<40x128xf32, #tpu.memory_space<vmem>>, %arg10: memref<10240x128xf32, #tpu.memory_space<vmem_shared>>, %arg11: memref<!tpu.dma_semaphore, #tpu.memory_space<semaphore_mem>>, %arg12: memref<!tpu.dma_semaphore, #tpu.memory_space<semaphore_mem>>, %arg13: memref<!tpu.dma_semaphore, #tpu.memory_space<semaphore_mem>>, %arg14: memref<!tpu.dma_semaphore, #tpu.memory_space<semaphore_mem>>, %arg15: memref<!tpu.dma_semaphore, #tpu.memory_space<semaphore_mem>>, %arg16: memref<!tpu.dma_semaphore, #tpu.memory_space<semaphore_mem>>, %arg17: memref<!tpu.dma_semaphore, #tpu.memory_space<semaphore_mem>>, %arg18: memref<!tpu.dma_semaphore, #tpu.memory_space<semaphore_mem>>) attributes {dimension_semantics = [#tpu.dimension_semantics<core_parallel>, #tpu.dimension_semantics<subcore_parallel>], iteration_bounds = array<i64: 2, 16>, scalar_prefetch = 0 : i64, scratch_operands = 14 : i64, tpu.core_type = #tpu.core_type<sc_vector_subcore>, window_params = [{transform_indices = #map}, {transform_indices = #map1}, {transform_indices = #map2}]} {
    %mul3A = arith.constant 80000 : i32
    %mul3A_0 = arith.muli %arg0, %mul3A : i32
    %mul3A_1 = arith.constant 5000 : i32
    %mul3A_2 = arith.muli %arg1, %mul3A_1 : i32
    %add3A = arith.addi %mul3A_0, %mul3A_2 : i32
    %broadcast_in_dim3A = arith.constant 0.000000e+00 : f32
    %broadcast_in_dim3A_3 = vector.broadcast %broadcast_in_dim3A : f32 to vector<16xf32>
    %scan3A = arith.constant 0 : i32
    %scan3A_4 = arith.constant 0 : i32
    %scan3A_5 = arith.constant 40 : i32
    %scan3A_6 = arith.addi %scan3A_4, %scan3A_5 : i32
    %scan3A_7 = arith.constant 1 : i32
    scf.for %scan3A_141 = %scan3A_4 to %scan3A_6 step %scan3A_7  : i32 {
      %swap3A = arith.index_cast %scan3A_141 : i32 to index
      %swap3A_142 = arith.constant 0 : index
      %swap3A_143 = tpu.vector_load %arg6[%swap3A, %swap3A_142] {strides = array<i32>} : memref<40x128xf32, #tpu.memory_space<vmem>>, vector<1x16xf32>,
      %swap3A_144 = vector.shape_cast %swap3A_143 : vector<1x16xf32> to vector<16xf32>
      %swap3A_145 = vector.shape_cast %broadcast_in_dim3A_3 : vector<16xf32> to vector<1x16xf32>
      tpu.vector_store %arg6[%swap3A, %swap3A_142], %swap3A_145 {strides = array<i32>} : memref<40x128xf32, #tpu.memory_space<vmem>>, vector<1x16xf32>,
      %swap3A_146 = arith.index_cast %scan3A_141 : i32 to index
      %swap3A_147 = arith.constant 16 : index
      %swap3A_148 = tpu.vector_load %arg6[%swap3A_146, %swap3A_147] {strides = array<i32>} : memref<40x128xf32, #tpu.memory_space<vmem>>, vector<1x16xf32>,
      %swap3A_149 = vector.shape_cast %swap3A_148 : vector<1x16xf32> to vector<16xf32>
      %swap3A_150 = vector.shape_cast %broadcast_in_dim3A_3 : vector<16xf32> to vector<1x16xf32>
      tpu.vector_store %arg6[%swap3A_146, %swap3A_147], %swap3A_150 {strides = array<i32>} : memref<40x128xf32, #tpu.memory_space<vmem>>, vector<1x16xf32>,
      %swap3A_151 = arith.index_cast %scan3A_141 : i32 to index
      %swap3A_152 = arith.constant 32 : index
      %swap3A_153 = tpu.vector_load %arg6[%swap3A_151, %swap3A_152] {strides = array<i32>} : memref<40x128xf32, #tpu.memory_space<vmem>>, vector<1x16xf32>,
      %swap3A_154 = vector.shape_cast %swap3A_153 : vector<1x16xf32> to vector<16xf32>
      %swap3A_155 = vector.shape_cast %broadcast_in_dim3A_3 : vector<16xf32> to vector<1x16xf32>
      tpu.vector_store %arg6[%swap3A_151, %swap3A_152], %swap3A_155 {strides = array<i32>} : memref<40x128xf32, #tpu.memory_space<vmem>>, vector<1x16xf32>,
      %swap3A_156 = arith.index_cast %scan3A_141 : i32 to index
      %swap3A_157 = arith.constant 48 : index
      %swap3A_158 = tpu.vector_load %arg6[%swap3A_156, %swap3A_157] {strides = array<i32>} : memref<40x128xf32, #tpu.memory_space<vmem>>, vector<1x16xf32>,
      %swap3A_159 = vector.shape_cast %swap3A_158 : vector<1x16xf32> to vector<16xf32>
      %swap3A_160 = vector.shape_cast %broadcast_in_dim3A_3 : vector<16xf32> to vector<1x16xf32>
      tpu.vector_store %arg6[%swap3A_156, %swap3A_157], %swap3A_160 {strides = array<i32>} : memref<40x128xf32, #tpu.memory_space<vmem>>, vector<1x16xf32>,
      %swap3A_161 = arith.index_cast %scan3A_141 : i32 to index
      %swap3A_162 = arith.constant 64 : index
      %swap3A_163 = tpu.vector_load %arg6[%swap3A_161, %swap3A_162] {strides = array<i32>} : memref<40x128xf32, #tpu.memory_space<vmem>>, vector<1x16xf32>,
      %swap3A_164 = vector.shape_cast %swap3A_163 : vector<1x16xf32> to vector<16xf32>
      %swap3A_165 = vector.shape_cast %broadcast_in_dim3A_3 : vector<16xf32> to vector<1x16xf32>
      tpu.vector_store %arg6[%swap3A_161, %swap3A_162], %swap3A_165 {strides = array<i32>} : memref<40x128xf32, #tpu.memory_space<vmem>>, vector<1x16xf32>,
      %swap3A_166 = arith.index_cast %scan3A_141 : i32 to index
      %swap3A_167 = arith.constant 80 : index
      %swap3A_168 = tpu.vector_load %arg6[%swap3A_166, %swap3A_167] {strides = array<i32>} : memref<40x128xf32, #tpu.memory_space<vmem>>, vector<1x16xf32>,
      %swap3A_169 = vector.shape_cast %swap3A_168 : vector<1x16xf32> to vector<16xf32>
      %swap3A_170 = vector.shape_cast %broadcast_in_dim3A_3 : vector<16xf32> to vector<1x16xf32>
      tpu.vector_store %arg6[%swap3A_166, %swap3A_167], %swap3A_170 {strides = array<i32>} : memref<40x128xf32, #tpu.memory_space<vmem>>, vector<1x16xf32>,
      %swap3A_171 = arith.index_cast %scan3A_141 : i32 to index
      %swap3A_172 = arith.constant 96 : index
      %swap3A_173 = tpu.vector_load %arg6[%swap3A_171, %swap3A_172] {strides = array<i32>} : memref<40x128xf32, #tpu.memory_space<vmem>>, vector<1x16xf32>,
      %swap3A_174 = vector.shape_cast %swap3A_173 : vector<1x16xf32> to vector<16xf32>
      %swap3A_175 = vector.shape_cast %broadcast_in_dim3A_3 : vector<16xf32> to vector<1x16xf32>
      tpu.vector_store %arg6[%swap3A_171, %swap3A_172], %swap3A_175 {strides = array<i32>} : memref<40x128xf32, #tpu.memory_space<vmem>>, vector<1x16xf32>,
      %swap3A_176 = arith.index_cast %scan3A_141 : i32 to index
      %swap3A_177 = arith.constant 112 : index
      %swap3A_178 = tpu.vector_load %arg6[%swap3A_176, %swap3A_177] {strides = array<i32>} : memref<40x128xf32, #tpu.memory_space<vmem>>, vector<1x16xf32>,
      %swap3A_179 = vector.shape_cast %swap3A_178 : vector<1x16xf32> to vector<16xf32>
      %swap3A_180 = vector.shape_cast %broadcast_in_dim3A_3 : vector<16xf32> to vector<1x16xf32>
      tpu.vector_store %arg6[%swap3A_176, %swap3A_177], %swap3A_180 {strides = array<i32>} : memref<40x128xf32, #tpu.memory_space<vmem>>, vector<1x16xf32>,
    }
    %scan3A_8 = arith.constant 40 : i32
    %mul3A_9 = arith.constant 640 : i32
    %mul3A_10 = arith.muli %arg1, %mul3A_9 : i32
    %add3A_11 = arith.constant 0 : i32
    %add3A_12 = arith.addi %mul3A_10, %add3A_11 : i32
    "tpu.region"() ({
      %run_scoped3A = tpu.sem_alloc : memref<!tpu.dma_semaphore, #tpu.memory_space<semaphore_mem>>
      %dma_start3A_141 = arith.constant 0 : i32
      %dma_start3A_142 = tpu.memref_slice %arg10[%add3A_12, %dma_start3A_141] : memref<10240x128xf32, #tpu.memory_space<vmem_shared>> -> memref<40x128xf32, #tpu.memory_space<vmem_shared>>
      %dma_start3A_143 = arith.constant 0 : i32
      %dma_start3A_144 = tpu.memref_slice %arg10[%add3A_12, %dma_start3A_143] : memref<10240x128xf32, #tpu.memory_space<vmem_shared>> -> memref<40x128xf32, #tpu.memory_space<vmem_shared>>
      tpu.enqueue_dma source(%arg6 : memref<40x128xf32, #tpu.memory_space<vmem>>) target(%dma_start3A_144 : memref<40x128xf32, #tpu.memory_space<vmem_shared>>) target_semaphore(%run_scoped3A : memref<!tpu.dma_semaphore, #tpu.memory_space<semaphore_mem>>)
      %dma_wait3A_145 = arith.constant 0 : i32
      %dma_wait3A_146 = tpu.memref_slice %arg10[%add3A_12, %dma_wait3A_145] : memref<10240x128xf32, #tpu.memory_space<vmem_shared>> -> memref<40x128xf32, #tpu.memory_space<vmem_shared>>
      %dma_wait3A_147 = arith.constant 0 : i32
      %dma_wait3A_148 = tpu.memref_slice %arg10[%add3A_12, %dma_wait3A_147] : memref<10240x128xf32, #tpu.memory_space<vmem_shared>> -> memref<40x128xf32, #tpu.memory_space<vmem_shared>>
      tpu.wait_dma2 semaphore(%run_scoped3A : memref<!tpu.dma_semaphore, #tpu.memory_space<semaphore_mem>>) src(%arg6 : memref<40x128xf32, #tpu.memory_space<vmem>>) dst(%dma_wait3A_148 : memref<40x128xf32, #tpu.memory_space<vmem_shared>>)
      tpu.yield
    }) : () -> ()
    %mul3A_13 = arith.constant 640 : i32
    %mul3A_14 = arith.muli %arg1, %mul3A_13 : i32
    %add3A_15 = arith.constant 40 : i32
    %add3A_16 = arith.addi %mul3A_14, %add3A_15 : i32
    "tpu.region"() ({
      %run_scoped3A = tpu.sem_alloc : memref<!tpu.dma_semaphore, #tpu.memory_space<semaphore_mem>>
      %dma_start3A_141 = arith.constant 0 : i32
      %dma_start3A_142 = tpu.memref_slice %arg10[%add3A_16, %dma_start3A_141] : memref<10240x128xf32, #tpu.memory_space<vmem_shared>> -> memref<40x128xf32, #tpu.memory_space<vmem_shared>>
      %dma_start3A_143 = arith.constant 0 : i32
      %dma_start3A_144 = tpu.memref_slice %arg10[%add3A_16, %dma_start3A_143] : memref<10240x128xf32, #tpu.memory_space<vmem_shared>> -> memref<40x128xf32, #tpu.memory_space<vmem_shared>>
      tpu.enqueue_dma source(%arg6 : memref<40x128xf32, #tpu.memory_space<vmem>>) target(%dma_start3A_144 : memref<40x128xf32, #tpu.memory_space<vmem_shared>>) target_semaphore(%run_scoped3A : memref<!tpu.dma_semaphore, #tpu.memory_space<semaphore_mem>>)
      %dma_wait3A_145 = arith.constant 0 : i32
      %dma_wait3A_146 = tpu.memref_slice %arg10[%add3A_16, %dma_wait3A_145] : memref<10240x128xf32, #tpu.memory_space<vmem_shared>> -> memref<40x128xf32, #tpu.memory_space<vmem_shared>>
      %dma_wait3A_147 = arith.constant 0 : i32
      %dma_wait3A_148 = tpu.memref_slice %arg10[%add3A_16, %dma_wait3A_147] : memref<10240x128xf32, #tpu.memory_space<vmem_shared>> -> memref<40x128xf32, #tpu.memory_space<vmem_shared>>
      tpu.wait_dma2 semaphore(%run_scoped3A : memref<!tpu.dma_semaphore, #tpu.memory_space<semaphore_mem>>) src(%arg6 : memref<40x128xf32, #tpu.memory_space<vmem>>) dst(%dma_wait3A_148 : memref<40x128xf32, #tpu.memory_space<vmem_shared>>)
      tpu.yield
    }) : () -> ()
    %mul3A_17 = arith.constant 640 : i32
    %mul3A_18 = arith.muli %arg1, %mul3A_17 : i32
    %add3A_19 = arith.constant 80 : i32
    %add3A_20 = arith.addi %mul3A_18, %add3A_19 : i32
    "tpu.region"() ({
      %run_scoped3A = tpu.sem_alloc : memref<!tpu.dma_semaphore, #tpu.memory_space<semaphore_mem>>
      %dma_start3A_141 = arith.constant 0 : i32
      %dma_start3A_142 = tpu.memref_slice %arg10[%add3A_20, %dma_start3A_141] : memref<10240x128xf32, #tpu.memory_space<vmem_shared>> -> memref<40x128xf32, #tpu.memory_space<vmem_shared>>
      %dma_start3A_143 = arith.constant 0 : i32
      %dma_start3A_144 = tpu.memref_slice %arg10[%add3A_20, %dma_start3A_143] : memref<10240x128xf32, #tpu.memory_space<vmem_shared>> -> memref<40x128xf32, #tpu.memory_space<vmem_shared>>
      tpu.enqueue_dma source(%arg6 : memref<40x128xf32, #tpu.memory_space<vmem>>) target(%dma_start3A_144 : memref<40x128xf32, #tpu.memory_space<vmem_shared>>) target_semaphore(%run_scoped3A : memref<!tpu.dma_semaphore, #tpu.memory_space<semaphore_mem>>)
      %dma_wait3A_145 = arith.constant 0 : i32
      %dma_wait3A_146 = tpu.memref_slice %arg10[%add3A_20, %dma_wait3A_145] : memref<10240x128xf32, #tpu.memory_space<vmem_shared>> -> memref<40x128xf32, #tpu.memory_space<vmem_shared>>
      %dma_wait3A_147 = arith.constant 0 : i32
      %dma_wait3A_148 = tpu.memref_slice %arg10[%add3A_20, %dma_wait3A_147] : memref<10240x128xf32, #tpu.memory_space<vmem_shared>> -> memref<40x128xf32, #tpu.memory_space<vmem_shared>>
      tpu.wait_dma2 semaphore(%run_scoped3A : memref<!tpu.dma_semaphore, #tpu.memory_space<semaphore_mem>>) src(%arg6 : memref<40x128xf32, #tpu.memory_space<vmem>>) dst(%dma_wait3A_148 : memref<40x128xf32, #tpu.memory_space<vmem_shared>>)
      tpu.yield
    }) : () -> ()
    %mul3A_21 = arith.constant 640 : i32
    %mul3A_22 = arith.muli %arg1, %mul3A_21 : i32
    %add3A_23 = arith.constant 120 : i32
    %add3A_24 = arith.addi %mul3A_22, %add3A_23 : i32
    "tpu.region"() ({
      %run_scoped3A = tpu.sem_alloc : memref<!tpu.dma_semaphore, #tpu.memory_space<semaphore_mem>>
      %dma_start3A_141 = arith.constant 0 : i32
      %dma_start3A_142 = tpu.memref_slice %arg10[%add3A_24, %dma_start3A_141] : memref<10240x128xf32, #tpu.memory_space<vmem_shared>> -> memref<40x128xf32, #tpu.memory_space<vmem_shared>>
      %dma_start3A_143 = arith.constant 0 : i32
      %dma_start3A_144 = tpu.memref_slice %arg10[%add3A_24, %dma_start3A_143] : memref<10240x128xf32, #tpu.memory_space<vmem_shared>> -> memref<40x128xf32, #tpu.memory_space<vmem_shared>>
      tpu.enqueue_dma source(%arg6 : memref<40x128xf32, #tpu.memory_space<vmem>>) target(%dma_start3A_144 : memref<40x128xf32, #tpu.memory_space<vmem_shared>>) target_semaphore(%run_scoped3A : memref<!tpu.dma_semaphore, #tpu.memory_space<semaphore_mem>>)
      %dma_wait3A_145 = arith.constant 0 : i32
      %dma_wait3A_146 = tpu.memref_slice %arg10[%add3A_24, %dma_wait3A_145] : memref<10240x128xf32, #tpu.memory_space<vmem_shared>> -> memref<40x128xf32, #tpu.memory_space<vmem_shared>>
      %dma_wait3A_147 = arith.constant 0 : i32
      %dma_wait3A_148 = tpu.memref_slice %arg10[%add3A_24, %dma_wait3A_147] : memref<10240x128xf32, #tpu.memory_space<vmem_shared>> -> memref<40x128xf32, #tpu.memory_space<vmem_shared>>
      tpu.wait_dma2 semaphore(%run_scoped3A : memref<!tpu.dma_semaphore, #tpu.memory_space<semaphore_mem>>) src(%arg6 : memref<40x128xf32, #tpu.memory_space<vmem>>) dst(%dma_wait3A_148 : memref<40x128xf32, #tpu.memory_space<vmem_shared>>)
      tpu.yield
    }) : () -> ()
    %mul3A_25 = arith.constant 640 : i32
    %mul3A_26 = arith.muli %arg1, %mul3A_25 : i32
    %add3A_27 = arith.constant 160 : i32
    %add3A_28 = arith.addi %mul3A_26, %add3A_27 : i32
    "tpu.region"() ({
      %run_scoped3A = tpu.sem_alloc : memref<!tpu.dma_semaphore, #tpu.memory_space<semaphore_mem>>
      %dma_start3A_141 = arith.constant 0 : i32
      %dma_start3A_142 = tpu.memref_slice %arg10[%add3A_28, %dma_start3A_141] : memref<10240x128xf32, #tpu.memory_space<vmem_shared>> -> memref<40x128xf32, #tpu.memory_space<vmem_shared>>
      %dma_start3A_143 = arith.constant 0 : i32
      %dma_start3A_144 = tpu.memref_slice %arg10[%add3A_28, %dma_start3A_143] : memref<10240x128xf32, #tpu.memory_space<vmem_shared>> -> memref<40x128xf32, #tpu.memory_space<vmem_shared>>
      tpu.enqueue_dma source(%arg6 : memref<40x128xf32, #tpu.memory_space<vmem>>) target(%dma_start3A_144 : memref<40x128xf32, #tpu.memory_space<vmem_shared>>) target_semaphore(%run_scoped3A : memref<!tpu.dma_semaphore, #tpu.memory_space<semaphore_mem>>)
      %dma_wait3A_145 = arith.constant 0 : i32
      %dma_wait3A_146 = tpu.memref_slice %arg10[%add3A_28, %dma_wait3A_145] : memref<10240x128xf32, #tpu.memory_space<vmem_shared>> -> memref<40x128xf32, #tpu.memory_space<vmem_shared>>
      %dma_wait3A_147 = arith.constant 0 : i32
      %dma_wait3A_148 = tpu.memref_slice %arg10[%add3A_28, %dma_wait3A_147] : memref<10240x128xf32, #tpu.memory_space<vmem_shared>> -> memref<40x128xf32, #tpu.memory_space<vmem_shared>>
      tpu.wait_dma2 semaphore(%run_scoped3A : memref<!tpu.dma_semaphore, #tpu.memory_space<semaphore_mem>>) src(%arg6 : memref<40x128xf32, #tpu.memory_space<vmem>>) dst(%dma_wait3A_148 : memref<40x128xf32, #tpu.memory_space<vmem_shared>>)
      tpu.yield
    }) : () -> ()
    %mul3A_29 = arith.constant 640 : i32
    %mul3A_30 = arith.muli %arg1, %mul3A_29 : i32
    %add3A_31 = arith.constant 200 : i32
    %add3A_32 = arith.addi %mul3A_30, %add3A_31 : i32
    "tpu.region"() ({
      %run_scoped3A = tpu.sem_alloc : memref<!tpu.dma_semaphore, #tpu.memory_space<semaphore_mem>>
      %dma_start3A_141 = arith.constant 0 : i32
      %dma_start3A_142 = tpu.memref_slice %arg10[%add3A_32, %dma_start3A_141] : memref<10240x128xf32, #tpu.memory_space<vmem_shared>> -> memref<40x128xf32, #tpu.memory_space<vmem_shared>>
      %dma_start3A_143 = arith.constant 0 : i32
      %dma_start3A_144 = tpu.memref_slice %arg10[%add3A_32, %dma_start3A_143] : memref<10240x128xf32, #tpu.memory_space<vmem_shared>> -> memref<40x128xf32, #tpu.memory_space<vmem_shared>>
      tpu.enqueue_dma source(%arg6 : memref<40x128xf32, #tpu.memory_space<vmem>>) target(%dma_start3A_144 : memref<40x128xf32, #tpu.memory_space<vmem_shared>>) target_semaphore(%run_scoped3A : memref<!tpu.dma_semaphore, #tpu.memory_space<semaphore_mem>>)
      %dma_wait3A_145 = arith.constant 0 : i32
      %dma_wait3A_146 = tpu.memref_slice %arg10[%add3A_32, %dma_wait3A_145] : memref<10240x128xf32, #tpu.memory_space<vmem_shared>> -> memref<40x128xf32, #tpu.memory_space<vmem_shared>>
      %dma_wait3A_147 = arith.constant 0 : i32
      %dma_wait3A_148 = tpu.memref_slice %arg10[%add3A_32, %dma_wait3A_147] : memref<10240x128xf32, #tpu.memory_space<vmem_shared>> -> memref<40x128xf32, #tpu.memory_space<vmem_shared>>
      tpu.wait_dma2 semaphore(%run_scoped3A : memref<!tpu.dma_semaphore, #tpu.memory_space<semaphore_mem>>) src(%arg6 : memref<40x128xf32, #tpu.memory_space<vmem>>) dst(%dma_wait3A_148 : memref<40x128xf32, #tpu.memory_space<vmem_shared>>)
      tpu.yield
    }) : () -> ()
    %mul3A_33 = arith.constant 640 : i32
    %mul3A_34 = arith.muli %arg1, %mul3A_33 : i32
    %add3A_35 = arith.constant 240 : i32
    %add3A_36 = arith.addi %mul3A_34, %add3A_35 : i32
    "tpu.region"() ({
      %run_scoped3A = tpu.sem_alloc : memref<!tpu.dma_semaphore, #tpu.memory_space<semaphore_mem>>
      %dma_start3A_141 = arith.constant 0 : i32
      %dma_start3A_142 = tpu.memref_slice %arg10[%add3A_36, %dma_start3A_141] : memref<10240x128xf32, #tpu.memory_space<vmem_shared>> -> memref<40x128xf32, #tpu.memory_space<vmem_shared>>
      %dma_start3A_143 = arith.constant 0 : i32
      %dma_start3A_144 = tpu.memref_slice %arg10[%add3A_36, %dma_start3A_143] : memref<10240x128xf32, #tpu.memory_space<vmem_shared>> -> memref<40x128xf32, #tpu.memory_space<vmem_shared>>
      tpu.enqueue_dma source(%arg6 : memref<40x128xf32, #tpu.memory_space<vmem>>) target(%dma_start3A_144 : memref<40x128xf32, #tpu.memory_space<vmem_shared>>) target_semaphore(%run_scoped3A : memref<!tpu.dma_semaphore, #tpu.memory_space<semaphore_mem>>)
      %dma_wait3A_145 = arith.constant 0 : i32
      %dma_wait3A_146 = tpu.memref_slice %arg10[%add3A_36, %dma_wait3A_145] : memref<10240x128xf32, #tpu.memory_space<vmem_shared>> -> memref<40x128xf32, #tpu.memory_space<vmem_shared>>
      %dma_wait3A_147 = arith.constant 0 : i32
      %dma_wait3A_148 = tpu.memref_slice %arg10[%add3A_36, %dma_wait3A_147] : memref<10240x128xf32, #tpu.memory_space<vmem_shared>> -> memref<40x128xf32, #tpu.memory_space<vmem_shared>>
      tpu.wait_dma2 semaphore(%run_scoped3A : memref<!tpu.dma_semaphore, #tpu.memory_space<semaphore_mem>>) src(%arg6 : memref<40x128xf32, #tpu.memory_space<vmem>>) dst(%dma_wait3A_148 : memref<40x128xf32, #tpu.memory_space<vmem_shared>>)
      tpu.yield
    }) : () -> ()
    %mul3A_37 = arith.constant 640 : i32
    %mul3A_38 = arith.muli %arg1, %mul3A_37 : i32
    %add3A_39 = arith.constant 280 : i32
    %add3A_40 = arith.addi %mul3A_38, %add3A_39 : i32
    "tpu.region"() ({
      %run_scoped3A = tpu.sem_alloc : memref<!tpu.dma_semaphore, #tpu.memory_space<semaphore_mem>>
      %dma_start3A_141 = arith.constant 0 : i32
      %dma_start3A_142 = tpu.memref_slice %arg10[%add3A_40, %dma_start3A_141] : memref<10240x128xf32, #tpu.memory_space<vmem_shared>> -> memref<40x128xf32, #tpu.memory_space<vmem_shared>>
      %dma_start3A_143 = arith.constant 0 : i32
      %dma_start3A_144 = tpu.memref_slice %arg10[%add3A_40, %dma_start3A_143] : memref<10240x128xf32, #tpu.memory_space<vmem_shared>> -> memref<40x128xf32, #tpu.memory_space<vmem_shared>>
      tpu.enqueue_dma source(%arg6 : memref<40x128xf32, #tpu.memory_space<vmem>>) target(%dma_start3A_144 : memref<40x128xf32, #tpu.memory_space<vmem_shared>>) target_semaphore(%run_scoped3A : memref<!tpu.dma_semaphore, #tpu.memory_space<semaphore_mem>>)
      %dma_wait3A_145 = arith.constant 0 : i32
      %dma_wait3A_146 = tpu.memref_slice %arg10[%add3A_40, %dma_wait3A_145] : memref<10240x128xf32, #tpu.memory_space<vmem_shared>> -> memref<40x128xf32, #tpu.memory_space<vmem_shared>>
      %dma_wait3A_147 = arith.constant 0 : i32
      %dma_wait3A_148 = tpu.memref_slice %arg10[%add3A_40, %dma_wait3A_147] : memref<10240x128xf32, #tpu.memory_space<vmem_shared>> -> memref<40x128xf32, #tpu.memory_space<vmem_shared>>
      tpu.wait_dma2 semaphore(%run_scoped3A : memref<!tpu.dma_semaphore, #tpu.memory_space<semaphore_mem>>) src(%arg6 : memref<40x128xf32, #tpu.memory_space<vmem>>) dst(%dma_wait3A_148 : memref<40x128xf32, #tpu.memory_space<vmem_shared>>)
      tpu.yield
    }) : () -> ()
    %mul3A_41 = arith.constant 640 : i32
    %mul3A_42 = arith.muli %arg1, %mul3A_41 : i32
    %add3A_43 = arith.constant 320 : i32
    %add3A_44 = arith.addi %mul3A_42, %add3A_43 : i32
    "tpu.region"() ({
      %run_scoped3A = tpu.sem_alloc : memref<!tpu.dma_semaphore, #tpu.memory_space<semaphore_mem>>
      %dma_start3A_141 = arith.constant 0 : i32
      %dma_start3A_142 = tpu.memref_slice %arg10[%add3A_44, %dma_start3A_141] : memref<10240x128xf32, #tpu.memory_space<vmem_shared>> -> memref<40x128xf32, #tpu.memory_space<vmem_shared>>
      %dma_start3A_143 = arith.constant 0 : i32
      %dma_start3A_144 = tpu.memref_slice %arg10[%add3A_44, %dma_start3A_143] : memref<10240x128xf32, #tpu.memory_space<vmem_shared>> -> memref<40x128xf32, #tpu.memory_space<vmem_shared>>
      tpu.enqueue_dma source(%arg6 : memref<40x128xf32, #tpu.memory_space<vmem>>) target(%dma_start3A_144 : memref<40x128xf32, #tpu.memory_space<vmem_shared>>) target_semaphore(%run_scoped3A : memref<!tpu.dma_semaphore, #tpu.memory_space<semaphore_mem>>)
      %dma_wait3A_145 = arith.constant 0 : i32
      %dma_wait3A_146 = tpu.memref_slice %arg10[%add3A_44, %dma_wait3A_145] : memref<10240x128xf32, #tpu.memory_space<vmem_shared>> -> memref<40x128xf32, #tpu.memory_space<vmem_shared>>
      %dma_wait3A_147 = arith.constant 0 : i32
      %dma_wait3A_148 = tpu.memref_slice %arg10[%add3A_44, %dma_wait3A_147] : memref<10240x128xf32, #tpu.memory_space<vmem_shared>> -> memref<40x128xf32, #tpu.memory_space<vmem_shared>>
      tpu.wait_dma2 semaphore(%run_scoped3A : memref<!tpu.dma_semaphore, #tpu.memory_space<semaphore_mem>>) src(%arg6 : memref<40x128xf32, #tpu.memory_space<vmem>>) dst(%dma_wait3A_148 : memref<40x128xf32, #tpu.memory_space<vmem_shared>>)
      tpu.yield
    }) : () -> ()
    %mul3A_45 = arith.constant 640 : i32
    %mul3A_46 = arith.muli %arg1, %mul3A_45 : i32
    %add3A_47 = arith.constant 360 : i32
    %add3A_48 = arith.addi %mul3A_46, %add3A_47 : i32
    "tpu.region"() ({
      %run_scoped3A = tpu.sem_alloc : memref<!tpu.dma_semaphore, #tpu.memory_space<semaphore_mem>>
      %dma_start3A_141 = arith.constant 0 : i32
      %dma_start3A_142 = tpu.memref_slice %arg10[%add3A_48, %dma_start3A_141] : memref<10240x128xf32, #tpu.memory_space<vmem_shared>> -> memref<40x128xf32, #tpu.memory_space<vmem_shared>>
      %dma_start3A_143 = arith.constant 0 : i32
      %dma_start3A_144 = tpu.memref_slice %arg10[%add3A_48, %dma_start3A_143] : memref<10240x128xf32, #tpu.memory_space<vmem_shared>> -> memref<40x128xf32, #tpu.memory_space<vmem_shared>>
      tpu.enqueue_dma source(%arg6 : memref<40x128xf32, #tpu.memory_space<vmem>>) target(%dma_start3A_144 : memref<40x128xf32, #tpu.memory_space<vmem_shared>>) target_semaphore(%run_scoped3A : memref<!tpu.dma_semaphore, #tpu.memory_space<semaphore_mem>>)
      %dma_wait3A_145 = arith.constant 0 : i32
      %dma_wait3A_146 = tpu.memref_slice %arg10[%add3A_48, %dma_wait3A_145] : memref<10240x128xf32, #tpu.memory_space<vmem_shared>> -> memref<40x128xf32, #tpu.memory_space<vmem_shared>>
      %dma_wait3A_147 = arith.constant 0 : i32
      %dma_wait3A_148 = tpu.memref_slice %arg10[%add3A_48, %dma_wait3A_147] : memref<10240x128xf32, #tpu.memory_space<vmem_shared>> -> memref<40x128xf32, #tpu.memory_space<vmem_shared>>
      tpu.wait_dma2 semaphore(%run_scoped3A : memref<!tpu.dma_semaphore, #tpu.memory_space<semaphore_mem>>) src(%arg6 : memref<40x128xf32, #tpu.memory_space<vmem>>) dst(%dma_wait3A_148 : memref<40x128xf32, #tpu.memory_space<vmem_shared>>)
      tpu.yield
    }) : () -> ()
    %mul3A_49 = arith.constant 640 : i32
    %mul3A_50 = arith.muli %arg1, %mul3A_49 : i32
    %add3A_51 = arith.constant 400 : i32
    %add3A_52 = arith.addi %mul3A_50, %add3A_51 : i32
    "tpu.region"() ({
      %run_scoped3A = tpu.sem_alloc : memref<!tpu.dma_semaphore, #tpu.memory_space<semaphore_mem>>
      %dma_start3A_141 = arith.constant 0 : i32
      %dma_start3A_142 = tpu.memref_slice %arg10[%add3A_52, %dma_start3A_141] : memref<10240x128xf32, #tpu.memory_space<vmem_shared>> -> memref<40x128xf32, #tpu.memory_space<vmem_shared>>
      %dma_start3A_143 = arith.constant 0 : i32
      %dma_start3A_144 = tpu.memref_slice %arg10[%add3A_52, %dma_start3A_143] : memref<10240x128xf32, #tpu.memory_space<vmem_shared>> -> memref<40x128xf32, #tpu.memory_space<vmem_shared>>
      tpu.enqueue_dma source(%arg6 : memref<40x128xf32, #tpu.memory_space<vmem>>) target(%dma_start3A_144 : memref<40x128xf32, #tpu.memory_space<vmem_shared>>) target_semaphore(%run_scoped3A : memref<!tpu.dma_semaphore, #tpu.memory_space<semaphore_mem>>)
      %dma_wait3A_145 = arith.constant 0 : i32
      %dma_wait3A_146 = tpu.memref_slice %arg10[%add3A_52, %dma_wait3A_145] : memref<10240x128xf32, #tpu.memory_space<vmem_shared>> -> memref<40x128xf32, #tpu.memory_space<vmem_shared>>
      %dma_wait3A_147 = arith.constant 0 : i32
      %dma_wait3A_148 = tpu.memref_slice %arg10[%add3A_52, %dma_wait3A_147] : memref<10240x128xf32, #tpu.memory_space<vmem_shared>> -> memref<40x128xf32, #tpu.memory_space<vmem_shared>>
      tpu.wait_dma2 semaphore(%run_scoped3A : memref<!tpu.dma_semaphore, #tpu.memory_space<semaphore_mem>>) src(%arg6 : memref<40x128xf32, #tpu.memory_space<vmem>>) dst(%dma_wait3A_148 : memref<40x128xf32, #tpu.memory_space<vmem_shared>>)
      tpu.yield
    }) : () -> ()
    %mul3A_53 = arith.constant 640 : i32
    %mul3A_54 = arith.muli %arg1, %mul3A_53 : i32
    %add3A_55 = arith.constant 440 : i32
    %add3A_56 = arith.addi %mul3A_54, %add3A_55 : i32
    "tpu.region"() ({
      %run_scoped3A = tpu.sem_alloc : memref<!tpu.dma_semaphore, #tpu.memory_space<semaphore_mem>>
      %dma_start3A_141 = arith.constant 0 : i32
      %dma_start3A_142 = tpu.memref_slice %arg10[%add3A_56, %dma_start3A_141] : memref<10240x128xf32, #tpu.memory_space<vmem_shared>> -> memref<40x128xf32, #tpu.memory_space<vmem_shared>>
      %dma_start3A_143 = arith.constant 0 : i32
      %dma_start3A_144 = tpu.memref_slice %arg10[%add3A_56, %dma_start3A_143] : memref<10240x128xf32, #tpu.memory_space<vmem_shared>> -> memref<40x128xf32, #tpu.memory_space<vmem_shared>>
      tpu.enqueue_dma source(%arg6 : memref<40x128xf32, #tpu.memory_space<vmem>>) target(%dma_start3A_144 : memref<40x128xf32, #tpu.memory_space<vmem_shared>>) target_semaphore(%run_scoped3A : memref<!tpu.dma_semaphore, #tpu.memory_space<semaphore_mem>>)
      %dma_wait3A_145 = arith.constant 0 : i32
      %dma_wait3A_146 = tpu.memref_slice %arg10[%add3A_56, %dma_wait3A_145] : memref<10240x128xf32, #tpu.memory_space<vmem_shared>> -> memref<40x128xf32, #tpu.memory_space<vmem_shared>>
      %dma_wait3A_147 = arith.constant 0 : i32
      %dma_wait3A_148 = tpu.memref_slice %arg10[%add3A_56, %dma_wait3A_147] : memref<10240x128xf32, #tpu.memory_space<vmem_shared>> -> memref<40x128xf32, #tpu.memory_space<vmem_shared>>
      tpu.wait_dma2 semaphore(%run_scoped3A : memref<!tpu.dma_semaphore, #tpu.memory_space<semaphore_mem>>) src(%arg6 : memref<40x128xf32, #tpu.memory_space<vmem>>) dst(%dma_wait3A_148 : memref<40x128xf32, #tpu.memory_space<vmem_shared>>)
      tpu.yield
    }) : () -> ()
    %mul3A_57 = arith.constant 640 : i32
    %mul3A_58 = arith.muli %arg1, %mul3A_57 : i32
    %add3A_59 = arith.constant 480 : i32
    %add3A_60 = arith.addi %mul3A_58, %add3A_59 : i32
    "tpu.region"() ({
      %run_scoped3A = tpu.sem_alloc : memref<!tpu.dma_semaphore, #tpu.memory_space<semaphore_mem>>
      %dma_start3A_141 = arith.constant 0 : i32
      %dma_start3A_142 = tpu.memref_slice %arg10[%add3A_60, %dma_start3A_141] : memref<10240x128xf32, #tpu.memory_space<vmem_shared>> -> memref<40x128xf32, #tpu.memory_space<vmem_shared>>
      %dma_start3A_143 = arith.constant 0 : i32
      %dma_start3A_144 = tpu.memref_slice %arg10[%add3A_60, %dma_start3A_143] : memref<10240x128xf32, #tpu.memory_space<vmem_shared>> -> memref<40x128xf32, #tpu.memory_space<vmem_shared>>
      tpu.enqueue_dma source(%arg6 : memref<40x128xf32, #tpu.memory_space<vmem>>) target(%dma_start3A_144 : memref<40x128xf32, #tpu.memory_space<vmem_shared>>) target_semaphore(%run_scoped3A : memref<!tpu.dma_semaphore, #tpu.memory_space<semaphore_mem>>)
      %dma_wait3A_145 = arith.constant 0 : i32
      %dma_wait3A_146 = tpu.memref_slice %arg10[%add3A_60, %dma_wait3A_145] : memref<10240x128xf32, #tpu.memory_space<vmem_shared>> -> memref<40x128xf32, #tpu.memory_space<vmem_shared>>
      %dma_wait3A_147 = arith.constant 0 : i32
      %dma_wait3A_148 = tpu.memref_slice %arg10[%add3A_60, %dma_wait3A_147] : memref<10240x128xf32, #tpu.memory_space<vmem_shared>> -> memref<40x128xf32, #tpu.memory_space<vmem_shared>>
      tpu.wait_dma2 semaphore(%run_scoped3A : memref<!tpu.dma_semaphore, #tpu.memory_space<semaphore_mem>>) src(%arg6 : memref<40x128xf32, #tpu.memory_space<vmem>>) dst(%dma_wait3A_148 : memref<40x128xf32, #tpu.memory_space<vmem_shared>>)
      tpu.yield
    }) : () -> ()
    %mul3A_61 = arith.constant 640 : i32
    %mul3A_62 = arith.muli %arg1, %mul3A_61 : i32
    %add3A_63 = arith.constant 520 : i32
    %add3A_64 = arith.addi %mul3A_62, %add3A_63 : i32
    "tpu.region"() ({
      %run_scoped3A = tpu.sem_alloc : memref<!tpu.dma_semaphore, #tpu.memory_space<semaphore_mem>>
      %dma_start3A_141 = arith.constant 0 : i32
      %dma_start3A_142 = tpu.memref_slice %arg10[%add3A_64, %dma_start3A_141] : memref<10240x128xf32, #tpu.memory_space<vmem_shared>> -> memref<40x128xf32, #tpu.memory_space<vmem_shared>>
      %dma_start3A_143 = arith.constant 0 : i32
      %dma_start3A_144 = tpu.memref_slice %arg10[%add3A_64, %dma_start3A_143] : memref<10240x128xf32, #tpu.memory_space<vmem_shared>> -> memref<40x128xf32, #tpu.memory_space<vmem_shared>>
      tpu.enqueue_dma source(%arg6 : memref<40x128xf32, #tpu.memory_space<vmem>>) target(%dma_start3A_144 : memref<40x128xf32, #tpu.memory_space<vmem_shared>>) target_semaphore(%run_scoped3A : memref<!tpu.dma_semaphore, #tpu.memory_space<semaphore_mem>>)
      %dma_wait3A_145 = arith.constant 0 : i32
      %dma_wait3A_146 = tpu.memref_slice %arg10[%add3A_64, %dma_wait3A_145] : memref<10240x128xf32, #tpu.memory_space<vmem_shared>> -> memref<40x128xf32, #tpu.memory_space<vmem_shared>>
      %dma_wait3A_147 = arith.constant 0 : i32
      %dma_wait3A_148 = tpu.memref_slice %arg10[%add3A_64, %dma_wait3A_147] : memref<10240x128xf32, #tpu.memory_space<vmem_shared>> -> memref<40x128xf32, #tpu.memory_space<vmem_shared>>
      tpu.wait_dma2 semaphore(%run_scoped3A : memref<!tpu.dma_semaphore, #tpu.memory_space<semaphore_mem>>) src(%arg6 : memref<40x128xf32, #tpu.memory_space<vmem>>) dst(%dma_wait3A_148 : memref<40x128xf32, #tpu.memory_space<vmem_shared>>)
      tpu.yield
    }) : () -> ()
    %mul3A_65 = arith.constant 640 : i32
    %mul3A_66 = arith.muli %arg1, %mul3A_65 : i32
    %add3A_67 = arith.constant 560 : i32
    %add3A_68 = arith.addi %mul3A_66, %add3A_67 : i32
    "tpu.region"() ({
      %run_scoped3A = tpu.sem_alloc : memref<!tpu.dma_semaphore, #tpu.memory_space<semaphore_mem>>
      %dma_start3A_141 = arith.constant 0 : i32
      %dma_start3A_142 = tpu.memref_slice %arg10[%add3A_68, %dma_start3A_141] : memref<10240x128xf32, #tpu.memory_space<vmem_shared>> -> memref<40x128xf32, #tpu.memory_space<vmem_shared>>
      %dma_start3A_143 = arith.constant 0 : i32
      %dma_start3A_144 = tpu.memref_slice %arg10[%add3A_68, %dma_start3A_143] : memref<10240x128xf32, #tpu.memory_space<vmem_shared>> -> memref<40x128xf32, #tpu.memory_space<vmem_shared>>
      tpu.enqueue_dma source(%arg6 : memref<40x128xf32, #tpu.memory_space<vmem>>) target(%dma_start3A_144 : memref<40x128xf32, #tpu.memory_space<vmem_shared>>) target_semaphore(%run_scoped3A : memref<!tpu.dma_semaphore, #tpu.memory_space<semaphore_mem>>)
      %dma_wait3A_145 = arith.constant 0 : i32
      %dma_wait3A_146 = tpu.memref_slice %arg10[%add3A_68, %dma_wait3A_145] : memref<10240x128xf32, #tpu.memory_space<vmem_shared>> -> memref<40x128xf32, #tpu.memory_space<vmem_shared>>
      %dma_wait3A_147 = arith.constant 0 : i32
      %dma_wait3A_148 = tpu.memref_slice %arg10[%add3A_68, %dma_wait3A_147] : memref<10240x128xf32, #tpu.memory_space<vmem_shared>> -> memref<40x128xf32, #tpu.memory_space<vmem_shared>>
      tpu.wait_dma2 semaphore(%run_scoped3A : memref<!tpu.dma_semaphore, #tpu.memory_space<semaphore_mem>>) src(%arg6 : memref<40x128xf32, #tpu.memory_space<vmem>>) dst(%dma_wait3A_148 : memref<40x128xf32, #tpu.memory_space<vmem_shared>>)
      tpu.yield
    }) : () -> ()
    %mul3A_69 = arith.constant 640 : i32
    %mul3A_70 = arith.muli %arg1, %mul3A_69 : i32
    %add3A_71 = arith.constant 600 : i32
    %add3A_72 = arith.addi %mul3A_70, %add3A_71 : i32
    "tpu.region"() ({
      %run_scoped3A = tpu.sem_alloc : memref<!tpu.dma_semaphore, #tpu.memory_space<semaphore_mem>>
      %dma_start3A_141 = arith.constant 0 : i32
      %dma_start3A_142 = tpu.memref_slice %arg10[%add3A_72, %dma_start3A_141] : memref<10240x128xf32, #tpu.memory_space<vmem_shared>> -> memref<40x128xf32, #tpu.memory_space<vmem_shared>>
      %dma_start3A_143 = arith.constant 0 : i32
      %dma_start3A_144 = tpu.memref_slice %arg10[%add3A_72, %dma_start3A_143] : memref<10240x128xf32, #tpu.memory_space<vmem_shared>> -> memref<40x128xf32, #tpu.memory_space<vmem_shared>>
      tpu.enqueue_dma source(%arg6 : memref<40x128xf32, #tpu.memory_space<vmem>>) target(%dma_start3A_144 : memref<40x128xf32, #tpu.memory_space<vmem_shared>>) target_semaphore(%run_scoped3A : memref<!tpu.dma_semaphore, #tpu.memory_space<semaphore_mem>>)
      %dma_wait3A_145 = arith.constant 0 : i32
      %dma_wait3A_146 = tpu.memref_slice %arg10[%add3A_72, %dma_wait3A_145] : memref<10240x128xf32, #tpu.memory_space<vmem_shared>> -> memref<40x128xf32, #tpu.memory_space<vmem_shared>>
      %dma_wait3A_147 = arith.constant 0 : i32
      %dma_wait3A_148 = tpu.memref_slice %arg10[%add3A_72, %dma_wait3A_147] : memref<10240x128xf32, #tpu.memory_space<vmem_shared>> -> memref<40x128xf32, #tpu.memory_space<vmem_shared>>
      tpu.wait_dma2 semaphore(%run_scoped3A : memref<!tpu.dma_semaphore, #tpu.memory_space<semaphore_mem>>) src(%arg6 : memref<40x128xf32, #tpu.memory_space<vmem>>) dst(%dma_wait3A_148 : memref<40x128xf32, #tpu.memory_space<vmem_shared>>)
      tpu.yield
    }) : () -> ()
    %barrier3A = arith.constant 0 : index
    tpu.barrier barrier_id(%barrier3A)
    "tpu.region"() ({
      %run_scoped3A = tpu.sem_alloc : memref<!tpu.dma_semaphore, #tpu.memory_space<semaphore_mem>>
      %dma_start3A_141 = arith.constant 0 : i32
      %dma_start3A_142 = arith.constant 0 : i32
      %dma_start3A_143 = tpu.memref_slice %arg3[%arg0, %arg1, %dma_start3A_141, %dma_start3A_142] : memref<2x16x125x40xi32, #tpu.memory_space<hbm>> -> memref<1x1x125x40xi32, #tpu.memory_space<hbm>>
      %dma_start3A_144 = tpu.memref_squeeze %dma_start3A_143 : memref<1x1x125x40xi32, #tpu.memory_space<hbm>> -> memref<125x40xi32, #tpu.memory_space<hbm>>
      %dma_start3A_145 = arith.constant 0 : i32
      %dma_start3A_146 = arith.constant 0 : i32
      %dma_start3A_147 = tpu.memref_slice %arg3[%arg0, %arg1, %dma_start3A_145, %dma_start3A_146] : memref<2x16x125x40xi32, #tpu.memory_space<hbm>> -> memref<1x1x125x40xi32, #tpu.memory_space<hbm>>
      %dma_start3A_148 = tpu.memref_squeeze %dma_start3A_147 : memref<1x1x125x40xi32, #tpu.memory_space<hbm>> -> memref<125x40xi32, #tpu.memory_space<hbm>>
      tpu.enqueue_dma source(%dma_start3A_148 : memref<125x40xi32, #tpu.memory_space<hbm>>) target(%arg5 : memref<125x40xi32, #tpu.memory_space<vmem>>) target_semaphore(%run_scoped3A : memref<!tpu.dma_semaphore, #tpu.memory_space<semaphore_mem>>)
      %dma_wait3A_149 = arith.constant 0 : i32
      %dma_wait3A_150 = arith.constant 0 : i32
      %dma_wait3A_151 = tpu.memref_slice %arg3[%arg0, %arg1, %dma_wait3A_149, %dma_wait3A_150] : memref<2x16x125x40xi32, #tpu.memory_space<hbm>> -> memref<1x1x125x40xi32, #tpu.memory_space<hbm>>
      %dma_wait3A_152 = tpu.memref_squeeze %dma_wait3A_151 : memref<1x1x125x40xi32, #tpu.memory_space<hbm>> -> memref<125x40xi32, #tpu.memory_space<hbm>>
      %dma_wait3A_153 = arith.constant 0 : i32
      %dma_wait3A_154 = arith.constant 0 : i32
      %dma_wait3A_155 = tpu.memref_slice %arg3[%arg0, %arg1, %dma_wait3A_153, %dma_wait3A_154] : memref<2x16x125x40xi32, #tpu.memory_space<hbm>> -> memref<1x1x125x40xi32, #tpu.memory_space<hbm>>
      %dma_wait3A_156 = tpu.memref_squeeze %dma_wait3A_155 : memref<1x1x125x40xi32, #tpu.memory_space<hbm>> -> memref<125x40xi32, #tpu.memory_space<hbm>>
      tpu.wait_dma2 semaphore(%run_scoped3A : memref<!tpu.dma_semaphore, #tpu.memory_space<semaphore_mem>>) src(%dma_wait3A_156 : memref<125x40xi32, #tpu.memory_space<hbm>>) dst(%arg5 : memref<125x40xi32, #tpu.memory_space<vmem>>)
      tpu.yield
    }) : () -> ()
    %add3A_73 = arith.constant 0 : i32
    %add3A_74 = arith.addi %add3A, %add3A_73 : i32
    %dma_start3A = arith.constant 0 : i32
    %dma_start3A_75 = tpu.memref_slice %arg2[%add3A_74, %dma_start3A] : memref<160000x128xf32, #tpu.memory_space<hbm>> -> memref<40x128xf32, #tpu.memory_space<hbm>>
    %dma_start3A_76 = arith.constant 0 : i32
    %dma_start3A_77 = tpu.memref_slice %arg2[%add3A_74, %dma_start3A_76] : memref<160000x128xf32, #tpu.memory_space<hbm>> -> memref<40x128xf32, #tpu.memory_space<hbm>>
    tpu.enqueue_dma source(%dma_start3A_77 : memref<40x128xf32, #tpu.memory_space<hbm>>) target(%arg6 : memref<40x128xf32, #tpu.memory_space<vmem>>) target_semaphore(%arg11 : memref<!tpu.dma_semaphore, #tpu.memory_space<semaphore_mem>>)
    %add3A_78 = arith.constant 40 : i32
    %add3A_79 = arith.addi %add3A, %add3A_78 : i32
    %dma_start3A_80 = arith.constant 0 : i32
    %dma_start3A_81 = tpu.memref_slice %arg2[%add3A_79, %dma_start3A_80] : memref<160000x128xf32, #tpu.memory_space<hbm>> -> memref<40x128xf32, #tpu.memory_space<hbm>>
    %dma_start3A_82 = arith.constant 0 : i32
    %dma_start3A_83 = tpu.memref_slice %arg2[%add3A_79, %dma_start3A_82] : memref<160000x128xf32, #tpu.memory_space<hbm>> -> memref<40x128xf32, #tpu.memory_space<hbm>>
    tpu.enqueue_dma source(%dma_start3A_83 : memref<40x128xf32, #tpu.memory_space<hbm>>) target(%arg7 : memref<40x128xf32, #tpu.memory_space<vmem>>) target_semaphore(%arg12 : memref<!tpu.dma_semaphore, #tpu.memory_space<semaphore_mem>>)
    %add3A_84 = arith.constant 80 : i32
    %add3A_85 = arith.addi %add3A, %add3A_84 : i32
    %dma_start3A_86 = arith.constant 0 : i32
    %dma_start3A_87 = tpu.memref_slice %arg2[%add3A_85, %dma_start3A_86] : memref<160000x128xf32, #tpu.memory_space<hbm>> -> memref<40x128xf32, #tpu.memory_space<hbm>>
    %dma_start3A_88 = arith.constant 0 : i32
    %dma_start3A_89 = tpu.memref_slice %arg2[%add3A_85, %dma_start3A_88] : memref<160000x128xf32, #tpu.memory_space<hbm>> -> memref<40x128xf32, #tpu.memory_space<hbm>>
    tpu.enqueue_dma source(%dma_start3A_89 : memref<40x128xf32, #tpu.memory_space<hbm>>) target(%arg8 : memref<40x128xf32, #tpu.memory_space<vmem>>) target_semaphore(%arg13 : memref<!tpu.dma_semaphore, #tpu.memory_space<semaphore_mem>>)
    %add3A_90 = arith.constant 120 : i32
    %add3A_91 = arith.addi %add3A, %add3A_90 : i32
    %dma_start3A_92 = arith.constant 0 : i32
    %dma_start3A_93 = tpu.memref_slice %arg2[%add3A_91, %dma_start3A_92] : memref<160000x128xf32, #tpu.memory_space<hbm>> -> memref<40x128xf32, #tpu.memory_space<hbm>>
    %dma_start3A_94 = arith.constant 0 : i32
    %dma_start3A_95 = tpu.memref_slice %arg2[%add3A_91, %dma_start3A_94] : memref<160000x128xf32, #tpu.memory_space<hbm>> -> memref<40x128xf32, #tpu.memory_space<hbm>>
    tpu.enqueue_dma source(%dma_start3A_95 : memref<40x128xf32, #tpu.memory_space<hbm>>) target(%arg9 : memref<40x128xf32, #tpu.memory_space<vmem>>) target_semaphore(%arg14 : memref<!tpu.dma_semaphore, #tpu.memory_space<semaphore_mem>>)
    %scan3A_96 = arith.constant 0 : i32
    %scan3A_97 = arith.constant 0 : i32
    %scan3A_98 = arith.constant 31 : i32
    %scan3A_99 = arith.addi %scan3A_97, %scan3A_98 : i32
    %scan3A_100 = arith.constant 1 : i32
    scf.for %scan3A_141 = %scan3A_97 to %scan3A_99 step %scan3A_100  : i32 {
      %mul3A_142 = arith.constant 4 : i32
      %mul3A_143 = arith.muli %scan3A_141, %mul3A_142 : i32
      %add3A_144 = arith.constant 0 : i32
      %add3A_145 = arith.addi %mul3A_143, %add3A_144 : i32
      %dma_wait3A_146 = arith.constant 0 : i32
      %dma_wait3A_147 = arith.constant 0 : i32
      %dma_wait3A_148 = tpu.memref_slice %arg2[%dma_wait3A_146, %dma_wait3A_147] : memref<160000x128xf32, #tpu.memory_space<hbm>> -> memref<40x128xf32, #tpu.memory_space<hbm>>
      %dma_wait3A_149 = arith.constant 0 : i32
      %dma_wait3A_150 = arith.constant 0 : i32
      %dma_wait3A_151 = tpu.memref_slice %arg2[%dma_wait3A_149, %dma_wait3A_150] : memref<160000x128xf32, #tpu.memory_space<hbm>> -> memref<40x128xf32, #tpu.memory_space<hbm>>
      tpu.wait_dma2 semaphore(%arg11 : memref<!tpu.dma_semaphore, #tpu.memory_space<semaphore_mem>>) src(%dma_wait3A_151 : memref<40x128xf32, #tpu.memory_space<hbm>>) dst(%arg6 : memref<40x128xf32, #tpu.memory_space<vmem>>)
      %dma_start3A_152 = arith.constant 0 : i32
      %dma_start3A_153 = tpu.memref_slice %arg5[%add3A_145, %dma_start3A_152] : memref<125x40xi32, #tpu.memory_space<vmem>> -> memref<1x40xi32, #tpu.memory_space<vmem>>
      %dma_start3A_154 = tpu.memref_squeeze %dma_start3A_153 : memref<1x40xi32, #tpu.memory_space<vmem>> -> memref<40xi32, #tpu.memory_space<vmem>>
      %dma_start3A_155 = arith.constant 0 : i32
      %dma_start3A_156 = arith.constant 0 : i32
      %dma_start3A_157 = tpu.memref_slice %arg10[%dma_start3A_155, %dma_start3A_156] : memref<10240x128xf32, #tpu.memory_space<vmem_shared>> -> memref<10240x128xf32, #tpu.memory_space<vmem_shared>>
      tpu.enqueue_indirect_dma source(%arg6 : memref<40x128xf32, #tpu.memory_space<vmem>>) target(%dma_start3A_157 : memref<10240x128xf32, #tpu.memory_space<vmem_shared>>) offsets(%dma_start3A_154 : memref<40xi32, #tpu.memory_space<vmem>>) semaphore(%arg15 : memref<!tpu.dma_semaphore, #tpu.memory_space<semaphore_mem>>) {add = true}
      %add3A_158 = arith.constant 4 : i32
      %add3A_159 = arith.addi %add3A_145, %add3A_158 : i32
      %lt3A = arith.constant 125 : i32
      %lt3A_160 = arith.cmpi slt, %add3A_159, %lt3A : i32
      %convert_element_type3A = arith.extui %lt3A_160 : i1 to i32
      %cond3A = arith.constant 0 : i32
      %cond3A_161 = arith.cmpi ne, %convert_element_type3A, %cond3A : i32
      scf.if %cond3A_161 {
        %dma_wait3A_231 = arith.constant 0 : i32
        %dma_wait3A_232 = arith.constant 0 : i32
        %dma_wait3A_233 = tpu.memref_slice %arg10[%dma_wait3A_231, %dma_wait3A_232] : memref<10240x128xf32, #tpu.memory_space<vmem_shared>> -> memref<40x128xf32, #tpu.memory_space<vmem_shared>>
        %dma_wait3A_234 = arith.constant 0 : i32
        %dma_wait3A_235 = arith.constant 0 : i32
        %dma_wait3A_236 = tpu.memref_slice %arg10[%dma_wait3A_234, %dma_wait3A_235] : memref<10240x128xf32, #tpu.memory_space<vmem_shared>> -> memref<40x128xf32, #tpu.memory_space<vmem_shared>>
        tpu.wait_dma2 semaphore(%arg15 : memref<!tpu.dma_semaphore, #tpu.memory_space<semaphore_mem>>) src(%arg6 : memref<40x128xf32, #tpu.memory_space<vmem>>) dst(%dma_wait3A_236 : memref<40x128xf32, #tpu.memory_space<vmem_shared>>)
        %add3A_237 = arith.constant 4 : i32
        %add3A_238 = arith.addi %add3A_145, %add3A_237 : i32
        %mul3A_239 = arith.constant 40 : i32
        %mul3A_240 = arith.muli %add3A_238, %mul3A_239 : i32
        %add3A_241 = arith.addi %add3A, %mul3A_240 : i32
        %dma_start3A_242 = arith.constant 0 : i32
        %dma_start3A_243 = tpu.memref_slice %arg2[%add3A_241, %dma_start3A_242] : memref<160000x128xf32, #tpu.memory_space<hbm>> -> memref<40x128xf32, #tpu.memory_space<hbm>>
        %dma_start3A_244 = arith.constant 0 : i32
        %dma_start3A_245 = tpu.memref_slice %arg2[%add3A_241, %dma_start3A_244] : memref<160000x128xf32, #tpu.memory_space<hbm>> -> memref<40x128xf32, #tpu.memory_space<hbm>>
        tpu.enqueue_dma source(%dma_start3A_245 : memref<40x128xf32, #tpu.memory_space<hbm>>) target(%arg6 : memref<40x128xf32, #tpu.memory_space<vmem>>) target_semaphore(%arg11 : memref<!tpu.dma_semaphore, #tpu.memory_space<semaphore_mem>>)
      } else {
      }
      %mul3A_162 = arith.constant 4 : i32
      %mul3A_163 = arith.muli %scan3A_141, %mul3A_162 : i32
      %add3A_164 = arith.constant 1 : i32
      %add3A_165 = arith.addi %mul3A_163, %add3A_164 : i32
      %dma_wait3A_166 = arith.constant 0 : i32
      %dma_wait3A_167 = arith.constant 0 : i32
      %dma_wait3A_168 = tpu.memref_slice %arg2[%dma_wait3A_166, %dma_wait3A_167] : memref<160000x128xf32, #tpu.memory_space<hbm>> -> memref<40x128xf32, #tpu.memory_space<hbm>>
      %dma_wait3A_169 = arith.constant 0 : i32
      %dma_wait3A_170 = arith.constant 0 : i32
      %dma_wait3A_171 = tpu.memref_slice %arg2[%dma_wait3A_169, %dma_wait3A_170] : memref<160000x128xf32, #tpu.memory_space<hbm>> -> memref<40x128xf32, #tpu.memory_space<hbm>>
      tpu.wait_dma2 semaphore(%arg12 : memref<!tpu.dma_semaphore, #tpu.memory_space<semaphore_mem>>) src(%dma_wait3A_171 : memref<40x128xf32, #tpu.memory_space<hbm>>) dst(%arg7 : memref<40x128xf32, #tpu.memory_space<vmem>>)
      %dma_start3A_172 = arith.constant 0 : i32
      %dma_start3A_173 = tpu.memref_slice %arg5[%add3A_165, %dma_start3A_172] : memref<125x40xi32, #tpu.memory_space<vmem>> -> memref<1x40xi32, #tpu.memory_space<vmem>>
      %dma_start3A_174 = tpu.memref_squeeze %dma_start3A_173 : memref<1x40xi32, #tpu.memory_space<vmem>> -> memref<40xi32, #tpu.memory_space<vmem>>
      %dma_start3A_175 = arith.constant 0 : i32
      %dma_start3A_176 = arith.constant 0 : i32
      %dma_start3A_177 = tpu.memref_slice %arg10[%dma_start3A_175, %dma_start3A_176] : memref<10240x128xf32, #tpu.memory_space<vmem_shared>> -> memref<10240x128xf32, #tpu.memory_space<vmem_shared>>
      tpu.enqueue_indirect_dma source(%arg7 : memref<40x128xf32, #tpu.memory_space<vmem>>) target(%dma_start3A_177 : memref<10240x128xf32, #tpu.memory_space<vmem_shared>>) offsets(%dma_start3A_174 : memref<40xi32, #tpu.memory_space<vmem>>) semaphore(%arg16 : memref<!tpu.dma_semaphore, #tpu.memory_space<semaphore_mem>>) {add = true}
      %add3A_178 = arith.constant 4 : i32
      %add3A_179 = arith.addi %add3A_165, %add3A_178 : i32
      %lt3A_180 = arith.constant 125 : i32
      %lt3A_181 = arith.cmpi slt, %add3A_179, %lt3A_180 : i32
      %convert_element_type3A_182 = arith.extui %lt3A_181 : i1 to i32
      %cond3A_183 = arith.constant 0 : i32
      %cond3A_184 = arith.cmpi ne, %convert_element_type3A_182, %cond3A_183 : i32
      scf.if %cond3A_184 {
        %dma_wait3A_231 = arith.constant 0 : i32
        %dma_wait3A_232 = arith.constant 0 : i32
        %dma_wait3A_233 = tpu.memref_slice %arg10[%dma_wait3A_231, %dma_wait3A_232] : memref<10240x128xf32, #tpu.memory_space<vmem_shared>> -> memref<40x128xf32, #tpu.memory_space<vmem_shared>>
        %dma_wait3A_234 = arith.constant 0 : i32
        %dma_wait3A_235 = arith.constant 0 : i32
        %dma_wait3A_236 = tpu.memref_slice %arg10[%dma_wait3A_234, %dma_wait3A_235] : memref<10240x128xf32, #tpu.memory_space<vmem_shared>> -> memref<40x128xf32, #tpu.memory_space<vmem_shared>>
        tpu.wait_dma2 semaphore(%arg16 : memref<!tpu.dma_semaphore, #tpu.memory_space<semaphore_mem>>) src(%arg7 : memref<40x128xf32, #tpu.memory_space<vmem>>) dst(%dma_wait3A_236 : memref<40x128xf32, #tpu.memory_space<vmem_shared>>)
        %add3A_237 = arith.constant 4 : i32
        %add3A_238 = arith.addi %add3A_165, %add3A_237 : i32
        %mul3A_239 = arith.constant 40 : i32
        %mul3A_240 = arith.muli %add3A_238, %mul3A_239 : i32
        %add3A_241 = arith.addi %add3A, %mul3A_240 : i32
        %dma_start3A_242 = arith.constant 0 : i32
        %dma_start3A_243 = tpu.memref_slice %arg2[%add3A_241, %dma_start3A_242] : memref<160000x128xf32, #tpu.memory_space<hbm>> -> memref<40x128xf32, #tpu.memory_space<hbm>>
        %dma_start3A_244 = arith.constant 0 : i32
        %dma_start3A_245 = tpu.memref_slice %arg2[%add3A_241, %dma_start3A_244] : memref<160000x128xf32, #tpu.memory_space<hbm>> -> memref<40x128xf32, #tpu.memory_space<hbm>>
        tpu.enqueue_dma source(%dma_start3A_245 : memref<40x128xf32, #tpu.memory_space<hbm>>) target(%arg7 : memref<40x128xf32, #tpu.memory_space<vmem>>) target_semaphore(%arg12 : memref<!tpu.dma_semaphore, #tpu.memory_space<semaphore_mem>>)
      } else {
      }
      %mul3A_185 = arith.constant 4 : i32
      %mul3A_186 = arith.muli %scan3A_141, %mul3A_185 : i32
      %add3A_187 = arith.constant 2 : i32
      %add3A_188 = arith.addi %mul3A_186, %add3A_187 : i32
      %dma_wait3A_189 = arith.constant 0 : i32
      %dma_wait3A_190 = arith.constant 0 : i32
      %dma_wait3A_191 = tpu.memref_slice %arg2[%dma_wait3A_189, %dma_wait3A_190] : memref<160000x128xf32, #tpu.memory_space<hbm>> -> memref<40x128xf32, #tpu.memory_space<hbm>>
      %dma_wait3A_192 = arith.constant 0 : i32
      %dma_wait3A_193 = arith.constant 0 : i32
      %dma_wait3A_194 = tpu.memref_slice %arg2[%dma_wait3A_192, %dma_wait3A_193] : memref<160000x128xf32, #tpu.memory_space<hbm>> -> memref<40x128xf32, #tpu.memory_space<hbm>>
      tpu.wait_dma2 semaphore(%arg13 : memref<!tpu.dma_semaphore, #tpu.memory_space<semaphore_mem>>) src(%dma_wait3A_194 : memref<40x128xf32, #tpu.memory_space<hbm>>) dst(%arg8 : memref<40x128xf32, #tpu.memory_space<vmem>>)
      %dma_start3A_195 = arith.constant 0 : i32
      %dma_start3A_196 = tpu.memref_slice %arg5[%add3A_188, %dma_start3A_195] : memref<125x40xi32, #tpu.memory_space<vmem>> -> memref<1x40xi32, #tpu.memory_space<vmem>>
      %dma_start3A_197 = tpu.memref_squeeze %dma_start3A_196 : memref<1x40xi32, #tpu.memory_space<vmem>> -> memref<40xi32, #tpu.memory_space<vmem>>
      %dma_start3A_198 = arith.constant 0 : i32
      %dma_start3A_199 = arith.constant 0 : i32
      %dma_start3A_200 = tpu.memref_slice %arg10[%dma_start3A_198, %dma_start3A_199] : memref<10240x128xf32, #tpu.memory_space<vmem_shared>> -> memref<10240x128xf32, #tpu.memory_space<vmem_shared>>
      tpu.enqueue_indirect_dma source(%arg8 : memref<40x128xf32, #tpu.memory_space<vmem>>) target(%dma_start3A_200 : memref<10240x128xf32, #tpu.memory_space<vmem_shared>>) offsets(%dma_start3A_197 : memref<40xi32, #tpu.memory_space<vmem>>) semaphore(%arg17 : memref<!tpu.dma_semaphore, #tpu.memory_space<semaphore_mem>>) {add = true}
      %add3A_201 = arith.constant 4 : i32
      %add3A_202 = arith.addi %add3A_188, %add3A_201 : i32
      %lt3A_203 = arith.constant 125 : i32
      %lt3A_204 = arith.cmpi slt, %add3A_202, %lt3A_203 : i32
      %convert_element_type3A_205 = arith.extui %lt3A_204 : i1 to i32
      %cond3A_206 = arith.constant 0 : i32
      %cond3A_207 = arith.cmpi ne, %convert_element_type3A_205, %cond3A_206 : i32
      scf.if %cond3A_207 {
        %dma_wait3A_231 = arith.constant 0 : i32
        %dma_wait3A_232 = arith.constant 0 : i32
        %dma_wait3A_233 = tpu.memref_slice %arg10[%dma_wait3A_231, %dma_wait3A_232] : memref<10240x128xf32, #tpu.memory_space<vmem_shared>> -> memref<40x128xf32, #tpu.memory_space<vmem_shared>>
        %dma_wait3A_234 = arith.constant 0 : i32
        %dma_wait3A_235 = arith.constant 0 : i32
        %dma_wait3A_236 = tpu.memref_slice %arg10[%dma_wait3A_234, %dma_wait3A_235] : memref<10240x128xf32, #tpu.memory_space<vmem_shared>> -> memref<40x128xf32, #tpu.memory_space<vmem_shared>>
        tpu.wait_dma2 semaphore(%arg17 : memref<!tpu.dma_semaphore, #tpu.memory_space<semaphore_mem>>) src(%arg8 : memref<40x128xf32, #tpu.memory_space<vmem>>) dst(%dma_wait3A_236 : memref<40x128xf32, #tpu.memory_space<vmem_shared>>)
        %add3A_237 = arith.constant 4 : i32
        %add3A_238 = arith.addi %add3A_188, %add3A_237 : i32
        %mul3A_239 = arith.constant 40 : i32
        %mul3A_240 = arith.muli %add3A_238, %mul3A_239 : i32
        %add3A_241 = arith.addi %add3A, %mul3A_240 : i32
        %dma_start3A_242 = arith.constant 0 : i32
        %dma_start3A_243 = tpu.memref_slice %arg2[%add3A_241, %dma_start3A_242] : memref<160000x128xf32, #tpu.memory_space<hbm>> -> memref<40x128xf32, #tpu.memory_space<hbm>>
        %dma_start3A_244 = arith.constant 0 : i32
        %dma_start3A_245 = tpu.memref_slice %arg2[%add3A_241, %dma_start3A_244] : memref<160000x128xf32, #tpu.memory_space<hbm>> -> memref<40x128xf32, #tpu.memory_space<hbm>>
        tpu.enqueue_dma source(%dma_start3A_245 : memref<40x128xf32, #tpu.memory_space<hbm>>) target(%arg8 : memref<40x128xf32, #tpu.memory_space<vmem>>) target_semaphore(%arg13 : memref<!tpu.dma_semaphore, #tpu.memory_space<semaphore_mem>>)
      } else {
      }
      %mul3A_208 = arith.constant 4 : i32
      %mul3A_209 = arith.muli %scan3A_141, %mul3A_208 : i32
      %add3A_210 = arith.constant 3 : i32
      %add3A_211 = arith.addi %mul3A_209, %add3A_210 : i32
      %dma_wait3A_212 = arith.constant 0 : i32
      %dma_wait3A_213 = arith.constant 0 : i32
      %dma_wait3A_214 = tpu.memref_slice %arg2[%dma_wait3A_212, %dma_wait3A_213] : memref<160000x128xf32, #tpu.memory_space<hbm>> -> memref<40x128xf32, #tpu.memory_space<hbm>>
      %dma_wait3A_215 = arith.constant 0 : i32
      %dma_wait3A_216 = arith.constant 0 : i32
      %dma_wait3A_217 = tpu.memref_slice %arg2[%dma_wait3A_215, %dma_wait3A_216] : memref<160000x128xf32, #tpu.memory_space<hbm>> -> memref<40x128xf32, #tpu.memory_space<hbm>>
      tpu.wait_dma2 semaphore(%arg14 : memref<!tpu.dma_semaphore, #tpu.memory_space<semaphore_mem>>) src(%dma_wait3A_217 : memref<40x128xf32, #tpu.memory_space<hbm>>) dst(%arg9 : memref<40x128xf32, #tpu.memory_space<vmem>>)
      %dma_start3A_218 = arith.constant 0 : i32
      %dma_start3A_219 = tpu.memref_slice %arg5[%add3A_211, %dma_start3A_218] : memref<125x40xi32, #tpu.memory_space<vmem>> -> memref<1x40xi32, #tpu.memory_space<vmem>>
      %dma_start3A_220 = tpu.memref_squeeze %dma_start3A_219 : memref<1x40xi32, #tpu.memory_space<vmem>> -> memref<40xi32, #tpu.memory_space<vmem>>
      %dma_start3A_221 = arith.constant 0 : i32
      %dma_start3A_222 = arith.constant 0 : i32
      %dma_start3A_223 = tpu.memref_slice %arg10[%dma_start3A_221, %dma_start3A_222] : memref<10240x128xf32, #tpu.memory_space<vmem_shared>> -> memref<10240x128xf32, #tpu.memory_space<vmem_shared>>
      tpu.enqueue_indirect_dma source(%arg9 : memref<40x128xf32, #tpu.memory_space<vmem>>) target(%dma_start3A_223 : memref<10240x128xf32, #tpu.memory_space<vmem_shared>>) offsets(%dma_start3A_220 : memref<40xi32, #tpu.memory_space<vmem>>) semaphore(%arg18 : memref<!tpu.dma_semaphore, #tpu.memory_space<semaphore_mem>>) {add = true}
      %add3A_224 = arith.constant 4 : i32
      %add3A_225 = arith.addi %add3A_211, %add3A_224 : i32
      %lt3A_226 = arith.constant 125 : i32
      %lt3A_227 = arith.cmpi slt, %add3A_225, %lt3A_226 : i32
      %convert_element_type3A_228 = arith.extui %lt3A_227 : i1 to i32
      %cond3A_229 = arith.constant 0 : i32
      %cond3A_230 = arith.cmpi ne, %convert_element_type3A_228, %cond3A_229 : i32
      scf.if %cond3A_230 {
        %dma_wait3A_231 = arith.constant 0 : i32
        %dma_wait3A_232 = arith.constant 0 : i32
        %dma_wait3A_233 = tpu.memref_slice %arg10[%dma_wait3A_231, %dma_wait3A_232] : memref<10240x128xf32, #tpu.memory_space<vmem_shared>> -> memref<40x128xf32, #tpu.memory_space<vmem_shared>>
        %dma_wait3A_234 = arith.constant 0 : i32
        %dma_wait3A_235 = arith.constant 0 : i32
        %dma_wait3A_236 = tpu.memref_slice %arg10[%dma_wait3A_234, %dma_wait3A_235] : memref<10240x128xf32, #tpu.memory_space<vmem_shared>> -> memref<40x128xf32, #tpu.memory_space<vmem_shared>>
        tpu.wait_dma2 semaphore(%arg18 : memref<!tpu.dma_semaphore, #tpu.memory_space<semaphore_mem>>) src(%arg9 : memref<40x128xf32, #tpu.memory_space<vmem>>) dst(%dma_wait3A_236 : memref<40x128xf32, #tpu.memory_space<vmem_shared>>)
        %add3A_237 = arith.constant 4 : i32
        %add3A_238 = arith.addi %add3A_211, %add3A_237 : i32
        %mul3A_239 = arith.constant 40 : i32
        %mul3A_240 = arith.muli %add3A_238, %mul3A_239 : i32
        %add3A_241 = arith.addi %add3A, %mul3A_240 : i32
        %dma_start3A_242 = arith.constant 0 : i32
        %dma_start3A_243 = tpu.memref_slice %arg2[%add3A_241, %dma_start3A_242] : memref<160000x128xf32, #tpu.memory_space<hbm>> -> memref<40x128xf32, #tpu.memory_space<hbm>>
        %dma_start3A_244 = arith.constant 0 : i32
        %dma_start3A_245 = tpu.memref_slice %arg2[%add3A_241, %dma_start3A_244] : memref<160000x128xf32, #tpu.memory_space<hbm>> -> memref<40x128xf32, #tpu.memory_space<hbm>>
        tpu.enqueue_dma source(%dma_start3A_245 : memref<40x128xf32, #tpu.memory_space<hbm>>) target(%arg9 : memref<40x128xf32, #tpu.memory_space<vmem>>) target_semaphore(%arg14 : memref<!tpu.dma_semaphore, #tpu.memory_space<semaphore_mem>>)
      } else {
      }
    }
    %scan3A_101 = arith.constant 31 : i32
    %dma_wait3A = arith.constant 0 : i32
    %dma_wait3A_102 = arith.constant 0 : i32
    %dma_wait3A_103 = tpu.memref_slice %arg2[%dma_wait3A, %dma_wait3A_102] : memref<160000x128xf32, #tpu.memory_space<hbm>> -> memref<40x128xf32, #tpu.memory_space<hbm>>
    %dma_wait3A_104 = arith.constant 0 : i32
    %dma_wait3A_105 = arith.constant 0 : i32
    %dma_wait3A_106 = tpu.memref_slice %arg2[%dma_wait3A_104, %dma_wait3A_105] : memref<160000x128xf32, #tpu.memory_space<hbm>> -> memref<40x128xf32, #tpu.memory_space<hbm>>
    tpu.wait_dma2 semaphore(%arg11 : memref<!tpu.dma_semaphore, #tpu.memory_space<semaphore_mem>>) src(%dma_wait3A_106 : memref<40x128xf32, #tpu.memory_space<hbm>>) dst(%arg6 : memref<40x128xf32, #tpu.memory_space<vmem>>)
    %dma_start3A_107 = arith.constant 124 : i32
    %dma_start3A_108 = arith.constant 0 : i32
    %dma_start3A_109 = tpu.memref_slice %arg5[%dma_start3A_107, %dma_start3A_108] : memref<125x40xi32, #tpu.memory_space<vmem>> -> memref<1x40xi32, #tpu.memory_space<vmem>>
    %dma_start3A_110 = tpu.memref_squeeze %dma_start3A_109 : memref<1x40xi32, #tpu.memory_space<vmem>> -> memref<40xi32, #tpu.memory_space<vmem>>
    %dma_start3A_111 = arith.constant 0 : i32
    %dma_start3A_112 = arith.constant 0 : i32
    %dma_start3A_113 = tpu.memref_slice %arg10[%dma_start3A_111, %dma_start3A_112] : memref<10240x128xf32, #tpu.memory_space<vmem_shared>> -> memref<10240x128xf32, #tpu.memory_space<vmem_shared>>
    tpu.enqueue_indirect_dma source(%arg6 : memref<40x128xf32, #tpu.memory_space<vmem>>) target(%dma_start3A_113 : memref<10240x128xf32, #tpu.memory_space<vmem_shared>>) offsets(%dma_start3A_110 : memref<40xi32, #tpu.memory_space<vmem>>) semaphore(%arg15 : memref<!tpu.dma_semaphore, #tpu.memory_space<semaphore_mem>>) {add = true}
    %dma_wait3A_114 = arith.constant 0 : i32
    %dma_wait3A_115 = arith.constant 0 : i32
    %dma_wait3A_116 = tpu.memref_slice %arg10[%dma_wait3A_114, %dma_wait3A_115] : memref<10240x128xf32, #tpu.memory_space<vmem_shared>> -> memref<40x128xf32, #tpu.memory_space<vmem_shared>>
    %dma_wait3A_117 = arith.constant 0 : i32
    %dma_wait3A_118 = arith.constant 0 : i32
    %dma_wait3A_119 = tpu.memref_slice %arg10[%dma_wait3A_117, %dma_wait3A_118] : memref<10240x128xf32, #tpu.memory_space<vmem_shared>> -> memref<40x128xf32, #tpu.memory_space<vmem_shared>>
    tpu.wait_dma2 semaphore(%arg15 : memref<!tpu.dma_semaphore, #tpu.memory_space<semaphore_mem>>) src(%arg6 : memref<40x128xf32, #tpu.memory_space<vmem>>) dst(%dma_wait3A_119 : memref<40x128xf32, #tpu.memory_space<vmem_shared>>)
    %dma_wait3A_120 = arith.constant 0 : i32
    %dma_wait3A_121 = arith.constant 0 : i32
    %dma_wait3A_122 = tpu.memref_slice %arg10[%dma_wait3A_120, %dma_wait3A_121] : memref<10240x128xf32, #tpu.memory_space<vmem_shared>> -> memref<40x128xf32, #tpu.memory_space<vmem_shared>>
    %dma_wait3A_123 = arith.constant 0 : i32
    %dma_wait3A_124 = arith.constant 0 : i32
    %dma_wait3A_125 = tpu.memref_slice %arg10[%dma_wait3A_123, %dma_wait3A_124] : memref<10240x128xf32, #tpu.memory_space<vmem_shared>> -> memref<40x128xf32, #tpu.memory_space<vmem_shared>>
    tpu.wait_dma2 semaphore(%arg16 : memref<!tpu.dma_semaphore, #tpu.memory_space<semaphore_mem>>) src(%arg7 : memref<40x128xf32, #tpu.memory_space<vmem>>) dst(%dma_wait3A_125 : memref<40x128xf32, #tpu.memory_space<vmem_shared>>)
    %dma_wait3A_126 = arith.constant 0 : i32
    %dma_wait3A_127 = arith.constant 0 : i32
    %dma_wait3A_128 = tpu.memref_slice %arg10[%dma_wait3A_126, %dma_wait3A_127] : memref<10240x128xf32, #tpu.memory_space<vmem_shared>> -> memref<40x128xf32, #tpu.memory_space<vmem_shared>>
    %dma_wait3A_129 = arith.constant 0 : i32
    %dma_wait3A_130 = arith.constant 0 : i32
    %dma_wait3A_131 = tpu.memref_slice %arg10[%dma_wait3A_129, %dma_wait3A_130] : memref<10240x128xf32, #tpu.memory_space<vmem_shared>> -> memref<40x128xf32, #tpu.memory_space<vmem_shared>>
    tpu.wait_dma2 semaphore(%arg17 : memref<!tpu.dma_semaphore, #tpu.memory_space<semaphore_mem>>) src(%arg8 : memref<40x128xf32, #tpu.memory_space<vmem>>) dst(%dma_wait3A_131 : memref<40x128xf32, #tpu.memory_space<vmem_shared>>)
    %dma_wait3A_132 = arith.constant 0 : i32
    %dma_wait3A_133 = arith.constant 0 : i32
    %dma_wait3A_134 = tpu.memref_slice %arg10[%dma_wait3A_132, %dma_wait3A_133] : memref<10240x128xf32, #tpu.memory_space<vmem_shared>> -> memref<40x128xf32, #tpu.memory_space<vmem_shared>>
    %dma_wait3A_135 = arith.constant 0 : i32
    %dma_wait3A_136 = arith.constant 0 : i32
    %dma_wait3A_137 = tpu.memref_slice %arg10[%dma_wait3A_135, %dma_wait3A_136] : memref<10240x128xf32, #tpu.memory_space<vmem_shared>> -> memref<40x128xf32, #tpu.memory_space<vmem_shared>>
    tpu.wait_dma2 semaphore(%arg18 : memref<!tpu.dma_semaphore, #tpu.memory_space<semaphore_mem>>) src(%arg9 : memref<40x128xf32, #tpu.memory_space<vmem>>) dst(%dma_wait3A_137 : memref<40x128xf32, #tpu.memory_space<vmem_shared>>)
    %barrier3A_138 = arith.constant 0 : index
    tpu.barrier barrier_id(%barrier3A_138)
    %mul3A_139 = arith.constant 640 : i32
    %mul3A_140 = arith.muli %arg1, %mul3A_139 : i32
    "tpu.region"() ({
      %run_scoped3A = tpu.sem_alloc : memref<!tpu.dma_semaphore, #tpu.memory_space<semaphore_mem>>
      %dma_start3A_141 = arith.constant 0 : i32
      %dma_start3A_142 = tpu.memref_slice %arg4[%arg0, %mul3A_140, %dma_start3A_141] : memref<2x10240x128xf32, #tpu.memory_space<hbm>> -> memref<1x640x128xf32, #tpu.memory_space<hbm>>
      %dma_start3A_143 = tpu.memref_squeeze %dma_start3A_142 : memref<1x640x128xf32, #tpu.memory_space<hbm>> -> memref<640x128xf32, #tpu.memory_space<hbm>>
      %dma_start3A_144 = arith.constant 0 : i32
      %dma_start3A_145 = tpu.memref_slice %arg10[%mul3A_140, %dma_start3A_144] : memref<10240x128xf32, #tpu.memory_space<vmem_shared>> -> memref<640x128xf32, #tpu.memory_space<vmem_shared>>
      tpu.enqueue_dma source(%dma_start3A_145 : memref<640x128xf32, #tpu.memory_space<vmem_shared>>) target(%dma_start3A_143 : memref<640x128xf32, #tpu.memory_space<hbm>>) target_semaphore(%run_scoped3A : memref<!tpu.dma_semaphore, #tpu.memory_space<semaphore_mem>>)
      %dma_wait3A_146 = arith.constant 0 : i32
      %dma_wait3A_147 = tpu.memref_slice %arg4[%arg0, %mul3A_140, %dma_wait3A_146] : memref<2x10240x128xf32, #tpu.memory_space<hbm>> -> memref<1x640x128xf32, #tpu.memory_space<hbm>>
      %dma_wait3A_148 = tpu.memref_squeeze %dma_wait3A_147 : memref<1x640x128xf32, #tpu.memory_space<hbm>> -> memref<640x128xf32, #tpu.memory_space<hbm>>
      %dma_wait3A_149 = arith.constant 0 : i32
      %dma_wait3A_150 = tpu.memref_slice %arg10[%mul3A_140, %dma_wait3A_149] : memref<10240x128xf32, #tpu.memory_space<vmem_shared>> -> memref<640x128xf32, #tpu.memory_space<vmem_shared>>
      tpu.wait_dma2 semaphore(%run_scoped3A : memref<!tpu.dma_semaphore, #tpu.memory_space<semaphore_mem>>) src(%dma_wait3A_150 : memref<640x128xf32, #tpu.memory_space<vmem_shared>>) dst(%dma_wait3A_148 : memref<640x128xf32, #tpu.memory_space<hbm>>)
      tpu.yield
    }) : () -> ()
    return
  }
}

#map = affine_map<(d0, d1) -> (0, 0)>
#map1 = affine_map<(d0, d1) -> (0)>
module attributes {stable_mosaic.version = 14 : i64} {
  func.func @k(%arg0: i32, %arg1: i32, %arg2: memref<10000x128xf32, #tpu.memory_space<hbm>>, %arg3: memref<10000x128xf32, #tpu.memory_space<hbm>>, %arg4: memref<160000xi32, #tpu.memory_space<hbm>>, %arg5: memref<160000xi32, #tpu.memory_space<hbm>>, %arg6: memref<160000x128xf32, #tpu.memory_space<hbm>>, %arg7: memref<160000x128xf32, #tpu.memory_space<hbm>>, %arg8: memref<5000xi32, #tpu.memory_space<vmem>>, %arg9: memref<5000xi32, #tpu.memory_space<vmem>>, %arg10: memref<40x128xf32, #tpu.memory_space<vmem>>, %arg11: memref<40x128xf32, #tpu.memory_space<vmem>>, %arg12: memref<40x128xf32, #tpu.memory_space<vmem>>, %arg13: memref<40x128xf32, #tpu.memory_space<vmem>>, %arg14: memref<40x128xf32, #tpu.memory_space<vmem>>, %arg15: memref<40x128xf32, #tpu.memory_space<vmem>>, %arg16: memref<40x128xf32, #tpu.memory_space<vmem>>, %arg17: memref<40x128xf32, #tpu.memory_space<vmem>>, %arg18: memref<!tpu.dma_semaphore, #tpu.memory_space<semaphore_mem>>, %arg19: memref<!tpu.dma_semaphore, #tpu.memory_space<semaphore_mem>>, %arg20: memref<!tpu.dma_semaphore, #tpu.memory_space<semaphore_mem>>, %arg21: memref<!tpu.dma_semaphore, #tpu.memory_space<semaphore_mem>>, %arg22: memref<!tpu.dma_semaphore, #tpu.memory_space<semaphore_mem>>, %arg23: memref<!tpu.dma_semaphore, #tpu.memory_space<semaphore_mem>>, %arg24: memref<!tpu.dma_semaphore, #tpu.memory_space<semaphore_mem>>, %arg25: memref<!tpu.dma_semaphore, #tpu.memory_space<semaphore_mem>>, %arg26: memref<!tpu.dma_semaphore, #tpu.memory_space<semaphore_mem>>, %arg27: memref<!tpu.dma_semaphore, #tpu.memory_space<semaphore_mem>>, %arg28: memref<!tpu.dma_semaphore, #tpu.memory_space<semaphore_mem>>, %arg29: memref<!tpu.dma_semaphore, #tpu.memory_space<semaphore_mem>>, %arg30: memref<!tpu.dma_semaphore, #tpu.memory_space<semaphore_mem>>, %arg31: memref<!tpu.dma_semaphore, #tpu.memory_space<semaphore_mem>>, %arg32: memref<!tpu.dma_semaphore, #tpu.memory_space<semaphore_mem>>, %arg33: memref<!tpu.dma_semaphore, #tpu.memory_space<semaphore_mem>>) attributes {dimension_semantics = [#tpu.dimension_semantics<core_parallel>, #tpu.dimension_semantics<subcore_parallel>], iteration_bounds = array<i64: 2, 16>, scalar_prefetch = 0 : i64, scratch_operands = 26 : i64, tpu.core_type = #tpu.core_type<sc_vector_subcore>, window_params = [{transform_indices = #map}, {transform_indices = #map}, {transform_indices = #map1}, {transform_indices = #map1}, {transform_indices = #map}, {transform_indices = #map}]} {
    %mul3A = arith.constant 2 : i32
    %mul3A_0 = arith.muli %arg1, %mul3A : i32
    %add3A = arith.addi %mul3A_0, %arg0 : i32
    %mul3A_1 = arith.constant 5000 : i32
    %mul3A_2 = arith.muli %add3A, %mul3A_1 : i32
    "tpu.region"() ({
      %run_scoped3A = tpu.sem_alloc : memref<!tpu.dma_semaphore, #tpu.memory_space<semaphore_mem>>
      %dma_start3A_116 = tpu.memref_slice %arg4[%mul3A_2] : memref<160000xi32, #tpu.memory_space<hbm>> -> memref<5000xi32, #tpu.memory_space<hbm>>
      %dma_start3A_117 = tpu.memref_slice %arg4[%mul3A_2] : memref<160000xi32, #tpu.memory_space<hbm>> -> memref<5000xi32, #tpu.memory_space<hbm>>
      tpu.enqueue_dma source(%dma_start3A_117 : memref<5000xi32, #tpu.memory_space<hbm>>) target(%arg8 : memref<5000xi32, #tpu.memory_space<vmem>>) target_semaphore(%run_scoped3A : memref<!tpu.dma_semaphore, #tpu.memory_space<semaphore_mem>>)
      %dma_wait3A_118 = tpu.memref_slice %arg4[%mul3A_2] : memref<160000xi32, #tpu.memory_space<hbm>> -> memref<5000xi32, #tpu.memory_space<hbm>>
      %dma_wait3A_119 = tpu.memref_slice %arg4[%mul3A_2] : memref<160000xi32, #tpu.memory_space<hbm>> -> memref<5000xi32, #tpu.memory_space<hbm>>
      tpu.wait_dma2 semaphore(%run_scoped3A : memref<!tpu.dma_semaphore, #tpu.memory_space<semaphore_mem>>) src(%dma_wait3A_119 : memref<5000xi32, #tpu.memory_space<hbm>>) dst(%arg8 : memref<5000xi32, #tpu.memory_space<vmem>>)
      tpu.yield
    }) : () -> ()
    "tpu.region"() ({
      %run_scoped3A = tpu.sem_alloc : memref<!tpu.dma_semaphore, #tpu.memory_space<semaphore_mem>>
      %dma_start3A_116 = tpu.memref_slice %arg5[%mul3A_2] : memref<160000xi32, #tpu.memory_space<hbm>> -> memref<5000xi32, #tpu.memory_space<hbm>>
      %dma_start3A_117 = tpu.memref_slice %arg5[%mul3A_2] : memref<160000xi32, #tpu.memory_space<hbm>> -> memref<5000xi32, #tpu.memory_space<hbm>>
      tpu.enqueue_dma source(%dma_start3A_117 : memref<5000xi32, #tpu.memory_space<hbm>>) target(%arg9 : memref<5000xi32, #tpu.memory_space<vmem>>) target_semaphore(%run_scoped3A : memref<!tpu.dma_semaphore, #tpu.memory_space<semaphore_mem>>)
      %dma_wait3A_118 = tpu.memref_slice %arg5[%mul3A_2] : memref<160000xi32, #tpu.memory_space<hbm>> -> memref<5000xi32, #tpu.memory_space<hbm>>
      %dma_wait3A_119 = tpu.memref_slice %arg5[%mul3A_2] : memref<160000xi32, #tpu.memory_space<hbm>> -> memref<5000xi32, #tpu.memory_space<hbm>>
      tpu.wait_dma2 semaphore(%run_scoped3A : memref<!tpu.dma_semaphore, #tpu.memory_space<semaphore_mem>>) src(%dma_wait3A_119 : memref<5000xi32, #tpu.memory_space<hbm>>) dst(%arg9 : memref<5000xi32, #tpu.memory_space<vmem>>)
      tpu.yield
    }) : () -> ()
    %dma_start3A = arith.constant 0 : i32
    %dma_start3A_3 = tpu.memref_slice %arg8[%dma_start3A] : memref<5000xi32, #tpu.memory_space<vmem>> -> memref<40xi32, #tpu.memory_space<vmem>>
    %dma_start3A_4 = arith.constant 0 : i32
    %dma_start3A_5 = arith.constant 0 : i32
    %dma_start3A_6 = tpu.memref_slice %arg2[%dma_start3A_4, %dma_start3A_5] : memref<10000x128xf32, #tpu.memory_space<hbm>> -> memref<10000x128xf32, #tpu.memory_space<hbm>>
    tpu.enqueue_indirect_dma source(%dma_start3A_6 : memref<10000x128xf32, #tpu.memory_space<hbm>>) target(%arg10 : memref<40x128xf32, #tpu.memory_space<vmem>>) offsets(%dma_start3A_3 : memref<40xi32, #tpu.memory_space<vmem>>) semaphore(%arg18 : memref<!tpu.dma_semaphore, #tpu.memory_space<semaphore_mem>>)
    %dma_start3A_7 = arith.constant 0 : i32
    %dma_start3A_8 = tpu.memref_slice %arg9[%dma_start3A_7] : memref<5000xi32, #tpu.memory_space<vmem>> -> memref<40xi32, #tpu.memory_space<vmem>>
    %dma_start3A_9 = arith.constant 0 : i32
    %dma_start3A_10 = arith.constant 0 : i32
    %dma_start3A_11 = tpu.memref_slice %arg3[%dma_start3A_9, %dma_start3A_10] : memref<10000x128xf32, #tpu.memory_space<hbm>> -> memref<10000x128xf32, #tpu.memory_space<hbm>>
    tpu.enqueue_indirect_dma source(%dma_start3A_11 : memref<10000x128xf32, #tpu.memory_space<hbm>>) target(%arg14 : memref<40x128xf32, #tpu.memory_space<vmem>>) offsets(%dma_start3A_8 : memref<40xi32, #tpu.memory_space<vmem>>) semaphore(%arg22 : memref<!tpu.dma_semaphore, #tpu.memory_space<semaphore_mem>>)
    %dma_start3A_12 = arith.constant 40 : i32
    %dma_start3A_13 = tpu.memref_slice %arg8[%dma_start3A_12] : memref<5000xi32, #tpu.memory_space<vmem>> -> memref<40xi32, #tpu.memory_space<vmem>>
    %dma_start3A_14 = arith.constant 0 : i32
    %dma_start3A_15 = arith.constant 0 : i32
    %dma_start3A_16 = tpu.memref_slice %arg2[%dma_start3A_14, %dma_start3A_15] : memref<10000x128xf32, #tpu.memory_space<hbm>> -> memref<10000x128xf32, #tpu.memory_space<hbm>>
    tpu.enqueue_indirect_dma source(%dma_start3A_16 : memref<10000x128xf32, #tpu.memory_space<hbm>>) target(%arg11 : memref<40x128xf32, #tpu.memory_space<vmem>>) offsets(%dma_start3A_13 : memref<40xi32, #tpu.memory_space<vmem>>) semaphore(%arg19 : memref<!tpu.dma_semaphore, #tpu.memory_space<semaphore_mem>>)
    %dma_start3A_17 = arith.constant 40 : i32
    %dma_start3A_18 = tpu.memref_slice %arg9[%dma_start3A_17] : memref<5000xi32, #tpu.memory_space<vmem>> -> memref<40xi32, #tpu.memory_space<vmem>>
    %dma_start3A_19 = arith.constant 0 : i32
    %dma_start3A_20 = arith.constant 0 : i32
    %dma_start3A_21 = tpu.memref_slice %arg3[%dma_start3A_19, %dma_start3A_20] : memref<10000x128xf32, #tpu.memory_space<hbm>> -> memref<10000x128xf32, #tpu.memory_space<hbm>>
    tpu.enqueue_indirect_dma source(%dma_start3A_21 : memref<10000x128xf32, #tpu.memory_space<hbm>>) target(%arg15 : memref<40x128xf32, #tpu.memory_space<vmem>>) offsets(%dma_start3A_18 : memref<40xi32, #tpu.memory_space<vmem>>) semaphore(%arg23 : memref<!tpu.dma_semaphore, #tpu.memory_space<semaphore_mem>>)
    %dma_start3A_22 = arith.constant 80 : i32
    %dma_start3A_23 = tpu.memref_slice %arg8[%dma_start3A_22] : memref<5000xi32, #tpu.memory_space<vmem>> -> memref<40xi32, #tpu.memory_space<vmem>>
    %dma_start3A_24 = arith.constant 0 : i32
    %dma_start3A_25 = arith.constant 0 : i32
    %dma_start3A_26 = tpu.memref_slice %arg2[%dma_start3A_24, %dma_start3A_25] : memref<10000x128xf32, #tpu.memory_space<hbm>> -> memref<10000x128xf32, #tpu.memory_space<hbm>>
    tpu.enqueue_indirect_dma source(%dma_start3A_26 : memref<10000x128xf32, #tpu.memory_space<hbm>>) target(%arg12 : memref<40x128xf32, #tpu.memory_space<vmem>>) offsets(%dma_start3A_23 : memref<40xi32, #tpu.memory_space<vmem>>) semaphore(%arg20 : memref<!tpu.dma_semaphore, #tpu.memory_space<semaphore_mem>>)
    %dma_start3A_27 = arith.constant 80 : i32
    %dma_start3A_28 = tpu.memref_slice %arg9[%dma_start3A_27] : memref<5000xi32, #tpu.memory_space<vmem>> -> memref<40xi32, #tpu.memory_space<vmem>>
    %dma_start3A_29 = arith.constant 0 : i32
    %dma_start3A_30 = arith.constant 0 : i32
    %dma_start3A_31 = tpu.memref_slice %arg3[%dma_start3A_29, %dma_start3A_30] : memref<10000x128xf32, #tpu.memory_space<hbm>> -> memref<10000x128xf32, #tpu.memory_space<hbm>>
    tpu.enqueue_indirect_dma source(%dma_start3A_31 : memref<10000x128xf32, #tpu.memory_space<hbm>>) target(%arg16 : memref<40x128xf32, #tpu.memory_space<vmem>>) offsets(%dma_start3A_28 : memref<40xi32, #tpu.memory_space<vmem>>) semaphore(%arg24 : memref<!tpu.dma_semaphore, #tpu.memory_space<semaphore_mem>>)
    %dma_start3A_32 = arith.constant 120 : i32
    %dma_start3A_33 = tpu.memref_slice %arg8[%dma_start3A_32] : memref<5000xi32, #tpu.memory_space<vmem>> -> memref<40xi32, #tpu.memory_space<vmem>>
    %dma_start3A_34 = arith.constant 0 : i32
    %dma_start3A_35 = arith.constant 0 : i32
    %dma_start3A_36 = tpu.memref_slice %arg2[%dma_start3A_34, %dma_start3A_35] : memref<10000x128xf32, #tpu.memory_space<hbm>> -> memref<10000x128xf32, #tpu.memory_space<hbm>>
    tpu.enqueue_indirect_dma source(%dma_start3A_36 : memref<10000x128xf32, #tpu.memory_space<hbm>>) target(%arg13 : memref<40x128xf32, #tpu.memory_space<vmem>>) offsets(%dma_start3A_33 : memref<40xi32, #tpu.memory_space<vmem>>) semaphore(%arg21 : memref<!tpu.dma_semaphore, #tpu.memory_space<semaphore_mem>>)
    %dma_start3A_37 = arith.constant 120 : i32
    %dma_start3A_38 = tpu.memref_slice %arg9[%dma_start3A_37] : memref<5000xi32, #tpu.memory_space<vmem>> -> memref<40xi32, #tpu.memory_space<vmem>>
    %dma_start3A_39 = arith.constant 0 : i32
    %dma_start3A_40 = arith.constant 0 : i32
    %dma_start3A_41 = tpu.memref_slice %arg3[%dma_start3A_39, %dma_start3A_40] : memref<10000x128xf32, #tpu.memory_space<hbm>> -> memref<10000x128xf32, #tpu.memory_space<hbm>>
    tpu.enqueue_indirect_dma source(%dma_start3A_41 : memref<10000x128xf32, #tpu.memory_space<hbm>>) target(%arg17 : memref<40x128xf32, #tpu.memory_space<vmem>>) offsets(%dma_start3A_38 : memref<40xi32, #tpu.memory_space<vmem>>) semaphore(%arg25 : memref<!tpu.dma_semaphore, #tpu.memory_space<semaphore_mem>>)
    %scan3A = arith.constant 0 : i32
    %scan3A_42 = arith.constant 0 : i32
    %scan3A_43 = arith.constant 31 : i32
    %scan3A_44 = arith.addi %scan3A_42, %scan3A_43 : i32
    %scan3A_45 = arith.constant 1 : i32
    scf.for %scan3A_116 = %scan3A_42 to %scan3A_44 step %scan3A_45  : i32 {
      %mul3A_117 = arith.constant 4 : i32
      %mul3A_118 = arith.muli %scan3A_116, %mul3A_117 : i32
      %add3A_119 = arith.constant 0 : i32
      %add3A_120 = arith.addi %mul3A_118, %add3A_119 : i32
      %dma_wait3A_121 = arith.constant 0 : i32
      %dma_wait3A_122 = arith.constant 0 : i32
      %dma_wait3A_123 = tpu.memref_slice %arg2[%dma_wait3A_121, %dma_wait3A_122] : memref<10000x128xf32, #tpu.memory_space<hbm>> -> memref<40x128xf32, #tpu.memory_space<hbm>>
      %dma_wait3A_124 = arith.constant 0 : i32
      %dma_wait3A_125 = arith.constant 0 : i32
      %dma_wait3A_126 = tpu.memref_slice %arg2[%dma_wait3A_124, %dma_wait3A_125] : memref<10000x128xf32, #tpu.memory_space<hbm>> -> memref<40x128xf32, #tpu.memory_space<hbm>>
      tpu.wait_dma2 semaphore(%arg18 : memref<!tpu.dma_semaphore, #tpu.memory_space<semaphore_mem>>) src(%dma_wait3A_126 : memref<40x128xf32, #tpu.memory_space<hbm>>) dst(%arg10 : memref<40x128xf32, #tpu.memory_space<vmem>>)
      %dma_wait3A_127 = arith.constant 0 : i32
      %dma_wait3A_128 = arith.constant 0 : i32
      %dma_wait3A_129 = tpu.memref_slice %arg3[%dma_wait3A_127, %dma_wait3A_128] : memref<10000x128xf32, #tpu.memory_space<hbm>> -> memref<40x128xf32, #tpu.memory_space<hbm>>
      %dma_wait3A_130 = arith.constant 0 : i32
      %dma_wait3A_131 = arith.constant 0 : i32
      %dma_wait3A_132 = tpu.memref_slice %arg3[%dma_wait3A_130, %dma_wait3A_131] : memref<10000x128xf32, #tpu.memory_space<hbm>> -> memref<40x128xf32, #tpu.memory_space<hbm>>
      tpu.wait_dma2 semaphore(%arg22 : memref<!tpu.dma_semaphore, #tpu.memory_space<semaphore_mem>>) src(%dma_wait3A_132 : memref<40x128xf32, #tpu.memory_space<hbm>>) dst(%arg14 : memref<40x128xf32, #tpu.memory_space<vmem>>)
      %mul3A_133 = arith.constant 40 : i32
      %mul3A_134 = arith.muli %add3A_120, %mul3A_133 : i32
      %add3A_135 = arith.addi %mul3A_2, %mul3A_134 : i32
      %dma_start3A_136 = arith.constant 0 : i32
      %dma_start3A_137 = tpu.memref_slice %arg6[%add3A_135, %dma_start3A_136] : memref<160000x128xf32, #tpu.memory_space<hbm>> -> memref<40x128xf32, #tpu.memory_space<hbm>>
      %dma_start3A_138 = arith.constant 0 : i32
      %dma_start3A_139 = tpu.memref_slice %arg6[%add3A_135, %dma_start3A_138] : memref<160000x128xf32, #tpu.memory_space<hbm>> -> memref<40x128xf32, #tpu.memory_space<hbm>>
      tpu.enqueue_dma source(%arg10 : memref<40x128xf32, #tpu.memory_space<vmem>>) target(%dma_start3A_139 : memref<40x128xf32, #tpu.memory_space<hbm>>) target_semaphore(%arg26 : memref<!tpu.dma_semaphore, #tpu.memory_space<semaphore_mem>>)
      %dma_start3A_140 = arith.constant 0 : i32
      %dma_start3A_141 = tpu.memref_slice %arg7[%add3A_135, %dma_start3A_140] : memref<160000x128xf32, #tpu.memory_space<hbm>> -> memref<40x128xf32, #tpu.memory_space<hbm>>
      %dma_start3A_142 = arith.constant 0 : i32
      %dma_start3A_143 = tpu.memref_slice %arg7[%add3A_135, %dma_start3A_142] : memref<160000x128xf32, #tpu.memory_space<hbm>> -> memref<40x128xf32, #tpu.memory_space<hbm>>
      tpu.enqueue_dma source(%arg14 : memref<40x128xf32, #tpu.memory_space<vmem>>) target(%dma_start3A_143 : memref<40x128xf32, #tpu.memory_space<hbm>>) target_semaphore(%arg30 : memref<!tpu.dma_semaphore, #tpu.memory_space<semaphore_mem>>)
      %add3A_144 = arith.constant 4 : i32
      %add3A_145 = arith.addi %add3A_120, %add3A_144 : i32
      %lt3A = arith.constant 125 : i32
      %lt3A_146 = arith.cmpi slt, %add3A_145, %lt3A : i32
      %convert_element_type3A = arith.extui %lt3A_146 : i1 to i32
      %cond3A = arith.constant 0 : i32
      %cond3A_147 = arith.cmpi ne, %convert_element_type3A, %cond3A : i32
      scf.if %cond3A_147 {
        %dma_wait3A_250 = arith.constant 0 : i32
        %dma_wait3A_251 = arith.constant 0 : i32
        %dma_wait3A_252 = tpu.memref_slice %arg6[%dma_wait3A_250, %dma_wait3A_251] : memref<160000x128xf32, #tpu.memory_space<hbm>> -> memref<40x128xf32, #tpu.memory_space<hbm>>
        %dma_wait3A_253 = arith.constant 0 : i32
        %dma_wait3A_254 = arith.constant 0 : i32
        %dma_wait3A_255 = tpu.memref_slice %arg6[%dma_wait3A_253, %dma_wait3A_254] : memref<160000x128xf32, #tpu.memory_space<hbm>> -> memref<40x128xf32, #tpu.memory_space<hbm>>
        tpu.wait_dma2 semaphore(%arg26 : memref<!tpu.dma_semaphore, #tpu.memory_space<semaphore_mem>>) src(%arg10 : memref<40x128xf32, #tpu.memory_space<vmem>>) dst(%dma_wait3A_255 : memref<40x128xf32, #tpu.memory_space<hbm>>)
        %dma_wait3A_256 = arith.constant 0 : i32
        %dma_wait3A_257 = arith.constant 0 : i32
        %dma_wait3A_258 = tpu.memref_slice %arg7[%dma_wait3A_256, %dma_wait3A_257] : memref<160000x128xf32, #tpu.memory_space<hbm>> -> memref<40x128xf32, #tpu.memory_space<hbm>>
        %dma_wait3A_259 = arith.constant 0 : i32
        %dma_wait3A_260 = arith.constant 0 : i32
        %dma_wait3A_261 = tpu.memref_slice %arg7[%dma_wait3A_259, %dma_wait3A_260] : memref<160000x128xf32, #tpu.memory_space<hbm>> -> memref<40x128xf32, #tpu.memory_space<hbm>>
        tpu.wait_dma2 semaphore(%arg30 : memref<!tpu.dma_semaphore, #tpu.memory_space<semaphore_mem>>) src(%arg14 : memref<40x128xf32, #tpu.memory_space<vmem>>) dst(%dma_wait3A_261 : memref<40x128xf32, #tpu.memory_space<hbm>>)
        %add3A_262 = arith.constant 4 : i32
        %add3A_263 = arith.addi %add3A_120, %add3A_262 : i32
        %mul3A_264 = arith.constant 40 : i32
        %mul3A_265 = arith.muli %add3A_263, %mul3A_264 : i32
        %dma_start3A_266 = tpu.memref_slice %arg8[%mul3A_265] : memref<5000xi32, #tpu.memory_space<vmem>> -> memref<40xi32, #tpu.memory_space<vmem>>
        %dma_start3A_267 = arith.constant 0 : i32
        %dma_start3A_268 = arith.constant 0 : i32
        %dma_start3A_269 = tpu.memref_slice %arg2[%dma_start3A_267, %dma_start3A_268] : memref<10000x128xf32, #tpu.memory_space<hbm>> -> memref<10000x128xf32, #tpu.memory_space<hbm>>
        tpu.enqueue_indirect_dma source(%dma_start3A_269 : memref<10000x128xf32, #tpu.memory_space<hbm>>) target(%arg10 : memref<40x128xf32, #tpu.memory_space<vmem>>) offsets(%dma_start3A_266 : memref<40xi32, #tpu.memory_space<vmem>>) semaphore(%arg18 : memref<!tpu.dma_semaphore, #tpu.memory_space<semaphore_mem>>)
        %dma_start3A_270 = tpu.memref_slice %arg9[%mul3A_265] : memref<5000xi32, #tpu.memory_space<vmem>> -> memref<40xi32, #tpu.memory_space<vmem>>
        %dma_start3A_271 = arith.constant 0 : i32
        %dma_start3A_272 = arith.constant 0 : i32
        %dma_start3A_273 = tpu.memref_slice %arg3[%dma_start3A_271, %dma_start3A_272] : memref<10000x128xf32, #tpu.memory_space<hbm>> -> memref<10000x128xf32, #tpu.memory_space<hbm>>
        tpu.enqueue_indirect_dma source(%dma_start3A_273 : memref<10000x128xf32, #tpu.memory_space<hbm>>) target(%arg14 : memref<40x128xf32, #tpu.memory_space<vmem>>) offsets(%dma_start3A_270 : memref<40xi32, #tpu.memory_space<vmem>>) semaphore(%arg22 : memref<!tpu.dma_semaphore, #tpu.memory_space<semaphore_mem>>)
      } else {
      }
      %mul3A_148 = arith.constant 4 : i32
      %mul3A_149 = arith.muli %scan3A_116, %mul3A_148 : i32
      %add3A_150 = arith.constant 1 : i32
      %add3A_151 = arith.addi %mul3A_149, %add3A_150 : i32
      %dma_wait3A_152 = arith.constant 0 : i32
      %dma_wait3A_153 = arith.constant 0 : i32
      %dma_wait3A_154 = tpu.memref_slice %arg2[%dma_wait3A_152, %dma_wait3A_153] : memref<10000x128xf32, #tpu.memory_space<hbm>> -> memref<40x128xf32, #tpu.memory_space<hbm>>
      %dma_wait3A_155 = arith.constant 0 : i32
      %dma_wait3A_156 = arith.constant 0 : i32
      %dma_wait3A_157 = tpu.memref_slice %arg2[%dma_wait3A_155, %dma_wait3A_156] : memref<10000x128xf32, #tpu.memory_space<hbm>> -> memref<40x128xf32, #tpu.memory_space<hbm>>
      tpu.wait_dma2 semaphore(%arg19 : memref<!tpu.dma_semaphore, #tpu.memory_space<semaphore_mem>>) src(%dma_wait3A_157 : memref<40x128xf32, #tpu.memory_space<hbm>>) dst(%arg11 : memref<40x128xf32, #tpu.memory_space<vmem>>)
      %dma_wait3A_158 = arith.constant 0 : i32
      %dma_wait3A_159 = arith.constant 0 : i32
      %dma_wait3A_160 = tpu.memref_slice %arg3[%dma_wait3A_158, %dma_wait3A_159] : memref<10000x128xf32, #tpu.memory_space<hbm>> -> memref<40x128xf32, #tpu.memory_space<hbm>>
      %dma_wait3A_161 = arith.constant 0 : i32
      %dma_wait3A_162 = arith.constant 0 : i32
      %dma_wait3A_163 = tpu.memref_slice %arg3[%dma_wait3A_161, %dma_wait3A_162] : memref<10000x128xf32, #tpu.memory_space<hbm>> -> memref<40x128xf32, #tpu.memory_space<hbm>>
      tpu.wait_dma2 semaphore(%arg23 : memref<!tpu.dma_semaphore, #tpu.memory_space<semaphore_mem>>) src(%dma_wait3A_163 : memref<40x128xf32, #tpu.memory_space<hbm>>) dst(%arg15 : memref<40x128xf32, #tpu.memory_space<vmem>>)
      %mul3A_164 = arith.constant 40 : i32
      %mul3A_165 = arith.muli %add3A_151, %mul3A_164 : i32
      %add3A_166 = arith.addi %mul3A_2, %mul3A_165 : i32
      %dma_start3A_167 = arith.constant 0 : i32
      %dma_start3A_168 = tpu.memref_slice %arg6[%add3A_166, %dma_start3A_167] : memref<160000x128xf32, #tpu.memory_space<hbm>> -> memref<40x128xf32, #tpu.memory_space<hbm>>
      %dma_start3A_169 = arith.constant 0 : i32
      %dma_start3A_170 = tpu.memref_slice %arg6[%add3A_166, %dma_start3A_169] : memref<160000x128xf32, #tpu.memory_space<hbm>> -> memref<40x128xf32, #tpu.memory_space<hbm>>
      tpu.enqueue_dma source(%arg11 : memref<40x128xf32, #tpu.memory_space<vmem>>) target(%dma_start3A_170 : memref<40x128xf32, #tpu.memory_space<hbm>>) target_semaphore(%arg27 : memref<!tpu.dma_semaphore, #tpu.memory_space<semaphore_mem>>)
      %dma_start3A_171 = arith.constant 0 : i32
      %dma_start3A_172 = tpu.memref_slice %arg7[%add3A_166, %dma_start3A_171] : memref<160000x128xf32, #tpu.memory_space<hbm>> -> memref<40x128xf32, #tpu.memory_space<hbm>>
      %dma_start3A_173 = arith.constant 0 : i32
      %dma_start3A_174 = tpu.memref_slice %arg7[%add3A_166, %dma_start3A_173] : memref<160000x128xf32, #tpu.memory_space<hbm>> -> memref<40x128xf32, #tpu.memory_space<hbm>>
      tpu.enqueue_dma source(%arg15 : memref<40x128xf32, #tpu.memory_space<vmem>>) target(%dma_start3A_174 : memref<40x128xf32, #tpu.memory_space<hbm>>) target_semaphore(%arg31 : memref<!tpu.dma_semaphore, #tpu.memory_space<semaphore_mem>>)
      %add3A_175 = arith.constant 4 : i32
      %add3A_176 = arith.addi %add3A_151, %add3A_175 : i32
      %lt3A_177 = arith.constant 125 : i32
      %lt3A_178 = arith.cmpi slt, %add3A_176, %lt3A_177 : i32
      %convert_element_type3A_179 = arith.extui %lt3A_178 : i1 to i32
      %cond3A_180 = arith.constant 0 : i32
      %cond3A_181 = arith.cmpi ne, %convert_element_type3A_179, %cond3A_180 : i32
      scf.if %cond3A_181 {
        %dma_wait3A_250 = arith.constant 0 : i32
        %dma_wait3A_251 = arith.constant 0 : i32
        %dma_wait3A_252 = tpu.memref_slice %arg6[%dma_wait3A_250, %dma_wait3A_251] : memref<160000x128xf32, #tpu.memory_space<hbm>> -> memref<40x128xf32, #tpu.memory_space<hbm>>
        %dma_wait3A_253 = arith.constant 0 : i32
        %dma_wait3A_254 = arith.constant 0 : i32
        %dma_wait3A_255 = tpu.memref_slice %arg6[%dma_wait3A_253, %dma_wait3A_254] : memref<160000x128xf32, #tpu.memory_space<hbm>> -> memref<40x128xf32, #tpu.memory_space<hbm>>
        tpu.wait_dma2 semaphore(%arg27 : memref<!tpu.dma_semaphore, #tpu.memory_space<semaphore_mem>>) src(%arg11 : memref<40x128xf32, #tpu.memory_space<vmem>>) dst(%dma_wait3A_255 : memref<40x128xf32, #tpu.memory_space<hbm>>)
        %dma_wait3A_256 = arith.constant 0 : i32
        %dma_wait3A_257 = arith.constant 0 : i32
        %dma_wait3A_258 = tpu.memref_slice %arg7[%dma_wait3A_256, %dma_wait3A_257] : memref<160000x128xf32, #tpu.memory_space<hbm>> -> memref<40x128xf32, #tpu.memory_space<hbm>>
        %dma_wait3A_259 = arith.constant 0 : i32
        %dma_wait3A_260 = arith.constant 0 : i32
        %dma_wait3A_261 = tpu.memref_slice %arg7[%dma_wait3A_259, %dma_wait3A_260] : memref<160000x128xf32, #tpu.memory_space<hbm>> -> memref<40x128xf32, #tpu.memory_space<hbm>>
        tpu.wait_dma2 semaphore(%arg31 : memref<!tpu.dma_semaphore, #tpu.memory_space<semaphore_mem>>) src(%arg15 : memref<40x128xf32, #tpu.memory_space<vmem>>) dst(%dma_wait3A_261 : memref<40x128xf32, #tpu.memory_space<hbm>>)
        %add3A_262 = arith.constant 4 : i32
        %add3A_263 = arith.addi %add3A_151, %add3A_262 : i32
        %mul3A_264 = arith.constant 40 : i32
        %mul3A_265 = arith.muli %add3A_263, %mul3A_264 : i32
        %dma_start3A_266 = tpu.memref_slice %arg8[%mul3A_265] : memref<5000xi32, #tpu.memory_space<vmem>> -> memref<40xi32, #tpu.memory_space<vmem>>
        %dma_start3A_267 = arith.constant 0 : i32
        %dma_start3A_268 = arith.constant 0 : i32
        %dma_start3A_269 = tpu.memref_slice %arg2[%dma_start3A_267, %dma_start3A_268] : memref<10000x128xf32, #tpu.memory_space<hbm>> -> memref<10000x128xf32, #tpu.memory_space<hbm>>
        tpu.enqueue_indirect_dma source(%dma_start3A_269 : memref<10000x128xf32, #tpu.memory_space<hbm>>) target(%arg11 : memref<40x128xf32, #tpu.memory_space<vmem>>) offsets(%dma_start3A_266 : memref<40xi32, #tpu.memory_space<vmem>>) semaphore(%arg19 : memref<!tpu.dma_semaphore, #tpu.memory_space<semaphore_mem>>)
        %dma_start3A_270 = tpu.memref_slice %arg9[%mul3A_265] : memref<5000xi32, #tpu.memory_space<vmem>> -> memref<40xi32, #tpu.memory_space<vmem>>
        %dma_start3A_271 = arith.constant 0 : i32
        %dma_start3A_272 = arith.constant 0 : i32
        %dma_start3A_273 = tpu.memref_slice %arg3[%dma_start3A_271, %dma_start3A_272] : memref<10000x128xf32, #tpu.memory_space<hbm>> -> memref<10000x128xf32, #tpu.memory_space<hbm>>
        tpu.enqueue_indirect_dma source(%dma_start3A_273 : memref<10000x128xf32, #tpu.memory_space<hbm>>) target(%arg15 : memref<40x128xf32, #tpu.memory_space<vmem>>) offsets(%dma_start3A_270 : memref<40xi32, #tpu.memory_space<vmem>>) semaphore(%arg23 : memref<!tpu.dma_semaphore, #tpu.memory_space<semaphore_mem>>)
      } else {
      }
      %mul3A_182 = arith.constant 4 : i32
      %mul3A_183 = arith.muli %scan3A_116, %mul3A_182 : i32
      %add3A_184 = arith.constant 2 : i32
      %add3A_185 = arith.addi %mul3A_183, %add3A_184 : i32
      %dma_wait3A_186 = arith.constant 0 : i32
      %dma_wait3A_187 = arith.constant 0 : i32
      %dma_wait3A_188 = tpu.memref_slice %arg2[%dma_wait3A_186, %dma_wait3A_187] : memref<10000x128xf32, #tpu.memory_space<hbm>> -> memref<40x128xf32, #tpu.memory_space<hbm>>
      %dma_wait3A_189 = arith.constant 0 : i32
      %dma_wait3A_190 = arith.constant 0 : i32
      %dma_wait3A_191 = tpu.memref_slice %arg2[%dma_wait3A_189, %dma_wait3A_190] : memref<10000x128xf32, #tpu.memory_space<hbm>> -> memref<40x128xf32, #tpu.memory_space<hbm>>
      tpu.wait_dma2 semaphore(%arg20 : memref<!tpu.dma_semaphore, #tpu.memory_space<semaphore_mem>>) src(%dma_wait3A_191 : memref<40x128xf32, #tpu.memory_space<hbm>>) dst(%arg12 : memref<40x128xf32, #tpu.memory_space<vmem>>)
      %dma_wait3A_192 = arith.constant 0 : i32
      %dma_wait3A_193 = arith.constant 0 : i32
      %dma_wait3A_194 = tpu.memref_slice %arg3[%dma_wait3A_192, %dma_wait3A_193] : memref<10000x128xf32, #tpu.memory_space<hbm>> -> memref<40x128xf32, #tpu.memory_space<hbm>>
      %dma_wait3A_195 = arith.constant 0 : i32
      %dma_wait3A_196 = arith.constant 0 : i32
      %dma_wait3A_197 = tpu.memref_slice %arg3[%dma_wait3A_195, %dma_wait3A_196] : memref<10000x128xf32, #tpu.memory_space<hbm>> -> memref<40x128xf32, #tpu.memory_space<hbm>>
      tpu.wait_dma2 semaphore(%arg24 : memref<!tpu.dma_semaphore, #tpu.memory_space<semaphore_mem>>) src(%dma_wait3A_197 : memref<40x128xf32, #tpu.memory_space<hbm>>) dst(%arg16 : memref<40x128xf32, #tpu.memory_space<vmem>>)
      %mul3A_198 = arith.constant 40 : i32
      %mul3A_199 = arith.muli %add3A_185, %mul3A_198 : i32
      %add3A_200 = arith.addi %mul3A_2, %mul3A_199 : i32
      %dma_start3A_201 = arith.constant 0 : i32
      %dma_start3A_202 = tpu.memref_slice %arg6[%add3A_200, %dma_start3A_201] : memref<160000x128xf32, #tpu.memory_space<hbm>> -> memref<40x128xf32, #tpu.memory_space<hbm>>
      %dma_start3A_203 = arith.constant 0 : i32
      %dma_start3A_204 = tpu.memref_slice %arg6[%add3A_200, %dma_start3A_203] : memref<160000x128xf32, #tpu.memory_space<hbm>> -> memref<40x128xf32, #tpu.memory_space<hbm>>
      tpu.enqueue_dma source(%arg12 : memref<40x128xf32, #tpu.memory_space<vmem>>) target(%dma_start3A_204 : memref<40x128xf32, #tpu.memory_space<hbm>>) target_semaphore(%arg28 : memref<!tpu.dma_semaphore, #tpu.memory_space<semaphore_mem>>)
      %dma_start3A_205 = arith.constant 0 : i32
      %dma_start3A_206 = tpu.memref_slice %arg7[%add3A_200, %dma_start3A_205] : memref<160000x128xf32, #tpu.memory_space<hbm>> -> memref<40x128xf32, #tpu.memory_space<hbm>>
      %dma_start3A_207 = arith.constant 0 : i32
      %dma_start3A_208 = tpu.memref_slice %arg7[%add3A_200, %dma_start3A_207] : memref<160000x128xf32, #tpu.memory_space<hbm>> -> memref<40x128xf32, #tpu.memory_space<hbm>>
      tpu.enqueue_dma source(%arg16 : memref<40x128xf32, #tpu.memory_space<vmem>>) target(%dma_start3A_208 : memref<40x128xf32, #tpu.memory_space<hbm>>) target_semaphore(%arg32 : memref<!tpu.dma_semaphore, #tpu.memory_space<semaphore_mem>>)
      %add3A_209 = arith.constant 4 : i32
      %add3A_210 = arith.addi %add3A_185, %add3A_209 : i32
      %lt3A_211 = arith.constant 125 : i32
      %lt3A_212 = arith.cmpi slt, %add3A_210, %lt3A_211 : i32
      %convert_element_type3A_213 = arith.extui %lt3A_212 : i1 to i32
      %cond3A_214 = arith.constant 0 : i32
      %cond3A_215 = arith.cmpi ne, %convert_element_type3A_213, %cond3A_214 : i32
      scf.if %cond3A_215 {
        %dma_wait3A_250 = arith.constant 0 : i32
        %dma_wait3A_251 = arith.constant 0 : i32
        %dma_wait3A_252 = tpu.memref_slice %arg6[%dma_wait3A_250, %dma_wait3A_251] : memref<160000x128xf32, #tpu.memory_space<hbm>> -> memref<40x128xf32, #tpu.memory_space<hbm>>
        %dma_wait3A_253 = arith.constant 0 : i32
        %dma_wait3A_254 = arith.constant 0 : i32
        %dma_wait3A_255 = tpu.memref_slice %arg6[%dma_wait3A_253, %dma_wait3A_254] : memref<160000x128xf32, #tpu.memory_space<hbm>> -> memref<40x128xf32, #tpu.memory_space<hbm>>
        tpu.wait_dma2 semaphore(%arg28 : memref<!tpu.dma_semaphore, #tpu.memory_space<semaphore_mem>>) src(%arg12 : memref<40x128xf32, #tpu.memory_space<vmem>>) dst(%dma_wait3A_255 : memref<40x128xf32, #tpu.memory_space<hbm>>)
        %dma_wait3A_256 = arith.constant 0 : i32
        %dma_wait3A_257 = arith.constant 0 : i32
        %dma_wait3A_258 = tpu.memref_slice %arg7[%dma_wait3A_256, %dma_wait3A_257] : memref<160000x128xf32, #tpu.memory_space<hbm>> -> memref<40x128xf32, #tpu.memory_space<hbm>>
        %dma_wait3A_259 = arith.constant 0 : i32
        %dma_wait3A_260 = arith.constant 0 : i32
        %dma_wait3A_261 = tpu.memref_slice %arg7[%dma_wait3A_259, %dma_wait3A_260] : memref<160000x128xf32, #tpu.memory_space<hbm>> -> memref<40x128xf32, #tpu.memory_space<hbm>>
        tpu.wait_dma2 semaphore(%arg32 : memref<!tpu.dma_semaphore, #tpu.memory_space<semaphore_mem>>) src(%arg16 : memref<40x128xf32, #tpu.memory_space<vmem>>) dst(%dma_wait3A_261 : memref<40x128xf32, #tpu.memory_space<hbm>>)
        %add3A_262 = arith.constant 4 : i32
        %add3A_263 = arith.addi %add3A_185, %add3A_262 : i32
        %mul3A_264 = arith.constant 40 : i32
        %mul3A_265 = arith.muli %add3A_263, %mul3A_264 : i32
        %dma_start3A_266 = tpu.memref_slice %arg8[%mul3A_265] : memref<5000xi32, #tpu.memory_space<vmem>> -> memref<40xi32, #tpu.memory_space<vmem>>
        %dma_start3A_267 = arith.constant 0 : i32
        %dma_start3A_268 = arith.constant 0 : i32
        %dma_start3A_269 = tpu.memref_slice %arg2[%dma_start3A_267, %dma_start3A_268] : memref<10000x128xf32, #tpu.memory_space<hbm>> -> memref<10000x128xf32, #tpu.memory_space<hbm>>
        tpu.enqueue_indirect_dma source(%dma_start3A_269 : memref<10000x128xf32, #tpu.memory_space<hbm>>) target(%arg12 : memref<40x128xf32, #tpu.memory_space<vmem>>) offsets(%dma_start3A_266 : memref<40xi32, #tpu.memory_space<vmem>>) semaphore(%arg20 : memref<!tpu.dma_semaphore, #tpu.memory_space<semaphore_mem>>)
        %dma_start3A_270 = tpu.memref_slice %arg9[%mul3A_265] : memref<5000xi32, #tpu.memory_space<vmem>> -> memref<40xi32, #tpu.memory_space<vmem>>
        %dma_start3A_271 = arith.constant 0 : i32
        %dma_start3A_272 = arith.constant 0 : i32
        %dma_start3A_273 = tpu.memref_slice %arg3[%dma_start3A_271, %dma_start3A_272] : memref<10000x128xf32, #tpu.memory_space<hbm>> -> memref<10000x128xf32, #tpu.memory_space<hbm>>
        tpu.enqueue_indirect_dma source(%dma_start3A_273 : memref<10000x128xf32, #tpu.memory_space<hbm>>) target(%arg16 : memref<40x128xf32, #tpu.memory_space<vmem>>) offsets(%dma_start3A_270 : memref<40xi32, #tpu.memory_space<vmem>>) semaphore(%arg24 : memref<!tpu.dma_semaphore, #tpu.memory_space<semaphore_mem>>)
      } else {
      }
      %mul3A_216 = arith.constant 4 : i32
      %mul3A_217 = arith.muli %scan3A_116, %mul3A_216 : i32
      %add3A_218 = arith.constant 3 : i32
      %add3A_219 = arith.addi %mul3A_217, %add3A_218 : i32
      %dma_wait3A_220 = arith.constant 0 : i32
      %dma_wait3A_221 = arith.constant 0 : i32
      %dma_wait3A_222 = tpu.memref_slice %arg2[%dma_wait3A_220, %dma_wait3A_221] : memref<10000x128xf32, #tpu.memory_space<hbm>> -> memref<40x128xf32, #tpu.memory_space<hbm>>
      %dma_wait3A_223 = arith.constant 0 : i32
      %dma_wait3A_224 = arith.constant 0 : i32
      %dma_wait3A_225 = tpu.memref_slice %arg2[%dma_wait3A_223, %dma_wait3A_224] : memref<10000x128xf32, #tpu.memory_space<hbm>> -> memref<40x128xf32, #tpu.memory_space<hbm>>
      tpu.wait_dma2 semaphore(%arg21 : memref<!tpu.dma_semaphore, #tpu.memory_space<semaphore_mem>>) src(%dma_wait3A_225 : memref<40x128xf32, #tpu.memory_space<hbm>>) dst(%arg13 : memref<40x128xf32, #tpu.memory_space<vmem>>)
      %dma_wait3A_226 = arith.constant 0 : i32
      %dma_wait3A_227 = arith.constant 0 : i32
      %dma_wait3A_228 = tpu.memref_slice %arg3[%dma_wait3A_226, %dma_wait3A_227] : memref<10000x128xf32, #tpu.memory_space<hbm>> -> memref<40x128xf32, #tpu.memory_space<hbm>>
      %dma_wait3A_229 = arith.constant 0 : i32
      %dma_wait3A_230 = arith.constant 0 : i32
      %dma_wait3A_231 = tpu.memref_slice %arg3[%dma_wait3A_229, %dma_wait3A_230] : memref<10000x128xf32, #tpu.memory_space<hbm>> -> memref<40x128xf32, #tpu.memory_space<hbm>>
      tpu.wait_dma2 semaphore(%arg25 : memref<!tpu.dma_semaphore, #tpu.memory_space<semaphore_mem>>) src(%dma_wait3A_231 : memref<40x128xf32, #tpu.memory_space<hbm>>) dst(%arg17 : memref<40x128xf32, #tpu.memory_space<vmem>>)
      %mul3A_232 = arith.constant 40 : i32
      %mul3A_233 = arith.muli %add3A_219, %mul3A_232 : i32
      %add3A_234 = arith.addi %mul3A_2, %mul3A_233 : i32
      %dma_start3A_235 = arith.constant 0 : i32
      %dma_start3A_236 = tpu.memref_slice %arg6[%add3A_234, %dma_start3A_235] : memref<160000x128xf32, #tpu.memory_space<hbm>> -> memref<40x128xf32, #tpu.memory_space<hbm>>
      %dma_start3A_237 = arith.constant 0 : i32
      %dma_start3A_238 = tpu.memref_slice %arg6[%add3A_234, %dma_start3A_237] : memref<160000x128xf32, #tpu.memory_space<hbm>> -> memref<40x128xf32, #tpu.memory_space<hbm>>
      tpu.enqueue_dma source(%arg13 : memref<40x128xf32, #tpu.memory_space<vmem>>) target(%dma_start3A_238 : memref<40x128xf32, #tpu.memory_space<hbm>>) target_semaphore(%arg29 : memref<!tpu.dma_semaphore, #tpu.memory_space<semaphore_mem>>)
      %dma_start3A_239 = arith.constant 0 : i32
      %dma_start3A_240 = tpu.memref_slice %arg7[%add3A_234, %dma_start3A_239] : memref<160000x128xf32, #tpu.memory_space<hbm>> -> memref<40x128xf32, #tpu.memory_space<hbm>>
      %dma_start3A_241 = arith.constant 0 : i32
      %dma_start3A_242 = tpu.memref_slice %arg7[%add3A_234, %dma_start3A_241] : memref<160000x128xf32, #tpu.memory_space<hbm>> -> memref<40x128xf32, #tpu.memory_space<hbm>>
      tpu.enqueue_dma source(%arg17 : memref<40x128xf32, #tpu.memory_space<vmem>>) target(%dma_start3A_242 : memref<40x128xf32, #tpu.memory_space<hbm>>) target_semaphore(%arg33 : memref<!tpu.dma_semaphore, #tpu.memory_space<semaphore_mem>>)
      %add3A_243 = arith.constant 4 : i32
      %add3A_244 = arith.addi %add3A_219, %add3A_243 : i32
      %lt3A_245 = arith.constant 125 : i32
      %lt3A_246 = arith.cmpi slt, %add3A_244, %lt3A_245 : i32
      %convert_element_type3A_247 = arith.extui %lt3A_246 : i1 to i32
      %cond3A_248 = arith.constant 0 : i32
      %cond3A_249 = arith.cmpi ne, %convert_element_type3A_247, %cond3A_248 : i32
      scf.if %cond3A_249 {
        %dma_wait3A_250 = arith.constant 0 : i32
        %dma_wait3A_251 = arith.constant 0 : i32
        %dma_wait3A_252 = tpu.memref_slice %arg6[%dma_wait3A_250, %dma_wait3A_251] : memref<160000x128xf32, #tpu.memory_space<hbm>> -> memref<40x128xf32, #tpu.memory_space<hbm>>
        %dma_wait3A_253 = arith.constant 0 : i32
        %dma_wait3A_254 = arith.constant 0 : i32
        %dma_wait3A_255 = tpu.memref_slice %arg6[%dma_wait3A_253, %dma_wait3A_254] : memref<160000x128xf32, #tpu.memory_space<hbm>> -> memref<40x128xf32, #tpu.memory_space<hbm>>
        tpu.wait_dma2 semaphore(%arg29 : memref<!tpu.dma_semaphore, #tpu.memory_space<semaphore_mem>>) src(%arg13 : memref<40x128xf32, #tpu.memory_space<vmem>>) dst(%dma_wait3A_255 : memref<40x128xf32, #tpu.memory_space<hbm>>)
        %dma_wait3A_256 = arith.constant 0 : i32
        %dma_wait3A_257 = arith.constant 0 : i32
        %dma_wait3A_258 = tpu.memref_slice %arg7[%dma_wait3A_256, %dma_wait3A_257] : memref<160000x128xf32, #tpu.memory_space<hbm>> -> memref<40x128xf32, #tpu.memory_space<hbm>>
        %dma_wait3A_259 = arith.constant 0 : i32
        %dma_wait3A_260 = arith.constant 0 : i32
        %dma_wait3A_261 = tpu.memref_slice %arg7[%dma_wait3A_259, %dma_wait3A_260] : memref<160000x128xf32, #tpu.memory_space<hbm>> -> memref<40x128xf32, #tpu.memory_space<hbm>>
        tpu.wait_dma2 semaphore(%arg33 : memref<!tpu.dma_semaphore, #tpu.memory_space<semaphore_mem>>) src(%arg17 : memref<40x128xf32, #tpu.memory_space<vmem>>) dst(%dma_wait3A_261 : memref<40x128xf32, #tpu.memory_space<hbm>>)
        %add3A_262 = arith.constant 4 : i32
        %add3A_263 = arith.addi %add3A_219, %add3A_262 : i32
        %mul3A_264 = arith.constant 40 : i32
        %mul3A_265 = arith.muli %add3A_263, %mul3A_264 : i32
        %dma_start3A_266 = tpu.memref_slice %arg8[%mul3A_265] : memref<5000xi32, #tpu.memory_space<vmem>> -> memref<40xi32, #tpu.memory_space<vmem>>
        %dma_start3A_267 = arith.constant 0 : i32
        %dma_start3A_268 = arith.constant 0 : i32
        %dma_start3A_269 = tpu.memref_slice %arg2[%dma_start3A_267, %dma_start3A_268] : memref<10000x128xf32, #tpu.memory_space<hbm>> -> memref<10000x128xf32, #tpu.memory_space<hbm>>
        tpu.enqueue_indirect_dma source(%dma_start3A_269 : memref<10000x128xf32, #tpu.memory_space<hbm>>) target(%arg13 : memref<40x128xf32, #tpu.memory_space<vmem>>) offsets(%dma_start3A_266 : memref<40xi32, #tpu.memory_space<vmem>>) semaphore(%arg21 : memref<!tpu.dma_semaphore, #tpu.memory_space<semaphore_mem>>)
        %dma_start3A_270 = tpu.memref_slice %arg9[%mul3A_265] : memref<5000xi32, #tpu.memory_space<vmem>> -> memref<40xi32, #tpu.memory_space<vmem>>
        %dma_start3A_271 = arith.constant 0 : i32
        %dma_start3A_272 = arith.constant 0 : i32
        %dma_start3A_273 = tpu.memref_slice %arg3[%dma_start3A_271, %dma_start3A_272] : memref<10000x128xf32, #tpu.memory_space<hbm>> -> memref<10000x128xf32, #tpu.memory_space<hbm>>
        tpu.enqueue_indirect_dma source(%dma_start3A_273 : memref<10000x128xf32, #tpu.memory_space<hbm>>) target(%arg17 : memref<40x128xf32, #tpu.memory_space<vmem>>) offsets(%dma_start3A_270 : memref<40xi32, #tpu.memory_space<vmem>>) semaphore(%arg25 : memref<!tpu.dma_semaphore, #tpu.memory_space<semaphore_mem>>)
      } else {
      }
    }
    %scan3A_46 = arith.constant 31 : i32
    %dma_wait3A = arith.constant 0 : i32
    %dma_wait3A_47 = arith.constant 0 : i32
    %dma_wait3A_48 = tpu.memref_slice %arg2[%dma_wait3A, %dma_wait3A_47] : memref<10000x128xf32, #tpu.memory_space<hbm>> -> memref<40x128xf32, #tpu.memory_space<hbm>>
    %dma_wait3A_49 = arith.constant 0 : i32
    %dma_wait3A_50 = arith.constant 0 : i32
    %dma_wait3A_51 = tpu.memref_slice %arg2[%dma_wait3A_49, %dma_wait3A_50] : memref<10000x128xf32, #tpu.memory_space<hbm>> -> memref<40x128xf32, #tpu.memory_space<hbm>>
    tpu.wait_dma2 semaphore(%arg18 : memref<!tpu.dma_semaphore, #tpu.memory_space<semaphore_mem>>) src(%dma_wait3A_51 : memref<40x128xf32, #tpu.memory_space<hbm>>) dst(%arg10 : memref<40x128xf32, #tpu.memory_space<vmem>>)
    %dma_wait3A_52 = arith.constant 0 : i32
    %dma_wait3A_53 = arith.constant 0 : i32
    %dma_wait3A_54 = tpu.memref_slice %arg3[%dma_wait3A_52, %dma_wait3A_53] : memref<10000x128xf32, #tpu.memory_space<hbm>> -> memref<40x128xf32, #tpu.memory_space<hbm>>
    %dma_wait3A_55 = arith.constant 0 : i32
    %dma_wait3A_56 = arith.constant 0 : i32
    %dma_wait3A_57 = tpu.memref_slice %arg3[%dma_wait3A_55, %dma_wait3A_56] : memref<10000x128xf32, #tpu.memory_space<hbm>> -> memref<40x128xf32, #tpu.memory_space<hbm>>
    tpu.wait_dma2 semaphore(%arg22 : memref<!tpu.dma_semaphore, #tpu.memory_space<semaphore_mem>>) src(%dma_wait3A_57 : memref<40x128xf32, #tpu.memory_space<hbm>>) dst(%arg14 : memref<40x128xf32, #tpu.memory_space<vmem>>)
    %add3A_58 = arith.constant 4960 : i32
    %add3A_59 = arith.addi %mul3A_2, %add3A_58 : i32
    %dma_start3A_60 = arith.constant 0 : i32
    %dma_start3A_61 = tpu.memref_slice %arg6[%add3A_59, %dma_start3A_60] : memref<160000x128xf32, #tpu.memory_space<hbm>> -> memref<40x128xf32, #tpu.memory_space<hbm>>
    %dma_start3A_62 = arith.constant 0 : i32
    %dma_start3A_63 = tpu.memref_slice %arg6[%add3A_59, %dma_start3A_62] : memref<160000x128xf32, #tpu.memory_space<hbm>> -> memref<40x128xf32, #tpu.memory_space<hbm>>
    tpu.enqueue_dma source(%arg10 : memref<40x128xf32, #tpu.memory_space<vmem>>) target(%dma_start3A_63 : memref<40x128xf32, #tpu.memory_space<hbm>>) target_semaphore(%arg26 : memref<!tpu.dma_semaphore, #tpu.memory_space<semaphore_mem>>)
    %dma_start3A_64 = arith.constant 0 : i32
    %dma_start3A_65 = tpu.memref_slice %arg7[%add3A_59, %dma_start3A_64] : memref<160000x128xf32, #tpu.memory_space<hbm>> -> memref<40x128xf32, #tpu.memory_space<hbm>>
    %dma_start3A_66 = arith.constant 0 : i32
    %dma_start3A_67 = tpu.memref_slice %arg7[%add3A_59, %dma_start3A_66] : memref<160000x128xf32, #tpu.memory_space<hbm>> -> memref<40x128xf32, #tpu.memory_space<hbm>>
    tpu.enqueue_dma source(%arg14 : memref<40x128xf32, #tpu.memory_space<vmem>>) target(%dma_start3A_67 : memref<40x128xf32, #tpu.memory_space<hbm>>) target_semaphore(%arg30 : memref<!tpu.dma_semaphore, #tpu.memory_space<semaphore_mem>>)
    %dma_wait3A_68 = arith.constant 0 : i32
    %dma_wait3A_69 = arith.constant 0 : i32
    %dma_wait3A_70 = tpu.memref_slice %arg6[%dma_wait3A_68, %dma_wait3A_69] : memref<160000x128xf32, #tpu.memory_space<hbm>> -> memref<40x128xf32, #tpu.memory_space<hbm>>
    %dma_wait3A_71 = arith.constant 0 : i32
    %dma_wait3A_72 = arith.constant 0 : i32
    %dma_wait3A_73 = tpu.memref_slice %arg6[%dma_wait3A_71, %dma_wait3A_72] : memref<160000x128xf32, #tpu.memory_space<hbm>> -> memref<40x128xf32, #tpu.memory_space<hbm>>
    tpu.wait_dma2 semaphore(%arg26 : memref<!tpu.dma_semaphore, #tpu.memory_space<semaphore_mem>>) src(%arg10 : memref<40x128xf32, #tpu.memory_space<vmem>>) dst(%dma_wait3A_73 : memref<40x128xf32, #tpu.memory_space<hbm>>)
    %dma_wait3A_74 = arith.constant 0 : i32
    %dma_wait3A_75 = arith.constant 0 : i32
    %dma_wait3A_76 = tpu.memref_slice %arg7[%dma_wait3A_74, %dma_wait3A_75] : memref<160000x128xf32, #tpu.memory_space<hbm>> -> memref<40x128xf32, #tpu.memory_space<hbm>>
    %dma_wait3A_77 = arith.constant 0 : i32
    %dma_wait3A_78 = arith.constant 0 : i32
    %dma_wait3A_79 = tpu.memref_slice %arg7[%dma_wait3A_77, %dma_wait3A_78] : memref<160000x128xf32, #tpu.memory_space<hbm>> -> memref<40x128xf32, #tpu.memory_space<hbm>>
    tpu.wait_dma2 semaphore(%arg30 : memref<!tpu.dma_semaphore, #tpu.memory_space<semaphore_mem>>) src(%arg14 : memref<40x128xf32, #tpu.memory_space<vmem>>) dst(%dma_wait3A_79 : memref<40x128xf32, #tpu.memory_space<hbm>>)
    %dma_wait3A_80 = arith.constant 0 : i32
    %dma_wait3A_81 = arith.constant 0 : i32
    %dma_wait3A_82 = tpu.memref_slice %arg6[%dma_wait3A_80, %dma_wait3A_81] : memref<160000x128xf32, #tpu.memory_space<hbm>> -> memref<40x128xf32, #tpu.memory_space<hbm>>
    %dma_wait3A_83 = arith.constant 0 : i32
    %dma_wait3A_84 = arith.constant 0 : i32
    %dma_wait3A_85 = tpu.memref_slice %arg6[%dma_wait3A_83, %dma_wait3A_84] : memref<160000x128xf32, #tpu.memory_space<hbm>> -> memref<40x128xf32, #tpu.memory_space<hbm>>
    tpu.wait_dma2 semaphore(%arg27 : memref<!tpu.dma_semaphore, #tpu.memory_space<semaphore_mem>>) src(%arg11 : memref<40x128xf32, #tpu.memory_space<vmem>>) dst(%dma_wait3A_85 : memref<40x128xf32, #tpu.memory_space<hbm>>)
    %dma_wait3A_86 = arith.constant 0 : i32
    %dma_wait3A_87 = arith.constant 0 : i32
    %dma_wait3A_88 = tpu.memref_slice %arg7[%dma_wait3A_86, %dma_wait3A_87] : memref<160000x128xf32, #tpu.memory_space<hbm>> -> memref<40x128xf32, #tpu.memory_space<hbm>>
    %dma_wait3A_89 = arith.constant 0 : i32
    %dma_wait3A_90 = arith.constant 0 : i32
    %dma_wait3A_91 = tpu.memref_slice %arg7[%dma_wait3A_89, %dma_wait3A_90] : memref<160000x128xf32, #tpu.memory_space<hbm>> -> memref<40x128xf32, #tpu.memory_space<hbm>>
    tpu.wait_dma2 semaphore(%arg31 : memref<!tpu.dma_semaphore, #tpu.memory_space<semaphore_mem>>) src(%arg15 : memref<40x128xf32, #tpu.memory_space<vmem>>) dst(%dma_wait3A_91 : memref<40x128xf32, #tpu.memory_space<hbm>>)
    %dma_wait3A_92 = arith.constant 0 : i32
    %dma_wait3A_93 = arith.constant 0 : i32
    %dma_wait3A_94 = tpu.memref_slice %arg6[%dma_wait3A_92, %dma_wait3A_93] : memref<160000x128xf32, #tpu.memory_space<hbm>> -> memref<40x128xf32, #tpu.memory_space<hbm>>
    %dma_wait3A_95 = arith.constant 0 : i32
    %dma_wait3A_96 = arith.constant 0 : i32
    %dma_wait3A_97 = tpu.memref_slice %arg6[%dma_wait3A_95, %dma_wait3A_96] : memref<160000x128xf32, #tpu.memory_space<hbm>> -> memref<40x128xf32, #tpu.memory_space<hbm>>
    tpu.wait_dma2 semaphore(%arg28 : memref<!tpu.dma_semaphore, #tpu.memory_space<semaphore_mem>>) src(%arg12 : memref<40x128xf32, #tpu.memory_space<vmem>>) dst(%dma_wait3A_97 : memref<40x128xf32, #tpu.memory_space<hbm>>)
    %dma_wait3A_98 = arith.constant 0 : i32
    %dma_wait3A_99 = arith.constant 0 : i32
    %dma_wait3A_100 = tpu.memref_slice %arg7[%dma_wait3A_98, %dma_wait3A_99] : memref<160000x128xf32, #tpu.memory_space<hbm>> -> memref<40x128xf32, #tpu.memory_space<hbm>>
    %dma_wait3A_101 = arith.constant 0 : i32
    %dma_wait3A_102 = arith.constant 0 : i32
    %dma_wait3A_103 = tpu.memref_slice %arg7[%dma_wait3A_101, %dma_wait3A_102] : memref<160000x128xf32, #tpu.memory_space<hbm>> -> memref<40x128xf32, #tpu.memory_space<hbm>>
    tpu.wait_dma2 semaphore(%arg32 : memref<!tpu.dma_semaphore, #tpu.memory_space<semaphore_mem>>) src(%arg16 : memref<40x128xf32, #tpu.memory_space<vmem>>) dst(%dma_wait3A_103 : memref<40x128xf32, #tpu.memory_space<hbm>>)
    %dma_wait3A_104 = arith.constant 0 : i32
    %dma_wait3A_105 = arith.constant 0 : i32
    %dma_wait3A_106 = tpu.memref_slice %arg6[%dma_wait3A_104, %dma_wait3A_105] : memref<160000x128xf32, #tpu.memory_space<hbm>> -> memref<40x128xf32, #tpu.memory_space<hbm>>
    %dma_wait3A_107 = arith.constant 0 : i32
    %dma_wait3A_108 = arith.constant 0 : i32
    %dma_wait3A_109 = tpu.memref_slice %arg6[%dma_wait3A_107, %dma_wait3A_108] : memref<160000x128xf32, #tpu.memory_space<hbm>> -> memref<40x128xf32, #tpu.memory_space<hbm>>
    tpu.wait_dma2 semaphore(%arg29 : memref<!tpu.dma_semaphore, #tpu.memory_space<semaphore_mem>>) src(%arg13 : memref<40x128xf32, #tpu.memory_space<vmem>>) dst(%dma_wait3A_109 : memref<40x128xf32, #tpu.memory_space<hbm>>)
    %dma_wait3A_110 = arith.constant 0 : i32
    %dma_wait3A_111 = arith.constant 0 : i32
    %dma_wait3A_112 = tpu.memref_slice %arg7[%dma_wait3A_110, %dma_wait3A_111] : memref<160000x128xf32, #tpu.memory_space<hbm>> -> memref<40x128xf32, #tpu.memory_space<hbm>>
    %dma_wait3A_113 = arith.constant 0 : i32
    %dma_wait3A_114 = arith.constant 0 : i32
    %dma_wait3A_115 = tpu.memref_slice %arg7[%dma_wait3A_113, %dma_wait3A_114] : memref<160000x128xf32, #tpu.memory_space<hbm>> -> memref<40x128xf32, #tpu.memory_space<hbm>>
    tpu.wait_dma2 semaphore(%arg33 : memref<!tpu.dma_semaphore, #tpu.memory_space<semaphore_mem>>) src(%arg17 : memref<40x128xf32, #tpu.memory_space<vmem>>) dst(%dma_wait3A_115 : memref<40x128xf32, #tpu.memory_space<hbm>>)
    return
  }
}

#map = affine_map<(d0, d1) -> (0, 0)>
#map1 = affine_map<(d0, d1) -> (0)>
module attributes {stable_mosaic.version = 14 : i64} {
  func.func @k(%arg0: i32, %arg1: i32, %arg2: memref<10000x128xf32, #tpu.memory_space<hbm>>, %arg3: memref<10000x128xf32, #tpu.memory_space<hbm>>, %arg4: memref<160000xi32, #tpu.memory_space<hbm>>, %arg5: memref<160000xi32, #tpu.memory_space<hbm>>, %arg6: memref<160000x128xf32, #tpu.memory_space<hbm>>, %arg7: memref<160000x128xf32, #tpu.memory_space<hbm>>, %arg8: memref<5000xi32, #tpu.memory_space<vmem>>, %arg9: memref<5000xi32, #tpu.memory_space<vmem>>, %arg10: memref<40x128xf32, #tpu.memory_space<vmem>>, %arg11: memref<40x128xf32, #tpu.memory_space<vmem>>, %arg12: memref<40x128xf32, #tpu.memory_space<vmem>>, %arg13: memref<40x128xf32, #tpu.memory_space<vmem>>, %arg14: memref<40x128xf32, #tpu.memory_space<vmem>>, %arg15: memref<40x128xf32, #tpu.memory_space<vmem>>, %arg16: memref<40x128xf32, #tpu.memory_space<vmem>>, %arg17: memref<40x128xf32, #tpu.memory_space<vmem>>, %arg18: memref<!tpu.dma_semaphore, #tpu.memory_space<semaphore_mem>>, %arg19: memref<!tpu.dma_semaphore, #tpu.memory_space<semaphore_mem>>, %arg20: memref<!tpu.dma_semaphore, #tpu.memory_space<semaphore_mem>>, %arg21: memref<!tpu.dma_semaphore, #tpu.memory_space<semaphore_mem>>, %arg22: memref<!tpu.dma_semaphore, #tpu.memory_space<semaphore_mem>>, %arg23: memref<!tpu.dma_semaphore, #tpu.memory_space<semaphore_mem>>, %arg24: memref<!tpu.dma_semaphore, #tpu.memory_space<semaphore_mem>>, %arg25: memref<!tpu.dma_semaphore, #tpu.memory_space<semaphore_mem>>, %arg26: memref<!tpu.dma_semaphore, #tpu.memory_space<semaphore_mem>>, %arg27: memref<!tpu.dma_semaphore, #tpu.memory_space<semaphore_mem>>, %arg28: memref<!tpu.dma_semaphore, #tpu.memory_space<semaphore_mem>>, %arg29: memref<!tpu.dma_semaphore, #tpu.memory_space<semaphore_mem>>, %arg30: memref<!tpu.dma_semaphore, #tpu.memory_space<semaphore_mem>>, %arg31: memref<!tpu.dma_semaphore, #tpu.memory_space<semaphore_mem>>, %arg32: memref<!tpu.dma_semaphore, #tpu.memory_space<semaphore_mem>>, %arg33: memref<!tpu.dma_semaphore, #tpu.memory_space<semaphore_mem>>) attributes {dimension_semantics = [#tpu.dimension_semantics<core_parallel>, #tpu.dimension_semantics<subcore_parallel>], iteration_bounds = array<i64: 2, 16>, scalar_prefetch = 0 : i64, scratch_operands = 26 : i64, tpu.core_type = #tpu.core_type<sc_vector_subcore>, window_params = [{transform_indices = #map}, {transform_indices = #map}, {transform_indices = #map1}, {transform_indices = #map1}, {transform_indices = #map}, {transform_indices = #map}]} {
    %mul3A = arith.constant 2 : i32
    %mul3A_0 = arith.muli %arg1, %mul3A : i32
    %add3A = arith.addi %mul3A_0, %arg0 : i32
    %mul3A_1 = arith.constant 5000 : i32
    %mul3A_2 = arith.muli %add3A, %mul3A_1 : i32
    "tpu.region"() ({
      %run_scoped3A = tpu.sem_alloc : memref<!tpu.dma_semaphore, #tpu.memory_space<semaphore_mem>>
      %dma_start3A_116 = tpu.memref_slice %arg4[%mul3A_2] : memref<160000xi32, #tpu.memory_space<hbm>> -> memref<5000xi32, #tpu.memory_space<hbm>>
      %dma_start3A_117 = tpu.memref_slice %arg4[%mul3A_2] : memref<160000xi32, #tpu.memory_space<hbm>> -> memref<5000xi32, #tpu.memory_space<hbm>>
      tpu.enqueue_dma source(%dma_start3A_117 : memref<5000xi32, #tpu.memory_space<hbm>>) target(%arg8 : memref<5000xi32, #tpu.memory_space<vmem>>) target_semaphore(%run_scoped3A : memref<!tpu.dma_semaphore, #tpu.memory_space<semaphore_mem>>)
      %dma_wait3A_118 = tpu.memref_slice %arg4[%mul3A_2] : memref<160000xi32, #tpu.memory_space<hbm>> -> memref<5000xi32, #tpu.memory_space<hbm>>
      %dma_wait3A_119 = tpu.memref_slice %arg4[%mul3A_2] : memref<160000xi32, #tpu.memory_space<hbm>> -> memref<5000xi32, #tpu.memory_space<hbm>>
      tpu.wait_dma2 semaphore(%run_scoped3A : memref<!tpu.dma_semaphore, #tpu.memory_space<semaphore_mem>>) src(%dma_wait3A_119 : memref<5000xi32, #tpu.memory_space<hbm>>) dst(%arg8 : memref<5000xi32, #tpu.memory_space<vmem>>)
      tpu.yield
    }) : () -> ()
    "tpu.region"() ({
      %run_scoped3A = tpu.sem_alloc : memref<!tpu.dma_semaphore, #tpu.memory_space<semaphore_mem>>
      %dma_start3A_116 = tpu.memref_slice %arg5[%mul3A_2] : memref<160000xi32, #tpu.memory_space<hbm>> -> memref<5000xi32, #tpu.memory_space<hbm>>
      %dma_start3A_117 = tpu.memref_slice %arg5[%mul3A_2] : memref<160000xi32, #tpu.memory_space<hbm>> -> memref<5000xi32, #tpu.memory_space<hbm>>
      tpu.enqueue_dma source(%dma_start3A_117 : memref<5000xi32, #tpu.memory_space<hbm>>) target(%arg9 : memref<5000xi32, #tpu.memory_space<vmem>>) target_semaphore(%run_scoped3A : memref<!tpu.dma_semaphore, #tpu.memory_space<semaphore_mem>>)
      %dma_wait3A_118 = tpu.memref_slice %arg5[%mul3A_2] : memref<160000xi32, #tpu.memory_space<hbm>> -> memref<5000xi32, #tpu.memory_space<hbm>>
      %dma_wait3A_119 = tpu.memref_slice %arg5[%mul3A_2] : memref<160000xi32, #tpu.memory_space<hbm>> -> memref<5000xi32, #tpu.memory_space<hbm>>
      tpu.wait_dma2 semaphore(%run_scoped3A : memref<!tpu.dma_semaphore, #tpu.memory_space<semaphore_mem>>) src(%dma_wait3A_119 : memref<5000xi32, #tpu.memory_space<hbm>>) dst(%arg9 : memref<5000xi32, #tpu.memory_space<vmem>>)
      tpu.yield
    }) : () -> ()
    %dma_start3A = arith.constant 0 : i32
    %dma_start3A_3 = tpu.memref_slice %arg8[%dma_start3A] : memref<5000xi32, #tpu.memory_space<vmem>> -> memref<40xi32, #tpu.memory_space<vmem>>
    %dma_start3A_4 = arith.constant 0 : i32
    %dma_start3A_5 = arith.constant 0 : i32
    %dma_start3A_6 = tpu.memref_slice %arg2[%dma_start3A_4, %dma_start3A_5] : memref<10000x128xf32, #tpu.memory_space<hbm>> -> memref<10000x128xf32, #tpu.memory_space<hbm>>
    tpu.enqueue_indirect_dma source(%dma_start3A_6 : memref<10000x128xf32, #tpu.memory_space<hbm>>) target(%arg10 : memref<40x128xf32, #tpu.memory_space<vmem>>) offsets(%dma_start3A_3 : memref<40xi32, #tpu.memory_space<vmem>>) semaphore(%arg18 : memref<!tpu.dma_semaphore, #tpu.memory_space<semaphore_mem>>)
    %dma_start3A_7 = arith.constant 0 : i32
    %dma_start3A_8 = tpu.memref_slice %arg9[%dma_start3A_7] : memref<5000xi32, #tpu.memory_space<vmem>> -> memref<40xi32, #tpu.memory_space<vmem>>
    %dma_start3A_9 = arith.constant 0 : i32
    %dma_start3A_10 = arith.constant 0 : i32
    %dma_start3A_11 = tpu.memref_slice %arg3[%dma_start3A_9, %dma_start3A_10] : memref<10000x128xf32, #tpu.memory_space<hbm>> -> memref<10000x128xf32, #tpu.memory_space<hbm>>
    tpu.enqueue_indirect_dma source(%dma_start3A_11 : memref<10000x128xf32, #tpu.memory_space<hbm>>) target(%arg14 : memref<40x128xf32, #tpu.memory_space<vmem>>) offsets(%dma_start3A_8 : memref<40xi32, #tpu.memory_space<vmem>>) semaphore(%arg22 : memref<!tpu.dma_semaphore, #tpu.memory_space<semaphore_mem>>)
    %dma_start3A_12 = arith.constant 40 : i32
    %dma_start3A_13 = tpu.memref_slice %arg8[%dma_start3A_12] : memref<5000xi32, #tpu.memory_space<vmem>> -> memref<40xi32, #tpu.memory_space<vmem>>
    %dma_start3A_14 = arith.constant 0 : i32
    %dma_start3A_15 = arith.constant 0 : i32
    %dma_start3A_16 = tpu.memref_slice %arg2[%dma_start3A_14, %dma_start3A_15] : memref<10000x128xf32, #tpu.memory_space<hbm>> -> memref<10000x128xf32, #tpu.memory_space<hbm>>
    tpu.enqueue_indirect_dma source(%dma_start3A_16 : memref<10000x128xf32, #tpu.memory_space<hbm>>) target(%arg11 : memref<40x128xf32, #tpu.memory_space<vmem>>) offsets(%dma_start3A_13 : memref<40xi32, #tpu.memory_space<vmem>>) semaphore(%arg19 : memref<!tpu.dma_semaphore, #tpu.memory_space<semaphore_mem>>)
    %dma_start3A_17 = arith.constant 40 : i32
    %dma_start3A_18 = tpu.memref_slice %arg9[%dma_start3A_17] : memref<5000xi32, #tpu.memory_space<vmem>> -> memref<40xi32, #tpu.memory_space<vmem>>
    %dma_start3A_19 = arith.constant 0 : i32
    %dma_start3A_20 = arith.constant 0 : i32
    %dma_start3A_21 = tpu.memref_slice %arg3[%dma_start3A_19, %dma_start3A_20] : memref<10000x128xf32, #tpu.memory_space<hbm>> -> memref<10000x128xf32, #tpu.memory_space<hbm>>
    tpu.enqueue_indirect_dma source(%dma_start3A_21 : memref<10000x128xf32, #tpu.memory_space<hbm>>) target(%arg15 : memref<40x128xf32, #tpu.memory_space<vmem>>) offsets(%dma_start3A_18 : memref<40xi32, #tpu.memory_space<vmem>>) semaphore(%arg23 : memref<!tpu.dma_semaphore, #tpu.memory_space<semaphore_mem>>)
    %dma_start3A_22 = arith.constant 80 : i32
    %dma_start3A_23 = tpu.memref_slice %arg8[%dma_start3A_22] : memref<5000xi32, #tpu.memory_space<vmem>> -> memref<40xi32, #tpu.memory_space<vmem>>
    %dma_start3A_24 = arith.constant 0 : i32
    %dma_start3A_25 = arith.constant 0 : i32
    %dma_start3A_26 = tpu.memref_slice %arg2[%dma_start3A_24, %dma_start3A_25] : memref<10000x128xf32, #tpu.memory_space<hbm>> -> memref<10000x128xf32, #tpu.memory_space<hbm>>
    tpu.enqueue_indirect_dma source(%dma_start3A_26 : memref<10000x128xf32, #tpu.memory_space<hbm>>) target(%arg12 : memref<40x128xf32, #tpu.memory_space<vmem>>) offsets(%dma_start3A_23 : memref<40xi32, #tpu.memory_space<vmem>>) semaphore(%arg20 : memref<!tpu.dma_semaphore, #tpu.memory_space<semaphore_mem>>)
    %dma_start3A_27 = arith.constant 80 : i32
    %dma_start3A_28 = tpu.memref_slice %arg9[%dma_start3A_27] : memref<5000xi32, #tpu.memory_space<vmem>> -> memref<40xi32, #tpu.memory_space<vmem>>
    %dma_start3A_29 = arith.constant 0 : i32
    %dma_start3A_30 = arith.constant 0 : i32
    %dma_start3A_31 = tpu.memref_slice %arg3[%dma_start3A_29, %dma_start3A_30] : memref<10000x128xf32, #tpu.memory_space<hbm>> -> memref<10000x128xf32, #tpu.memory_space<hbm>>
    tpu.enqueue_indirect_dma source(%dma_start3A_31 : memref<10000x128xf32, #tpu.memory_space<hbm>>) target(%arg16 : memref<40x128xf32, #tpu.memory_space<vmem>>) offsets(%dma_start3A_28 : memref<40xi32, #tpu.memory_space<vmem>>) semaphore(%arg24 : memref<!tpu.dma_semaphore, #tpu.memory_space<semaphore_mem>>)
    %dma_start3A_32 = arith.constant 120 : i32
    %dma_start3A_33 = tpu.memref_slice %arg8[%dma_start3A_32] : memref<5000xi32, #tpu.memory_space<vmem>> -> memref<40xi32, #tpu.memory_space<vmem>>
    %dma_start3A_34 = arith.constant 0 : i32
    %dma_start3A_35 = arith.constant 0 : i32
    %dma_start3A_36 = tpu.memref_slice %arg2[%dma_start3A_34, %dma_start3A_35] : memref<10000x128xf32, #tpu.memory_space<hbm>> -> memref<10000x128xf32, #tpu.memory_space<hbm>>
    tpu.enqueue_indirect_dma source(%dma_start3A_36 : memref<10000x128xf32, #tpu.memory_space<hbm>>) target(%arg13 : memref<40x128xf32, #tpu.memory_space<vmem>>) offsets(%dma_start3A_33 : memref<40xi32, #tpu.memory_space<vmem>>) semaphore(%arg21 : memref<!tpu.dma_semaphore, #tpu.memory_space<semaphore_mem>>)
    %dma_start3A_37 = arith.constant 120 : i32
    %dma_start3A_38 = tpu.memref_slice %arg9[%dma_start3A_37] : memref<5000xi32, #tpu.memory_space<vmem>> -> memref<40xi32, #tpu.memory_space<vmem>>
    %dma_start3A_39 = arith.constant 0 : i32
    %dma_start3A_40 = arith.constant 0 : i32
    %dma_start3A_41 = tpu.memref_slice %arg3[%dma_start3A_39, %dma_start3A_40] : memref<10000x128xf32, #tpu.memory_space<hbm>> -> memref<10000x128xf32, #tpu.memory_space<hbm>>
    tpu.enqueue_indirect_dma source(%dma_start3A_41 : memref<10000x128xf32, #tpu.memory_space<hbm>>) target(%arg17 : memref<40x128xf32, #tpu.memory_space<vmem>>) offsets(%dma_start3A_38 : memref<40xi32, #tpu.memory_space<vmem>>) semaphore(%arg25 : memref<!tpu.dma_semaphore, #tpu.memory_space<semaphore_mem>>)
    %scan3A = arith.constant 0 : i32
    %scan3A_42 = arith.constant 0 : i32
    %scan3A_43 = arith.constant 31 : i32
    %scan3A_44 = arith.addi %scan3A_42, %scan3A_43 : i32
    %scan3A_45 = arith.constant 1 : i32
    scf.for %scan3A_116 = %scan3A_42 to %scan3A_44 step %scan3A_45  : i32 {
      %mul3A_117 = arith.constant 4 : i32
      %mul3A_118 = arith.muli %scan3A_116, %mul3A_117 : i32
      %add3A_119 = arith.constant 0 : i32
      %add3A_120 = arith.addi %mul3A_118, %add3A_119 : i32
      %dma_wait3A_121 = arith.constant 0 : i32
      %dma_wait3A_122 = arith.constant 0 : i32
      %dma_wait3A_123 = tpu.memref_slice %arg2[%dma_wait3A_121, %dma_wait3A_122] : memref<10000x128xf32, #tpu.memory_space<hbm>> -> memref<40x128xf32, #tpu.memory_space<hbm>>
      %dma_wait3A_124 = arith.constant 0 : i32
      %dma_wait3A_125 = arith.constant 0 : i32
      %dma_wait3A_126 = tpu.memref_slice %arg2[%dma_wait3A_124, %dma_wait3A_125] : memref<10000x128xf32, #tpu.memory_space<hbm>> -> memref<40x128xf32, #tpu.memory_space<hbm>>
      tpu.wait_dma2 semaphore(%arg18 : memref<!tpu.dma_semaphore, #tpu.memory_space<semaphore_mem>>) src(%dma_wait3A_126 : memref<40x128xf32, #tpu.memory_space<hbm>>) dst(%arg10 : memref<40x128xf32, #tpu.memory_space<vmem>>)
      %dma_wait3A_127 = arith.constant 0 : i32
      %dma_wait3A_128 = arith.constant 0 : i32
      %dma_wait3A_129 = tpu.memref_slice %arg3[%dma_wait3A_127, %dma_wait3A_128] : memref<10000x128xf32, #tpu.memory_space<hbm>> -> memref<40x128xf32, #tpu.memory_space<hbm>>
      %dma_wait3A_130 = arith.constant 0 : i32
      %dma_wait3A_131 = arith.constant 0 : i32
      %dma_wait3A_132 = tpu.memref_slice %arg3[%dma_wait3A_130, %dma_wait3A_131] : memref<10000x128xf32, #tpu.memory_space<hbm>> -> memref<40x128xf32, #tpu.memory_space<hbm>>
      tpu.wait_dma2 semaphore(%arg22 : memref<!tpu.dma_semaphore, #tpu.memory_space<semaphore_mem>>) src(%dma_wait3A_132 : memref<40x128xf32, #tpu.memory_space<hbm>>) dst(%arg14 : memref<40x128xf32, #tpu.memory_space<vmem>>)
      %mul3A_133 = arith.constant 40 : i32
      %mul3A_134 = arith.muli %add3A_120, %mul3A_133 : i32
      %add3A_135 = arith.addi %mul3A_2, %mul3A_134 : i32
      %dma_start3A_136 = arith.constant 0 : i32
      %dma_start3A_137 = tpu.memref_slice %arg6[%add3A_135, %dma_start3A_136] : memref<160000x128xf32, #tpu.memory_space<hbm>> -> memref<40x128xf32, #tpu.memory_space<hbm>>
      %dma_start3A_138 = arith.constant 0 : i32
      %dma_start3A_139 = tpu.memref_slice %arg6[%add3A_135, %dma_start3A_138] : memref<160000x128xf32, #tpu.memory_space<hbm>> -> memref<40x128xf32, #tpu.memory_space<hbm>>
      tpu.enqueue_dma source(%arg10 : memref<40x128xf32, #tpu.memory_space<vmem>>) target(%dma_start3A_139 : memref<40x128xf32, #tpu.memory_space<hbm>>) target_semaphore(%arg26 : memref<!tpu.dma_semaphore, #tpu.memory_space<semaphore_mem>>)
      %dma_start3A_140 = arith.constant 0 : i32
      %dma_start3A_141 = tpu.memref_slice %arg7[%add3A_135, %dma_start3A_140] : memref<160000x128xf32, #tpu.memory_space<hbm>> -> memref<40x128xf32, #tpu.memory_space<hbm>>
      %dma_start3A_142 = arith.constant 0 : i32
      %dma_start3A_143 = tpu.memref_slice %arg7[%add3A_135, %dma_start3A_142] : memref<160000x128xf32, #tpu.memory_space<hbm>> -> memref<40x128xf32, #tpu.memory_space<hbm>>
      tpu.enqueue_dma source(%arg14 : memref<40x128xf32, #tpu.memory_space<vmem>>) target(%dma_start3A_143 : memref<40x128xf32, #tpu.memory_space<hbm>>) target_semaphore(%arg30 : memref<!tpu.dma_semaphore, #tpu.memory_space<semaphore_mem>>)
      %add3A_144 = arith.constant 4 : i32
      %add3A_145 = arith.addi %add3A_120, %add3A_144 : i32
      %lt3A = arith.constant 125 : i32
      %lt3A_146 = arith.cmpi slt, %add3A_145, %lt3A : i32
      %convert_element_type3A = arith.extui %lt3A_146 : i1 to i32
      %cond3A = arith.constant 0 : i32
      %cond3A_147 = arith.cmpi ne, %convert_element_type3A, %cond3A : i32
      scf.if %cond3A_147 {
        %dma_wait3A_250 = arith.constant 0 : i32
        %dma_wait3A_251 = arith.constant 0 : i32
        %dma_wait3A_252 = tpu.memref_slice %arg6[%dma_wait3A_250, %dma_wait3A_251] : memref<160000x128xf32, #tpu.memory_space<hbm>> -> memref<40x128xf32, #tpu.memory_space<hbm>>
        %dma_wait3A_253 = arith.constant 0 : i32
        %dma_wait3A_254 = arith.constant 0 : i32
        %dma_wait3A_255 = tpu.memref_slice %arg6[%dma_wait3A_253, %dma_wait3A_254] : memref<160000x128xf32, #tpu.memory_space<hbm>> -> memref<40x128xf32, #tpu.memory_space<hbm>>
        tpu.wait_dma2 semaphore(%arg26 : memref<!tpu.dma_semaphore, #tpu.memory_space<semaphore_mem>>) src(%arg10 : memref<40x128xf32, #tpu.memory_space<vmem>>) dst(%dma_wait3A_255 : memref<40x128xf32, #tpu.memory_space<hbm>>)
        %dma_wait3A_256 = arith.constant 0 : i32
        %dma_wait3A_257 = arith.constant 0 : i32
        %dma_wait3A_258 = tpu.memref_slice %arg7[%dma_wait3A_256, %dma_wait3A_257] : memref<160000x128xf32, #tpu.memory_space<hbm>> -> memref<40x128xf32, #tpu.memory_space<hbm>>
        %dma_wait3A_259 = arith.constant 0 : i32
        %dma_wait3A_260 = arith.constant 0 : i32
        %dma_wait3A_261 = tpu.memref_slice %arg7[%dma_wait3A_259, %dma_wait3A_260] : memref<160000x128xf32, #tpu.memory_space<hbm>> -> memref<40x128xf32, #tpu.memory_space<hbm>>
        tpu.wait_dma2 semaphore(%arg30 : memref<!tpu.dma_semaphore, #tpu.memory_space<semaphore_mem>>) src(%arg14 : memref<40x128xf32, #tpu.memory_space<vmem>>) dst(%dma_wait3A_261 : memref<40x128xf32, #tpu.memory_space<hbm>>)
        %add3A_262 = arith.constant 4 : i32
        %add3A_263 = arith.addi %add3A_120, %add3A_262 : i32
        %mul3A_264 = arith.constant 40 : i32
        %mul3A_265 = arith.muli %add3A_263, %mul3A_264 : i32
        %dma_start3A_266 = tpu.memref_slice %arg8[%mul3A_265] : memref<5000xi32, #tpu.memory_space<vmem>> -> memref<40xi32, #tpu.memory_space<vmem>>
        %dma_start3A_267 = arith.constant 0 : i32
        %dma_start3A_268 = arith.constant 0 : i32
        %dma_start3A_269 = tpu.memref_slice %arg2[%dma_start3A_267, %dma_start3A_268] : memref<10000x128xf32, #tpu.memory_space<hbm>> -> memref<10000x128xf32, #tpu.memory_space<hbm>>
        tpu.enqueue_indirect_dma source(%dma_start3A_269 : memref<10000x128xf32, #tpu.memory_space<hbm>>) target(%arg10 : memref<40x128xf32, #tpu.memory_space<vmem>>) offsets(%dma_start3A_266 : memref<40xi32, #tpu.memory_space<vmem>>) semaphore(%arg18 : memref<!tpu.dma_semaphore, #tpu.memory_space<semaphore_mem>>)
        %dma_start3A_270 = tpu.memref_slice %arg9[%mul3A_265] : memref<5000xi32, #tpu.memory_space<vmem>> -> memref<40xi32, #tpu.memory_space<vmem>>
        %dma_start3A_271 = arith.constant 0 : i32
        %dma_start3A_272 = arith.constant 0 : i32
        %dma_start3A_273 = tpu.memref_slice %arg3[%dma_start3A_271, %dma_start3A_272] : memref<10000x128xf32, #tpu.memory_space<hbm>> -> memref<10000x128xf32, #tpu.memory_space<hbm>>
        tpu.enqueue_indirect_dma source(%dma_start3A_273 : memref<10000x128xf32, #tpu.memory_space<hbm>>) target(%arg14 : memref<40x128xf32, #tpu.memory_space<vmem>>) offsets(%dma_start3A_270 : memref<40xi32, #tpu.memory_space<vmem>>) semaphore(%arg22 : memref<!tpu.dma_semaphore, #tpu.memory_space<semaphore_mem>>)
      } else {
      }
      %mul3A_148 = arith.constant 4 : i32
      %mul3A_149 = arith.muli %scan3A_116, %mul3A_148 : i32
      %add3A_150 = arith.constant 1 : i32
      %add3A_151 = arith.addi %mul3A_149, %add3A_150 : i32
      %dma_wait3A_152 = arith.constant 0 : i32
      %dma_wait3A_153 = arith.constant 0 : i32
      %dma_wait3A_154 = tpu.memref_slice %arg2[%dma_wait3A_152, %dma_wait3A_153] : memref<10000x128xf32, #tpu.memory_space<hbm>> -> memref<40x128xf32, #tpu.memory_space<hbm>>
      %dma_wait3A_155 = arith.constant 0 : i32
      %dma_wait3A_156 = arith.constant 0 : i32
      %dma_wait3A_157 = tpu.memref_slice %arg2[%dma_wait3A_155, %dma_wait3A_156] : memref<10000x128xf32, #tpu.memory_space<hbm>> -> memref<40x128xf32, #tpu.memory_space<hbm>>
      tpu.wait_dma2 semaphore(%arg19 : memref<!tpu.dma_semaphore, #tpu.memory_space<semaphore_mem>>) src(%dma_wait3A_157 : memref<40x128xf32, #tpu.memory_space<hbm>>) dst(%arg11 : memref<40x128xf32, #tpu.memory_space<vmem>>)
      %dma_wait3A_158 = arith.constant 0 : i32
      %dma_wait3A_159 = arith.constant 0 : i32
      %dma_wait3A_160 = tpu.memref_slice %arg3[%dma_wait3A_158, %dma_wait3A_159] : memref<10000x128xf32, #tpu.memory_space<hbm>> -> memref<40x128xf32, #tpu.memory_space<hbm>>
      %dma_wait3A_161 = arith.constant 0 : i32
      %dma_wait3A_162 = arith.constant 0 : i32
      %dma_wait3A_163 = tpu.memref_slice %arg3[%dma_wait3A_161, %dma_wait3A_162] : memref<10000x128xf32, #tpu.memory_space<hbm>> -> memref<40x128xf32, #tpu.memory_space<hbm>>
      tpu.wait_dma2 semaphore(%arg23 : memref<!tpu.dma_semaphore, #tpu.memory_space<semaphore_mem>>) src(%dma_wait3A_163 : memref<40x128xf32, #tpu.memory_space<hbm>>) dst(%arg15 : memref<40x128xf32, #tpu.memory_space<vmem>>)
      %mul3A_164 = arith.constant 40 : i32
      %mul3A_165 = arith.muli %add3A_151, %mul3A_164 : i32
      %add3A_166 = arith.addi %mul3A_2, %mul3A_165 : i32
      %dma_start3A_167 = arith.constant 0 : i32
      %dma_start3A_168 = tpu.memref_slice %arg6[%add3A_166, %dma_start3A_167] : memref<160000x128xf32, #tpu.memory_space<hbm>> -> memref<40x128xf32, #tpu.memory_space<hbm>>
      %dma_start3A_169 = arith.constant 0 : i32
      %dma_start3A_170 = tpu.memref_slice %arg6[%add3A_166, %dma_start3A_169] : memref<160000x128xf32, #tpu.memory_space<hbm>> -> memref<40x128xf32, #tpu.memory_space<hbm>>
      tpu.enqueue_dma source(%arg11 : memref<40x128xf32, #tpu.memory_space<vmem>>) target(%dma_start3A_170 : memref<40x128xf32, #tpu.memory_space<hbm>>) target_semaphore(%arg27 : memref<!tpu.dma_semaphore, #tpu.memory_space<semaphore_mem>>)
      %dma_start3A_171 = arith.constant 0 : i32
      %dma_start3A_172 = tpu.memref_slice %arg7[%add3A_166, %dma_start3A_171] : memref<160000x128xf32, #tpu.memory_space<hbm>> -> memref<40x128xf32, #tpu.memory_space<hbm>>
      %dma_start3A_173 = arith.constant 0 : i32
      %dma_start3A_174 = tpu.memref_slice %arg7[%add3A_166, %dma_start3A_173] : memref<160000x128xf32, #tpu.memory_space<hbm>> -> memref<40x128xf32, #tpu.memory_space<hbm>>
      tpu.enqueue_dma source(%arg15 : memref<40x128xf32, #tpu.memory_space<vmem>>) target(%dma_start3A_174 : memref<40x128xf32, #tpu.memory_space<hbm>>) target_semaphore(%arg31 : memref<!tpu.dma_semaphore, #tpu.memory_space<semaphore_mem>>)
      %add3A_175 = arith.constant 4 : i32
      %add3A_176 = arith.addi %add3A_151, %add3A_175 : i32
      %lt3A_177 = arith.constant 125 : i32
      %lt3A_178 = arith.cmpi slt, %add3A_176, %lt3A_177 : i32
      %convert_element_type3A_179 = arith.extui %lt3A_178 : i1 to i32
      %cond3A_180 = arith.constant 0 : i32
      %cond3A_181 = arith.cmpi ne, %convert_element_type3A_179, %cond3A_180 : i32
      scf.if %cond3A_181 {
        %dma_wait3A_250 = arith.constant 0 : i32
        %dma_wait3A_251 = arith.constant 0 : i32
        %dma_wait3A_252 = tpu.memref_slice %arg6[%dma_wait3A_250, %dma_wait3A_251] : memref<160000x128xf32, #tpu.memory_space<hbm>> -> memref<40x128xf32, #tpu.memory_space<hbm>>
        %dma_wait3A_253 = arith.constant 0 : i32
        %dma_wait3A_254 = arith.constant 0 : i32
        %dma_wait3A_255 = tpu.memref_slice %arg6[%dma_wait3A_253, %dma_wait3A_254] : memref<160000x128xf32, #tpu.memory_space<hbm>> -> memref<40x128xf32, #tpu.memory_space<hbm>>
        tpu.wait_dma2 semaphore(%arg27 : memref<!tpu.dma_semaphore, #tpu.memory_space<semaphore_mem>>) src(%arg11 : memref<40x128xf32, #tpu.memory_space<vmem>>) dst(%dma_wait3A_255 : memref<40x128xf32, #tpu.memory_space<hbm>>)
        %dma_wait3A_256 = arith.constant 0 : i32
        %dma_wait3A_257 = arith.constant 0 : i32
        %dma_wait3A_258 = tpu.memref_slice %arg7[%dma_wait3A_256, %dma_wait3A_257] : memref<160000x128xf32, #tpu.memory_space<hbm>> -> memref<40x128xf32, #tpu.memory_space<hbm>>
        %dma_wait3A_259 = arith.constant 0 : i32
        %dma_wait3A_260 = arith.constant 0 : i32
        %dma_wait3A_261 = tpu.memref_slice %arg7[%dma_wait3A_259, %dma_wait3A_260] : memref<160000x128xf32, #tpu.memory_space<hbm>> -> memref<40x128xf32, #tpu.memory_space<hbm>>
        tpu.wait_dma2 semaphore(%arg31 : memref<!tpu.dma_semaphore, #tpu.memory_space<semaphore_mem>>) src(%arg15 : memref<40x128xf32, #tpu.memory_space<vmem>>) dst(%dma_wait3A_261 : memref<40x128xf32, #tpu.memory_space<hbm>>)
        %add3A_262 = arith.constant 4 : i32
        %add3A_263 = arith.addi %add3A_151, %add3A_262 : i32
        %mul3A_264 = arith.constant 40 : i32
        %mul3A_265 = arith.muli %add3A_263, %mul3A_264 : i32
        %dma_start3A_266 = tpu.memref_slice %arg8[%mul3A_265] : memref<5000xi32, #tpu.memory_space<vmem>> -> memref<40xi32, #tpu.memory_space<vmem>>
        %dma_start3A_267 = arith.constant 0 : i32
        %dma_start3A_268 = arith.constant 0 : i32
        %dma_start3A_269 = tpu.memref_slice %arg2[%dma_start3A_267, %dma_start3A_268] : memref<10000x128xf32, #tpu.memory_space<hbm>> -> memref<10000x128xf32, #tpu.memory_space<hbm>>
        tpu.enqueue_indirect_dma source(%dma_start3A_269 : memref<10000x128xf32, #tpu.memory_space<hbm>>) target(%arg11 : memref<40x128xf32, #tpu.memory_space<vmem>>) offsets(%dma_start3A_266 : memref<40xi32, #tpu.memory_space<vmem>>) semaphore(%arg19 : memref<!tpu.dma_semaphore, #tpu.memory_space<semaphore_mem>>)
        %dma_start3A_270 = tpu.memref_slice %arg9[%mul3A_265] : memref<5000xi32, #tpu.memory_space<vmem>> -> memref<40xi32, #tpu.memory_space<vmem>>
        %dma_start3A_271 = arith.constant 0 : i32
        %dma_start3A_272 = arith.constant 0 : i32
        %dma_start3A_273 = tpu.memref_slice %arg3[%dma_start3A_271, %dma_start3A_272] : memref<10000x128xf32, #tpu.memory_space<hbm>> -> memref<10000x128xf32, #tpu.memory_space<hbm>>
        tpu.enqueue_indirect_dma source(%dma_start3A_273 : memref<10000x128xf32, #tpu.memory_space<hbm>>) target(%arg15 : memref<40x128xf32, #tpu.memory_space<vmem>>) offsets(%dma_start3A_270 : memref<40xi32, #tpu.memory_space<vmem>>) semaphore(%arg23 : memref<!tpu.dma_semaphore, #tpu.memory_space<semaphore_mem>>)
      } else {
      }
      %mul3A_182 = arith.constant 4 : i32
      %mul3A_183 = arith.muli %scan3A_116, %mul3A_182 : i32
      %add3A_184 = arith.constant 2 : i32
      %add3A_185 = arith.addi %mul3A_183, %add3A_184 : i32
      %dma_wait3A_186 = arith.constant 0 : i32
      %dma_wait3A_187 = arith.constant 0 : i32
      %dma_wait3A_188 = tpu.memref_slice %arg2[%dma_wait3A_186, %dma_wait3A_187] : memref<10000x128xf32, #tpu.memory_space<hbm>> -> memref<40x128xf32, #tpu.memory_space<hbm>>
      %dma_wait3A_189 = arith.constant 0 : i32
      %dma_wait3A_190 = arith.constant 0 : i32
      %dma_wait3A_191 = tpu.memref_slice %arg2[%dma_wait3A_189, %dma_wait3A_190] : memref<10000x128xf32, #tpu.memory_space<hbm>> -> memref<40x128xf32, #tpu.memory_space<hbm>>
      tpu.wait_dma2 semaphore(%arg20 : memref<!tpu.dma_semaphore, #tpu.memory_space<semaphore_mem>>) src(%dma_wait3A_191 : memref<40x128xf32, #tpu.memory_space<hbm>>) dst(%arg12 : memref<40x128xf32, #tpu.memory_space<vmem>>)
      %dma_wait3A_192 = arith.constant 0 : i32
      %dma_wait3A_193 = arith.constant 0 : i32
      %dma_wait3A_194 = tpu.memref_slice %arg3[%dma_wait3A_192, %dma_wait3A_193] : memref<10000x128xf32, #tpu.memory_space<hbm>> -> memref<40x128xf32, #tpu.memory_space<hbm>>
      %dma_wait3A_195 = arith.constant 0 : i32
      %dma_wait3A_196 = arith.constant 0 : i32
      %dma_wait3A_197 = tpu.memref_slice %arg3[%dma_wait3A_195, %dma_wait3A_196] : memref<10000x128xf32, #tpu.memory_space<hbm>> -> memref<40x128xf32, #tpu.memory_space<hbm>>
      tpu.wait_dma2 semaphore(%arg24 : memref<!tpu.dma_semaphore, #tpu.memory_space<semaphore_mem>>) src(%dma_wait3A_197 : memref<40x128xf32, #tpu.memory_space<hbm>>) dst(%arg16 : memref<40x128xf32, #tpu.memory_space<vmem>>)
      %mul3A_198 = arith.constant 40 : i32
      %mul3A_199 = arith.muli %add3A_185, %mul3A_198 : i32
      %add3A_200 = arith.addi %mul3A_2, %mul3A_199 : i32
      %dma_start3A_201 = arith.constant 0 : i32
      %dma_start3A_202 = tpu.memref_slice %arg6[%add3A_200, %dma_start3A_201] : memref<160000x128xf32, #tpu.memory_space<hbm>> -> memref<40x128xf32, #tpu.memory_space<hbm>>
      %dma_start3A_203 = arith.constant 0 : i32
      %dma_start3A_204 = tpu.memref_slice %arg6[%add3A_200, %dma_start3A_203] : memref<160000x128xf32, #tpu.memory_space<hbm>> -> memref<40x128xf32, #tpu.memory_space<hbm>>
      tpu.enqueue_dma source(%arg12 : memref<40x128xf32, #tpu.memory_space<vmem>>) target(%dma_start3A_204 : memref<40x128xf32, #tpu.memory_space<hbm>>) target_semaphore(%arg28 : memref<!tpu.dma_semaphore, #tpu.memory_space<semaphore_mem>>)
      %dma_start3A_205 = arith.constant 0 : i32
      %dma_start3A_206 = tpu.memref_slice %arg7[%add3A_200, %dma_start3A_205] : memref<160000x128xf32, #tpu.memory_space<hbm>> -> memref<40x128xf32, #tpu.memory_space<hbm>>
      %dma_start3A_207 = arith.constant 0 : i32
      %dma_start3A_208 = tpu.memref_slice %arg7[%add3A_200, %dma_start3A_207] : memref<160000x128xf32, #tpu.memory_space<hbm>> -> memref<40x128xf32, #tpu.memory_space<hbm>>
      tpu.enqueue_dma source(%arg16 : memref<40x128xf32, #tpu.memory_space<vmem>>) target(%dma_start3A_208 : memref<40x128xf32, #tpu.memory_space<hbm>>) target_semaphore(%arg32 : memref<!tpu.dma_semaphore, #tpu.memory_space<semaphore_mem>>)
      %add3A_209 = arith.constant 4 : i32
      %add3A_210 = arith.addi %add3A_185, %add3A_209 : i32
      %lt3A_211 = arith.constant 125 : i32
      %lt3A_212 = arith.cmpi slt, %add3A_210, %lt3A_211 : i32
      %convert_element_type3A_213 = arith.extui %lt3A_212 : i1 to i32
      %cond3A_214 = arith.constant 0 : i32
      %cond3A_215 = arith.cmpi ne, %convert_element_type3A_213, %cond3A_214 : i32
      scf.if %cond3A_215 {
        %dma_wait3A_250 = arith.constant 0 : i32
        %dma_wait3A_251 = arith.constant 0 : i32
        %dma_wait3A_252 = tpu.memref_slice %arg6[%dma_wait3A_250, %dma_wait3A_251] : memref<160000x128xf32, #tpu.memory_space<hbm>> -> memref<40x128xf32, #tpu.memory_space<hbm>>
        %dma_wait3A_253 = arith.constant 0 : i32
        %dma_wait3A_254 = arith.constant 0 : i32
        %dma_wait3A_255 = tpu.memref_slice %arg6[%dma_wait3A_253, %dma_wait3A_254] : memref<160000x128xf32, #tpu.memory_space<hbm>> -> memref<40x128xf32, #tpu.memory_space<hbm>>
        tpu.wait_dma2 semaphore(%arg28 : memref<!tpu.dma_semaphore, #tpu.memory_space<semaphore_mem>>) src(%arg12 : memref<40x128xf32, #tpu.memory_space<vmem>>) dst(%dma_wait3A_255 : memref<40x128xf32, #tpu.memory_space<hbm>>)
        %dma_wait3A_256 = arith.constant 0 : i32
        %dma_wait3A_257 = arith.constant 0 : i32
        %dma_wait3A_258 = tpu.memref_slice %arg7[%dma_wait3A_256, %dma_wait3A_257] : memref<160000x128xf32, #tpu.memory_space<hbm>> -> memref<40x128xf32, #tpu.memory_space<hbm>>
        %dma_wait3A_259 = arith.constant 0 : i32
        %dma_wait3A_260 = arith.constant 0 : i32
        %dma_wait3A_261 = tpu.memref_slice %arg7[%dma_wait3A_259, %dma_wait3A_260] : memref<160000x128xf32, #tpu.memory_space<hbm>> -> memref<40x128xf32, #tpu.memory_space<hbm>>
        tpu.wait_dma2 semaphore(%arg32 : memref<!tpu.dma_semaphore, #tpu.memory_space<semaphore_mem>>) src(%arg16 : memref<40x128xf32, #tpu.memory_space<vmem>>) dst(%dma_wait3A_261 : memref<40x128xf32, #tpu.memory_space<hbm>>)
        %add3A_262 = arith.constant 4 : i32
        %add3A_263 = arith.addi %add3A_185, %add3A_262 : i32
        %mul3A_264 = arith.constant 40 : i32
        %mul3A_265 = arith.muli %add3A_263, %mul3A_264 : i32
        %dma_start3A_266 = tpu.memref_slice %arg8[%mul3A_265] : memref<5000xi32, #tpu.memory_space<vmem>> -> memref<40xi32, #tpu.memory_space<vmem>>
        %dma_start3A_267 = arith.constant 0 : i32
        %dma_start3A_268 = arith.constant 0 : i32
        %dma_start3A_269 = tpu.memref_slice %arg2[%dma_start3A_267, %dma_start3A_268] : memref<10000x128xf32, #tpu.memory_space<hbm>> -> memref<10000x128xf32, #tpu.memory_space<hbm>>
        tpu.enqueue_indirect_dma source(%dma_start3A_269 : memref<10000x128xf32, #tpu.memory_space<hbm>>) target(%arg12 : memref<40x128xf32, #tpu.memory_space<vmem>>) offsets(%dma_start3A_266 : memref<40xi32, #tpu.memory_space<vmem>>) semaphore(%arg20 : memref<!tpu.dma_semaphore, #tpu.memory_space<semaphore_mem>>)
        %dma_start3A_270 = tpu.memref_slice %arg9[%mul3A_265] : memref<5000xi32, #tpu.memory_space<vmem>> -> memref<40xi32, #tpu.memory_space<vmem>>
        %dma_start3A_271 = arith.constant 0 : i32
        %dma_start3A_272 = arith.constant 0 : i32
        %dma_start3A_273 = tpu.memref_slice %arg3[%dma_start3A_271, %dma_start3A_272] : memref<10000x128xf32, #tpu.memory_space<hbm>> -> memref<10000x128xf32, #tpu.memory_space<hbm>>
        tpu.enqueue_indirect_dma source(%dma_start3A_273 : memref<10000x128xf32, #tpu.memory_space<hbm>>) target(%arg16 : memref<40x128xf32, #tpu.memory_space<vmem>>) offsets(%dma_start3A_270 : memref<40xi32, #tpu.memory_space<vmem>>) semaphore(%arg24 : memref<!tpu.dma_semaphore, #tpu.memory_space<semaphore_mem>>)
      } else {
      }
      %mul3A_216 = arith.constant 4 : i32
      %mul3A_217 = arith.muli %scan3A_116, %mul3A_216 : i32
      %add3A_218 = arith.constant 3 : i32
      %add3A_219 = arith.addi %mul3A_217, %add3A_218 : i32
      %dma_wait3A_220 = arith.constant 0 : i32
      %dma_wait3A_221 = arith.constant 0 : i32
      %dma_wait3A_222 = tpu.memref_slice %arg2[%dma_wait3A_220, %dma_wait3A_221] : memref<10000x128xf32, #tpu.memory_space<hbm>> -> memref<40x128xf32, #tpu.memory_space<hbm>>
      %dma_wait3A_223 = arith.constant 0 : i32
      %dma_wait3A_224 = arith.constant 0 : i32
      %dma_wait3A_225 = tpu.memref_slice %arg2[%dma_wait3A_223, %dma_wait3A_224] : memref<10000x128xf32, #tpu.memory_space<hbm>> -> memref<40x128xf32, #tpu.memory_space<hbm>>
      tpu.wait_dma2 semaphore(%arg21 : memref<!tpu.dma_semaphore, #tpu.memory_space<semaphore_mem>>) src(%dma_wait3A_225 : memref<40x128xf32, #tpu.memory_space<hbm>>) dst(%arg13 : memref<40x128xf32, #tpu.memory_space<vmem>>)
      %dma_wait3A_226 = arith.constant 0 : i32
      %dma_wait3A_227 = arith.constant 0 : i32
      %dma_wait3A_228 = tpu.memref_slice %arg3[%dma_wait3A_226, %dma_wait3A_227] : memref<10000x128xf32, #tpu.memory_space<hbm>> -> memref<40x128xf32, #tpu.memory_space<hbm>>
      %dma_wait3A_229 = arith.constant 0 : i32
      %dma_wait3A_230 = arith.constant 0 : i32
      %dma_wait3A_231 = tpu.memref_slice %arg3[%dma_wait3A_229, %dma_wait3A_230] : memref<10000x128xf32, #tpu.memory_space<hbm>> -> memref<40x128xf32, #tpu.memory_space<hbm>>
      tpu.wait_dma2 semaphore(%arg25 : memref<!tpu.dma_semaphore, #tpu.memory_space<semaphore_mem>>) src(%dma_wait3A_231 : memref<40x128xf32, #tpu.memory_space<hbm>>) dst(%arg17 : memref<40x128xf32, #tpu.memory_space<vmem>>)
      %mul3A_232 = arith.constant 40 : i32
      %mul3A_233 = arith.muli %add3A_219, %mul3A_232 : i32
      %add3A_234 = arith.addi %mul3A_2, %mul3A_233 : i32
      %dma_start3A_235 = arith.constant 0 : i32
      %dma_start3A_236 = tpu.memref_slice %arg6[%add3A_234, %dma_start3A_235] : memref<160000x128xf32, #tpu.memory_space<hbm>> -> memref<40x128xf32, #tpu.memory_space<hbm>>
      %dma_start3A_237 = arith.constant 0 : i32
      %dma_start3A_238 = tpu.memref_slice %arg6[%add3A_234, %dma_start3A_237] : memref<160000x128xf32, #tpu.memory_space<hbm>> -> memref<40x128xf32, #tpu.memory_space<hbm>>
      tpu.enqueue_dma source(%arg13 : memref<40x128xf32, #tpu.memory_space<vmem>>) target(%dma_start3A_238 : memref<40x128xf32, #tpu.memory_space<hbm>>) target_semaphore(%arg29 : memref<!tpu.dma_semaphore, #tpu.memory_space<semaphore_mem>>)
      %dma_start3A_239 = arith.constant 0 : i32
      %dma_start3A_240 = tpu.memref_slice %arg7[%add3A_234, %dma_start3A_239] : memref<160000x128xf32, #tpu.memory_space<hbm>> -> memref<40x128xf32, #tpu.memory_space<hbm>>
      %dma_start3A_241 = arith.constant 0 : i32
      %dma_start3A_242 = tpu.memref_slice %arg7[%add3A_234, %dma_start3A_241] : memref<160000x128xf32, #tpu.memory_space<hbm>> -> memref<40x128xf32, #tpu.memory_space<hbm>>
      tpu.enqueue_dma source(%arg17 : memref<40x128xf32, #tpu.memory_space<vmem>>) target(%dma_start3A_242 : memref<40x128xf32, #tpu.memory_space<hbm>>) target_semaphore(%arg33 : memref<!tpu.dma_semaphore, #tpu.memory_space<semaphore_mem>>)
      %add3A_243 = arith.constant 4 : i32
      %add3A_244 = arith.addi %add3A_219, %add3A_243 : i32
      %lt3A_245 = arith.constant 125 : i32
      %lt3A_246 = arith.cmpi slt, %add3A_244, %lt3A_245 : i32
      %convert_element_type3A_247 = arith.extui %lt3A_246 : i1 to i32
      %cond3A_248 = arith.constant 0 : i32
      %cond3A_249 = arith.cmpi ne, %convert_element_type3A_247, %cond3A_248 : i32
      scf.if %cond3A_249 {
        %dma_wait3A_250 = arith.constant 0 : i32
        %dma_wait3A_251 = arith.constant 0 : i32
        %dma_wait3A_252 = tpu.memref_slice %arg6[%dma_wait3A_250, %dma_wait3A_251] : memref<160000x128xf32, #tpu.memory_space<hbm>> -> memref<40x128xf32, #tpu.memory_space<hbm>>
        %dma_wait3A_253 = arith.constant 0 : i32
        %dma_wait3A_254 = arith.constant 0 : i32
        %dma_wait3A_255 = tpu.memref_slice %arg6[%dma_wait3A_253, %dma_wait3A_254] : memref<160000x128xf32, #tpu.memory_space<hbm>> -> memref<40x128xf32, #tpu.memory_space<hbm>>
        tpu.wait_dma2 semaphore(%arg29 : memref<!tpu.dma_semaphore, #tpu.memory_space<semaphore_mem>>) src(%arg13 : memref<40x128xf32, #tpu.memory_space<vmem>>) dst(%dma_wait3A_255 : memref<40x128xf32, #tpu.memory_space<hbm>>)
        %dma_wait3A_256 = arith.constant 0 : i32
        %dma_wait3A_257 = arith.constant 0 : i32
        %dma_wait3A_258 = tpu.memref_slice %arg7[%dma_wait3A_256, %dma_wait3A_257] : memref<160000x128xf32, #tpu.memory_space<hbm>> -> memref<40x128xf32, #tpu.memory_space<hbm>>
        %dma_wait3A_259 = arith.constant 0 : i32
        %dma_wait3A_260 = arith.constant 0 : i32
        %dma_wait3A_261 = tpu.memref_slice %arg7[%dma_wait3A_259, %dma_wait3A_260] : memref<160000x128xf32, #tpu.memory_space<hbm>> -> memref<40x128xf32, #tpu.memory_space<hbm>>
        tpu.wait_dma2 semaphore(%arg33 : memref<!tpu.dma_semaphore, #tpu.memory_space<semaphore_mem>>) src(%arg17 : memref<40x128xf32, #tpu.memory_space<vmem>>) dst(%dma_wait3A_261 : memref<40x128xf32, #tpu.memory_space<hbm>>)
        %add3A_262 = arith.constant 4 : i32
        %add3A_263 = arith.addi %add3A_219, %add3A_262 : i32
        %mul3A_264 = arith.constant 40 : i32
        %mul3A_265 = arith.muli %add3A_263, %mul3A_264 : i32
        %dma_start3A_266 = tpu.memref_slice %arg8[%mul3A_265] : memref<5000xi32, #tpu.memory_space<vmem>> -> memref<40xi32, #tpu.memory_space<vmem>>
        %dma_start3A_267 = arith.constant 0 : i32
        %dma_start3A_268 = arith.constant 0 : i32
        %dma_start3A_269 = tpu.memref_slice %arg2[%dma_start3A_267, %dma_start3A_268] : memref<10000x128xf32, #tpu.memory_space<hbm>> -> memref<10000x128xf32, #tpu.memory_space<hbm>>
        tpu.enqueue_indirect_dma source(%dma_start3A_269 : memref<10000x128xf32, #tpu.memory_space<hbm>>) target(%arg13 : memref<40x128xf32, #tpu.memory_space<vmem>>) offsets(%dma_start3A_266 : memref<40xi32, #tpu.memory_space<vmem>>) semaphore(%arg21 : memref<!tpu.dma_semaphore, #tpu.memory_space<semaphore_mem>>)
        %dma_start3A_270 = tpu.memref_slice %arg9[%mul3A_265] : memref<5000xi32, #tpu.memory_space<vmem>> -> memref<40xi32, #tpu.memory_space<vmem>>
        %dma_start3A_271 = arith.constant 0 : i32
        %dma_start3A_272 = arith.constant 0 : i32
        %dma_start3A_273 = tpu.memref_slice %arg3[%dma_start3A_271, %dma_start3A_272] : memref<10000x128xf32, #tpu.memory_space<hbm>> -> memref<10000x128xf32, #tpu.memory_space<hbm>>
        tpu.enqueue_indirect_dma source(%dma_start3A_273 : memref<10000x128xf32, #tpu.memory_space<hbm>>) target(%arg17 : memref<40x128xf32, #tpu.memory_space<vmem>>) offsets(%dma_start3A_270 : memref<40xi32, #tpu.memory_space<vmem>>) semaphore(%arg25 : memref<!tpu.dma_semaphore, #tpu.memory_space<semaphore_mem>>)
      } else {
      }
    }
    %scan3A_46 = arith.constant 31 : i32
    %dma_wait3A = arith.constant 0 : i32
    %dma_wait3A_47 = arith.constant 0 : i32
    %dma_wait3A_48 = tpu.memref_slice %arg2[%dma_wait3A, %dma_wait3A_47] : memref<10000x128xf32, #tpu.memory_space<hbm>> -> memref<40x128xf32, #tpu.memory_space<hbm>>
    %dma_wait3A_49 = arith.constant 0 : i32
    %dma_wait3A_50 = arith.constant 0 : i32
    %dma_wait3A_51 = tpu.memref_slice %arg2[%dma_wait3A_49, %dma_wait3A_50] : memref<10000x128xf32, #tpu.memory_space<hbm>> -> memref<40x128xf32, #tpu.memory_space<hbm>>
    tpu.wait_dma2 semaphore(%arg18 : memref<!tpu.dma_semaphore, #tpu.memory_space<semaphore_mem>>) src(%dma_wait3A_51 : memref<40x128xf32, #tpu.memory_space<hbm>>) dst(%arg10 : memref<40x128xf32, #tpu.memory_space<vmem>>)
    %dma_wait3A_52 = arith.constant 0 : i32
    %dma_wait3A_53 = arith.constant 0 : i32
    %dma_wait3A_54 = tpu.memref_slice %arg3[%dma_wait3A_52, %dma_wait3A_53] : memref<10000x128xf32, #tpu.memory_space<hbm>> -> memref<40x128xf32, #tpu.memory_space<hbm>>
    %dma_wait3A_55 = arith.constant 0 : i32
    %dma_wait3A_56 = arith.constant 0 : i32
    %dma_wait3A_57 = tpu.memref_slice %arg3[%dma_wait3A_55, %dma_wait3A_56] : memref<10000x128xf32, #tpu.memory_space<hbm>> -> memref<40x128xf32, #tpu.memory_space<hbm>>
    tpu.wait_dma2 semaphore(%arg22 : memref<!tpu.dma_semaphore, #tpu.memory_space<semaphore_mem>>) src(%dma_wait3A_57 : memref<40x128xf32, #tpu.memory_space<hbm>>) dst(%arg14 : memref<40x128xf32, #tpu.memory_space<vmem>>)
    %add3A_58 = arith.constant 4960 : i32
    %add3A_59 = arith.addi %mul3A_2, %add3A_58 : i32
    %dma_start3A_60 = arith.constant 0 : i32
    %dma_start3A_61 = tpu.memref_slice %arg6[%add3A_59, %dma_start3A_60] : memref<160000x128xf32, #tpu.memory_space<hbm>> -> memref<40x128xf32, #tpu.memory_space<hbm>>
    %dma_start3A_62 = arith.constant 0 : i32
    %dma_start3A_63 = tpu.memref_slice %arg6[%add3A_59, %dma_start3A_62] : memref<160000x128xf32, #tpu.memory_space<hbm>> -> memref<40x128xf32, #tpu.memory_space<hbm>>
    tpu.enqueue_dma source(%arg10 : memref<40x128xf32, #tpu.memory_space<vmem>>) target(%dma_start3A_63 : memref<40x128xf32, #tpu.memory_space<hbm>>) target_semaphore(%arg26 : memref<!tpu.dma_semaphore, #tpu.memory_space<semaphore_mem>>)
    %dma_start3A_64 = arith.constant 0 : i32
    %dma_start3A_65 = tpu.memref_slice %arg7[%add3A_59, %dma_start3A_64] : memref<160000x128xf32, #tpu.memory_space<hbm>> -> memref<40x128xf32, #tpu.memory_space<hbm>>
    %dma_start3A_66 = arith.constant 0 : i32
    %dma_start3A_67 = tpu.memref_slice %arg7[%add3A_59, %dma_start3A_66] : memref<160000x128xf32, #tpu.memory_space<hbm>> -> memref<40x128xf32, #tpu.memory_space<hbm>>
    tpu.enqueue_dma source(%arg14 : memref<40x128xf32, #tpu.memory_space<vmem>>) target(%dma_start3A_67 : memref<40x128xf32, #tpu.memory_space<hbm>>) target_semaphore(%arg30 : memref<!tpu.dma_semaphore, #tpu.memory_space<semaphore_mem>>)
    %dma_wait3A_68 = arith.constant 0 : i32
    %dma_wait3A_69 = arith.constant 0 : i32
    %dma_wait3A_70 = tpu.memref_slice %arg6[%dma_wait3A_68, %dma_wait3A_69] : memref<160000x128xf32, #tpu.memory_space<hbm>> -> memref<40x128xf32, #tpu.memory_space<hbm>>
    %dma_wait3A_71 = arith.constant 0 : i32
    %dma_wait3A_72 = arith.constant 0 : i32
    %dma_wait3A_73 = tpu.memref_slice %arg6[%dma_wait3A_71, %dma_wait3A_72] : memref<160000x128xf32, #tpu.memory_space<hbm>> -> memref<40x128xf32, #tpu.memory_space<hbm>>
    tpu.wait_dma2 semaphore(%arg26 : memref<!tpu.dma_semaphore, #tpu.memory_space<semaphore_mem>>) src(%arg10 : memref<40x128xf32, #tpu.memory_space<vmem>>) dst(%dma_wait3A_73 : memref<40x128xf32, #tpu.memory_space<hbm>>)
    %dma_wait3A_74 = arith.constant 0 : i32
    %dma_wait3A_75 = arith.constant 0 : i32
    %dma_wait3A_76 = tpu.memref_slice %arg7[%dma_wait3A_74, %dma_wait3A_75] : memref<160000x128xf32, #tpu.memory_space<hbm>> -> memref<40x128xf32, #tpu.memory_space<hbm>>
    %dma_wait3A_77 = arith.constant 0 : i32
    %dma_wait3A_78 = arith.constant 0 : i32
    %dma_wait3A_79 = tpu.memref_slice %arg7[%dma_wait3A_77, %dma_wait3A_78] : memref<160000x128xf32, #tpu.memory_space<hbm>> -> memref<40x128xf32, #tpu.memory_space<hbm>>
    tpu.wait_dma2 semaphore(%arg30 : memref<!tpu.dma_semaphore, #tpu.memory_space<semaphore_mem>>) src(%arg14 : memref<40x128xf32, #tpu.memory_space<vmem>>) dst(%dma_wait3A_79 : memref<40x128xf32, #tpu.memory_space<hbm>>)
    %dma_wait3A_80 = arith.constant 0 : i32
    %dma_wait3A_81 = arith.constant 0 : i32
    %dma_wait3A_82 = tpu.memref_slice %arg6[%dma_wait3A_80, %dma_wait3A_81] : memref<160000x128xf32, #tpu.memory_space<hbm>> -> memref<40x128xf32, #tpu.memory_space<hbm>>
    %dma_wait3A_83 = arith.constant 0 : i32
    %dma_wait3A_84 = arith.constant 0 : i32
    %dma_wait3A_85 = tpu.memref_slice %arg6[%dma_wait3A_83, %dma_wait3A_84] : memref<160000x128xf32, #tpu.memory_space<hbm>> -> memref<40x128xf32, #tpu.memory_space<hbm>>
    tpu.wait_dma2 semaphore(%arg27 : memref<!tpu.dma_semaphore, #tpu.memory_space<semaphore_mem>>) src(%arg11 : memref<40x128xf32, #tpu.memory_space<vmem>>) dst(%dma_wait3A_85 : memref<40x128xf32, #tpu.memory_space<hbm>>)
    %dma_wait3A_86 = arith.constant 0 : i32
    %dma_wait3A_87 = arith.constant 0 : i32
    %dma_wait3A_88 = tpu.memref_slice %arg7[%dma_wait3A_86, %dma_wait3A_87] : memref<160000x128xf32, #tpu.memory_space<hbm>> -> memref<40x128xf32, #tpu.memory_space<hbm>>
    %dma_wait3A_89 = arith.constant 0 : i32
    %dma_wait3A_90 = arith.constant 0 : i32
    %dma_wait3A_91 = tpu.memref_slice %arg7[%dma_wait3A_89, %dma_wait3A_90] : memref<160000x128xf32, #tpu.memory_space<hbm>> -> memref<40x128xf32, #tpu.memory_space<hbm>>
    tpu.wait_dma2 semaphore(%arg31 : memref<!tpu.dma_semaphore, #tpu.memory_space<semaphore_mem>>) src(%arg15 : memref<40x128xf32, #tpu.memory_space<vmem>>) dst(%dma_wait3A_91 : memref<40x128xf32, #tpu.memory_space<hbm>>)
    %dma_wait3A_92 = arith.constant 0 : i32
    %dma_wait3A_93 = arith.constant 0 : i32
    %dma_wait3A_94 = tpu.memref_slice %arg6[%dma_wait3A_92, %dma_wait3A_93] : memref<160000x128xf32, #tpu.memory_space<hbm>> -> memref<40x128xf32, #tpu.memory_space<hbm>>
    %dma_wait3A_95 = arith.constant 0 : i32
    %dma_wait3A_96 = arith.constant 0 : i32
    %dma_wait3A_97 = tpu.memref_slice %arg6[%dma_wait3A_95, %dma_wait3A_96] : memref<160000x128xf32, #tpu.memory_space<hbm>> -> memref<40x128xf32, #tpu.memory_space<hbm>>
    tpu.wait_dma2 semaphore(%arg28 : memref<!tpu.dma_semaphore, #tpu.memory_space<semaphore_mem>>) src(%arg12 : memref<40x128xf32, #tpu.memory_space<vmem>>) dst(%dma_wait3A_97 : memref<40x128xf32, #tpu.memory_space<hbm>>)
    %dma_wait3A_98 = arith.constant 0 : i32
    %dma_wait3A_99 = arith.constant 0 : i32
    %dma_wait3A_100 = tpu.memref_slice %arg7[%dma_wait3A_98, %dma_wait3A_99] : memref<160000x128xf32, #tpu.memory_space<hbm>> -> memref<40x128xf32, #tpu.memory_space<hbm>>
    %dma_wait3A_101 = arith.constant 0 : i32
    %dma_wait3A_102 = arith.constant 0 : i32
    %dma_wait3A_103 = tpu.memref_slice %arg7[%dma_wait3A_101, %dma_wait3A_102] : memref<160000x128xf32, #tpu.memory_space<hbm>> -> memref<40x128xf32, #tpu.memory_space<hbm>>
    tpu.wait_dma2 semaphore(%arg32 : memref<!tpu.dma_semaphore, #tpu.memory_space<semaphore_mem>>) src(%arg16 : memref<40x128xf32, #tpu.memory_space<vmem>>) dst(%dma_wait3A_103 : memref<40x128xf32, #tpu.memory_space<hbm>>)
    %dma_wait3A_104 = arith.constant 0 : i32
    %dma_wait3A_105 = arith.constant 0 : i32
    %dma_wait3A_106 = tpu.memref_slice %arg6[%dma_wait3A_104, %dma_wait3A_105] : memref<160000x128xf32, #tpu.memory_space<hbm>> -> memref<40x128xf32, #tpu.memory_space<hbm>>
    %dma_wait3A_107 = arith.constant 0 : i32
    %dma_wait3A_108 = arith.constant 0 : i32
    %dma_wait3A_109 = tpu.memref_slice %arg6[%dma_wait3A_107, %dma_wait3A_108] : memref<160000x128xf32, #tpu.memory_space<hbm>> -> memref<40x128xf32, #tpu.memory_space<hbm>>
    tpu.wait_dma2 semaphore(%arg29 : memref<!tpu.dma_semaphore, #tpu.memory_space<semaphore_mem>>) src(%arg13 : memref<40x128xf32, #tpu.memory_space<vmem>>) dst(%dma_wait3A_109 : memref<40x128xf32, #tpu.memory_space<hbm>>)
    %dma_wait3A_110 = arith.constant 0 : i32
    %dma_wait3A_111 = arith.constant 0 : i32
    %dma_wait3A_112 = tpu.memref_slice %arg7[%dma_wait3A_110, %dma_wait3A_111] : memref<160000x128xf32, #tpu.memory_space<hbm>> -> memref<40x128xf32, #tpu.memory_space<hbm>>
    %dma_wait3A_113 = arith.constant 0 : i32
    %dma_wait3A_114 = arith.constant 0 : i32
    %dma_wait3A_115 = tpu.memref_slice %arg7[%dma_wait3A_113, %dma_wait3A_114] : memref<160000x128xf32, #tpu.memory_space<hbm>> -> memref<40x128xf32, #tpu.memory_space<hbm>>
    tpu.wait_dma2 semaphore(%arg33 : memref<!tpu.dma_semaphore, #tpu.memory_space<semaphore_mem>>) src(%arg17 : memref<40x128xf32, #tpu.memory_space<vmem>>) dst(%dma_wait3A_115 : memref<40x128xf32, #tpu.memory_space<hbm>>)
    return
  }
}

module attributes {stable_mosaic.version = 14 : i64} {
  func.func @body(%arg0: i32, %arg1: memref<2000x128xf32, #tpu.memory_space<vmem>>, %arg2: memref<128x128xf32, #tpu.memory_space<vmem>>, %arg3: memref<128x128xf32, #tpu.memory_space<vmem>>, %arg4: memref<1x128xf32, #tpu.memory_space<vmem>>, %arg5: memref<2000x128xf32, #tpu.memory_space<vmem>>, %arg6: memref<2000x128xf32, #tpu.memory_space<vmem>>) attributes {dimension_semantics = [#tpu.dimension_semantics<arbitrary>], iteration_bounds = array<i64: 5>, scalar_prefetch = 0 : i64, scratch_operands = 0 : i64, tpu.core_type = #tpu.core_type<tc>, window_params = [{transform_indices = @transform_0, window_bounds = array<i64: 2000, 128>}, {pipeline_mode = #tpu.pipeline_mode<synchronous>, transform_indices = @transform_1, window_bounds = array<i64: 128, 128>}, {pipeline_mode = #tpu.pipeline_mode<synchronous>, transform_indices = @transform_2, window_bounds = array<i64: 128, 128>}, {pipeline_mode = #tpu.pipeline_mode<synchronous>, transform_indices = @transform_3, window_bounds = array<i64: 1, 128>}, {transform_indices = @transform_4, window_bounds = array<i64: 2000, 128>}, {transform_indices = @transform_5, window_bounds = array<i64: 2000, 128>}]} {
    %get3A = arith.constant 0 : index
    %get3A_0 = arith.constant 0 : index
    %get3A_1 = vector.load %arg1[%get3A, %get3A_0] : memref<2000x128xf32, #tpu.memory_space<vmem>>, vector<2000x128xf32>
    %get3A_2 = arith.constant 0 : index
    %get3A_3 = arith.constant 0 : index
    %get3A_4 = vector.load %arg2[%get3A_2, %get3A_3] : memref<128x128xf32, #tpu.memory_space<vmem>>, vector<128x128xf32>
    %dot_general3A = arith.constant dense<0.000000e+00> : vector<2000x128xf32>
    %dot_general3A_5 = tpu.matmul %get3A_1, %get3A_4, %dot_general3A {dimension_numbers = #tpu.dot_dimension_numbers<[1], [0], [0], [1], [0, 0, 1, 1], [], []>, transpose_lhs_hint = false} : vector<2000x128xf32>, vector<128x128xf32>, vector<2000x128xf32> -> vector<2000x128xf32>
    %swap3A = arith.constant 0 : index
    %swap3A_6 = arith.constant 0 : index
    %swap3A_7 = vector.load %arg5[%swap3A, %swap3A_6] : memref<2000x128xf32, #tpu.memory_space<vmem>>, vector<2000x128xf32>
    tpu.vector_store %arg5[%swap3A, %swap3A_6], %dot_general3A_5 {strides = array<i32>} : memref<2000x128xf32, #tpu.memory_space<vmem>>, vector<2000x128xf32>,
    %get3A_8 = arith.constant 0 : index
    %get3A_9 = arith.constant 0 : index
    %get3A_10 = vector.load %arg3[%get3A_8, %get3A_9] : memref<128x128xf32, #tpu.memory_space<vmem>>, vector<128x128xf32>
    %dot_general3A_11 = arith.constant dense<0.000000e+00> : vector<2000x128xf32>
    %dot_general3A_12 = tpu.matmul %get3A_1, %get3A_10, %dot_general3A_11 {dimension_numbers = #tpu.dot_dimension_numbers<[1], [0], [0], [1], [0, 0, 1, 1], [], []>, transpose_lhs_hint = false} : vector<2000x128xf32>, vector<128x128xf32>, vector<2000x128xf32> -> vector<2000x128xf32>
    %get3A_13 = arith.constant 0 : index
    %get3A_14 = arith.constant 0 : index
    %get3A_15 = vector.load %arg4[%get3A_13, %get3A_14] : memref<1x128xf32, #tpu.memory_space<vmem>>, vector<1x128xf32>
    %add3A = vector.broadcast %get3A_15 : vector<1x128xf32> to vector<2000x128xf32>
    %add3A_16 = arith.addf %dot_general3A_12, %add3A : vector<2000x128xf32>
    %swap3A_17 = arith.constant 0 : index
    %swap3A_18 = arith.constant 0 : index
    %swap3A_19 = vector.load %arg6[%swap3A_17, %swap3A_18] : memref<2000x128xf32, #tpu.memory_space<vmem>>, vector<2000x128xf32>
    tpu.vector_store %arg6[%swap3A_17, %swap3A_18], %add3A_16 {strides = array<i32>} : memref<2000x128xf32, #tpu.memory_space<vmem>>, vector<2000x128xf32>,
    return
  }
  func.func @transform_0(%arg0: i32) -> (i32, i32) {
    %c0_i32 = arith.constant 0 : i32
    %c0_i32_0 = arith.constant 0 : i32
    return %arg0, %c0_i32 : i32, i32
  }
  func.func @transform_1(%arg0: i32) -> (i32, i32) {
    %c0_i32 = arith.constant 0 : i32
    %c0_i32_0 = arith.constant 0 : i32
    %c0_i32_1 = arith.constant 0 : i32
    return %c0_i32, %c0_i32_0 : i32, i32
  }
  func.func @transform_2(%arg0: i32) -> (i32, i32) {
    %c0_i32 = arith.constant 0 : i32
    %c0_i32_0 = arith.constant 0 : i32
    %c0_i32_1 = arith.constant 0 : i32
    return %c0_i32, %c0_i32_0 : i32, i32
  }
  func.func @transform_3(%arg0: i32) -> (i32, i32) {
    %c0_i32 = arith.constant 0 : i32
    %c0_i32_0 = arith.constant 0 : i32
    %c0_i32_1 = arith.constant 0 : i32
    return %c0_i32, %c0_i32_0 : i32, i32
  }
  func.func @transform_4(%arg0: i32) -> (i32, i32) {
    %c0_i32 = arith.constant 0 : i32
    %c0_i32_0 = arith.constant 0 : i32
    return %arg0, %c0_i32 : i32, i32
  }
  func.func @transform_5(%arg0: i32) -> (i32, i32) {
    %c0_i32 = arith.constant 0 : i32
    %c0_i32_0 = arith.constant 0 : i32
    return %arg0, %c0_i32 : i32, i32
  }
}

module attributes {stable_mosaic.version = 14 : i64} {
  func.func @body(%arg0: i32, %arg1: memref<2000x128xf32, #tpu.memory_space<vmem>>, %arg2: memref<2000x128xf32, #tpu.memory_space<vmem>>, %arg3: memref<128x128xf32, #tpu.memory_space<vmem>>, %arg4: memref<1x128xf32, #tpu.memory_space<vmem>>, %arg5: memref<2000x128xf32, #tpu.memory_space<vmem>>) attributes {dimension_semantics = [#tpu.dimension_semantics<arbitrary>], iteration_bounds = array<i64: 80>, scalar_prefetch = 0 : i64, scratch_operands = 0 : i64, tpu.core_type = #tpu.core_type<tc>, window_params = [{transform_indices = @transform_0, window_bounds = array<i64: 2000, 128>}, {transform_indices = @transform_1, window_bounds = array<i64: 2000, 128>}, {pipeline_mode = #tpu.pipeline_mode<synchronous>, transform_indices = @transform_2, window_bounds = array<i64: 128, 128>}, {pipeline_mode = #tpu.pipeline_mode<synchronous>, transform_indices = @transform_3, window_bounds = array<i64: 1, 128>}, {transform_indices = @transform_4, window_bounds = array<i64: 2000, 128>}]} {
    %get3A = arith.constant 0 : index
    %get3A_0 = arith.constant 0 : index
    %get3A_1 = vector.load %arg1[%get3A, %get3A_0] : memref<2000x128xf32, #tpu.memory_space<vmem>>, vector<2000x128xf32>
    %get3A_2 = arith.constant 0 : index
    %get3A_3 = arith.constant 0 : index
    %get3A_4 = vector.load %arg2[%get3A_2, %get3A_3] : memref<2000x128xf32, #tpu.memory_space<vmem>>, vector<2000x128xf32>
    %add3A = arith.addf %get3A_1, %get3A_4 : vector<2000x128xf32>
    %max3A = arith.constant 0.000000e+00 : f32
    %max3A_5 = vector.broadcast %max3A : f32 to vector<2000x128xf32>
    %max3A_6 = arith.maximumf %add3A, %max3A_5 : vector<2000x128xf32>
    %get3A_7 = arith.constant 0 : index
    %get3A_8 = arith.constant 0 : index
    %get3A_9 = vector.load %arg3[%get3A_7, %get3A_8] : memref<128x128xf32, #tpu.memory_space<vmem>>, vector<128x128xf32>
    %dot_general3A = arith.constant dense<0.000000e+00> : vector<2000x128xf32>
    %dot_general3A_10 = tpu.matmul %max3A_6, %get3A_9, %dot_general3A {dimension_numbers = #tpu.dot_dimension_numbers<[1], [0], [0], [1], [0, 0, 1, 1], [], []>, transpose_lhs_hint = false} : vector<2000x128xf32>, vector<128x128xf32>, vector<2000x128xf32> -> vector<2000x128xf32>
    %get3A_11 = arith.constant 0 : index
    %get3A_12 = arith.constant 0 : index
    %get3A_13 = vector.load %arg4[%get3A_11, %get3A_12] : memref<1x128xf32, #tpu.memory_space<vmem>>, vector<1x128xf32>
    %add3A_14 = vector.broadcast %get3A_13 : vector<1x128xf32> to vector<2000x128xf32>
    %add3A_15 = arith.addf %dot_general3A_10, %add3A_14 : vector<2000x128xf32>
    %max3A_16 = arith.constant 0.000000e+00 : f32
    %max3A_17 = vector.broadcast %max3A_16 : f32 to vector<2000x128xf32>
    %max3A_18 = arith.maximumf %add3A_15, %max3A_17 : vector<2000x128xf32>
    %swap3A = arith.constant 0 : index
    %swap3A_19 = arith.constant 0 : index
    %swap3A_20 = vector.load %arg5[%swap3A, %swap3A_19] : memref<2000x128xf32, #tpu.memory_space<vmem>>, vector<2000x128xf32>
    tpu.vector_store %arg5[%swap3A, %swap3A_19], %max3A_18 {strides = array<i32>} : memref<2000x128xf32, #tpu.memory_space<vmem>>, vector<2000x128xf32>,
    return
  }
  func.func @transform_0(%arg0: i32) -> (i32, i32) {
    %c0_i32 = arith.constant 0 : i32
    %c0_i32_0 = arith.constant 0 : i32
    return %arg0, %c0_i32 : i32, i32
  }
  func.func @transform_1(%arg0: i32) -> (i32, i32) {
    %c0_i32 = arith.constant 0 : i32
    %c0_i32_0 = arith.constant 0 : i32
    return %arg0, %c0_i32 : i32, i32
  }
  func.func @transform_2(%arg0: i32) -> (i32, i32) {
    %c0_i32 = arith.constant 0 : i32
    %c0_i32_0 = arith.constant 0 : i32
    %c0_i32_1 = arith.constant 0 : i32
    return %c0_i32, %c0_i32_0 : i32, i32
  }
  func.func @transform_3(%arg0: i32) -> (i32, i32) {
    %c0_i32 = arith.constant 0 : i32
    %c0_i32_0 = arith.constant 0 : i32
    %c0_i32_1 = arith.constant 0 : i32
    return %c0_i32, %c0_i32_0 : i32, i32
  }
  func.func @transform_4(%arg0: i32) -> (i32, i32) {
    %c0_i32 = arith.constant 0 : i32
    %c0_i32_0 = arith.constant 0 : i32
    return %arg0, %c0_i32 : i32, i32
  }
}

module attributes {stable_mosaic.version = 14 : i64} {
  func.func @body(%arg0: i32, %arg1: memref<2000x128xf32, #tpu.memory_space<vmem>>, %arg2: memref<2000x128xf32, #tpu.memory_space<vmem>>, %arg3: memref<2000x128xf32, #tpu.memory_space<vmem>>, %arg4: memref<2000x128xf32, #tpu.memory_space<vmem>>, %arg5: memref<2000x128xf32, #tpu.memory_space<vmem>>, %arg6: memref<128x128xf32, #tpu.memory_space<vmem>>, %arg7: memref<128x128xf32, #tpu.memory_space<vmem>>, %arg8: memref<1x128xf32, #tpu.memory_space<vmem>>, %arg9: memref<128x128xf32, #tpu.memory_space<vmem>>, %arg10: memref<1x128xf32, #tpu.memory_space<vmem>>, %arg11: memref<2000x128xf32, #tpu.memory_space<vmem>>) attributes {dimension_semantics = [#tpu.dimension_semantics<arbitrary>], iteration_bounds = array<i64: 5>, scalar_prefetch = 0 : i64, scratch_operands = 0 : i64, tpu.core_type = #tpu.core_type<tc>, window_params = [{transform_indices = @transform_0, window_bounds = array<i64: 2000, 128>}, {transform_indices = @transform_1, window_bounds = array<i64: 2000, 128>}, {transform_indices = @transform_2, window_bounds = array<i64: 2000, 128>}, {transform_indices = @transform_3, window_bounds = array<i64: 2000, 128>}, {transform_indices = @transform_4, window_bounds = array<i64: 2000, 128>}, {pipeline_mode = #tpu.pipeline_mode<synchronous>, transform_indices = @transform_5, window_bounds = array<i64: 128, 128>}, {pipeline_mode = #tpu.pipeline_mode<synchronous>, transform_indices = @transform_6, window_bounds = array<i64: 128, 128>}, {pipeline_mode = #tpu.pipeline_mode<synchronous>, transform_indices = @transform_7, window_bounds = array<i64: 1, 128>}, {pipeline_mode = #tpu.pipeline_mode<synchronous>, transform_indices = @transform_8, window_bounds = array<i64: 128, 128>}, {pipeline_mode = #tpu.pipeline_mode<synchronous>, transform_indices = @transform_9, window_bounds = array<i64: 1, 128>}, {transform_indices = @transform_10, window_bounds = array<i64: 2000, 128>}]} {
    %get3A = arith.constant 0 : index
    %get3A_0 = arith.constant 0 : index
    %get3A_1 = vector.load %arg2[%get3A, %get3A_0] : memref<2000x128xf32, #tpu.memory_space<vmem>>, vector<2000x128xf32>
    %get3A_2 = arith.constant 0 : index
    %get3A_3 = arith.constant 0 : index
    %get3A_4 = vector.load %arg3[%get3A_2, %get3A_3] : memref<2000x128xf32, #tpu.memory_space<vmem>>, vector<2000x128xf32>
    %add3A = arith.addf %get3A_1, %get3A_4 : vector<2000x128xf32>
    %get3A_5 = arith.constant 0 : index
    %get3A_6 = arith.constant 0 : index
    %get3A_7 = vector.load %arg4[%get3A_5, %get3A_6] : memref<2000x128xf32, #tpu.memory_space<vmem>>, vector<2000x128xf32>
    %add3A_8 = arith.addf %add3A, %get3A_7 : vector<2000x128xf32>
    %get3A_9 = arith.constant 0 : index
    %get3A_10 = arith.constant 0 : index
    %get3A_11 = vector.load %arg5[%get3A_9, %get3A_10] : memref<2000x128xf32, #tpu.memory_space<vmem>>, vector<2000x128xf32>
    %add3A_12 = arith.addf %add3A_8, %get3A_11 : vector<2000x128xf32>
    %get3A_13 = arith.constant 0 : index
    %get3A_14 = arith.constant 0 : index
    %get3A_15 = vector.load %arg1[%get3A_13, %get3A_14] : memref<2000x128xf32, #tpu.memory_space<vmem>>, vector<2000x128xf32>
    %get3A_16 = arith.constant 0 : index
    %get3A_17 = arith.constant 0 : index
    %get3A_18 = vector.load %arg6[%get3A_16, %get3A_17] : memref<128x128xf32, #tpu.memory_space<vmem>>, vector<128x128xf32>
    %dot_general3A = arith.constant dense<0.000000e+00> : vector<2000x128xf32>
    %dot_general3A_19 = tpu.matmul %get3A_15, %get3A_18, %dot_general3A {dimension_numbers = #tpu.dot_dimension_numbers<[1], [0], [0], [1], [0, 0, 1, 1], [], []>, transpose_lhs_hint = false} : vector<2000x128xf32>, vector<128x128xf32>, vector<2000x128xf32> -> vector<2000x128xf32>
    %get3A_20 = arith.constant 0 : index
    %get3A_21 = arith.constant 0 : index
    %get3A_22 = vector.load %arg7[%get3A_20, %get3A_21] : memref<128x128xf32, #tpu.memory_space<vmem>>, vector<128x128xf32>
    %dot_general3A_23 = arith.constant dense<0.000000e+00> : vector<2000x128xf32>
    %dot_general3A_24 = tpu.matmul %add3A_12, %get3A_22, %dot_general3A_23 {dimension_numbers = #tpu.dot_dimension_numbers<[1], [0], [0], [1], [0, 0, 1, 1], [], []>, transpose_lhs_hint = false} : vector<2000x128xf32>, vector<128x128xf32>, vector<2000x128xf32> -> vector<2000x128xf32>
    %add3A_25 = arith.addf %dot_general3A_19, %dot_general3A_24 : vector<2000x128xf32>
    %get3A_26 = arith.constant 0 : index
    %get3A_27 = arith.constant 0 : index
    %get3A_28 = vector.load %arg8[%get3A_26, %get3A_27] : memref<1x128xf32, #tpu.memory_space<vmem>>, vector<1x128xf32>
    %add3A_29 = vector.broadcast %get3A_28 : vector<1x128xf32> to vector<2000x128xf32>
    %add3A_30 = arith.addf %add3A_25, %add3A_29 : vector<2000x128xf32>
    %max3A = arith.constant 0.000000e+00 : f32
    %max3A_31 = vector.broadcast %max3A : f32 to vector<2000x128xf32>
    %max3A_32 = arith.maximumf %add3A_30, %max3A_31 : vector<2000x128xf32>
    %get3A_33 = arith.constant 0 : index
    %get3A_34 = arith.constant 0 : index
    %get3A_35 = vector.load %arg9[%get3A_33, %get3A_34] : memref<128x128xf32, #tpu.memory_space<vmem>>, vector<128x128xf32>
    %dot_general3A_36 = arith.constant dense<0.000000e+00> : vector<2000x128xf32>
    %dot_general3A_37 = tpu.matmul %max3A_32, %get3A_35, %dot_general3A_36 {dimension_numbers = #tpu.dot_dimension_numbers<[1], [0], [0], [1], [0, 0, 1, 1], [], []>, transpose_lhs_hint = false} : vector<2000x128xf32>, vector<128x128xf32>, vector<2000x128xf32> -> vector<2000x128xf32>
    %get3A_38 = arith.constant 0 : index
    %get3A_39 = arith.constant 0 : index
    %get3A_40 = vector.load %arg10[%get3A_38, %get3A_39] : memref<1x128xf32, #tpu.memory_space<vmem>>, vector<1x128xf32>
    %add3A_41 = vector.broadcast %get3A_40 : vector<1x128xf32> to vector<2000x128xf32>
    %add3A_42 = arith.addf %dot_general3A_37, %add3A_41 : vector<2000x128xf32>
    %swap3A = arith.constant 0 : index
    %swap3A_43 = arith.constant 0 : index
    %swap3A_44 = vector.load %arg11[%swap3A, %swap3A_43] : memref<2000x128xf32, #tpu.memory_space<vmem>>, vector<2000x128xf32>
    tpu.vector_store %arg11[%swap3A, %swap3A_43], %add3A_42 {strides = array<i32>} : memref<2000x128xf32, #tpu.memory_space<vmem>>, vector<2000x128xf32>,
    return
  }
  func.func @transform_0(%arg0: i32) -> (i32, i32) {
    %c0_i32 = arith.constant 0 : i32
    %c0_i32_0 = arith.constant 0 : i32
    return %arg0, %c0_i32 : i32, i32
  }
  func.func @transform_1(%arg0: i32) -> (i32, i32) {
    %c0_i32 = arith.constant 0 : i32
    %c0_i32_0 = arith.constant 0 : i32
    return %arg0, %c0_i32 : i32, i32
  }
  func.func @transform_2(%arg0: i32) -> (i32, i32) {
    %c0_i32 = arith.constant 0 : i32
    %c0_i32_0 = arith.constant 0 : i32
    return %arg0, %c0_i32 : i32, i32
  }
  func.func @transform_3(%arg0: i32) -> (i32, i32) {
    %c0_i32 = arith.constant 0 : i32
    %c0_i32_0 = arith.constant 0 : i32
    return %arg0, %c0_i32 : i32, i32
  }
  func.func @transform_4(%arg0: i32) -> (i32, i32) {
    %c0_i32 = arith.constant 0 : i32
    %c0_i32_0 = arith.constant 0 : i32
    return %arg0, %c0_i32 : i32, i32
  }
  func.func @transform_5(%arg0: i32) -> (i32, i32) {
    %c0_i32 = arith.constant 0 : i32
    %c0_i32_0 = arith.constant 0 : i32
    %c0_i32_1 = arith.constant 0 : i32
    return %c0_i32, %c0_i32_0 : i32, i32
  }
  func.func @transform_6(%arg0: i32) -> (i32, i32) {
    %c0_i32 = arith.constant 0 : i32
    %c0_i32_0 = arith.constant 0 : i32
    %c0_i32_1 = arith.constant 0 : i32
    return %c0_i32, %c0_i32_0 : i32, i32
  }
  func.func @transform_7(%arg0: i32) -> (i32, i32) {
    %c0_i32 = arith.constant 0 : i32
    %c0_i32_0 = arith.constant 0 : i32
    %c0_i32_1 = arith.constant 0 : i32
    return %c0_i32, %c0_i32_0 : i32, i32
  }
  func.func @transform_8(%arg0: i32) -> (i32, i32) {
    %c0_i32 = arith.constant 0 : i32
    %c0_i32_0 = arith.constant 0 : i32
    %c0_i32_1 = arith.constant 0 : i32
    return %c0_i32, %c0_i32_0 : i32, i32
  }
  func.func @transform_9(%arg0: i32) -> (i32, i32) {
    %c0_i32 = arith.constant 0 : i32
    %c0_i32_0 = arith.constant 0 : i32
    %c0_i32_1 = arith.constant 0 : i32
    return %c0_i32, %c0_i32_0 : i32, i32
  }
  func.func @transform_10(%arg0: i32) -> (i32, i32) {
    %c0_i32 = arith.constant 0 : i32
    %c0_i32_0 = arith.constant 0 : i32
    return %arg0, %c0_i32 : i32, i32
  }
}

</mosaic_0001>

<sc_bundles>
// kernel: kernel.10.cloned.1.call-start
scs
__scs_entry_jumppad:
0x0: {  	(pc) =	sbr.rel $0x88, $3  }
0x1: {  	(tag) =	ssettag $0x0;
	lr =	simm.s32 $0x1  }
0x2: {  	[smem:$0x3F97] =	sst lr;
	_ =	strace $0xD0000000  }
0x3: {  	_ = 	snop  }
0x4: {  	_ = 	snop  }
0x5: {  	_ = 	snop  }
0x6: {  	_ = 	snop  }
0x7: {  	_ = 	snop  }
__scs_overlays_trampoline_lowered:
0x8: {  	[smem:$0x3FA6] =	sst s0  }
0x9: {  	[smem:$0x3FA7] =	sst s1  }
0xa: {  	[smem:$0x3FA8] =	sst s2  }
0xb: {  	[smem:$0x3FA9] =	sst s3  }
0xc: {  	[smem:$0x3FAA] =	sst s4  }
0xd: {  	[smem:$0x3FAB] =	sst s5  }
0xe: {  	[smem:$0x3FAC] =	sst s6  }
0xf: {  	[smem:$0x3FAD] =	sst s7  }
0x10: {  	[smem:$0x3FAE] =	sst s8  }
0x11: {  	[smem:$0x3FAF] =	sst s9;
	s0 =	simm.s32 @!p0 $0x0  }
0x12: {  	s1 =	sld [smem:$0x3F95];
	s0 =	simm.s32 @p0 $0x1  }
0x13: {  	[smem:$0x3FB0] =	sst s0;
	s0 =	simm.s32 @!p1 $0x0  }
0x14: {  	s2 =	sld [smem:$0x3F94];
	s0 =	simm.s32 @p1 $0x1  }
0x15: {  	[smem:$0x3FB1] =	sst s0;
	s0 =	simm.s32 @!p2 $0x0  }
0x16: {  	s3 =	sld [smem:$0x3FDB];
	s0 =	simm.s32 @p2 $0x1  }
0x17: {  	s4 =	simm.s32 $0x1BF5;
	[smem:$0x3FB3] =	sst s0  }
0x18: {  	s0 =	sld [smem:$0x3F96];
	_ =	swait.ge [sflag:s4], $0x0  }
0x19: {  	s7 =	sld [smem:$0x3F97]  }
0x1a: {  	s8 =	sadd.s32 $0xFFFFE003, lr  }
0x1b: {  	s9 =	sadd.s32 $0xFFFFFEF7, lr;
	s5 =	simm.s32 $0xFFFFFFFF;
	p2 =	slt.u32 s8, $0xFFFFF086  }
0x1c: {  	p1 =	slt.u32 s9, $0xF7A;
	s5 =	simm.s32 @!p2 $0x0  }
0x1d: {  	s5 =	simm.s32 @p1 $0x1;
	p0 =	seq.s32 s7, s2  }
0x1e: {  	s7 =	smul.u32 @!p0 $0xF7A, s2;
	p2 =	seq.s32 @!p0 s5, $0x0  }
0x1f: {  	s9 =	smul.u32 $0xF7A, s1;
	s8 =	simm.s32 @!p0 $0x1BF5;
	p2 =	por !p2, p0  }
0x20: {  	[sflag:s8] =	ssyncset.s32 @!p0 $0xFFFFF086;
	s6 =	sadd.s32 @!p0 s3, s7;
	s7 =	simm.s32 @!p0 $0x108  }
0x21: {  	s3 =	sadd.s32 s3, s9;
	s6 =	sadd.s32 @!p0 $0x88, s6;
	s7 =	simm.s32 @p2 $0x1082  }
0x22: {  	[simem:s7], [sflag:s8] =	dma.local @!p0 [hbm:s6], $0xF7A  }
0x23: {  	s9 =	sor.u32 $0xD0000000, s2;
	s6 =	simm.s32 $0x108;
	_ =	swait.ge @!p0 [sflag:s8], $0x0  }
0x24: {  	s3 =	sadd.s32 $0x88, s3;
	s6 =	simm.s32 @!p1 $0x1082;
	[sflag:s4] =	ssyncset.s32 $0xFFFFF086  }
0x25: {  	[simem:s6], [sflag:s4] =	dma.local [hbm:s3], $0xF7A  }
0x26: {  	[smem:$0x3F97] =	sst s1;
	(tag) =	ssettag s2;
	_ =	strace s9  }
0x27: {  	s1 =	sld [smem:$0x3FA7]  }
0x28: {  	s2 =	sld [smem:$0x3FA8]  }
0x29: {  	s4 =	sld [smem:$0x3FAA]  }
0x2a: {  	p0 =	seq.s32 s5, $0x0;
	s5 =	sld [smem:$0x3FAB]  }
0x2b: {  	s6 =	sld [smem:$0x3FAC]  }
0x2c: {  	s7 =	sld [smem:$0x3FAD]  }
0x2d: {  	s3 =	simm.s32 $0x108;
	s8 =	sld [smem:$0x3FAE]  }
0x2e: {  	s3 =	simm.s32 @!p0 $0x1082;
	s9 =	sld [smem:$0x3FAF]  }
0x2f: {  	lr =	sadd.s32 s0, s3;
	s0 =	sld [smem:$0x3FA6]  }
0x30: {  	s3 =	sld [smem:$0x3FA9]  }
0x31: {  	[smem:$0x3FB2] =	sst s10  }
0x32: {  	s10 =	sld [smem:$0x3FB0];
	_ =	sdelay $0x3  }
0x33: {  	p0 =	seq.s32 s10, $0x1;
	s10 =	sld [smem:$0x3FB2];
	_ =	sdelay $0x3  }
0x34: {  	[smem:$0x3FB2] =	sst s10  }
0x35: {  	s10 =	sld [smem:$0x3FB1];
	_ =	sdelay $0x3  }
0x36: {  	p1 =	seq.s32 s10, $0x1;
	s10 =	sld [smem:$0x3FB2];
	_ =	sdelay $0x3  }
0x37: {  	[smem:$0x3FB2] =	sst s10  }
0x38: {  	s10 =	sld [smem:$0x3FB3]  }
0x39: {  	_ = 	snop;
	(pc) =	sbr.ind lr, $3  }
0x3a: {  	_ = 	snop  }
0x3b: {  	_ = 	snop  }
0x3c: {  	p2 =	seq.s32 s10, $0x1;
	s10 =	sld [smem:$0x3FB2]  }
0x3d: {  	_ =	shalt  }
0x3e: {  	_ =	shalt  }
0x3f: {  	_ =	shalt  }
0x40: {  	_ =	shalt  }
0x41: {  	_ =	shalt  }
0x42: {  	_ =	shalt  }
0x43: {  	_ =	shalt  }
0x44: {  	_ =	shalt  }
0x45: {  	_ =	shalt  }
0x46: {  	_ =	shalt  }
0x47: {  	_ =	shalt  }
0x48: {  	_ =	shalt  }
0x49: {  	_ =	shalt  }
0x4a: {  	_ =	shalt  }
0x4b: {  	_ =	shalt  }
0x4c: {  	_ =	shalt  }
0x4d: {  	_ =	shalt  }
0x4e: {  	_ =	shalt  }
0x4f: {  	_ =	shalt  }
0x50: {  	_ =	shalt  }
0x51: {  	_ =	shalt  }
0x52: {  	_ =	shalt  }
0x53: {  	_ =	shalt  }
0x54: {  	_ =	shalt  }
0x55: {  	_ =	shalt  }
0x56: {  	_ =	shalt  }
0x57: {  	_ =	shalt  }
0x58: {  	_ =	shalt  }
0x59: {  	_ =	shalt  }
0x5a: {  	_ =	shalt  }
0x5b: {  	_ =	shalt  }
0x5c: {  	_ =	shalt  }
0x5d: {  	_ =	shalt  }
0x5e: {  	_ =	shalt  }
0x5f: {  	_ =	shalt  }
0x60: {  	_ =	shalt  }
0x61: {  	_ =	shalt  }
0x62: {  	_ =	shalt  }
0x63: {  	_ =	shalt  }
0x64: {  	_ =	shalt  }
0x65: {  	_ =	shalt  }
0x66: {  	_ =	shalt  }
0x67: {  	_ =	shalt  }
0x68: {  	_ =	shalt  }
0x69: {  	_ =	shalt  }
0x6a: {  	_ =	shalt  }
0x6b: {  	_ =	shalt  }
0x6c: {  	_ =	shalt  }
0x6d: {  	_ =	shalt  }
0x6e: {  	_ =	shalt  }
0x6f: {  	_ =	shalt  }
0x70: {  	_ =	shalt  }
0x71: {  	_ =	shalt  }
0x72: {  	_ =	shalt  }
0x73: {  	_ =	shalt  }
0x74: {  	_ =	shalt  }
0x75: {  	_ =	shalt  }
0x76: {  	_ =	shalt  }
0x77: {  	_ =	shalt  }
0x78: {  	_ =	shalt  }
0x79: {  	_ =	shalt  }
0x7a: {  	_ =	shalt  }
0x7b: {  	_ =	shalt  }
0x7c: {  	_ =	shalt  }
0x7d: {  	_ =	shalt  }
0x7e: {  	_ =	shalt  }
0x7f: {  	_ =	shalt  }
0x80: {  	_ =	shalt  }
0x81: {  	_ =	shalt  }
0x82: {  	_ =	shalt  }
0x83: {  	_ =	shalt  }
0x84: {  	_ =	shalt  }
0x85: {  	_ =	shalt  }
0x86: {  	_ =	shalt  }
0x87: {  	_ =	shalt  }
.Lfunc_end0:
.L_simem_size_0:
called_computation_lowered:
.L_overlay_start_0:
0x88: {  	s2 =	sld [smem:$0x3FD9]  }
0x89: {  	s3 =	sld [smem:$0x3FFE];
	_ =	sdelay $0x1  }
0x8a: {  	s1 =	srdreg.scid  }
0x8b: {  	s0 =	sand.u32 $0x1, s1  }
0x8c: {  	s15 =	sshll.u32 s0, $0xA;
	s2 =	sadd.s32 s3, s2  }
0x8d: {  	s2 =	sadd.s32 s2, s15  }
0x8e: {  	[smem:$0x3FBE] =	sst s2  }
0x8f: {  	_ = 	snop  }
0x90: {  	s2 =	sld [smem:$0x3FD0];
	_ =	sdelay $0x2  }
0x91: {  	s16 =	simm.s32 $0xB;
	s4 =	simm.s32 $0x10  }
0x92: {  	[smem:s4], [sflag:s16] =	dma.local [hbm:s2], $0x1  }
0x93: {  	_ =	swait.eq [sflag:s16], $0x1  }
0x94: {  	[sflag:s16] =	ssyncset.done $0x0  }
0x95: {  	[sflag:s16] =	ssyncadd.s32 $0xFFFFFFFF  }
0x96: {  	s17 =	sld [smem:$0x10];
	(tm) =	ssettm $0x1  }
0x97: {  	s18 =	sld [smem:$0x3FFB];
	_ =	sdelay $0x3  }
0x98: {  	_ =	strace s18  }
0x99: {  	s2 =	sld [smem:$0x3FFC];
	_ =	sdelay $0x3  }
0x9a: {  	_ =	strace s2  }
0x9b: {  	s2 =	sld [smem:$0x3FFD];
	_ =	sdelay $0x3  }
0x9c: {  	_ =	strace s2  }
0x9d: {  	_ =	strace $0x8FFFFFFF  }
0x9e: {  	s19 =	sld [smem:$0x3FDB];
	_ =	sdelay $0x1  }
0x9f: {  	s20 =	simm.s32 $_scs_section_size  }
0xa0: {  	s5 =	simm.s32 $_size__tile_overlayer_lowered;
	s6 =	simm.s32 $_tile_overlayer_lowered  }
0xa1: {  	s7 =	simm.s32 $0x1BFF;
	s21 =	sshll.u32 s6, $0x1;
	s4 =	sadd.s32 s20, s19  }
0xa2: {  	s22 =	simm.s32 $0x0;
	s5 =	sshll.u32 s5, $0x1;
	s6 =	sadd.s32 s21, s4  }
0xa3: {  	[timem:s22], [sflag:s7] =	dma.local [hbm:s6], s5  }
0xa4: {  	_ =	swait.ge [sflag:s7], s5  }
0xa5: {  	s5 =	ssub.s32 $0x0, s5;
	[sflag:s7] =	ssyncset.done $0x0  }
0xa6: {  	[sflag:s7] =	ssyncadd.s32 s5;
	_ =	sdelay $0x1  }
0xa7: {  	s23 =	simm.s32 $0x1B8B  }
0xa8: {  	_ =	swait.ge [sflag:s23], $0x1  }
0xa9: {  	[sflag:s23] =	ssyncset.done $0x0  }
0xaa: {  	[sflag:s23] =	ssyncadd.s32 $0xFFFFFFFF  }
0xab: {  	s5 =	sld [smem:$0x0]  }
0xac: {  	s6 =	sand.u32 $0xFFFFFFFE, s1  }
0xad: {  	p0 =	sne.s32 s1, s6  }
0xae: {  	s6 =	sshll.u32 @p0 s6, $0xE  }
0xaf: {  	s6 =	sadd.s32 @p0 $0x11B8D, s6;
	s7 =	sshll.u32 @p0 s5, $0x11  }
0xb0: {  	s6 =	sor.u32 @p0 s7, s6  }
0xb1: {  	[sflag:s6] =	ssyncadd.remote.s32 @p0 $0x1;
	_ =	sdelay $0x1  }
0xb2: {  	s6 =	simm.s32 @p0 $0x1B8D  }
0xb3: {  	_ =	swait.eq @p0 [sflag:s6], $0x1  }
0xb4: {  	[sflag:s6] =	ssyncadd.s32 @p0 $0xFFFFFFFF  }
0xb5: {  	s7 =	sshll.u32 @!p0 s1, $0xE  }
0xb6: {  	s7 =	sor.u32 @!p0 $0x4000, s7;
	s6 =	simm.s32 @!p0 $0x1B8D  }
0xb7: {  	s5 =	sshll.u32 @!p0 s5, $0x11;
	s7 =	sadd.s32 @!p0 $0x11B8D, s7;
	_ =	swait.eq @!p0 [sflag:s6], $0x1  }
0xb8: {  	s5 =	sor.u32 @!p0 s5, s7;
	[sflag:s6] =	ssyncadd.s32 @!p0 $0xFFFFFFFF  }
0xb9: {  	s25 =	simm.s32 $0x1B8E;
	s24 =	sld [smem:$0x3FFE];
	[sflag:s5] =	ssyncadd.remote.s32 @!p0 $0x1  }
0xba: {  	s26 =	simm.s32 $execute0_lowered;
	[smem:$0x3FD2] =	sst s25  }
0xbb: {  	s6 =	sshll.u32 s26, $0x1;
	_ =	strace $0x80000049;
	[dreg:$0x1] =	wrdreg $0xFFFFFFFF  }
0xbc: {  	s28 =	simm.s32 $_size_execute0_lowered;
	s4 =	sadd.s32 s4, s6;
	[dreg:$0x0] =	wrdreg $0x0  }
0xbd: {  	s6 =	sshll.u32 s28, $0x1;
	[dreg:$0x2] =	wrdreg s4  }
0xbe: {  	[dreg:$0x3] =	wrdreg s6  }
0xbf: {  	[dreg:$0x4] =	wrdreg $0xC0  }
0xc0: {  	_ =	task [dreg:s22], $0x5FFFF  }
0xc1: {  	[dreg:$0x1] =	wrdreg $0xFFFFFFFF  }
0xc2: {  	[dreg:$0x0] =	wrdreg $0x60  }
0xc3: {  	[dreg:$0x2] =	wrdreg s17  }
0xc4: {  	[dreg:$0x3] =	wrdreg s24  }
0xc5: {  	[dreg:$0x4] =	wrdreg $0x9  }
0xc6: {  	_ =	task.clear_ibuf [dreg:s22], $0x5FFFF;
	_ =	strace $0x90000049  }
0xc7: {  	s29 =	simm.s32 $0x9;
	_ =	strace $0x8000004B  }
0xc8: {  	_ =	swait.ge [sflag:s29], $0x1  }
0xc9: {  	[sflag:s29] =	ssyncadd.s32 $0xFFFFFFFF  }
0xca: {  	_ =	strace $0x9000004B  }
0xcb: {  	_ =	sfence  }
0xcc: {  	s30 =	sld [smem:$0x0];
	_ =	sdelay $0x2  }
0xcd: {  	s31 =	sshll.u32 s1, $0xD;
	s1 =	sshrl.u32 s1, $0x2  }
0xce: {  	s4 =	sand.u32 $0x4000, s31;
	s1 =	sadd.s32 s1, s30  }
0xcf: {  	s0 =	sor.u32 s4, s0;
	s1 =	sshll.u32 s1, $0x11  }
0xd0: {  	s0 =	sor.u32 s1, s0  }
0xd1: {  	s0 =	sadd.s32 $0x8F2B, s0  }
0xd2: {  	[sflag:s0] =	ssyncadd.remote.s32 $0x1  }
0xd3: {  	_ =	sfence.sel $0xFFFF  }
0xd4: {  	[dreg:$0x0] =	wrdreg $0xFFFFFFFF;
	(pc) =	sbr.abs _section_cstart, $3  }
0xd5: {  	[dreg:$0x1] =	wrdreg $0xFFFFFFFF  }
0xd6: {  	_ =	task.clear_ibuf [dreg:s22], $0x2FFFF;
	_ =	strace $0x9FFFFFFF  }
0xd7: {  	(tm) =	ssettm $0x7FFFFFFF  }
tec
execute0_lowered:
.L_overlay_start_1:
0x0: {  	(tag) =	ssettag $0x1  }
0x1: {  	s2 =	rddreg [dreg:$0x0]  }
0x2: {  	s0 =	srdreg.scid;
	s10 =	stileid.u32  }
0x3: {  	s1 =	rddreg [dreg:$0x1];
	s3 =	simm.s32 $0x0;
	s14 =	simm.s32 $0x28  }
0x4: {  	s15 =	simm.s32 $0x2800;
	s16 =	simm.s32 $0x7800;
	s28 =	simm.s32 $0xB400  }
0x5: {  	s29 =	simm.s32 $0x1;
	s30 =	simm.s32 $0x5;
	s31 =	simm.s32 $0x9  }
0x6: {  	s18 =	simm.s32 $0x6;
	s20 =	simm.s32 $0x3;
	s13 =	simm.s32 $0x10  }
0x7: {  	s0 =	sand.u32 $0x1, s0;
	s4 =	sshll.u32 s10, $0x1;
	[smem:$0x7FF] =	sst s3  }
0x8: {  	s8 =	sadd.s32 $0x520200, s1;
	s23 =	smul.u32 $0x27100, s10;
	s5 =	sor.u32 s0, s4  }
0x9: {  	_ =	strace $0x8000004A;
	s7 =	ssub.s32 $0x2, s0;
	s0 =	smul.u32 $0x13880, s0  }
0xa: {  	s4 =	sadd.s32 $0xD000, s1;
	s6 =	smul.u32 $0x1388, s5;
	s9 =	sshrl.u32 s7, $0x1  }
0xb: {  	s5 =	smul.u32 $0x9C400, s5;
	s25 =	sadd.s32 s23, s8;
	s7 =	ssub.s32 s7, s9  }
0xc: {  	s10 =	sadd.s32 s0, s25;
	s25 =	simm.s32 $0x6400;
	s6 =	sshrl.u32 s6, $0x3  }
0xd: {  	s5 =	sshrl.u32 s5, $0x3;
	s26 =	smax.u32 s7, $0x1;
	s6 =	sadd.s32 s6, s1  }
0xe: {  	s1 =	sadd.s32 $0x791200, s1;
	[dreg:$0x7] =	wrdreg s26;
	s22 =	sadd.s32 $0x51B200, s6  }
0xf: {  	s5 =	sadd.s32 $0x13600, s5;
	s6 =	sadd.s32 $0x516200, s6;
	[dreg:$0x3] =	wrdreg s22  }
.Ltmp0:
0x10: {  	s24 =	sadd.s32 s8, s5;
	[dreg:$0x4] =	wrdreg s6;
	(pc) =	sbr.rel .LBB2_1-.Ltmp0, $4  }
0x11: {  	s9 =	simm.s32 $0xC;
	s5 =	sadd.s32 s1, s5;
	[dreg:$0x5] =	wrdreg s24  }
0x12: {  	s26 =	simm.s32 $0x8;
	s1 =	sadd.s32 s23, s1;
	[dreg:$0x6] =	wrdreg s5  }
0x13: {  	s11 =	sadd.s32 s0, s1;
	s1 =	simm.s32 $0xD;
	s0 =	simm.s32 $0x2  }
0x14: {  	s22 =	simm.s32 $0x7;
	s24 =	simm.s32 $0x4;
	s6 =	simm.s32 $0x0  }
.LBB2_4:
0x15: {  	_ =	swait.ge [sflag:s29], $0x1400  }
0x16: {  	[sflag:s29] =	ssyncset.done $0x0  }
0x17: {  	[sflag:s29] =	ssyncadd.s32 $0xFFFFEC00  }
0x18: {  	_ =	swait.ge [sflag:s30], $0x1400  }
0x19: {  	[sflag:s30] =	ssyncset.done $0x0  }
0x1a: {  	s5 =	rddreg [dreg:$0x5];
	[sflag:s30] =	ssyncadd.s32 $0xFFFFEC00  }
0x1b: {  	[hbm4b:s5+s3] =	stream.linear.scatter [tilespmem:s15], [sflag:$0x9], $0x1400, $0x38;
	[tilespmem:$0xC800] =	vst v63  }
0x1c: {  	s8 =	rddreg [dreg:$0x6]  }
0x1d: {  	[hbm4b:s8+s3] =	stream.linear.scatter [tilespmem:s16], [sflag:$0xD], $0x1400, $0x38;
	[tilespmem:$0xC800] =	vst v63  }
0x1e: {  	_ =	swait.ge [sflag:s31], $0x1400  }
0x1f: {  	[sflag:s31] =	ssyncset.done $0x0  }
0x20: {  	[sflag:s31] =	ssyncadd.s32 $0xFFFFEC00  }
0x21: {  	_ =	swait.ge [sflag:s1], $0x1400  }
0x22: {  	[sflag:s1] =	ssyncset.done $0x0  }
0x23: {  	s12 =	simm.s32 $0xA;
	[sflag:s1] =	ssyncadd.s32 $0xFFFFEC00  }
0x24: {  	_ =	swait.ge [sflag:s12], $0x1400  }
0x25: {  	[sflag:s12] =	ssyncset.done $0x0  }
0x26: {  	s17 =	simm.s32 $0xE;
	[sflag:s12] =	ssyncadd.s32 $0xFFFFEC00  }
0x27: {  	_ =	swait.ge [sflag:s17], $0x1400  }
0x28: {  	[sflag:s17] =	ssyncset.done $0x0  }
0x29: {  	s19 =	simm.s32 $0xB;
	[sflag:s17] =	ssyncadd.s32 $0xFFFFEC00  }
0x2a: {  	_ =	swait.ge [sflag:s19], $0x1400  }
0x2b: {  	[sflag:s19] =	ssyncset.done $0x0  }
0x2c: {  	s21 =	simm.s32 $0xF;
	[sflag:s19] =	ssyncadd.s32 $0xFFFFEC00  }
0x2d: {  	_ =	swait.ge [sflag:s21], $0x1400  }
0x2e: {  	[sflag:s21] =	ssyncset.done $0x0  }
0x2f: {  	[sflag:s21] =	ssyncadd.s32 $0xFFFFEC00  }
0x30: {  	_ =	swait.ge [sflag:s9], $0x1400  }
0x31: {  	[sflag:s9] =	ssyncset.done $0x0  }
0x32: {  	[sflag:s9] =	ssyncadd.s32 $0xFFFFEC00  }
0x33: {  	_ =	swait.ge [sflag:s13], $0x1400  }
0x34: {  	s6 =	rddreg [dreg:$0x8]  }
0x35: {  	s23 =	rddreg [dreg:$0x7];
	s6 =	sadd.s32 $0x1, s6  }
0x36: {  	p0 =	sne.s32 s6, s23  }
.Ltmp1:
0x37: {  	_ = 	snop;
	(pc) =	sbr.rel @!p0 .LBB2_5-.Ltmp1, $3  }
0x38: {  	_ =	sdelay $0x1  }
0x39: {  	[sflag:s13] =	ssyncset.done $0x0  }
0x3a: {  	[sflag:s13] =	ssyncadd.s32 $0xFFFFEC00  }
.LBB2_1:
0x3b: {  	[dreg:$0x8] =	wrdreg s6  }
0x3c: {  	s5 =	rddreg [dreg:$0x3];
	s19 =	simm.s32 $0x11  }
0x3d: {  	[tilespmem:s3], [sflag:$0x11] =	stream.linear.gather [hbm4b:s5+s3], $0x1388, $0x38;
	[tilespmem:$0xC800] =	vst v63  }
0x3e: {  	_ =	swait.ge [sflag:s19], $0x1388  }
0x3f: {  	[sflag:s19] =	ssyncset.done $0x0  }
0x40: {  	s7 =	simm.s32 $0x1400;
	s21 =	rddreg [dreg:$0x4];
	[sflag:s19] =	ssyncadd.s32 $0xFFFFEC78  }
0x41: {  	[tilespmem:s7], [sflag:$0x11] =	stream.linear.gather [hbm4b:s21+s3], $0x1388, $0x38;
	[tilespmem:$0xC800] =	vst v63  }
0x42: {  	_ =	swait.ge [sflag:s19], $0x1388  }
0x43: {  	[sflag:s19] =	ssyncset.done $0x0  }
0x44: {  	[sflag:s19] =	ssyncadd.s32 $0xFFFFEC78  }
0x45: {  	[tilespmem:s15], [sflag:$0x1] =	stream.indirect.gather [hbm4b:s2+s14], $0x80, s3, s14, $0xb8;
	[tilespmem:$0xC800] =	vst v63  }
0x46: {  	_ = 	snop  }
0x47: {  	[tilespmem:s16], [sflag:$0x5] =	stream.indirect.gather [hbm4b:s4+s14], $0x80, s7, s14, $0xb8;
	[tilespmem:$0xC800] =	vst v63  }
0x48: {  	s23 =	simm.s32 $0x3C00  }
0x49: {  	[tilespmem:s23], [sflag:$0x2] =	stream.indirect.gather [hbm4b:s2+s14], $0x80, s14, s14, $0xb8;
	[tilespmem:$0xC800] =	vst v63  }
0x4a: {  	s6 =	simm.s32 $0x1428;
	s7 =	simm.s32 $0x8C00  }
0x4b: {  	[tilespmem:s7], [sflag:$0x6] =	stream.indirect.gather [hbm4b:s4+s14], $0x80, s6, s14, $0xb8;
	[tilespmem:$0xC800] =	vst v63  }
0x4c: {  	s8 =	simm.s32 $0x50;
	s12 =	simm.s32 $0x5000  }
0x4d: {  	[tilespmem:s12], [sflag:$0x3] =	stream.indirect.gather [hbm4b:s2+s14], $0x80, s8, s14, $0xb8;
	[tilespmem:$0xC800] =	vst v63  }
0x4e: {  	s17 =	simm.s32 $0x1450;
	s19 =	simm.s32 $0xA000  }
0x4f: {  	[tilespmem:s19], [sflag:$0x7] =	stream.indirect.gather [hbm4b:s4+s14], $0x80, s17, s14, $0xb8;
	[tilespmem:$0xC800] =	vst v63  }
0x50: {  	s21 =	simm.s32 $0x78  }
0x51: {  	[tilespmem:s25], [sflag:$0x4] =	stream.indirect.gather [hbm4b:s2+s14], $0x80, s21, s14, $0xb8;
	[tilespmem:$0xC800] =	vst v63  }
0x52: {  	s23 =	simm.s32 $0x1478;
	s6 =	simm.s32 $0x0;
	s7 =	simm.s32 $0x0  }
0x53: {  	[tilespmem:s28], [sflag:$0x8] =	stream.indirect.gather [hbm4b:s4+s14], $0x80, s23, s14, $0xb8;
	[tilespmem:$0xC800] =	vst v63  }
.LBB2_2:
0x54: {  	_ =	swait.ge [sflag:s29], $0x1400  }
0x55: {  	[sflag:s29] =	ssyncset.done $0x0  }
0x56: {  	[sflag:s29] =	ssyncadd.s32 $0xFFFFEC00  }
0x57: {  	_ =	swait.ge [sflag:s30], $0x1400  }
0x58: {  	[sflag:s30] =	ssyncset.done $0x0  }
0x59: {  	s12 =	sadd.s32 s7, s10;
	[sflag:s30] =	ssyncadd.s32 $0xFFFFEC00  }
0x5a: {  	[hbm4b:s12+s3] =	stream.linear.scatter [tilespmem:s15], [sflag:$0x9], $0x1400, $0x38;
	[tilespmem:$0xC800] =	vst v63  }
0x5b: {  	s5 =	sadd.s32 s7, s11  }
0x5c: {  	[hbm4b:s5+s3] =	stream.linear.scatter [tilespmem:s16], [sflag:$0xD], $0x1400, $0x38;
	[tilespmem:$0xC800] =	vst v63  }
0x5d: {  	_ =	swait.ge [sflag:s31], $0x1400  }
0x5e: {  	[sflag:s31] =	ssyncset.done $0x0  }
0x5f: {  	[sflag:s31] =	ssyncadd.s32 $0xFFFFEC00  }
0x60: {  	_ =	swait.ge [sflag:s1], $0x1400  }
0x61: {  	s8 =	sshra.s32 s6, $0x2;
	[sflag:s1] =	ssyncset.done $0x0  }
0x62: {  	s17 =	sadd.s32 $0xA0, s8;
	[sflag:s1] =	ssyncadd.s32 $0xFFFFEC00  }
0x63: {  	[tilespmem:s15], [sflag:$0x1] =	stream.indirect.gather [hbm4b:s2+s14], $0x80, s17, s14, $0xb8;
	[tilespmem:$0xC800] =	vst v63  }
0x64: {  	s21 =	sadd.s32 $0x14A0, s8  }
0x65: {  	[tilespmem:s16], [sflag:$0x5] =	stream.indirect.gather [hbm4b:s4+s14], $0x80, s21, s14, $0xb8;
	[tilespmem:$0xC800] =	vst v63  }
0x66: {  	_ =	swait.ge [sflag:s0], $0x1400  }
0x67: {  	[sflag:s0] =	ssyncset.done $0x0  }
0x68: {  	[sflag:s0] =	ssyncadd.s32 $0xFFFFEC00  }
0x69: {  	_ =	swait.ge [sflag:s18], $0x1400  }
0x6a: {  	s19 =	simm.s32 $0x3C00;
	[sflag:s18] =	ssyncset.done $0x0  }
0x6b: {  	p0 =	seq.s32 s7, $0x12C00;
	s23 =	sadd.s32 $0x280, s12;
	[sflag:s18] =	ssyncadd.s32 $0xFFFFEC00  }
0x6c: {  	[hbm4b:s23+s3] =	stream.linear.scatter [tilespmem:s19], [sflag:$0xA], $0x1400, $0x38;
	[tilespmem:$0xC800] =	vst v63  }
0x6d: {  	s17 =	simm.s32 @!p0 $0xA;
	s21 =	sadd.s32 $0x280, s5;
	s23 =	simm.s32 $0x8C00  }
0x6e: {  	[hbm4b:s21+s3] =	stream.linear.scatter [tilespmem:s23], [sflag:$0xE], $0x1400, $0x38;
	[tilespmem:$0xC800] =	vst v63  }
0x6f: {  	_ =	swait.ge @!p0 [sflag:s17], $0x1400  }
0x70: {  	[sflag:s17] =	ssyncset.done @!p0 $0x0  }
0x71: {  	[sflag:s17] =	ssyncadd.s32 @!p0 $0xFFFFEC00;
	s17 =	simm.s32 @!p0 $0xE  }
0x72: {  	_ =	swait.ge @!p0 [sflag:s17], $0x1400  }
0x73: {  	[sflag:s17] =	ssyncset.done @!p0 $0x0  }
0x74: {  	[sflag:s17] =	ssyncadd.s32 @!p0 $0xFFFFEC00;
	s17 =	sshra.s32 @!p0 s6, $0x2  }
0x75: {  	s21 =	simm.s32 @!p0 $0x28;
	s23 =	simm.s32 @!p0 $0x3C00;
	s19 =	sadd.s32 @!p0 $0xC8, s17  }
0x76: {  	[tilespmem:s23], [sflag:$0x2] =	stream.indirect.gather @!p0 [hbm4b:s2+s21], $0x80, s19, s21, $0xb8;
	[tilespmem:$0xC800] =	vst v63  }
0x77: {  	s19 =	sadd.s32 @!p0 $0x14C8, s17;
	s23 =	simm.s32 @!p0 $0x8C00  }
0x78: {  	[tilespmem:s23], [sflag:$0x6] =	stream.indirect.gather @!p0 [hbm4b:s4+s21], $0x80, s19, s21, $0xb8;
	[tilespmem:$0xC800] =	vst v63  }
0x79: {  	_ =	swait.ge [sflag:s20], $0x1400  }
0x7a: {  	[sflag:s20] =	ssyncset.done $0x0  }
0x7b: {  	[sflag:s20] =	ssyncadd.s32 $0xFFFFEC00  }
0x7c: {  	_ =	swait.ge [sflag:s22], $0x1400  }
0x7d: {  	[sflag:s22] =	ssyncset.done $0x0  }
0x7e: {  	s19 =	sadd.s32 $0x500, s12;
	s23 =	simm.s32 $0x5000;
	[sflag:s22] =	ssyncadd.s32 $0xFFFFEC00  }
0x7f: {  	[hbm4b:s19+s3] =	stream.linear.scatter [tilespmem:s23], [sflag:$0xB], $0x1400, $0x38;
	[tilespmem:$0xC800] =	vst v63  }
0x80: {  	s19 =	sadd.s32 $0x500, s5;
	s23 =	simm.s32 $0xA000  }
0x81: {  	[hbm4b:s19+s3] =	stream.linear.scatter [tilespmem:s23], [sflag:$0xF], $0x1400, $0x38;
	[tilespmem:$0xC800] =	vst v63  }
0x82: {  	s19 =	simm.s32 @!p0 $0xB  }
0x83: {  	_ =	swait.ge @!p0 [sflag:s19], $0x1400  }
0x84: {  	[sflag:s19] =	ssyncset.done @!p0 $0x0  }
0x85: {  	[sflag:s19] =	ssyncadd.s32 @!p0 $0xFFFFEC00;
	s19 =	simm.s32 @!p0 $0xF  }
0x86: {  	_ =	swait.ge @!p0 [sflag:s19], $0x1400  }
0x87: {  	[sflag:s19] =	ssyncset.done @!p0 $0x0  }
0x88: {  	s23 =	simm.s32 @!p0 $0x5000;
	[sflag:s19] =	ssyncadd.s32 @!p0 $0xFFFFEC00;
	s19 =	sadd.s32 @!p0 $0xF0, s17  }
0x89: {  	[tilespmem:s23], [sflag:$0x3] =	stream.indirect.gather @!p0 [hbm4b:s2+s21], $0x80, s19, s21, $0xb8;
	[tilespmem:$0xC800] =	vst v63  }
0x8a: {  	s17 =	sadd.s32 @!p0 $0x14F0, s17;
	s19 =	simm.s32 @!p0 $0xA000  }
0x8b: {  	[tilespmem:s19], [sflag:$0x7] =	stream.indirect.gather @!p0 [hbm4b:s4+s21], $0x80, s17, s21, $0xb8;
	[tilespmem:$0xC800] =	vst v63  }
0x8c: {  	_ =	swait.ge [sflag:s24], $0x1400  }
0x8d: {  	[sflag:s24] =	ssyncset.done $0x0  }
0x8e: {  	[sflag:s24] =	ssyncadd.s32 $0xFFFFEC00  }
0x8f: {  	_ =	swait.ge [sflag:s26], $0x1400  }
.Ltmp2:
0x90: {  	[sflag:s26] =	ssyncset.done $0x0;
	(pc) =	sbr.rel @p0 .LBB2_4-.Ltmp2, $4  }
0x91: {  	s12 =	sadd.s32 $0x780, s12;
	[sflag:s26] =	ssyncadd.s32 $0xFFFFEC00  }
0x92: {  	[hbm4b:s12+s3] =	stream.linear.scatter [tilespmem:s25], [sflag:$0xC], $0x1400, $0x38;
	[tilespmem:$0xC800] =	vst v63  }
0x93: {  	s5 =	sadd.s32 $0x780, s5  }
0x94: {  	[hbm4b:s5+s3] =	stream.linear.scatter [tilespmem:s28], [sflag:$0x10], $0x1400, $0x38;
	[tilespmem:$0xC800] =	vst v63  }
0x95: {  	_ =	swait.ge [sflag:s9], $0x1400  }
0x96: {  	[sflag:s9] =	ssyncset.done $0x0  }
0x97: {  	[sflag:s9] =	ssyncadd.s32 $0xFFFFEC00  }
0x98: {  	_ =	swait.ge [sflag:s13], $0x1400  }
.Ltmp3:
0x99: {  	[sflag:s13] =	ssyncset.done $0x0;
	(pc) =	sbr.rel .LBB2_2-.Ltmp3, $4  }
0x9a: {  	s5 =	sadd.s32 $0x118, s8;
	[sflag:s13] =	ssyncadd.s32 $0xFFFFEC00  }
0x9b: {  	[tilespmem:s25], [sflag:$0x4] =	stream.indirect.gather [hbm4b:s2+s14], $0x80, s5, s14, $0xb8;
	[tilespmem:$0xC800] =	vst v63  }
0x9c: {  	s23 =	sadd.s32 $0x1518, s8;
	s7 =	sadd.s32 $0xA00, s7;
	s6 =	sadd.s32 $0x280, s6  }
0x9d: {  	[tilespmem:s28], [sflag:$0x8] =	stream.indirect.gather [hbm4b:s4+s14], $0x80, s23, s14, $0xb8;
	[tilespmem:$0xC800] =	vst v63  }
.LBB2_5:
0x9e: {  	_ =	sfence.sel $0x180000  }
0x9f: {  	[bflag:$0x0] =	sbarrier.arrive $0xFFFF  }
0xa0: {  	_ =	strace $0x9000004A  }
0xa1: {  	s0 =	stileid.u32;
	[bflag:$0x2] =	sbarrier.arrive $0xFFFF  }
0xa2: {  	p0 =	sne.s32 s0, $0x0;
	s0 =	rddreg [dreg:$0x2]  }
0xa3: {  	s0 =	sadd.s32 @!p0 $0x100000, s0  }
0xa4: {  	[sflag:s0] =	ssyncadd.tile.s32 @!p0 $0x1;
	_ =	shalt  }
.Lfunc_end2:
_tile_overlayer_lowered:
.L_overlay_start_2:
0xa5: {  	(tag) =	ssettag $0x2  }
0xa6: {  	s0 =	rddreg [dreg:$0x0];
	s2 =	stileid.u32  }
0xa7: {  	s1 =	rddreg [dreg:$0x1];
	p0 =	sne.s32 s2, $0x0  }
0xa8: {  	s3 =	rddreg [dreg:$0x2];
	[bflag:$0x3] =	sbarrier.arrive $0xFFFF;
	s2 =	simm.s32 @!p0 $0x1C11  }
0xa9: {  	[timem:s3], [sflag:s2] =	dma.local @!p0 [hbm:s0], s1  }
0xaa: {  	s0 =	simm.s32 @!p0 $0x11  }
0xab: {  	_ =	swait.ge @!p0 [sflag:s0], s1  }
0xac: {  	s1 =	ssub.s32 @!p0 $0x0, s1;
	[sflag:s0] =	ssyncset.done @!p0 $0x0  }
0xad: {  	[sflag:s0] =	ssyncadd.s32 @!p0 s1  }
0xae: {  	[bflag:$0x3] =	sbarrier.arrive $0xFFFF  }
0xaf: {  	_ =	shalt  }

// kernel: kernel.13.cloned.1.call-start
scs
__scs_entry_jumppad:
0x0: {  	(pc) =	sbr.rel $0x88, $3  }
0x1: {  	(tag) =	ssettag $0x0;
	lr =	simm.s32 $0x1  }
0x2: {  	[smem:$0x3F97] =	sst lr;
	_ =	strace $0xD0000000  }
0x3: {  	_ = 	snop  }
0x4: {  	_ = 	snop  }
0x5: {  	_ = 	snop  }
0x6: {  	_ = 	snop  }
0x7: {  	_ = 	snop  }
__scs_overlays_trampoline_lowered:
0x8: {  	[smem:$0x3FA6] =	sst s0  }
0x9: {  	[smem:$0x3FA7] =	sst s1  }
0xa: {  	[smem:$0x3FA8] =	sst s2  }
0xb: {  	[smem:$0x3FA9] =	sst s3  }
0xc: {  	[smem:$0x3FAA] =	sst s4  }
0xd: {  	[smem:$0x3FAB] =	sst s5  }
0xe: {  	[smem:$0x3FAC] =	sst s6  }
0xf: {  	[smem:$0x3FAD] =	sst s7  }
0x10: {  	[smem:$0x3FAE] =	sst s8  }
0x11: {  	[smem:$0x3FAF] =	sst s9;
	s0 =	simm.s32 @!p0 $0x0  }
0x12: {  	s1 =	sld [smem:$0x3F95];
	s0 =	simm.s32 @p0 $0x1  }
0x13: {  	[smem:$0x3FB0] =	sst s0;
	s0 =	simm.s32 @!p1 $0x0  }
0x14: {  	s2 =	sld [smem:$0x3F94];
	s0 =	simm.s32 @p1 $0x1  }
0x15: {  	[smem:$0x3FB1] =	sst s0;
	s0 =	simm.s32 @!p2 $0x0  }
0x16: {  	s3 =	sld [smem:$0x3FDB];
	s0 =	simm.s32 @p2 $0x1  }
0x17: {  	s4 =	simm.s32 $0x1BF5;
	[smem:$0x3FB3] =	sst s0  }
0x18: {  	s0 =	sld [smem:$0x3F96];
	_ =	swait.ge [sflag:s4], $0x0  }
0x19: {  	s7 =	sld [smem:$0x3F97]  }
0x1a: {  	s8 =	sadd.s32 $0xFFFFE003, lr  }
0x1b: {  	s9 =	sadd.s32 $0xFFFFFEF7, lr;
	s5 =	simm.s32 $0xFFFFFFFF;
	p2 =	slt.u32 s8, $0xFFFFF086  }
0x1c: {  	p1 =	slt.u32 s9, $0xF7A;
	s5 =	simm.s32 @!p2 $0x0  }
0x1d: {  	s5 =	simm.s32 @p1 $0x1;
	p0 =	seq.s32 s7, s2  }
0x1e: {  	s7 =	smul.u32 @!p0 $0xF7A, s2;
	p2 =	seq.s32 @!p0 s5, $0x0  }
0x1f: {  	s9 =	smul.u32 $0xF7A, s1;
	s8 =	simm.s32 @!p0 $0x1BF5;
	p2 =	por !p2, p0  }
0x20: {  	[sflag:s8] =	ssyncset.s32 @!p0 $0xFFFFF086;
	s6 =	sadd.s32 @!p0 s3, s7;
	s7 =	simm.s32 @!p0 $0x108  }
0x21: {  	s3 =	sadd.s32 s3, s9;
	s6 =	sadd.s32 @!p0 $0x88, s6;
	s7 =	simm.s32 @p2 $0x1082  }
0x22: {  	[simem:s7], [sflag:s8] =	dma.local @!p0 [hbm:s6], $0xF7A  }
0x23: {  	s9 =	sor.u32 $0xD0000000, s2;
	s6 =	simm.s32 $0x108;
	_ =	swait.ge @!p0 [sflag:s8], $0x0  }
0x24: {  	s3 =	sadd.s32 $0x88, s3;
	s6 =	simm.s32 @!p1 $0x1082;
	[sflag:s4] =	ssyncset.s32 $0xFFFFF086  }
0x25: {  	[simem:s6], [sflag:s4] =	dma.local [hbm:s3], $0xF7A  }
0x26: {  	[smem:$0x3F97] =	sst s1;
	(tag) =	ssettag s2;
	_ =	strace s9  }
0x27: {  	s1 =	sld [smem:$0x3FA7]  }
0x28: {  	s2 =	sld [smem:$0x3FA8]  }
0x29: {  	s4 =	sld [smem:$0x3FAA]  }
0x2a: {  	p0 =	seq.s32 s5, $0x0;
	s5 =	sld [smem:$0x3FAB]  }
0x2b: {  	s6 =	sld [smem:$0x3FAC]  }
0x2c: {  	s7 =	sld [smem:$0x3FAD]  }
0x2d: {  	s3 =	simm.s32 $0x108;
	s8 =	sld [smem:$0x3FAE]  }
0x2e: {  	s3 =	simm.s32 @!p0 $0x1082;
	s9 =	sld [smem:$0x3FAF]  }
0x2f: {  	lr =	sadd.s32 s0, s3;
	s0 =	sld [smem:$0x3FA6]  }
0x30: {  	s3 =	sld [smem:$0x3FA9]  }
0x31: {  	[smem:$0x3FB2] =	sst s10  }
0x32: {  	s10 =	sld [smem:$0x3FB0];
	_ =	sdelay $0x3  }
0x33: {  	p0 =	seq.s32 s10, $0x1;
	s10 =	sld [smem:$0x3FB2];
	_ =	sdelay $0x3  }
0x34: {  	[smem:$0x3FB2] =	sst s10  }
0x35: {  	s10 =	sld [smem:$0x3FB1];
	_ =	sdelay $0x3  }
0x36: {  	p1 =	seq.s32 s10, $0x1;
	s10 =	sld [smem:$0x3FB2];
	_ =	sdelay $0x3  }
0x37: {  	[smem:$0x3FB2] =	sst s10  }
0x38: {  	s10 =	sld [smem:$0x3FB3]  }
0x39: {  	_ = 	snop;
	(pc) =	sbr.ind lr, $3  }
0x3a: {  	_ = 	snop  }
0x3b: {  	_ = 	snop  }
0x3c: {  	p2 =	seq.s32 s10, $0x1;
	s10 =	sld [smem:$0x3FB2]  }
0x3d: {  	_ =	shalt  }
0x3e: {  	_ =	shalt  }
0x3f: {  	_ =	shalt  }
0x40: {  	_ =	shalt  }
0x41: {  	_ =	shalt  }
0x42: {  	_ =	shalt  }
0x43: {  	_ =	shalt  }
0x44: {  	_ =	shalt  }
0x45: {  	_ =	shalt  }
0x46: {  	_ =	shalt  }
0x47: {  	_ =	shalt  }
0x48: {  	_ =	shalt  }
0x49: {  	_ =	shalt  }
0x4a: {  	_ =	shalt  }
0x4b: {  	_ =	shalt  }
0x4c: {  	_ =	shalt  }
0x4d: {  	_ =	shalt  }
0x4e: {  	_ =	shalt  }
0x4f: {  	_ =	shalt  }
0x50: {  	_ =	shalt  }
0x51: {  	_ =	shalt  }
0x52: {  	_ =	shalt  }
0x53: {  	_ =	shalt  }
0x54: {  	_ =	shalt  }
0x55: {  	_ =	shalt  }
0x56: {  	_ =	shalt  }
0x57: {  	_ =	shalt  }
0x58: {  	_ =	shalt  }
0x59: {  	_ =	shalt  }
0x5a: {  	_ =	shalt  }
0x5b: {  	_ =	shalt  }
0x5c: {  	_ =	shalt  }
0x5d: {  	_ =	shalt  }
0x5e: {  	_ =	shalt  }
0x5f: {  	_ =	shalt  }
0x60: {  	_ =	shalt  }
0x61: {  	_ =	shalt  }
0x62: {  	_ =	shalt  }
0x63: {  	_ =	shalt  }
0x64: {  	_ =	shalt  }
0x65: {  	_ =	shalt  }
0x66: {  	_ =	shalt  }
0x67: {  	_ =	shalt  }
0x68: {  	_ =	shalt  }
0x69: {  	_ =	shalt  }
0x6a: {  	_ =	shalt  }
0x6b: {  	_ =	shalt  }
0x6c: {  	_ =	shalt  }
0x6d: {  	_ =	shalt  }
0x6e: {  	_ =	shalt  }
0x6f: {  	_ =	shalt  }
0x70: {  	_ =	shalt  }
0x71: {  	_ =	shalt  }
0x72: {  	_ =	shalt  }
0x73: {  	_ =	shalt  }
0x74: {  	_ =	shalt  }
0x75: {  	_ =	shalt  }
0x76: {  	_ =	shalt  }
0x77: {  	_ =	shalt  }
0x78: {  	_ =	shalt  }
0x79: {  	_ =	shalt  }
0x7a: {  	_ =	shalt  }
0x7b: {  	_ =	shalt  }
0x7c: {  	_ =	shalt  }
0x7d: {  	_ =	shalt  }
0x7e: {  	_ =	shalt  }
0x7f: {  	_ =	shalt  }
0x80: {  	_ =	shalt  }
0x81: {  	_ =	shalt  }
0x82: {  	_ =	shalt  }
0x83: {  	_ =	shalt  }
0x84: {  	_ =	shalt  }
0x85: {  	_ =	shalt  }
0x86: {  	_ =	shalt  }
0x87: {  	_ =	shalt  }
.Lfunc_end0:
.L_simem_size_0:
called_computation.1_lowered:
.L_overlay_start_0:
0x88: {  	s2 =	sld [smem:$0x3FD9]  }
0x89: {  	s3 =	sld [smem:$0x3FFE];
	_ =	sdelay $0x1  }
0x8a: {  	s1 =	srdreg.scid  }
0x8b: {  	s0 =	sand.u32 $0x1, s1  }
0x8c: {  	s17 =	sshll.u32 s0, $0xA;
	s2 =	sadd.s32 s3, s2  }
0x8d: {  	s2 =	sadd.s32 s2, s17  }
0x8e: {  	[smem:$0x3FBE] =	sst s2  }
0x8f: {  	_ = 	snop  }
0x90: {  	(tm) =	ssettm $0x1  }
0x91: {  	s18 =	sld [smem:$0x3FFB];
	_ =	sdelay $0x3  }
0x92: {  	_ =	strace s18  }
0x93: {  	s2 =	sld [smem:$0x3FFC];
	_ =	sdelay $0x3  }
0x94: {  	_ =	strace s2  }
0x95: {  	s2 =	sld [smem:$0x3FFD];
	_ =	sdelay $0x3  }
0x96: {  	_ =	strace s2  }
0x97: {  	_ =	strace $0x8FFFFFFF  }
0x98: {  	s19 =	sld [smem:$0x3FDB];
	_ =	sdelay $0x1  }
0x99: {  	s20 =	simm.s32 $_scs_section_size  }
0x9a: {  	s4 =	simm.s32 $_size__tile_overlayer_lowered;
	s5 =	simm.s32 $_tile_overlayer_lowered  }
0x9b: {  	s6 =	simm.s32 $0x1BFF;
	s21 =	sshll.u32 s5, $0x1;
	s3 =	sadd.s32 s20, s19  }
0x9c: {  	s22 =	simm.s32 $0x0;
	s4 =	sshll.u32 s4, $0x1;
	s5 =	sadd.s32 s21, s3  }
0x9d: {  	[timem:s22], [sflag:s6] =	dma.local [hbm:s5], s4  }
0x9e: {  	_ =	swait.ge [sflag:s6], s4  }
0x9f: {  	s4 =	ssub.s32 $0x0, s4;
	[sflag:s6] =	ssyncset.done $0x0  }
0xa0: {  	[sflag:s6] =	ssyncadd.s32 s4;
	_ =	sdelay $0x1  }
0xa1: {  	s23 =	simm.s32 $0x1B8B  }
0xa2: {  	_ =	swait.ge [sflag:s23], $0x1  }
0xa3: {  	[sflag:s23] =	ssyncset.done $0x0  }
0xa4: {  	[sflag:s23] =	ssyncadd.s32 $0xFFFFFFFF  }
0xa5: {  	s4 =	sld [smem:$0x0]  }
0xa6: {  	s5 =	sand.u32 $0xFFFFFFFE, s1  }
0xa7: {  	p0 =	sne.s32 s1, s5  }
0xa8: {  	s5 =	sshll.u32 @p0 s5, $0xE  }
0xa9: {  	s5 =	sadd.s32 @p0 $0x11B8D, s5;
	s6 =	sshll.u32 @p0 s4, $0x11  }
0xaa: {  	s5 =	sor.u32 @p0 s6, s5  }
0xab: {  	[sflag:s5] =	ssyncadd.remote.s32 @p0 $0x1;
	_ =	sdelay $0x1  }
0xac: {  	s5 =	simm.s32 @p0 $0x1B8D  }
0xad: {  	_ =	swait.eq @p0 [sflag:s5], $0x1  }
0xae: {  	[sflag:s5] =	ssyncadd.s32 @p0 $0xFFFFFFFF  }
0xaf: {  	s6 =	sshll.u32 @!p0 s1, $0xE  }
0xb0: {  	s6 =	sor.u32 @!p0 $0x4000, s6;
	s5 =	simm.s32 @!p0 $0x1B8D  }
0xb1: {  	s4 =	sshll.u32 @!p0 s4, $0x11;
	s6 =	sadd.s32 @!p0 $0x11B8D, s6;
	_ =	swait.eq @!p0 [sflag:s5], $0x1  }
0xb2: {  	s4 =	sor.u32 @!p0 s4, s6;
	[sflag:s5] =	ssyncadd.s32 @!p0 $0xFFFFFFFF  }
0xb3: {  	s25 =	simm.s32 $0x1B8E;
	s24 =	sld [smem:$0x3FFE];
	[sflag:s4] =	ssyncadd.remote.s32 @!p0 $0x1  }
0xb4: {  	s26 =	simm.s32 $execute0_lowered;
	[smem:$0x3FD2] =	sst s25  }
0xb5: {  	s5 =	sshll.u32 s26, $0x1;
	_ =	strace $0x8000004F;
	[dreg:$0x1] =	wrdreg $0xFFFFFFFF  }
0xb6: {  	s28 =	simm.s32 $_size_execute0_lowered;
	s3 =	sadd.s32 s3, s5;
	[dreg:$0x0] =	wrdreg $0x0  }
0xb7: {  	s5 =	sshll.u32 s28, $0x1;
	[dreg:$0x2] =	wrdreg s3  }
0xb8: {  	[dreg:$0x3] =	wrdreg s5  }
0xb9: {  	[dreg:$0x4] =	wrdreg $0xC0  }
0xba: {  	_ =	task [dreg:s22], $0x5FFFF  }
0xbb: {  	[dreg:$0x1] =	wrdreg $0xFFFFFFFF  }
0xbc: {  	[dreg:$0x0] =	wrdreg $0x60  }
0xbd: {  	[dreg:$0x2] =	wrdreg s24  }
0xbe: {  	[dreg:$0x3] =	wrdreg $0x90000  }
0xbf: {  	[dreg:$0x4] =	wrdreg $0x9  }
0xc0: {  	_ =	task.clear_ibuf [dreg:s22], $0x5FFFF;
	_ =	strace $0x9000004F  }
0xc1: {  	s29 =	simm.s32 $0x9;
	_ =	strace $0x80000051  }
0xc2: {  	_ =	swait.ge [sflag:s29], $0x1  }
0xc3: {  	[sflag:s29] =	ssyncadd.s32 $0xFFFFFFFF  }
0xc4: {  	_ =	strace $0x90000051  }
0xc5: {  	_ =	sfence  }
0xc6: {  	s30 =	sld [smem:$0x0];
	_ =	sdelay $0x2  }
0xc7: {  	s31 =	sshll.u32 s1, $0xD;
	s1 =	sshrl.u32 s1, $0x2  }
0xc8: {  	s4 =	sand.u32 $0x4000, s31;
	s1 =	sadd.s32 s1, s30  }
0xc9: {  	s0 =	sor.u32 s4, s0;
	s1 =	sshll.u32 s1, $0x11  }
0xca: {  	s0 =	sor.u32 s1, s0  }
0xcb: {  	s0 =	sadd.s32 $0x8F2B, s0  }
0xcc: {  	[sflag:s0] =	ssyncadd.remote.s32 $0x1  }
0xcd: {  	_ =	sfence.sel $0xFFFF  }
0xce: {  	[dreg:$0x0] =	wrdreg $0xFFFFFFFF;
	(pc) =	sbr.abs _section_cstart, $3  }
0xcf: {  	[dreg:$0x1] =	wrdreg $0xFFFFFFFF  }
0xd0: {  	_ =	task.clear_ibuf [dreg:s22], $0x2FFFF;
	_ =	strace $0x9FFFFFFF  }
0xd1: {  	(tm) =	ssettm $0x7FFFFFFF  }
tec
execute0_lowered:
.L_overlay_start_1:
0x0: {  	(tag) =	ssettag $0x1  }
0x1: {  	s0 =	rddreg [dreg:$0x0]  }
0x2: {  	s2 =	srdreg.scid;
	s11 =	stileid.u32  }
0x3: {  	s1 =	rddreg [dreg:$0x1];
	s2 =	sand.u32 $0x1, s2;
	s5 =	smul.u32 $0x14000, s11  }
0x4: {  	s3 =	simm.s32 $0x0;
	s30 =	simm.s32 $0x4000;
	s4 =	smul.u32 $0x140000, s2  }
0x5: {  	s31 =	simm.s32 $0x9;
	[smem:$0x7FF] =	sst s3;
	s24 =	smul.u32 $0x50000, s11  }
0x6: {  	s6 =	sadd.s32 $0x94200, s0;
	s7 =	sshll.u32 s11, $0xB;
	s4 =	sadd.s32 s5, s4  }
0x7: {  	s10 =	smul.u32 $0x1388, s11;
	s5 =	sshrl.u32 s24, $0x2;
	s4 =	sshrl.u32 s4, $0x3  }
0x8: {  	s7 =	sadd.s32 s7, s0;
	s0 =	sadd.s32 s4, s0;
	s4 =	sadd.s32 s5, s1  }
0x9: {  	_ =	strace $0x80000050;
	s8 =	smul.u32 $0x13880, s2;
	s5 =	sadd.s32 $0x1400, s4  }
0xa: {  	s9 =	ssub.s32 $0x2, s2;
	s26 =	sadd.s32 $0x2800, s4;
	[dreg:$0x3] =	wrdreg s5  }
0xb: {  	s8 =	sadd.s32 s10, s8;
	s10 =	sadd.s32 $0x3C00, s4;
	[dreg:$0x4] =	wrdreg s26  }
0xc: {  	s22 =	sshll.u32 s2, $0xF;
	s12 =	sadd.s32 $0x5000, s4;
	[dreg:$0x5] =	wrdreg s10  }
0xd: {  	s2 =	smul.u32 $0x138800, s2;
	s13 =	sadd.s32 $0x6400, s4;
	[dreg:$0x6] =	wrdreg s12  }
0xe: {  	s25 =	sshrl.u32 s9, $0x1;
	s14 =	sadd.s32 $0x7800, s4;
	[dreg:$0x7] =	wrdreg s13  }
0xf: {  	s9 =	ssub.s32 s9, s25;
	s15 =	sadd.s32 $0x8C00, s4;
	[dreg:$0x8] =	wrdreg s14  }
0x10: {  	s24 =	smul.u32 $0x13880, s11;
	s16 =	sadd.s32 $0xA000, s4;
	[dreg:$0x9] =	wrdreg s15  }
0x11: {  	s2 =	sadd.s32 s2, s6;
	s17 =	sadd.s32 $0xB400, s4;
	[dreg:$0xa] =	wrdreg s16  }
0x12: {  	s11 =	simm.s32 $0x3;
	s18 =	sadd.s32 $0xC800, s4;
	[dreg:$0xb] =	wrdreg s17  }
0x13: {  	s23 =	sshll.u32 s8, $0x4;
	s19 =	sadd.s32 $0xDC00, s4;
	[dreg:$0xc] =	wrdreg s18  }
0x14: {  	s8 =	simm.s32 $0x5;
	s20 =	sadd.s32 $0xF000, s4;
	[dreg:$0xd] =	wrdreg s19  }
0x15: {  	s2 =	sadd.s32 s24, s2;
	s21 =	sadd.s32 $0x10400, s4;
	[dreg:$0xe] =	wrdreg s20  }
0x16: {  	s24 =	smax.u32 s9, $0x1;
	s25 =	sadd.s32 $0x11800, s4;
	[dreg:$0xf] =	wrdreg s21  }
0x17: {  	s9 =	simm.s32 $0x2;
	s5 =	sadd.s32 s22, s7;
	[dreg:$0x10] =	wrdreg s25  }
0x18: {  	s19 =	sadd.s32 s6, s23;
	s26 =	sadd.s32 $0x12C00, s4;
	s23 =	sadd.s32 $0x305200, s0  }
0x19: {  	s18 =	sadd.s32 $0x1180, s2;
	s0 =	simm.s32 $0x5400;
	s2 =	simm.s32 $0x6800  }
0x1a: {  	s6 =	simm.s32 $0x1;
	s7 =	simm.s32 $0x28;
	s10 =	simm.s32 $0x6  }
0x1b: {  	s12 =	simm.s32 $0x7;
	s13 =	simm.s32 $0x4;
	s14 =	simm.s32 $0x8  }
0x1c: {  	s15 =	simm.s32 $0x0;
	[dreg:$0x11] =	wrdreg s26;
	s5 =	sadd.s32 $0x84200, s5  }
0x1d: {  	s22 =	sadd.s32 $0x280, s19;
	s26 =	sadd.s32 $0x500, s19;
	s28 =	sadd.s32 $0x780, s19  }
0x1e: {  	v0 =	vimm.f32 $0.0e+00;
	s29 =	sadd.s32 $0x13600, s19;
	[dreg:$0x12] =	wrdreg s5;
	s5 =	simm.s32 $0x7C00  }
.LBB2_1:
0x1f: {  	s16 =	simm.s32 $0x0;
	s17 =	simm.s32 $0x200  }
.LBB2_2:
0x20: {  	p0 =	sne.s32 s17, $0x4E00;
	[tilespmem:s16+$0x4070] =	vst v0  }
0x21: {  	[tilespmem:s16+$0x4000] =	vst v0  }
0x22: {  	[tilespmem:s16+$0x4010] =	vst v0  }
.Ltmp0:
0x23: {  	[tilespmem:s16+$0x4020] =	vst v0;
	(pc) =	sbr.rel @p0 .LBB2_2-.Ltmp0, $4  }
0x24: {  	[tilespmem:s16+$0x4030] =	vst v0  }
0x25: {  	[tilespmem:s16+$0x4040] =	vst v0  }
0x26: {  	[tilespmem:s16+$0x4050] =	vst v0  }
0x27: {  	[tilespmem:s16+$0x4060] =	vst v0;
	s16 =	sshra.s32 s17, $0x2;
	s17 =	sadd.s32 $0x200, s17  }
0x28: {  	[tilespmem:s16+$0x4070] =	vst v0  }
0x29: {  	[tilespmem:s16+$0x4000] =	vst v0  }
0x2a: {  	[tilespmem:s16+$0x4010] =	vst v0  }
0x2b: {  	[tilespmem:s16+$0x4020] =	vst v0  }
0x2c: {  	[tilespmem:s16+$0x4030] =	vst v0  }
0x2d: {  	[tilespmem:s16+$0x4040] =	vst v0  }
0x2e: {  	[tilespmem:s16+$0x4050] =	vst v0  }
0x2f: {  	[tilespmem:s16+$0x4060] =	vst v0  }
0x30: {  	[spmem:s4] =	stream.linear.scatter [tilespmem:s30], [sflag:$0x9], $0x1400, $0x38;
	[tilespmem:$0x1D000] =	vst v63  }
0x31: {  	_ =	swait.ge [sflag:s31], $0x1400  }
0x32: {  	[sflag:s31] =	ssyncset.done $0x0  }
0x33: {  	s17 =	rddreg [dreg:$0x3];
	[sflag:s31] =	ssyncadd.s32 $0xFFFFEC00  }
0x34: {  	[spmem:s17] =	stream.linear.scatter [tilespmem:s30], [sflag:$0x9], $0x1400, $0x38;
	[tilespmem:$0x1D000] =	vst v63  }
0x35: {  	_ =	swait.ge [sflag:s31], $0x1400  }
0x36: {  	[sflag:s31] =	ssyncset.done $0x0  }
0x37: {  	s20 =	rddreg [dreg:$0x4];
	[sflag:s31] =	ssyncadd.s32 $0xFFFFEC00  }
0x38: {  	[spmem:s20] =	stream.linear.scatter [tilespmem:s30], [sflag:$0x9], $0x1400, $0x38;
	[tilespmem:$0x1D000] =	vst v63  }
0x39: {  	_ =	swait.ge [sflag:s31], $0x1400  }
0x3a: {  	[sflag:s31] =	ssyncset.done $0x0  }
0x3b: {  	s21 =	rddreg [dreg:$0x5];
	[sflag:s31] =	ssyncadd.s32 $0xFFFFEC00  }
0x3c: {  	[spmem:s21] =	stream.linear.scatter [tilespmem:s30], [sflag:$0x9], $0x1400, $0x38;
	[tilespmem:$0x1D000] =	vst v63  }
0x3d: {  	_ =	swait.ge [sflag:s31], $0x1400  }
0x3e: {  	[sflag:s31] =	ssyncset.done $0x0  }
0x3f: {  	s25 =	rddreg [dreg:$0x6];
	[sflag:s31] =	ssyncadd.s32 $0xFFFFEC00  }
0x40: {  	[spmem:s25] =	stream.linear.scatter [tilespmem:s30], [sflag:$0x9], $0x1400, $0x38;
	[tilespmem:$0x1D000] =	vst v63  }
0x41: {  	_ =	swait.ge [sflag:s31], $0x1400  }
0x42: {  	[sflag:s31] =	ssyncset.done $0x0  }
0x43: {  	s17 =	rddreg [dreg:$0x7];
	[sflag:s31] =	ssyncadd.s32 $0xFFFFEC00  }
0x44: {  	[spmem:s17] =	stream.linear.scatter [tilespmem:s30], [sflag:$0x9], $0x1400, $0x38;
	[tilespmem:$0x1D000] =	vst v63  }
0x45: {  	_ =	swait.ge [sflag:s31], $0x1400  }
0x46: {  	[sflag:s31] =	ssyncset.done $0x0  }
0x47: {  	s20 =	rddreg [dreg:$0x8];
	[sflag:s31] =	ssyncadd.s32 $0xFFFFEC00  }
0x48: {  	[spmem:s20] =	stream.linear.scatter [tilespmem:s30], [sflag:$0x9], $0x1400, $0x38;
	[tilespmem:$0x1D000] =	vst v63  }
0x49: {  	_ =	swait.ge [sflag:s31], $0x1400  }
0x4a: {  	[sflag:s31] =	ssyncset.done $0x0  }
0x4b: {  	s21 =	rddreg [dreg:$0x9];
	[sflag:s31] =	ssyncadd.s32 $0xFFFFEC00  }
0x4c: {  	[spmem:s21] =	stream.linear.scatter [tilespmem:s30], [sflag:$0x9], $0x1400, $0x38;
	[tilespmem:$0x1D000] =	vst v63  }
0x4d: {  	_ =	swait.ge [sflag:s31], $0x1400  }
0x4e: {  	[sflag:s31] =	ssyncset.done $0x0  }
0x4f: {  	s25 =	rddreg [dreg:$0xa];
	[sflag:s31] =	ssyncadd.s32 $0xFFFFEC00  }
0x50: {  	[spmem:s25] =	stream.linear.scatter [tilespmem:s30], [sflag:$0x9], $0x1400, $0x38;
	[tilespmem:$0x1D000] =	vst v63  }
0x51: {  	_ =	swait.ge [sflag:s31], $0x1400  }
0x52: {  	[sflag:s31] =	ssyncset.done $0x0  }
0x53: {  	s17 =	rddreg [dreg:$0xb];
	[sflag:s31] =	ssyncadd.s32 $0xFFFFEC00  }
0x54: {  	[spmem:s17] =	stream.linear.scatter [tilespmem:s30], [sflag:$0x9], $0x1400, $0x38;
	[tilespmem:$0x1D000] =	vst v63  }
0x55: {  	_ =	swait.ge [sflag:s31], $0x1400  }
0x56: {  	[sflag:s31] =	ssyncset.done $0x0  }
0x57: {  	s20 =	rddreg [dreg:$0xc];
	[sflag:s31] =	ssyncadd.s32 $0xFFFFEC00  }
0x58: {  	[spmem:s20] =	stream.linear.scatter [tilespmem:s30], [sflag:$0x9], $0x1400, $0x38;
	[tilespmem:$0x1D000] =	vst v63  }
0x59: {  	_ =	swait.ge [sflag:s31], $0x1400  }
0x5a: {  	[sflag:s31] =	ssyncset.done $0x0  }
0x5b: {  	s21 =	rddreg [dreg:$0xd];
	[sflag:s31] =	ssyncadd.s32 $0xFFFFEC00  }
0x5c: {  	[spmem:s21] =	stream.linear.scatter [tilespmem:s30], [sflag:$0x9], $0x1400, $0x38;
	[tilespmem:$0x1D000] =	vst v63  }
0x5d: {  	_ =	swait.ge [sflag:s31], $0x1400  }
0x5e: {  	[sflag:s31] =	ssyncset.done $0x0  }
0x5f: {  	s25 =	rddreg [dreg:$0xe];
	[sflag:s31] =	ssyncadd.s32 $0xFFFFEC00  }
0x60: {  	[spmem:s25] =	stream.linear.scatter [tilespmem:s30], [sflag:$0x9], $0x1400, $0x38;
	[tilespmem:$0x1D000] =	vst v63  }
0x61: {  	_ =	swait.ge [sflag:s31], $0x1400  }
0x62: {  	[sflag:s31] =	ssyncset.done $0x0  }
0x63: {  	s17 =	rddreg [dreg:$0xf];
	[sflag:s31] =	ssyncadd.s32 $0xFFFFEC00  }
0x64: {  	[spmem:s17] =	stream.linear.scatter [tilespmem:s30], [sflag:$0x9], $0x1400, $0x38;
	[tilespmem:$0x1D000] =	vst v63  }
0x65: {  	_ =	swait.ge [sflag:s31], $0x1400  }
0x66: {  	[sflag:s31] =	ssyncset.done $0x0  }
0x67: {  	s20 =	rddreg [dreg:$0x10];
	[sflag:s31] =	ssyncadd.s32 $0xFFFFEC00  }
0x68: {  	[spmem:s20] =	stream.linear.scatter [tilespmem:s30], [sflag:$0x9], $0x1400, $0x38;
	[tilespmem:$0x1D000] =	vst v63  }
0x69: {  	_ =	swait.ge [sflag:s31], $0x1400  }
0x6a: {  	[sflag:s31] =	ssyncset.done $0x0  }
0x6b: {  	s21 =	rddreg [dreg:$0x11];
	[sflag:s31] =	ssyncadd.s32 $0xFFFFEC00  }
0x6c: {  	[spmem:s21] =	stream.linear.scatter [tilespmem:s30], [sflag:$0x9], $0x1400, $0x38;
	[tilespmem:$0x1D000] =	vst v63  }
0x6d: {  	_ =	swait.ge [sflag:s31], $0x1400  }
0x6e: {  	[sflag:s31] =	ssyncset.done $0x0  }
0x6f: {  	[sflag:s31] =	ssyncadd.s32 $0xFFFFEC00  }
0x70: {  	[bflag:$0x0] =	sbarrier.arrive $0xFFFF  }
0x71: {  	s25 =	simm.s32 $0x0;
	s17 =	rddreg [dreg:$0x12]  }
0x72: {  	[tilespmem:s25], [sflag:$0x9] =	stream.linear.gather [hbm4b:s17+s25], $0x3E80, $0x38;
	[tilespmem:$0x1D000] =	vst v63  }
0x73: {  	_ =	swait.ge [sflag:s31], $0x3E80  }
0x74: {  	[sflag:s31] =	ssyncset.done $0x0  }
0x75: {  	[sflag:s31] =	ssyncadd.s32 $0xFFFFC180  }
0x76: {  	[tilespmem:s30], [sflag:$0x1] =	stream.linear.gather [hbm4b:s19+s25], $0x1400, $0x38;
	[tilespmem:$0x1D000] =	vst v63  }
0x77: {  	_ = 	snop  }
0x78: {  	[tilespmem:s0], [sflag:$0x2] =	stream.linear.gather [hbm4b:s22+s25], $0x1400, $0x38;
	[tilespmem:$0x1D000] =	vst v63  }
0x79: {  	_ = 	snop  }
0x7a: {  	[tilespmem:s2], [sflag:$0x3] =	stream.linear.gather [hbm4b:s26+s25], $0x1400, $0x38;
	[tilespmem:$0x1D000] =	vst v63  }
0x7b: {  	_ = 	snop  }
0x7c: {  	[tilespmem:s5], [sflag:$0x4] =	stream.linear.gather [hbm4b:s28+s25], $0x1400, $0x38;
	[tilespmem:$0x1D000] =	vst v63  }
0x7d: {  	_ =	swait.ge [sflag:s6], $0x1400  }
0x7e: {  	[sflag:s6] =	ssyncset.done $0x0  }
0x7f: {  	s20 =	simm.s32 $0x0;
	[sflag:s6] =	ssyncadd.s32 $0xFFFFEC00  }
0x80: {  	[spmem:s1] =	stream.indirect.scatter.add.f32 [tilespmem:s30], [sflag:$0x5], $0x80, s20, s7, $0xb8;
	[tilespmem:$0x1D000] =	vst v63  }
0x81: {  	_ =	swait.ge [sflag:s8], $0x1400  }
0x82: {  	[sflag:s8] =	ssyncset.done $0x0  }
0x83: {  	s21 =	sadd.s32 $0xFFFFF880, s18;
	[sflag:s8] =	ssyncadd.s32 $0xFFFFEC00  }
0x84: {  	[tilespmem:s30], [sflag:$0x1] =	stream.linear.gather [hbm4b:s21+s3], $0x1400, $0x38;
	[tilespmem:$0x1D000] =	vst v63  }
0x85: {  	_ =	swait.ge [sflag:s9], $0x1400  }
0x86: {  	[sflag:s9] =	ssyncset.done $0x0  }
0x87: {  	s25 =	simm.s32 $0x80;
	[sflag:s9] =	ssyncadd.s32 $0xFFFFEC00  }
0x88: {  	[spmem:s1] =	stream.indirect.scatter.add.f32 [tilespmem:s0], [sflag:$0x6], $0x80, s25, s7, $0xb8;
	[tilespmem:$0x1D000] =	vst v63  }
0x89: {  	_ =	swait.ge [sflag:s10], $0x1400  }
0x8a: {  	[sflag:s10] =	ssyncset.done $0x0  }
0x8b: {  	s17 =	sadd.s32 $0xFFFFFB00, s18;
	[sflag:s10] =	ssyncadd.s32 $0xFFFFEC00  }
0x8c: {  	[tilespmem:s0], [sflag:$0x2] =	stream.linear.gather [hbm4b:s17+s3], $0x1400, $0x38;
	[tilespmem:$0x1D000] =	vst v63  }
0x8d: {  	_ =	swait.ge [sflag:s11], $0x1400  }
0x8e: {  	[sflag:s11] =	ssyncset.done $0x0  }
0x8f: {  	s20 =	simm.s32 $0x100;
	[sflag:s11] =	ssyncadd.s32 $0xFFFFEC00  }
0x90: {  	[spmem:s1] =	stream.indirect.scatter.add.f32 [tilespmem:s2], [sflag:$0x7], $0x80, s20, s7, $0xb8;
	[tilespmem:$0x1D000] =	vst v63  }
0x91: {  	_ =	swait.ge [sflag:s12], $0x1400  }
0x92: {  	[sflag:s12] =	ssyncset.done $0x0  }
0x93: {  	s21 =	sadd.s32 $0xFFFFFD80, s18;
	[sflag:s12] =	ssyncadd.s32 $0xFFFFEC00  }
0x94: {  	[tilespmem:s2], [sflag:$0x3] =	stream.linear.gather [hbm4b:s21+s3], $0x1400, $0x38;
	[tilespmem:$0x1D000] =	vst v63  }
0x95: {  	_ =	swait.ge [sflag:s13], $0x1400  }
0x96: {  	[sflag:s13] =	ssyncset.done $0x0  }
0x97: {  	s25 =	simm.s32 $0x180;
	[sflag:s13] =	ssyncadd.s32 $0xFFFFEC00  }
0x98: {  	[spmem:s1] =	stream.indirect.scatter.add.f32 [tilespmem:s5], [sflag:$0x8], $0x80, s25, s7, $0xb8;
	[tilespmem:$0x1D000] =	vst v63  }
0x99: {  	_ =	swait.ge [sflag:s14], $0x1400  }
0x9a: {  	s16 =	simm.s32 $0x800;
	[sflag:s14] =	ssyncset.done $0x0  }
0x9b: {  	s17 =	sadd.s32 $0xA00, s18;
	s25 =	smov.u32 s18;
	[sflag:s14] =	ssyncadd.s32 $0xFFFFEC00  }
.LBB2_4:
0x9c: {  	[tilespmem:s5], [sflag:$0x4] =	stream.linear.gather [hbm4b:s25+s3], $0x1400, $0x38;
	[tilespmem:$0x1D000] =	vst v63  }
0x9d: {  	s20 =	smov.u32 s16;
	s25 =	smov.u32 s17  }
0x9e: {  	p0 =	sne.s32 s16, $0xE800;
	s16 =	sadd.s32 $0x800, s16;
	_ =	swait.ge [sflag:s6], $0x1400  }
0x9f: {  	[sflag:s6] =	ssyncset.done $0x0  }
0xa0: {  	s20 =	sshra.s32 s20, $0x2;
	[sflag:s6] =	ssyncadd.s32 $0xFFFFEC00  }
0xa1: {  	[spmem:s1] =	stream.indirect.scatter.add.f32 [tilespmem:s30], [sflag:$0x5], $0x80, s20, s7, $0xb8;
	[tilespmem:$0x1D000] =	vst v63  }
0xa2: {  	_ =	swait.ge [sflag:s8], $0x1400  }
0xa3: {  	[sflag:s8] =	ssyncset.done $0x0  }
0xa4: {  	s21 =	sadd.s32 $0xFFFFF880, s17;
	[sflag:s8] =	ssyncadd.s32 $0xFFFFEC00  }
0xa5: {  	[tilespmem:s30], [sflag:$0x1] =	stream.linear.gather [hbm4b:s21+s3], $0x1400, $0x38;
	[tilespmem:$0x1D000] =	vst v63  }
0xa6: {  	_ =	swait.ge [sflag:s9], $0x1400  }
0xa7: {  	[sflag:s9] =	ssyncset.done $0x0  }
0xa8: {  	s21 =	sadd.s32 $0x80, s20;
	[sflag:s9] =	ssyncadd.s32 $0xFFFFEC00  }
0xa9: {  	[spmem:s1] =	stream.indirect.scatter.add.f32 [tilespmem:s0], [sflag:$0x6], $0x80, s21, s7, $0xb8;
	[tilespmem:$0x1D000] =	vst v63  }
0xaa: {  	_ =	swait.ge [sflag:s10], $0x1400  }
0xab: {  	[sflag:s10] =	ssyncset.done $0x0  }
0xac: {  	s21 =	sadd.s32 $0xFFFFFB00, s17;
	[sflag:s10] =	ssyncadd.s32 $0xFFFFEC00  }
0xad: {  	[tilespmem:s0], [sflag:$0x2] =	stream.linear.gather [hbm4b:s21+s3], $0x1400, $0x38;
	[tilespmem:$0x1D000] =	vst v63  }
0xae: {  	_ =	swait.ge [sflag:s11], $0x1400  }
0xaf: {  	[sflag:s11] =	ssyncset.done $0x0  }
0xb0: {  	s21 =	sadd.s32 $0x100, s20;
	[sflag:s11] =	ssyncadd.s32 $0xFFFFEC00  }
0xb1: {  	[spmem:s1] =	stream.indirect.scatter.add.f32 [tilespmem:s2], [sflag:$0x7], $0x80, s21, s7, $0xb8;
	[tilespmem:$0x1D000] =	vst v63  }
0xb2: {  	_ =	swait.ge [sflag:s12], $0x1400  }
0xb3: {  	[sflag:s12] =	ssyncset.done $0x0  }
0xb4: {  	s21 =	sadd.s32 $0xFFFFFD80, s17;
	[sflag:s12] =	ssyncadd.s32 $0xFFFFEC00  }
0xb5: {  	[tilespmem:s2], [sflag:$0x3] =	stream.linear.gather [hbm4b:s21+s3], $0x1400, $0x38;
	[tilespmem:$0x1D000] =	vst v63  }
0xb6: {  	_ =	swait.ge [sflag:s13], $0x1400  }
0xb7: {  	[sflag:s13] =	ssyncset.done $0x0  }
.Ltmp1:
0xb8: {  	s20 =	sadd.s32 $0x180, s20;
	[sflag:s13] =	ssyncadd.s32 $0xFFFFEC00;
	(pc) =	sbr.rel @p0 .LBB2_4-.Ltmp1, $4  }
0xb9: {  	[spmem:s1] =	stream.indirect.scatter.add.f32 [tilespmem:s5], [sflag:$0x8], $0x80, s20, s7, $0xb8;
	[tilespmem:$0x1D000] =	vst v63  }
0xba: {  	_ =	swait.ge [sflag:s14], $0x1400  }
0xbb: {  	[sflag:s14] =	ssyncset.done $0x0  }
0xbc: {  	s17 =	sadd.s32 $0xA00, s17;
	[sflag:s14] =	ssyncadd.s32 $0xFFFFEC00  }
0xbd: {  	[tilespmem:s5], [sflag:$0x4] =	stream.linear.gather [hbm4b:s25+s3], $0x1400, $0x38;
	[tilespmem:$0x1D000] =	vst v63  }
0xbe: {  	_ =	swait.ge [sflag:s6], $0x1400  }
0xbf: {  	[sflag:s6] =	ssyncset.done $0x0  }
0xc0: {  	s16 =	simm.s32 $0x3C00;
	[sflag:s6] =	ssyncadd.s32 $0xFFFFEC00  }
0xc1: {  	[spmem:s1] =	stream.indirect.scatter.add.f32 [tilespmem:s30], [sflag:$0x5], $0x80, s16, s7, $0xb8;
	[tilespmem:$0x1D000] =	vst v63  }
0xc2: {  	_ =	swait.ge [sflag:s8], $0x1400  }
0xc3: {  	[sflag:s8] =	ssyncset.done $0x0  }
0xc4: {  	[sflag:s8] =	ssyncadd.s32 $0xFFFFEC00  }
0xc5: {  	[tilespmem:s30], [sflag:$0x1] =	stream.linear.gather [hbm4b:s29+s3], $0x1400, $0x38;
	[tilespmem:$0x1D000] =	vst v63  }
0xc6: {  	_ =	swait.ge [sflag:s9], $0x1400  }
0xc7: {  	[sflag:s9] =	ssyncset.done $0x0  }
0xc8: {  	s25 =	simm.s32 $0x3C80;
	[sflag:s9] =	ssyncadd.s32 $0xFFFFEC00  }
0xc9: {  	[spmem:s1] =	stream.indirect.scatter.add.f32 [tilespmem:s0], [sflag:$0x6], $0x80, s25, s7, $0xb8;
	[tilespmem:$0x1D000] =	vst v63  }
0xca: {  	_ =	swait.ge [sflag:s11], $0x1400  }
0xcb: {  	[sflag:s11] =	ssyncset.done $0x0  }
0xcc: {  	s17 =	simm.s32 $0x3D00;
	[sflag:s11] =	ssyncadd.s32 $0xFFFFEC00  }
0xcd: {  	[spmem:s1] =	stream.indirect.scatter.add.f32 [tilespmem:s2], [sflag:$0x7], $0x80, s17, s7, $0xb8;
	[tilespmem:$0x1D000] =	vst v63  }
0xce: {  	_ =	swait.ge [sflag:s13], $0x1400  }
0xcf: {  	[sflag:s13] =	ssyncset.done $0x0  }
0xd0: {  	s20 =	simm.s32 $0x3D80;
	[sflag:s13] =	ssyncadd.s32 $0xFFFFEC00  }
0xd1: {  	[spmem:s1] =	stream.indirect.scatter.add.f32 [tilespmem:s5], [sflag:$0x8], $0x80, s20, s7, $0xb8;
	[tilespmem:$0x1D000] =	vst v63  }
0xd2: {  	_ =	swait.ge [sflag:s6], $0x1400  }
0xd3: {  	[sflag:s6] =	ssyncset.done $0x0  }
0xd4: {  	s21 =	simm.s32 $0x3E00;
	[sflag:s6] =	ssyncadd.s32 $0xFFFFEC00  }
0xd5: {  	[spmem:s1] =	stream.indirect.scatter.add.f32 [tilespmem:s30], [sflag:$0x5], $0x80, s21, s7, $0xb8;
	[tilespmem:$0x1D000] =	vst v63  }
0xd6: {  	_ =	swait.ge [sflag:s8], $0x1400  }
0xd7: {  	[sflag:s8] =	ssyncset.done $0x0  }
0xd8: {  	[sflag:s8] =	ssyncadd.s32 $0xFFFFEC00  }
0xd9: {  	_ =	swait.ge [sflag:s10], $0x1400  }
0xda: {  	[sflag:s10] =	ssyncset.done $0x0  }
0xdb: {  	[sflag:s10] =	ssyncadd.s32 $0xFFFFEC00  }
0xdc: {  	_ =	swait.ge [sflag:s12], $0x1400  }
0xdd: {  	[sflag:s12] =	ssyncset.done $0x0  }
0xde: {  	[sflag:s12] =	ssyncadd.s32 $0xFFFFEC00  }
0xdf: {  	s25 =	stileid.u32;
	_ =	swait.ge [sflag:s14], $0x1400  }
0xe0: {  	s15 =	sadd.s32 $0x1, s15;
	s16 =	sshll.u32 s25, $0x6;
	[sflag:s14] =	ssyncset.done $0x0  }
0xe1: {  	p0 =	sne.s32 s15, s24;
	s16 =	sor.u32 $0x1C09, s16;
	[sflag:s14] =	ssyncadd.s32 $0xFFFFEC00  }
.Ltmp2:
0xe2: {  	s17 =	sshrl.u32 s4, $0x3;
	[bflag:$0x0] =	sbarrier.arrive $0xFFFF;
	(pc) =	sbr.rel @p0 .LBB2_1-.Ltmp2, $4  }
0xe3: {  	[hbm:s23], [sflag:s16] =	dma.local [spmem:s17], $0x2800  }
0xe4: {  	_ =	swait.ge [sflag:s31], $0x2800  }
0xe5: {  	[sflag:s31] =	ssyncset.done $0x0  }
0xe6: {  	[sflag:s31] =	ssyncadd.s32 $0xFFFFD800  }
0xe7: {  	_ =	sfence.sel $0x180000  }
0xe8: {  	[bflag:$0x0] =	sbarrier.arrive $0xFFFF  }
0xe9: {  	_ =	strace $0x90000050  }
0xea: {  	s0 =	stileid.u32;
	[bflag:$0x2] =	sbarrier.arrive $0xFFFF  }
0xeb: {  	p0 =	sne.s32 s0, $0x0;
	s0 =	rddreg [dreg:$0x2]  }
0xec: {  	s0 =	sadd.s32 @!p0 $0x100000, s0  }
0xed: {  	[sflag:s0] =	ssyncadd.tile.s32 @!p0 $0x1;
	_ =	shalt  }
.Lfunc_end2:
_tile_overlayer_lowered:
.L_overlay_start_2:
0xee: {  	(tag) =	ssettag $0x2  }
0xef: {  	s0 =	rddreg [dreg:$0x0];
	s2 =	stileid.u32  }
0xf0: {  	s1 =	rddreg [dreg:$0x1];
	p0 =	sne.s32 s2, $0x0  }
0xf1: {  	s3 =	rddreg [dreg:$0x2];
	[bflag:$0x3] =	sbarrier.arrive $0xFFFF;
	s2 =	simm.s32 @!p0 $0x1C09  }
0xf2: {  	[timem:s3], [sflag:s2] =	dma.local @!p0 [hbm:s0], s1  }
0xf3: {  	s0 =	simm.s32 @!p0 $0x9  }
0xf4: {  	_ =	swait.ge @!p0 [sflag:s0], s1  }
0xf5: {  	s1 =	ssub.s32 @!p0 $0x0, s1;
	[sflag:s0] =	ssyncset.done @!p0 $0x0  }
0xf6: {  	[sflag:s0] =	ssyncadd.s32 @!p0 s1  }
0xf7: {  	[bflag:$0x3] =	sbarrier.arrive $0xFFFF  }
0xf8: {  	_ =	shalt  }

// kernel: kernel.16.cloned.1.call-start
scs
__scs_entry_jumppad:
0x0: {  	(pc) =	sbr.rel $0x88, $3  }
0x1: {  	(tag) =	ssettag $0x0;
	lr =	simm.s32 $0x1  }
0x2: {  	[smem:$0x3F97] =	sst lr;
	_ =	strace $0xD0000000  }
0x3: {  	_ = 	snop  }
0x4: {  	_ = 	snop  }
0x5: {  	_ = 	snop  }
0x6: {  	_ = 	snop  }
0x7: {  	_ = 	snop  }
__scs_overlays_trampoline_lowered:
0x8: {  	[smem:$0x3FA6] =	sst s0  }
0x9: {  	[smem:$0x3FA7] =	sst s1  }
0xa: {  	[smem:$0x3FA8] =	sst s2  }
0xb: {  	[smem:$0x3FA9] =	sst s3  }
0xc: {  	[smem:$0x3FAA] =	sst s4  }
0xd: {  	[smem:$0x3FAB] =	sst s5  }
0xe: {  	[smem:$0x3FAC] =	sst s6  }
0xf: {  	[smem:$0x3FAD] =	sst s7  }
0x10: {  	[smem:$0x3FAE] =	sst s8  }
0x11: {  	[smem:$0x3FAF] =	sst s9;
	s0 =	simm.s32 @!p0 $0x0  }
0x12: {  	s1 =	sld [smem:$0x3F95];
	s0 =	simm.s32 @p0 $0x1  }
0x13: {  	[smem:$0x3FB0] =	sst s0;
	s0 =	simm.s32 @!p1 $0x0  }
0x14: {  	s2 =	sld [smem:$0x3F94];
	s0 =	simm.s32 @p1 $0x1  }
0x15: {  	[smem:$0x3FB1] =	sst s0;
	s0 =	simm.s32 @!p2 $0x0  }
0x16: {  	s3 =	sld [smem:$0x3FDB];
	s0 =	simm.s32 @p2 $0x1  }
0x17: {  	s4 =	simm.s32 $0x1BF5;
	[smem:$0x3FB3] =	sst s0  }
0x18: {  	s0 =	sld [smem:$0x3F96];
	_ =	swait.ge [sflag:s4], $0x0  }
0x19: {  	s7 =	sld [smem:$0x3F97]  }
0x1a: {  	s8 =	sadd.s32 $0xFFFFE003, lr  }
0x1b: {  	s9 =	sadd.s32 $0xFFFFFEF7, lr;
	s5 =	simm.s32 $0xFFFFFFFF;
	p2 =	slt.u32 s8, $0xFFFFF086  }
0x1c: {  	p1 =	slt.u32 s9, $0xF7A;
	s5 =	simm.s32 @!p2 $0x0  }
0x1d: {  	s5 =	simm.s32 @p1 $0x1;
	p0 =	seq.s32 s7, s2  }
0x1e: {  	s7 =	smul.u32 @!p0 $0xF7A, s2;
	p2 =	seq.s32 @!p0 s5, $0x0  }
0x1f: {  	s9 =	smul.u32 $0xF7A, s1;
	s8 =	simm.s32 @!p0 $0x1BF5;
	p2 =	por !p2, p0  }
0x20: {  	[sflag:s8] =	ssyncset.s32 @!p0 $0xFFFFF086;
	s6 =	sadd.s32 @!p0 s3, s7;
	s7 =	simm.s32 @!p0 $0x108  }
0x21: {  	s3 =	sadd.s32 s3, s9;
	s6 =	sadd.s32 @!p0 $0x88, s6;
	s7 =	simm.s32 @p2 $0x1082  }
0x22: {  	[simem:s7], [sflag:s8] =	dma.local @!p0 [hbm:s6], $0xF7A  }
0x23: {  	s9 =	sor.u32 $0xD0000000, s2;
	s6 =	simm.s32 $0x108;
	_ =	swait.ge @!p0 [sflag:s8], $0x0  }
0x24: {  	s3 =	sadd.s32 $0x88, s3;
	s6 =	simm.s32 @!p1 $0x1082;
	[sflag:s4] =	ssyncset.s32 $0xFFFFF086  }
0x25: {  	[simem:s6], [sflag:s4] =	dma.local [hbm:s3], $0xF7A  }
0x26: {  	[smem:$0x3F97] =	sst s1;
	(tag) =	ssettag s2;
	_ =	strace s9  }
0x27: {  	s1 =	sld [smem:$0x3FA7]  }
0x28: {  	s2 =	sld [smem:$0x3FA8]  }
0x29: {  	s4 =	sld [smem:$0x3FAA]  }
0x2a: {  	p0 =	seq.s32 s5, $0x0;
	s5 =	sld [smem:$0x3FAB]  }
0x2b: {  	s6 =	sld [smem:$0x3FAC]  }
0x2c: {  	s7 =	sld [smem:$0x3FAD]  }
0x2d: {  	s3 =	simm.s32 $0x108;
	s8 =	sld [smem:$0x3FAE]  }
0x2e: {  	s3 =	simm.s32 @!p0 $0x1082;
	s9 =	sld [smem:$0x3FAF]  }
0x2f: {  	lr =	sadd.s32 s0, s3;
	s0 =	sld [smem:$0x3FA6]  }
0x30: {  	s3 =	sld [smem:$0x3FA9]  }
0x31: {  	[smem:$0x3FB2] =	sst s10  }
0x32: {  	s10 =	sld [smem:$0x3FB0];
	_ =	sdelay $0x3  }
0x33: {  	p0 =	seq.s32 s10, $0x1;
	s10 =	sld [smem:$0x3FB2];
	_ =	sdelay $0x3  }
0x34: {  	[smem:$0x3FB2] =	sst s10  }
0x35: {  	s10 =	sld [smem:$0x3FB1];
	_ =	sdelay $0x3  }
0x36: {  	p1 =	seq.s32 s10, $0x1;
	s10 =	sld [smem:$0x3FB2];
	_ =	sdelay $0x3  }
0x37: {  	[smem:$0x3FB2] =	sst s10  }
0x38: {  	s10 =	sld [smem:$0x3FB3]  }
0x39: {  	_ = 	snop;
	(pc) =	sbr.ind lr, $3  }
0x3a: {  	_ = 	snop  }
0x3b: {  	_ = 	snop  }
0x3c: {  	p2 =	seq.s32 s10, $0x1;
	s10 =	sld [smem:$0x3FB2]  }
0x3d: {  	_ =	shalt  }
0x3e: {  	_ =	shalt  }
0x3f: {  	_ =	shalt  }
0x40: {  	_ =	shalt  }
0x41: {  	_ =	shalt  }
0x42: {  	_ =	shalt  }
0x43: {  	_ =	shalt  }
0x44: {  	_ =	shalt  }
0x45: {  	_ =	shalt  }
0x46: {  	_ =	shalt  }
0x47: {  	_ =	shalt  }
0x48: {  	_ =	shalt  }
0x49: {  	_ =	shalt  }
0x4a: {  	_ =	shalt  }
0x4b: {  	_ =	shalt  }
0x4c: {  	_ =	shalt  }
0x4d: {  	_ =	shalt  }
0x4e: {  	_ =	shalt  }
0x4f: {  	_ =	shalt  }
0x50: {  	_ =	shalt  }
0x51: {  	_ =	shalt  }
0x52: {  	_ =	shalt  }
0x53: {  	_ =	shalt  }
0x54: {  	_ =	shalt  }
0x55: {  	_ =	shalt  }
0x56: {  	_ =	shalt  }
0x57: {  	_ =	shalt  }
0x58: {  	_ =	shalt  }
0x59: {  	_ =	shalt  }
0x5a: {  	_ =	shalt  }
0x5b: {  	_ =	shalt  }
0x5c: {  	_ =	shalt  }
0x5d: {  	_ =	shalt  }
0x5e: {  	_ =	shalt  }
0x5f: {  	_ =	shalt  }
0x60: {  	_ =	shalt  }
0x61: {  	_ =	shalt  }
0x62: {  	_ =	shalt  }
0x63: {  	_ =	shalt  }
0x64: {  	_ =	shalt  }
0x65: {  	_ =	shalt  }
0x66: {  	_ =	shalt  }
0x67: {  	_ =	shalt  }
0x68: {  	_ =	shalt  }
0x69: {  	_ =	shalt  }
0x6a: {  	_ =	shalt  }
0x6b: {  	_ =	shalt  }
0x6c: {  	_ =	shalt  }
0x6d: {  	_ =	shalt  }
0x6e: {  	_ =	shalt  }
0x6f: {  	_ =	shalt  }
0x70: {  	_ =	shalt  }
0x71: {  	_ =	shalt  }
0x72: {  	_ =	shalt  }
0x73: {  	_ =	shalt  }
0x74: {  	_ =	shalt  }
0x75: {  	_ =	shalt  }
0x76: {  	_ =	shalt  }
0x77: {  	_ =	shalt  }
0x78: {  	_ =	shalt  }
0x79: {  	_ =	shalt  }
0x7a: {  	_ =	shalt  }
0x7b: {  	_ =	shalt  }
0x7c: {  	_ =	shalt  }
0x7d: {  	_ =	shalt  }
0x7e: {  	_ =	shalt  }
0x7f: {  	_ =	shalt  }
0x80: {  	_ =	shalt  }
0x81: {  	_ =	shalt  }
0x82: {  	_ =	shalt  }
0x83: {  	_ =	shalt  }
0x84: {  	_ =	shalt  }
0x85: {  	_ =	shalt  }
0x86: {  	_ =	shalt  }
0x87: {  	_ =	shalt  }
.Lfunc_end0:
.L_simem_size_0:
called_computation.2_lowered:
.L_overlay_start_0:
0x88: {  	s2 =	sld [smem:$0x3FD9]  }
0x89: {  	s3 =	sld [smem:$0x3FFE];
	_ =	sdelay $0x1  }
0x8a: {  	s1 =	srdreg.scid  }
0x8b: {  	s0 =	sand.u32 $0x1, s1  }
0x8c: {  	s14 =	sshll.u32 s0, $0xA;
	s2 =	sadd.s32 s3, s2  }
0x8d: {  	s2 =	sadd.s32 s2, s14  }
0x8e: {  	[smem:$0x3FBE] =	sst s2  }
0x8f: {  	_ = 	snop  }
0x90: {  	s2 =	sld [smem:$0x3FD0];
	_ =	sdelay $0x2  }
0x91: {  	s15 =	simm.s32 $0xB;
	s4 =	simm.s32 $0x10  }
0x92: {  	[smem:s4], [sflag:s15] =	dma.local [hbm:s2], $0x1  }
0x93: {  	_ =	swait.eq [sflag:s15], $0x1  }
0x94: {  	[sflag:s15] =	ssyncset.done $0x0  }
0x95: {  	[sflag:s15] =	ssyncadd.s32 $0xFFFFFFFF  }
0x96: {  	s16 =	sld [smem:$0x10];
	(tm) =	ssettm $0x1  }
0x97: {  	s17 =	sld [smem:$0x3FFB];
	_ =	sdelay $0x3  }
0x98: {  	_ =	strace s17  }
0x99: {  	s3 =	sld [smem:$0x3FFC];
	_ =	sdelay $0x3  }
0x9a: {  	_ =	strace s3  }
0x9b: {  	s3 =	sld [smem:$0x3FFD];
	_ =	sdelay $0x3  }
0x9c: {  	_ =	strace s3  }
0x9d: {  	_ =	strace $0x8FFFFFFF  }
0x9e: {  	s18 =	sld [smem:$0x3FDB];
	_ =	sdelay $0x1  }
0x9f: {  	s19 =	simm.s32 $_scs_section_size  }
0xa0: {  	s5 =	simm.s32 $_size__tile_overlayer_lowered;
	s6 =	simm.s32 $_tile_overlayer_lowered  }
0xa1: {  	s22 =	simm.s32 $0x1BFF;
	s21 =	sshll.u32 s6, $0x1;
	s3 =	sadd.s32 s19, s18  }
0xa2: {  	s7 =	simm.s32 $0x0;
	s20 =	sshll.u32 s5, $0x1;
	s5 =	sadd.s32 s21, s3  }
0xa3: {  	[timem:s7], [sflag:s22] =	dma.local [hbm:s5], s20  }
0xa4: {  	_ =	swait.ge [sflag:s22], s20  }
0xa5: {  	s4 =	ssub.s32 $0x0, s20;
	[sflag:s22] =	ssyncset.done $0x0  }
0xa6: {  	[sflag:s22] =	ssyncadd.s32 s4;
	_ =	sdelay $0x1  }
0xa7: {  	s23 =	simm.s32 $0x1B8B  }
0xa8: {  	_ =	swait.ge [sflag:s23], $0x1  }
0xa9: {  	[sflag:s23] =	ssyncset.done $0x0  }
0xaa: {  	s25 =	simm.s32 $0x1B8E;
	s24 =	sld [smem:$0x3FFE];
	[sflag:s23] =	ssyncadd.s32 $0xFFFFFFFF  }
0xab: {  	s26 =	simm.s32 $execute0_lowered;
	[smem:$0x3FD2] =	sst s25  }
0xac: {  	s5 =	sshll.u32 s26, $0x1;
	_ =	strace $0x80000046;
	[dreg:$0x1] =	wrdreg $0xFFFFFFFF  }
0xad: {  	s28 =	simm.s32 $_size_execute0_lowered;
	s3 =	sadd.s32 s3, s5;
	[dreg:$0x0] =	wrdreg $0x0  }
0xae: {  	s5 =	sshll.u32 s28, $0x1;
	[dreg:$0x2] =	wrdreg s3  }
0xaf: {  	[dreg:$0x3] =	wrdreg s5  }
0xb0: {  	[dreg:$0x4] =	wrdreg $0xC0  }
0xb1: {  	_ =	task [dreg:s7], $0x5FFFF  }
0xb2: {  	[dreg:$0x1] =	wrdreg $0xFFFFFFFF  }
0xb3: {  	[dreg:$0x0] =	wrdreg $0x60  }
0xb4: {  	[dreg:$0x2] =	wrdreg s16  }
0xb5: {  	[dreg:$0x3] =	wrdreg s24  }
0xb6: {  	[dreg:$0x4] =	wrdreg $0xA  }
0xb7: {  	_ =	task.clear_ibuf [dreg:s7], $0x5FFFF;
	_ =	strace $0x90000046  }
0xb8: {  	s29 =	simm.s32 $0xA;
	_ =	strace $0x80000048  }
0xb9: {  	_ =	swait.ge [sflag:s29], $0x1  }
0xba: {  	[sflag:s29] =	ssyncadd.s32 $0xFFFFFFFF  }
0xbb: {  	_ =	strace $0x90000048  }
0xbc: {  	_ =	sfence  }
0xbd: {  	s30 =	sld [smem:$0x0];
	_ =	sdelay $0x2  }
0xbe: {  	s31 =	sshll.u32 s1, $0xD;
	s1 =	sshrl.u32 s1, $0x2  }
0xbf: {  	s3 =	sand.u32 $0x4000, s31;
	s1 =	sadd.s32 s1, s30  }
0xc0: {  	s0 =	sor.u32 s3, s0;
	s1 =	sshll.u32 s1, $0x11  }
0xc1: {  	s0 =	sor.u32 s1, s0  }
0xc2: {  	s0 =	sadd.s32 $0x8F2B, s0  }
0xc3: {  	[sflag:s0] =	ssyncadd.remote.s32 $0x1  }
0xc4: {  	_ =	sfence.sel $0xFFFF  }
0xc5: {  	[dreg:$0x0] =	wrdreg $0xFFFFFFFF;
	(pc) =	sbr.abs _section_cstart, $3  }
0xc6: {  	[dreg:$0x1] =	wrdreg $0xFFFFFFFF  }
0xc7: {  	_ =	task.clear_ibuf [dreg:s7], $0x2FFFF;
	_ =	strace $0x9FFFFFFF  }
0xc8: {  	(tm) =	ssettm $0x7FFFFFFF  }
0xc9: {  	_ =	shalt  }
tec
execute0_lowered:
.L_overlay_start_1:
0x0: {  	(tag) =	ssettag $0x1  }
0x1: {  	s2 =	rddreg [dreg:$0x0]  }
0x2: {  	s0 =	srdreg.scid;
	s10 =	stileid.u32  }
0x3: {  	s1 =	rddreg [dreg:$0x1];
	s3 =	simm.s32 $0x0;
	s14 =	simm.s32 $0x28  }
0x4: {  	s15 =	simm.s32 $0x2800;
	s16 =	simm.s32 $0x7800;
	s28 =	simm.s32 $0xB400  }
0x5: {  	s29 =	simm.s32 $0x1;
	s30 =	simm.s32 $0x5;
	s31 =	simm.s32 $0x9  }
0x6: {  	s18 =	simm.s32 $0x6;
	s20 =	simm.s32 $0x3;
	s13 =	simm.s32 $0x10  }
0x7: {  	s0 =	sand.u32 $0x1, s0;
	s4 =	sshll.u32 s10, $0x1;
	[smem:$0x7FF] =	sst s3  }
0x8: {  	s8 =	sadd.s32 $0x34200, s1;
	s23 =	smul.u32 $0x27100, s10;
	s5 =	sor.u32 s0, s4  }
0x9: {  	_ =	strace $0x80000047;
	s7 =	ssub.s32 $0x2, s0;
	s0 =	smul.u32 $0x13880, s0  }
0xa: {  	s4 =	sadd.s32 $0xD000, s1;
	s6 =	smul.u32 $0x1388, s5;
	s9 =	sshrl.u32 s7, $0x1  }
0xb: {  	s5 =	smul.u32 $0x9C400, s5;
	s25 =	sadd.s32 s23, s8;
	s7 =	ssub.s32 s7, s9  }
0xc: {  	s10 =	sadd.s32 s0, s25;
	s25 =	simm.s32 $0x6400;
	s6 =	sshrl.u32 s6, $0x3  }
0xd: {  	s5 =	sshrl.u32 s5, $0x3;
	s26 =	smax.u32 s7, $0x1;
	s6 =	sadd.s32 s6, s1  }
0xe: {  	s1 =	sadd.s32 $0x2A5200, s1;
	[dreg:$0x7] =	wrdreg s26;
	s22 =	sadd.s32 $0x3000, s6  }
0xf: {  	s5 =	sadd.s32 $0x13600, s5;
	s6 =	sadd.s32 $0x8000, s6;
	[dreg:$0x3] =	wrdreg s22  }
.Ltmp0:
0x10: {  	s24 =	sadd.s32 s8, s5;
	[dreg:$0x4] =	wrdreg s6;
	(pc) =	sbr.rel .LBB2_1-.Ltmp0, $4  }
0x11: {  	s9 =	simm.s32 $0xC;
	s5 =	sadd.s32 s1, s5;
	[dreg:$0x5] =	wrdreg s24  }
0x12: {  	s26 =	simm.s32 $0x8;
	s1 =	sadd.s32 s23, s1;
	[dreg:$0x6] =	wrdreg s5  }
0x13: {  	s11 =	sadd.s32 s0, s1;
	s1 =	simm.s32 $0xD;
	s0 =	simm.s32 $0x2  }
0x14: {  	s22 =	simm.s32 $0x7;
	s24 =	simm.s32 $0x4;
	s6 =	simm.s32 $0x0  }
.LBB2_4:
0x15: {  	_ =	swait.ge [sflag:s29], $0x1400  }
0x16: {  	[sflag:s29] =	ssyncset.done $0x0  }
0x17: {  	[sflag:s29] =	ssyncadd.s32 $0xFFFFEC00  }
0x18: {  	_ =	swait.ge [sflag:s30], $0x1400  }
0x19: {  	[sflag:s30] =	ssyncset.done $0x0  }
0x1a: {  	s5 =	rddreg [dreg:$0x5];
	[sflag:s30] =	ssyncadd.s32 $0xFFFFEC00  }
0x1b: {  	[hbm4b:s5+s3] =	stream.linear.scatter [tilespmem:s15], [sflag:$0x9], $0x1400, $0x38;
	[tilespmem:$0xC800] =	vst v63  }
0x1c: {  	s8 =	rddreg [dreg:$0x6]  }
0x1d: {  	[hbm4b:s8+s3] =	stream.linear.scatter [tilespmem:s16], [sflag:$0xD], $0x1400, $0x38;
	[tilespmem:$0xC800] =	vst v63  }
0x1e: {  	_ =	swait.ge [sflag:s31], $0x1400  }
0x1f: {  	[sflag:s31] =	ssyncset.done $0x0  }
0x20: {  	[sflag:s31] =	ssyncadd.s32 $0xFFFFEC00  }
0x21: {  	_ =	swait.ge [sflag:s1], $0x1400  }
0x22: {  	[sflag:s1] =	ssyncset.done $0x0  }
0x23: {  	s12 =	simm.s32 $0xA;
	[sflag:s1] =	ssyncadd.s32 $0xFFFFEC00  }
0x24: {  	_ =	swait.ge [sflag:s12], $0x1400  }
0x25: {  	[sflag:s12] =	ssyncset.done $0x0  }
0x26: {  	s17 =	simm.s32 $0xE;
	[sflag:s12] =	ssyncadd.s32 $0xFFFFEC00  }
0x27: {  	_ =	swait.ge [sflag:s17], $0x1400  }
0x28: {  	[sflag:s17] =	ssyncset.done $0x0  }
0x29: {  	s19 =	simm.s32 $0xB;
	[sflag:s17] =	ssyncadd.s32 $0xFFFFEC00  }
0x2a: {  	_ =	swait.ge [sflag:s19], $0x1400  }
0x2b: {  	[sflag:s19] =	ssyncset.done $0x0  }
0x2c: {  	s21 =	simm.s32 $0xF;
	[sflag:s19] =	ssyncadd.s32 $0xFFFFEC00  }
0x2d: {  	_ =	swait.ge [sflag:s21], $0x1400  }
0x2e: {  	[sflag:s21] =	ssyncset.done $0x0  }
0x2f: {  	[sflag:s21] =	ssyncadd.s32 $0xFFFFEC00  }
0x30: {  	_ =	swait.ge [sflag:s9], $0x1400  }
0x31: {  	[sflag:s9] =	ssyncset.done $0x0  }
0x32: {  	[sflag:s9] =	ssyncadd.s32 $0xFFFFEC00  }
0x33: {  	_ =	swait.ge [sflag:s13], $0x1400  }
0x34: {  	s6 =	rddreg [dreg:$0x8]  }
0x35: {  	s23 =	rddreg [dreg:$0x7];
	s6 =	sadd.s32 $0x1, s6  }
0x36: {  	p0 =	sne.s32 s6, s23  }
.Ltmp1:
0x37: {  	_ = 	snop;
	(pc) =	sbr.rel @!p0 .LBB2_5-.Ltmp1, $3  }
0x38: {  	_ =	sdelay $0x1  }
0x39: {  	[sflag:s13] =	ssyncset.done $0x0  }
0x3a: {  	[sflag:s13] =	ssyncadd.s32 $0xFFFFEC00  }
.LBB2_1:
0x3b: {  	[dreg:$0x8] =	wrdreg s6  }
0x3c: {  	s5 =	rddreg [dreg:$0x3];
	s19 =	simm.s32 $0x11  }
0x3d: {  	[tilespmem:s3], [sflag:$0x11] =	stream.linear.gather [hbm4b:s5+s3], $0x1388, $0x38;
	[tilespmem:$0xC800] =	vst v63  }
0x3e: {  	_ =	swait.ge [sflag:s19], $0x1388  }
0x3f: {  	[sflag:s19] =	ssyncset.done $0x0  }
0x40: {  	s7 =	simm.s32 $0x1400;
	s21 =	rddreg [dreg:$0x4];
	[sflag:s19] =	ssyncadd.s32 $0xFFFFEC78  }
0x41: {  	[tilespmem:s7], [sflag:$0x11] =	stream.linear.gather [hbm4b:s21+s3], $0x1388, $0x38;
	[tilespmem:$0xC800] =	vst v63  }
0x42: {  	_ =	swait.ge [sflag:s19], $0x1388  }
0x43: {  	[sflag:s19] =	ssyncset.done $0x0  }
0x44: {  	[sflag:s19] =	ssyncadd.s32 $0xFFFFEC78  }
0x45: {  	[tilespmem:s15], [sflag:$0x1] =	stream.indirect.gather [hbm4b:s2+s14], $0x80, s3, s14, $0xb8;
	[tilespmem:$0xC800] =	vst v63  }
0x46: {  	_ = 	snop  }
0x47: {  	[tilespmem:s16], [sflag:$0x5] =	stream.indirect.gather [hbm4b:s4+s14], $0x80, s7, s14, $0xb8;
	[tilespmem:$0xC800] =	vst v63  }
0x48: {  	s23 =	simm.s32 $0x3C00  }
0x49: {  	[tilespmem:s23], [sflag:$0x2] =	stream.indirect.gather [hbm4b:s2+s14], $0x80, s14, s14, $0xb8;
	[tilespmem:$0xC800] =	vst v63  }
0x4a: {  	s6 =	simm.s32 $0x1428;
	s7 =	simm.s32 $0x8C00  }
0x4b: {  	[tilespmem:s7], [sflag:$0x6] =	stream.indirect.gather [hbm4b:s4+s14], $0x80, s6, s14, $0xb8;
	[tilespmem:$0xC800] =	vst v63  }
0x4c: {  	s8 =	simm.s32 $0x50;
	s12 =	simm.s32 $0x5000  }
0x4d: {  	[tilespmem:s12], [sflag:$0x3] =	stream.indirect.gather [hbm4b:s2+s14], $0x80, s8, s14, $0xb8;
	[tilespmem:$0xC800] =	vst v63  }
0x4e: {  	s17 =	simm.s32 $0x1450;
	s19 =	simm.s32 $0xA000  }
0x4f: {  	[tilespmem:s19], [sflag:$0x7] =	stream.indirect.gather [hbm4b:s4+s14], $0x80, s17, s14, $0xb8;
	[tilespmem:$0xC800] =	vst v63  }
0x50: {  	s21 =	simm.s32 $0x78  }
0x51: {  	[tilespmem:s25], [sflag:$0x4] =	stream.indirect.gather [hbm4b:s2+s14], $0x80, s21, s14, $0xb8;
	[tilespmem:$0xC800] =	vst v63  }
0x52: {  	s23 =	simm.s32 $0x1478;
	s6 =	simm.s32 $0x0;
	s7 =	simm.s32 $0x0  }
0x53: {  	[tilespmem:s28], [sflag:$0x8] =	stream.indirect.gather [hbm4b:s4+s14], $0x80, s23, s14, $0xb8;
	[tilespmem:$0xC800] =	vst v63  }
.LBB2_2:
0x54: {  	_ =	swait.ge [sflag:s29], $0x1400  }
0x55: {  	[sflag:s29] =	ssyncset.done $0x0  }
0x56: {  	[sflag:s29] =	ssyncadd.s32 $0xFFFFEC00  }
0x57: {  	_ =	swait.ge [sflag:s30], $0x1400  }
0x58: {  	[sflag:s30] =	ssyncset.done $0x0  }
0x59: {  	s12 =	sadd.s32 s7, s10;
	[sflag:s30] =	ssyncadd.s32 $0xFFFFEC00  }
0x5a: {  	[hbm4b:s12+s3] =	stream.linear.scatter [tilespmem:s15], [sflag:$0x9], $0x1400, $0x38;
	[tilespmem:$0xC800] =	vst v63  }
0x5b: {  	s5 =	sadd.s32 s7, s11  }
0x5c: {  	[hbm4b:s5+s3] =	stream.linear.scatter [tilespmem:s16], [sflag:$0xD], $0x1400, $0x38;
	[tilespmem:$0xC800] =	vst v63  }
0x5d: {  	_ =	swait.ge [sflag:s31], $0x1400  }
0x5e: {  	[sflag:s31] =	ssyncset.done $0x0  }
0x5f: {  	[sflag:s31] =	ssyncadd.s32 $0xFFFFEC00  }
0x60: {  	_ =	swait.ge [sflag:s1], $0x1400  }
0x61: {  	s8 =	sshra.s32 s6, $0x2;
	[sflag:s1] =	ssyncset.done $0x0  }
0x62: {  	s17 =	sadd.s32 $0xA0, s8;
	[sflag:s1] =	ssyncadd.s32 $0xFFFFEC00  }
0x63: {  	[tilespmem:s15], [sflag:$0x1] =	stream.indirect.gather [hbm4b:s2+s14], $0x80, s17, s14, $0xb8;
	[tilespmem:$0xC800] =	vst v63  }
0x64: {  	s21 =	sadd.s32 $0x14A0, s8  }
0x65: {  	[tilespmem:s16], [sflag:$0x5] =	stream.indirect.gather [hbm4b:s4+s14], $0x80, s21, s14, $0xb8;
	[tilespmem:$0xC800] =	vst v63  }
0x66: {  	_ =	swait.ge [sflag:s0], $0x1400  }
0x67: {  	[sflag:s0] =	ssyncset.done $0x0  }
0x68: {  	[sflag:s0] =	ssyncadd.s32 $0xFFFFEC00  }
0x69: {  	_ =	swait.ge [sflag:s18], $0x1400  }
0x6a: {  	s19 =	simm.s32 $0x3C00;
	[sflag:s18] =	ssyncset.done $0x0  }
0x6b: {  	p0 =	seq.s32 s7, $0x12C00;
	s23 =	sadd.s32 $0x280, s12;
	[sflag:s18] =	ssyncadd.s32 $0xFFFFEC00  }
0x6c: {  	[hbm4b:s23+s3] =	stream.linear.scatter [tilespmem:s19], [sflag:$0xA], $0x1400, $0x38;
	[tilespmem:$0xC800] =	vst v63  }
0x6d: {  	s17 =	simm.s32 @!p0 $0xA;
	s21 =	sadd.s32 $0x280, s5;
	s23 =	simm.s32 $0x8C00  }
0x6e: {  	[hbm4b:s21+s3] =	stream.linear.scatter [tilespmem:s23], [sflag:$0xE], $0x1400, $0x38;
	[tilespmem:$0xC800] =	vst v63  }
0x6f: {  	_ =	swait.ge @!p0 [sflag:s17], $0x1400  }
0x70: {  	[sflag:s17] =	ssyncset.done @!p0 $0x0  }
0x71: {  	[sflag:s17] =	ssyncadd.s32 @!p0 $0xFFFFEC00;
	s17 =	simm.s32 @!p0 $0xE  }
0x72: {  	_ =	swait.ge @!p0 [sflag:s17], $0x1400  }
0x73: {  	[sflag:s17] =	ssyncset.done @!p0 $0x0  }
0x74: {  	[sflag:s17] =	ssyncadd.s32 @!p0 $0xFFFFEC00;
	s17 =	sshra.s32 @!p0 s6, $0x2  }
0x75: {  	s21 =	simm.s32 @!p0 $0x28;
	s23 =	simm.s32 @!p0 $0x3C00;
	s19 =	sadd.s32 @!p0 $0xC8, s17  }
0x76: {  	[tilespmem:s23], [sflag:$0x2] =	stream.indirect.gather @!p0 [hbm4b:s2+s21], $0x80, s19, s21, $0xb8;
	[tilespmem:$0xC800] =	vst v63  }
0x77: {  	s19 =	sadd.s32 @!p0 $0x14C8, s17;
	s23 =	simm.s32 @!p0 $0x8C00  }
0x78: {  	[tilespmem:s23], [sflag:$0x6] =	stream.indirect.gather @!p0 [hbm4b:s4+s21], $0x80, s19, s21, $0xb8;
	[tilespmem:$0xC800] =	vst v63  }
0x79: {  	_ =	swait.ge [sflag:s20], $0x1400  }
0x7a: {  	[sflag:s20] =	ssyncset.done $0x0  }
0x7b: {  	[sflag:s20] =	ssyncadd.s32 $0xFFFFEC00  }
0x7c: {  	_ =	swait.ge [sflag:s22], $0x1400  }
0x7d: {  	[sflag:s22] =	ssyncset.done $0x0  }
0x7e: {  	s19 =	sadd.s32 $0x500, s12;
	s23 =	simm.s32 $0x5000;
	[sflag:s22] =	ssyncadd.s32 $0xFFFFEC00  }
0x7f: {  	[hbm4b:s19+s3] =	stream.linear.scatter [tilespmem:s23], [sflag:$0xB], $0x1400, $0x38;
	[tilespmem:$0xC800] =	vst v63  }
0x80: {  	s19 =	sadd.s32 $0x500, s5;
	s23 =	simm.s32 $0xA000  }
0x81: {  	[hbm4b:s19+s3] =	stream.linear.scatter [tilespmem:s23], [sflag:$0xF], $0x1400, $0x38;
	[tilespmem:$0xC800] =	vst v63  }
0x82: {  	s19 =	simm.s32 @!p0 $0xB  }
0x83: {  	_ =	swait.ge @!p0 [sflag:s19], $0x1400  }
0x84: {  	[sflag:s19] =	ssyncset.done @!p0 $0x0  }
0x85: {  	[sflag:s19] =	ssyncadd.s32 @!p0 $0xFFFFEC00;
	s19 =	simm.s32 @!p0 $0xF  }
0x86: {  	_ =	swait.ge @!p0 [sflag:s19], $0x1400  }
0x87: {  	[sflag:s19] =	ssyncset.done @!p0 $0x0  }
0x88: {  	s23 =	simm.s32 @!p0 $0x5000;
	[sflag:s19] =	ssyncadd.s32 @!p0 $0xFFFFEC00;
	s19 =	sadd.s32 @!p0 $0xF0, s17  }
0x89: {  	[tilespmem:s23], [sflag:$0x3] =	stream.indirect.gather @!p0 [hbm4b:s2+s21], $0x80, s19, s21, $0xb8;
	[tilespmem:$0xC800] =	vst v63  }
0x8a: {  	s17 =	sadd.s32 @!p0 $0x14F0, s17;
	s19 =	simm.s32 @!p0 $0xA000  }
0x8b: {  	[tilespmem:s19], [sflag:$0x7] =	stream.indirect.gather @!p0 [hbm4b:s4+s21], $0x80, s17, s21, $0xb8;
	[tilespmem:$0xC800] =	vst v63  }
0x8c: {  	_ =	swait.ge [sflag:s24], $0x1400  }
0x8d: {  	[sflag:s24] =	ssyncset.done $0x0  }
0x8e: {  	[sflag:s24] =	ssyncadd.s32 $0xFFFFEC00  }
0x8f: {  	_ =	swait.ge [sflag:s26], $0x1400  }
.Ltmp2:
0x90: {  	[sflag:s26] =	ssyncset.done $0x0;
	(pc) =	sbr.rel @p0 .LBB2_4-.Ltmp2, $4  }
0x91: {  	s12 =	sadd.s32 $0x780, s12;
	[sflag:s26] =	ssyncadd.s32 $0xFFFFEC00  }
0x92: {  	[hbm4b:s12+s3] =	stream.linear.scatter [tilespmem:s25], [sflag:$0xC], $0x1400, $0x38;
	[tilespmem:$0xC800] =	vst v63  }
0x93: {  	s5 =	sadd.s32 $0x780, s5  }
0x94: {  	[hbm4b:s5+s3] =	stream.linear.scatter [tilespmem:s28], [sflag:$0x10], $0x1400, $0x38;
	[tilespmem:$0xC800] =	vst v63  }
0x95: {  	_ =	swait.ge [sflag:s9], $0x1400  }
0x96: {  	[sflag:s9] =	ssyncset.done $0x0  }
0x97: {  	[sflag:s9] =	ssyncadd.s32 $0xFFFFEC00  }
0x98: {  	_ =	swait.ge [sflag:s13], $0x1400  }
.Ltmp3:
0x99: {  	[sflag:s13] =	ssyncset.done $0x0;
	(pc) =	sbr.rel .LBB2_2-.Ltmp3, $4  }
0x9a: {  	s5 =	sadd.s32 $0x118, s8;
	[sflag:s13] =	ssyncadd.s32 $0xFFFFEC00  }
0x9b: {  	[tilespmem:s25], [sflag:$0x4] =	stream.indirect.gather [hbm4b:s2+s14], $0x80, s5, s14, $0xb8;
	[tilespmem:$0xC800] =	vst v63  }
0x9c: {  	s23 =	sadd.s32 $0x1518, s8;
	s7 =	sadd.s32 $0xA00, s7;
	s6 =	sadd.s32 $0x280, s6  }
0x9d: {  	[tilespmem:s28], [sflag:$0x8] =	stream.indirect.gather [hbm4b:s4+s14], $0x80, s23, s14, $0xb8;
	[tilespmem:$0xC800] =	vst v63  }
.LBB2_5:
0x9e: {  	_ =	sfence.sel $0x180000  }
0x9f: {  	[bflag:$0x0] =	sbarrier.arrive $0xFFFF  }
0xa0: {  	_ =	strace $0x90000047  }
0xa1: {  	s0 =	stileid.u32;
	[bflag:$0x2] =	sbarrier.arrive $0xFFFF  }
0xa2: {  	p0 =	sne.s32 s0, $0x0;
	s0 =	rddreg [dreg:$0x2]  }
0xa3: {  	s0 =	sadd.s32 @!p0 $0x100000, s0  }
0xa4: {  	[sflag:s0] =	ssyncadd.tile.s32 @!p0 $0x1;
	_ =	shalt  }
.Lfunc_end2:
_tile_overlayer_lowered:
.L_overlay_start_2:
0xa5: {  	(tag) =	ssettag $0x2  }
0xa6: {  	s0 =	rddreg [dreg:$0x0];
	s2 =	stileid.u32  }
0xa7: {  	s1 =	rddreg [dreg:$0x1];
	p0 =	sne.s32 s2, $0x0  }
0xa8: {  	s3 =	rddreg [dreg:$0x2];
	[bflag:$0x3] =	sbarrier.arrive $0xFFFF;
	s2 =	simm.s32 @!p0 $0x1C11  }
0xa9: {  	[timem:s3], [sflag:s2] =	dma.local @!p0 [hbm:s0], s1  }
0xaa: {  	s0 =	simm.s32 @!p0 $0x11  }
0xab: {  	_ =	swait.ge @!p0 [sflag:s0], s1  }
0xac: {  	s1 =	ssub.s32 @!p0 $0x0, s1;
	[sflag:s0] =	ssyncset.done @!p0 $0x0  }
0xad: {  	[sflag:s0] =	ssyncadd.s32 @!p0 s1  }
0xae: {  	[bflag:$0x3] =	sbarrier.arrive $0xFFFF  }
0xaf: {  	_ =	shalt  }

// kernel: kernel.19.cloned.1.call-start
scs
__scs_entry_jumppad:
0x0: {  	(pc) =	sbr.rel $0x88, $3  }
0x1: {  	(tag) =	ssettag $0x0;
	lr =	simm.s32 $0x1  }
0x2: {  	[smem:$0x3F97] =	sst lr;
	_ =	strace $0xD0000000  }
0x3: {  	_ = 	snop  }
0x4: {  	_ = 	snop  }
0x5: {  	_ = 	snop  }
0x6: {  	_ = 	snop  }
0x7: {  	_ = 	snop  }
__scs_overlays_trampoline_lowered:
0x8: {  	[smem:$0x3FA6] =	sst s0  }
0x9: {  	[smem:$0x3FA7] =	sst s1  }
0xa: {  	[smem:$0x3FA8] =	sst s2  }
0xb: {  	[smem:$0x3FA9] =	sst s3  }
0xc: {  	[smem:$0x3FAA] =	sst s4  }
0xd: {  	[smem:$0x3FAB] =	sst s5  }
0xe: {  	[smem:$0x3FAC] =	sst s6  }
0xf: {  	[smem:$0x3FAD] =	sst s7  }
0x10: {  	[smem:$0x3FAE] =	sst s8  }
0x11: {  	[smem:$0x3FAF] =	sst s9;
	s0 =	simm.s32 @!p0 $0x0  }
0x12: {  	s1 =	sld [smem:$0x3F95];
	s0 =	simm.s32 @p0 $0x1  }
0x13: {  	[smem:$0x3FB0] =	sst s0;
	s0 =	simm.s32 @!p1 $0x0  }
0x14: {  	s2 =	sld [smem:$0x3F94];
	s0 =	simm.s32 @p1 $0x1  }
0x15: {  	[smem:$0x3FB1] =	sst s0;
	s0 =	simm.s32 @!p2 $0x0  }
0x16: {  	s3 =	sld [smem:$0x3FDB];
	s0 =	simm.s32 @p2 $0x1  }
0x17: {  	s4 =	simm.s32 $0x1BF5;
	[smem:$0x3FB3] =	sst s0  }
0x18: {  	s0 =	sld [smem:$0x3F96];
	_ =	swait.ge [sflag:s4], $0x0  }
0x19: {  	s7 =	sld [smem:$0x3F97]  }
0x1a: {  	s8 =	sadd.s32 $0xFFFFE003, lr  }
0x1b: {  	s9 =	sadd.s32 $0xFFFFFEF7, lr;
	s5 =	simm.s32 $0xFFFFFFFF;
	p2 =	slt.u32 s8, $0xFFFFF086  }
0x1c: {  	p1 =	slt.u32 s9, $0xF7A;
	s5 =	simm.s32 @!p2 $0x0  }
0x1d: {  	s5 =	simm.s32 @p1 $0x1;
	p0 =	seq.s32 s7, s2  }
0x1e: {  	s7 =	smul.u32 @!p0 $0xF7A, s2;
	p2 =	seq.s32 @!p0 s5, $0x0  }
0x1f: {  	s9 =	smul.u32 $0xF7A, s1;
	s8 =	simm.s32 @!p0 $0x1BF5;
	p2 =	por !p2, p0  }
0x20: {  	[sflag:s8] =	ssyncset.s32 @!p0 $0xFFFFF086;
	s6 =	sadd.s32 @!p0 s3, s7;
	s7 =	simm.s32 @!p0 $0x108  }
0x21: {  	s3 =	sadd.s32 s3, s9;
	s6 =	sadd.s32 @!p0 $0x88, s6;
	s7 =	simm.s32 @p2 $0x1082  }
0x22: {  	[simem:s7], [sflag:s8] =	dma.local @!p0 [hbm:s6], $0xF7A  }
0x23: {  	s9 =	sor.u32 $0xD0000000, s2;
	s6 =	simm.s32 $0x108;
	_ =	swait.ge @!p0 [sflag:s8], $0x0  }
0x24: {  	s3 =	sadd.s32 $0x88, s3;
	s6 =	simm.s32 @!p1 $0x1082;
	[sflag:s4] =	ssyncset.s32 $0xFFFFF086  }
0x25: {  	[simem:s6], [sflag:s4] =	dma.local [hbm:s3], $0xF7A  }
0x26: {  	[smem:$0x3F97] =	sst s1;
	(tag) =	ssettag s2;
	_ =	strace s9  }
0x27: {  	s1 =	sld [smem:$0x3FA7]  }
0x28: {  	s2 =	sld [smem:$0x3FA8]  }
0x29: {  	s4 =	sld [smem:$0x3FAA]  }
0x2a: {  	p0 =	seq.s32 s5, $0x0;
	s5 =	sld [smem:$0x3FAB]  }
0x2b: {  	s6 =	sld [smem:$0x3FAC]  }
0x2c: {  	s7 =	sld [smem:$0x3FAD]  }
0x2d: {  	s3 =	simm.s32 $0x108;
	s8 =	sld [smem:$0x3FAE]  }
0x2e: {  	s3 =	simm.s32 @!p0 $0x1082;
	s9 =	sld [smem:$0x3FAF]  }
0x2f: {  	lr =	sadd.s32 s0, s3;
	s0 =	sld [smem:$0x3FA6]  }
0x30: {  	s3 =	sld [smem:$0x3FA9]  }
0x31: {  	[smem:$0x3FB2] =	sst s10  }
0x32: {  	s10 =	sld [smem:$0x3FB0];
	_ =	sdelay $0x3  }
0x33: {  	p0 =	seq.s32 s10, $0x1;
	s10 =	sld [smem:$0x3FB2];
	_ =	sdelay $0x3  }
0x34: {  	[smem:$0x3FB2] =	sst s10  }
0x35: {  	s10 =	sld [smem:$0x3FB1];
	_ =	sdelay $0x3  }
0x36: {  	p1 =	seq.s32 s10, $0x1;
	s10 =	sld [smem:$0x3FB2];
	_ =	sdelay $0x3  }
0x37: {  	[smem:$0x3FB2] =	sst s10  }
0x38: {  	s10 =	sld [smem:$0x3FB3]  }
0x39: {  	_ = 	snop;
	(pc) =	sbr.ind lr, $3  }
0x3a: {  	_ = 	snop  }
0x3b: {  	_ = 	snop  }
0x3c: {  	p2 =	seq.s32 s10, $0x1;
	s10 =	sld [smem:$0x3FB2]  }
0x3d: {  	_ =	shalt  }
0x3e: {  	_ =	shalt  }
0x3f: {  	_ =	shalt  }
0x40: {  	_ =	shalt  }
0x41: {  	_ =	shalt  }
0x42: {  	_ =	shalt  }
0x43: {  	_ =	shalt  }
0x44: {  	_ =	shalt  }
0x45: {  	_ =	shalt  }
0x46: {  	_ =	shalt  }
0x47: {  	_ =	shalt  }
0x48: {  	_ =	shalt  }
0x49: {  	_ =	shalt  }
0x4a: {  	_ =	shalt  }
0x4b: {  	_ =	shalt  }
0x4c: {  	_ =	shalt  }
0x4d: {  	_ =	shalt  }
0x4e: {  	_ =	shalt  }
0x4f: {  	_ =	shalt  }
0x50: {  	_ =	shalt  }
0x51: {  	_ =	shalt  }
0x52: {  	_ =	shalt  }
0x53: {  	_ =	shalt  }
0x54: {  	_ =	shalt  }
0x55: {  	_ =	shalt  }
0x56: {  	_ =	shalt  }
0x57: {  	_ =	shalt  }
0x58: {  	_ =	shalt  }
0x59: {  	_ =	shalt  }
0x5a: {  	_ =	shalt  }
0x5b: {  	_ =	shalt  }
0x5c: {  	_ =	shalt  }
0x5d: {  	_ =	shalt  }
0x5e: {  	_ =	shalt  }
0x5f: {  	_ =	shalt  }
0x60: {  	_ =	shalt  }
0x61: {  	_ =	shalt  }
0x62: {  	_ =	shalt  }
0x63: {  	_ =	shalt  }
0x64: {  	_ =	shalt  }
0x65: {  	_ =	shalt  }
0x66: {  	_ =	shalt  }
0x67: {  	_ =	shalt  }
0x68: {  	_ =	shalt  }
0x69: {  	_ =	shalt  }
0x6a: {  	_ =	shalt  }
0x6b: {  	_ =	shalt  }
0x6c: {  	_ =	shalt  }
0x6d: {  	_ =	shalt  }
0x6e: {  	_ =	shalt  }
0x6f: {  	_ =	shalt  }
0x70: {  	_ =	shalt  }
0x71: {  	_ =	shalt  }
0x72: {  	_ =	shalt  }
0x73: {  	_ =	shalt  }
0x74: {  	_ =	shalt  }
0x75: {  	_ =	shalt  }
0x76: {  	_ =	shalt  }
0x77: {  	_ =	shalt  }
0x78: {  	_ =	shalt  }
0x79: {  	_ =	shalt  }
0x7a: {  	_ =	shalt  }
0x7b: {  	_ =	shalt  }
0x7c: {  	_ =	shalt  }
0x7d: {  	_ =	shalt  }
0x7e: {  	_ =	shalt  }
0x7f: {  	_ =	shalt  }
0x80: {  	_ =	shalt  }
0x81: {  	_ =	shalt  }
0x82: {  	_ =	shalt  }
0x83: {  	_ =	shalt  }
0x84: {  	_ =	shalt  }
0x85: {  	_ =	shalt  }
0x86: {  	_ =	shalt  }
0x87: {  	_ =	shalt  }
.Lfunc_end0:
.L_simem_size_0:
called_computation.3_lowered:
.L_overlay_start_0:
0x88: {  	s2 =	sld [smem:$0x3FD9]  }
0x89: {  	s3 =	sld [smem:$0x3FFE];
	_ =	sdelay $0x1  }
0x8a: {  	s1 =	srdreg.scid  }
0x8b: {  	s0 =	sand.u32 $0x1, s1  }
0x8c: {  	s15 =	sshll.u32 s0, $0xA;
	s2 =	sadd.s32 s3, s2  }
0x8d: {  	s2 =	sadd.s32 s2, s15  }
0x8e: {  	[smem:$0x3FBE] =	sst s2  }
0x8f: {  	_ = 	snop  }
0x90: {  	s2 =	sld [smem:$0x3FD0];
	_ =	sdelay $0x2  }
0x91: {  	s16 =	simm.s32 $0xB;
	s4 =	simm.s32 $0x10  }
0x92: {  	[smem:s4], [sflag:s16] =	dma.local [hbm:s2], $0x1  }
0x93: {  	_ =	swait.eq [sflag:s16], $0x1  }
0x94: {  	[sflag:s16] =	ssyncset.done $0x0  }
0x95: {  	[sflag:s16] =	ssyncadd.s32 $0xFFFFFFFF  }
0x96: {  	s17 =	sld [smem:$0x11];
	(tm) =	ssettm $0x1  }
0x97: {  	s18 =	sld [smem:$0x3FFB];
	_ =	sdelay $0x3  }
0x98: {  	_ =	strace s18  }
0x99: {  	s2 =	sld [smem:$0x3FFC];
	_ =	sdelay $0x3  }
0x9a: {  	_ =	strace s2  }
0x9b: {  	s2 =	sld [smem:$0x3FFD];
	_ =	sdelay $0x3  }
0x9c: {  	_ =	strace s2  }
0x9d: {  	_ =	strace $0x8FFFFFFF  }
0x9e: {  	s19 =	sld [smem:$0x3FDB];
	_ =	sdelay $0x1  }
0x9f: {  	s20 =	simm.s32 $_scs_section_size  }
0xa0: {  	s5 =	simm.s32 $_size__tile_overlayer_lowered;
	s6 =	simm.s32 $_tile_overlayer_lowered  }
0xa1: {  	s7 =	simm.s32 $0x1BFF;
	s21 =	sshll.u32 s6, $0x1;
	s4 =	sadd.s32 s20, s19  }
0xa2: {  	s22 =	simm.s32 $0x0;
	s5 =	sshll.u32 s5, $0x1;
	s6 =	sadd.s32 s21, s4  }
0xa3: {  	[timem:s22], [sflag:s7] =	dma.local [hbm:s6], s5  }
0xa4: {  	_ =	swait.ge [sflag:s7], s5  }
0xa5: {  	s5 =	ssub.s32 $0x0, s5;
	[sflag:s7] =	ssyncset.done $0x0  }
0xa6: {  	[sflag:s7] =	ssyncadd.s32 s5;
	_ =	sdelay $0x1  }
0xa7: {  	s23 =	simm.s32 $0x1B8B  }
0xa8: {  	_ =	swait.ge [sflag:s23], $0x1  }
0xa9: {  	[sflag:s23] =	ssyncset.done $0x0  }
0xaa: {  	[sflag:s23] =	ssyncadd.s32 $0xFFFFFFFF  }
0xab: {  	s5 =	sld [smem:$0x0]  }
0xac: {  	s6 =	sand.u32 $0xFFFFFFFE, s1  }
0xad: {  	p0 =	sne.s32 s1, s6  }
0xae: {  	s6 =	sshll.u32 @p0 s6, $0xE  }
0xaf: {  	s6 =	sadd.s32 @p0 $0x11B8D, s6;
	s7 =	sshll.u32 @p0 s5, $0x11  }
0xb0: {  	s6 =	sor.u32 @p0 s7, s6  }
0xb1: {  	[sflag:s6] =	ssyncadd.remote.s32 @p0 $0x1;
	_ =	sdelay $0x1  }
0xb2: {  	s6 =	simm.s32 @p0 $0x1B8D  }
0xb3: {  	_ =	swait.eq @p0 [sflag:s6], $0x1  }
0xb4: {  	[sflag:s6] =	ssyncadd.s32 @p0 $0xFFFFFFFF  }
0xb5: {  	s7 =	sshll.u32 @!p0 s1, $0xE  }
0xb6: {  	s7 =	sor.u32 @!p0 $0x4000, s7;
	s6 =	simm.s32 @!p0 $0x1B8D  }
0xb7: {  	s5 =	sshll.u32 @!p0 s5, $0x11;
	s7 =	sadd.s32 @!p0 $0x11B8D, s7;
	_ =	swait.eq @!p0 [sflag:s6], $0x1  }
0xb8: {  	s5 =	sor.u32 @!p0 s5, s7;
	[sflag:s6] =	ssyncadd.s32 @!p0 $0xFFFFFFFF  }
0xb9: {  	s25 =	simm.s32 $0x1B8E;
	s24 =	sld [smem:$0x3FFE];
	[sflag:s5] =	ssyncadd.remote.s32 @!p0 $0x1  }
0xba: {  	s26 =	simm.s32 $execute0_lowered;
	[smem:$0x3FD2] =	sst s25  }
0xbb: {  	s6 =	sshll.u32 s26, $0x1;
	_ =	strace $0x8000004C;
	[dreg:$0x1] =	wrdreg $0xFFFFFFFF  }
0xbc: {  	s28 =	simm.s32 $_size_execute0_lowered;
	s4 =	sadd.s32 s4, s6;
	[dreg:$0x0] =	wrdreg $0x0  }
0xbd: {  	s6 =	sshll.u32 s28, $0x1;
	[dreg:$0x2] =	wrdreg s4  }
0xbe: {  	[dreg:$0x3] =	wrdreg s6  }
0xbf: {  	[dreg:$0x4] =	wrdreg $0xC0  }
0xc0: {  	_ =	task [dreg:s22], $0x5FFFF  }
0xc1: {  	[dreg:$0x1] =	wrdreg $0xFFFFFFFF  }
0xc2: {  	[dreg:$0x0] =	wrdreg $0x60  }
0xc3: {  	[dreg:$0x2] =	wrdreg s24  }
0xc4: {  	[dreg:$0x3] =	wrdreg s17  }
0xc5: {  	[dreg:$0x4] =	wrdreg $0x90000  }
0xc6: {  	[dreg:$0x5] =	wrdreg $0xA  }
0xc7: {  	_ =	task.clear_ibuf [dreg:s22], $0x6FFFF;
	_ =	strace $0x9000004C  }
0xc8: {  	s29 =	simm.s32 $0xA;
	_ =	strace $0x8000004E  }
0xc9: {  	_ =	swait.ge [sflag:s29], $0x1  }
0xca: {  	[sflag:s29] =	ssyncadd.s32 $0xFFFFFFFF  }
0xcb: {  	_ =	strace $0x9000004E  }
0xcc: {  	_ =	sfence  }
0xcd: {  	s30 =	sld [smem:$0x0];
	_ =	sdelay $0x2  }
0xce: {  	s31 =	sshll.u32 s1, $0xD;
	s1 =	sshrl.u32 s1, $0x2  }
0xcf: {  	s4 =	sand.u32 $0x4000, s31;
	s1 =	sadd.s32 s1, s30  }
0xd0: {  	s0 =	sor.u32 s4, s0;
	s1 =	sshll.u32 s1, $0x11  }
0xd1: {  	s0 =	sor.u32 s1, s0  }
0xd2: {  	s0 =	sadd.s32 $0x8F2B, s0  }
0xd3: {  	[sflag:s0] =	ssyncadd.remote.s32 $0x1  }
0xd4: {  	_ =	sfence.sel $0xFFFF  }
0xd5: {  	[dreg:$0x0] =	wrdreg $0xFFFFFFFF;
	(pc) =	sbr.abs _section_cstart, $3  }
0xd6: {  	[dreg:$0x1] =	wrdreg $0xFFFFFFFF  }
0xd7: {  	_ =	task.clear_ibuf [dreg:s22], $0x2FFFF;
	_ =	strace $0x9FFFFFFF  }
0xd8: {  	(tm) =	ssettm $0x7FFFFFFF  }
0xd9: {  	_ =	shalt  }
tec
execute0_lowered:
.L_overlay_start_1:
0x0: {  	(tag) =	ssettag $0x1  }
0x1: {  	s0 =	rddreg [dreg:$0x0]  }
0x2: {  	s1 =	rddreg [dreg:$0x1]  }
0x3: {  	s3 =	srdreg.scid;
	s12 =	stileid.u32  }
0x4: {  	s2 =	rddreg [dreg:$0x2];
	s6 =	smul.u32 $0x14000, s12  }
0x5: {  	s30 =	simm.s32 $0x4000;
	s31 =	simm.s32 $0x9;
	s24 =	smul.u32 $0x50000, s12  }
0x6: {  	s5 =	sand.u32 $0x1, s3;
	s3 =	simm.s32 $0x0;
	s10 =	smul.u32 $0x1388, s12  }
0x7: {  	s7 =	sadd.s32 $0xA02200, s0;
	s21 =	sshll.u32 s12, $0xB;
	s4 =	smul.u32 $0x140000, s5  }
0x8: {  	[smem:$0x7FF] =	sst s3;
	s8 =	smul.u32 $0x13880, s5;
	s9 =	ssub.s32 $0x2, s5  }
0x9: {  	s22 =	sshll.u32 s5, $0xF;
	s1 =	sadd.s32 s1, s21;
	s4 =	sadd.s32 s6, s4  }
0xa: {  	s5 =	smul.u32 $0x138800, s5;
	s6 =	sshrl.u32 s24, $0x2;
	s4 =	sshrl.u32 s4, $0x3  }
0xb: {  	s1 =	sadd.s32 s22, s1;
	s0 =	sadd.s32 s4, s0;
	s4 =	sadd.s32 s6, s2  }
0xc: {  	_ =	strace $0x8000004D;
	[dreg:$0x11] =	wrdreg s1;
	s25 =	sadd.s32 $0x1400, s4  }
0xd: {  	s11 =	sshrl.u32 s9, $0x1;
	s26 =	sadd.s32 $0x2800, s4;
	[dreg:$0x4] =	wrdreg s25  }
0xe: {  	s8 =	sadd.s32 s10, s8;
	s10 =	sadd.s32 $0x3C00, s4;
	[dreg:$0x5] =	wrdreg s26  }
0xf: {  	s6 =	ssub.s32 s9, s11;
	s11 =	sadd.s32 $0x5000, s4;
	[dreg:$0x6] =	wrdreg s10  }
0x10: {  	s24 =	smul.u32 $0x13880, s12;
	s13 =	sadd.s32 $0x6400, s4;
	[dreg:$0x7] =	wrdreg s11  }
0x11: {  	s5 =	sadd.s32 s5, s7;
	s14 =	sadd.s32 $0x7800, s4;
	[dreg:$0x8] =	wrdreg s13  }
0x12: {  	s12 =	simm.s32 $0x7;
	s15 =	sadd.s32 $0x8C00, s4;
	[dreg:$0x9] =	wrdreg s14  }
0x13: {  	s8 =	sshll.u32 s8, $0x4;
	s16 =	sadd.s32 $0xA000, s4;
	[dreg:$0xa] =	wrdreg s15  }
0x14: {  	s1 =	sadd.s32 s24, s5;
	s17 =	sadd.s32 $0xB400, s4;
	[dreg:$0xb] =	wrdreg s16  }
0x15: {  	s5 =	simm.s32 $0x7C00;
	s18 =	sadd.s32 $0xC800, s4;
	[dreg:$0xc] =	wrdreg s17  }
0x16: {  	s9 =	simm.s32 $0x2;
	s19 =	sadd.s32 $0xDC00, s4;
	[dreg:$0xd] =	wrdreg s18  }
0x17: {  	s20 =	sadd.s32 $0xF000, s4;
	s23 =	sadd.s32 $0x10400, s4;
	[dreg:$0xe] =	wrdreg s19  }
0x18: {  	s24 =	smax.u32 s6, $0x1;
	s6 =	simm.s32 $0x1;
	[dreg:$0xf] =	wrdreg s20  }
0x19: {  	[dreg:$0x10] =	wrdreg s23;
	s25 =	sadd.s32 $0x11800, s4;
	s20 =	sadd.s32 s7, s8  }
0x1a: {  	s26 =	sadd.s32 $0x12C00, s4;
	s23 =	sadd.s32 $0x34200, s0;
	s18 =	sadd.s32 $0x1180, s1  }
0x1b: {  	s0 =	simm.s32 $0x5400;
	s1 =	simm.s32 $0x6800;
	s7 =	simm.s32 $0x28  }
0x1c: {  	s8 =	simm.s32 $0x5;
	s10 =	simm.s32 $0x6;
	s11 =	simm.s32 $0x3  }
0x1d: {  	s13 =	simm.s32 $0x4;
	s14 =	simm.s32 $0x8;
	[dreg:$0x12] =	wrdreg s25  }
0x1e: {  	s15 =	simm.s32 $0x0;
	[dreg:$0x13] =	wrdreg s26;
	s22 =	sadd.s32 $0x280, s20  }
0x1f: {  	v0 =	vimm.f32 $0.0e+00;
	s26 =	sadd.s32 $0x500, s20;
	s28 =	sadd.s32 $0x780, s20;
	s29 =	sadd.s32 $0x13600, s20  }
.LBB2_1:
0x20: {  	s16 =	simm.s32 $0x0;
	s17 =	simm.s32 $0x200  }
.LBB2_2:
0x21: {  	p0 =	sne.s32 s17, $0x4E00;
	[tilespmem:s16+$0x4070] =	vst v0  }
0x22: {  	[tilespmem:s16+$0x4000] =	vst v0  }
0x23: {  	[tilespmem:s16+$0x4010] =	vst v0  }
.Ltmp0:
0x24: {  	[tilespmem:s16+$0x4020] =	vst v0;
	(pc) =	sbr.rel @p0 .LBB2_2-.Ltmp0, $4  }
0x25: {  	[tilespmem:s16+$0x4030] =	vst v0  }
0x26: {  	[tilespmem:s16+$0x4040] =	vst v0  }
0x27: {  	[tilespmem:s16+$0x4050] =	vst v0  }
0x28: {  	[tilespmem:s16+$0x4060] =	vst v0;
	s16 =	sshra.s32 s17, $0x2;
	s17 =	sadd.s32 $0x200, s17  }
0x29: {  	[tilespmem:s16+$0x4070] =	vst v0  }
0x2a: {  	[tilespmem:s16+$0x4000] =	vst v0  }
0x2b: {  	[tilespmem:s16+$0x4010] =	vst v0  }
0x2c: {  	[tilespmem:s16+$0x4020] =	vst v0  }
0x2d: {  	[tilespmem:s16+$0x4030] =	vst v0  }
0x2e: {  	[tilespmem:s16+$0x4040] =	vst v0  }
0x2f: {  	[tilespmem:s16+$0x4050] =	vst v0  }
0x30: {  	[tilespmem:s16+$0x4060] =	vst v0  }
0x31: {  	[spmem:s4] =	stream.linear.scatter [tilespmem:s30], [sflag:$0x9], $0x1400, $0x38;
	[tilespmem:$0x1D000] =	vst v63  }
0x32: {  	_ =	swait.ge [sflag:s31], $0x1400  }
0x33: {  	[sflag:s31] =	ssyncset.done $0x0  }
0x34: {  	s17 =	rddreg [dreg:$0x4];
	[sflag:s31] =	ssyncadd.s32 $0xFFFFEC00  }
0x35: {  	[spmem:s17] =	stream.linear.scatter [tilespmem:s30], [sflag:$0x9], $0x1400, $0x38;
	[tilespmem:$0x1D000] =	vst v63  }
0x36: {  	_ =	swait.ge [sflag:s31], $0x1400  }
0x37: {  	[sflag:s31] =	ssyncset.done $0x0  }
0x38: {  	s19 =	rddreg [dreg:$0x5];
	[sflag:s31] =	ssyncadd.s32 $0xFFFFEC00  }
0x39: {  	[spmem:s19] =	stream.linear.scatter [tilespmem:s30], [sflag:$0x9], $0x1400, $0x38;
	[tilespmem:$0x1D000] =	vst v63  }
0x3a: {  	_ =	swait.ge [sflag:s31], $0x1400  }
0x3b: {  	[sflag:s31] =	ssyncset.done $0x0  }
0x3c: {  	s21 =	rddreg [dreg:$0x6];
	[sflag:s31] =	ssyncadd.s32 $0xFFFFEC00  }
0x3d: {  	[spmem:s21] =	stream.linear.scatter [tilespmem:s30], [sflag:$0x9], $0x1400, $0x38;
	[tilespmem:$0x1D000] =	vst v63  }
0x3e: {  	_ =	swait.ge [sflag:s31], $0x1400  }
0x3f: {  	[sflag:s31] =	ssyncset.done $0x0  }
0x40: {  	s25 =	rddreg [dreg:$0x7];
	[sflag:s31] =	ssyncadd.s32 $0xFFFFEC00  }
0x41: {  	[spmem:s25] =	stream.linear.scatter [tilespmem:s30], [sflag:$0x9], $0x1400, $0x38;
	[tilespmem:$0x1D000] =	vst v63  }
0x42: {  	_ =	swait.ge [sflag:s31], $0x1400  }
0x43: {  	[sflag:s31] =	ssyncset.done $0x0  }
0x44: {  	s17 =	rddreg [dreg:$0x8];
	[sflag:s31] =	ssyncadd.s32 $0xFFFFEC00  }
0x45: {  	[spmem:s17] =	stream.linear.scatter [tilespmem:s30], [sflag:$0x9], $0x1400, $0x38;
	[tilespmem:$0x1D000] =	vst v63  }
0x46: {  	_ =	swait.ge [sflag:s31], $0x1400  }
0x47: {  	[sflag:s31] =	ssyncset.done $0x0  }
0x48: {  	s19 =	rddreg [dreg:$0x9];
	[sflag:s31] =	ssyncadd.s32 $0xFFFFEC00  }
0x49: {  	[spmem:s19] =	stream.linear.scatter [tilespmem:s30], [sflag:$0x9], $0x1400, $0x38;
	[tilespmem:$0x1D000] =	vst v63  }
0x4a: {  	_ =	swait.ge [sflag:s31], $0x1400  }
0x4b: {  	[sflag:s31] =	ssyncset.done $0x0  }
0x4c: {  	s21 =	rddreg [dreg:$0xa];
	[sflag:s31] =	ssyncadd.s32 $0xFFFFEC00  }
0x4d: {  	[spmem:s21] =	stream.linear.scatter [tilespmem:s30], [sflag:$0x9], $0x1400, $0x38;
	[tilespmem:$0x1D000] =	vst v63  }
0x4e: {  	_ =	swait.ge [sflag:s31], $0x1400  }
0x4f: {  	[sflag:s31] =	ssyncset.done $0x0  }
0x50: {  	s25 =	rddreg [dreg:$0xb];
	[sflag:s31] =	ssyncadd.s32 $0xFFFFEC00  }
0x51: {  	[spmem:s25] =	stream.linear.scatter [tilespmem:s30], [sflag:$0x9], $0x1400, $0x38;
	[tilespmem:$0x1D000] =	vst v63  }
0x52: {  	_ =	swait.ge [sflag:s31], $0x1400  }
0x53: {  	[sflag:s31] =	ssyncset.done $0x0  }
0x54: {  	s17 =	rddreg [dreg:$0xc];
	[sflag:s31] =	ssyncadd.s32 $0xFFFFEC00  }
0x55: {  	[spmem:s17] =	stream.linear.scatter [tilespmem:s30], [sflag:$0x9], $0x1400, $0x38;
	[tilespmem:$0x1D000] =	vst v63  }
0x56: {  	_ =	swait.ge [sflag:s31], $0x1400  }
0x57: {  	[sflag:s31] =	ssyncset.done $0x0  }
0x58: {  	s19 =	rddreg [dreg:$0xd];
	[sflag:s31] =	ssyncadd.s32 $0xFFFFEC00  }
0x59: {  	[spmem:s19] =	stream.linear.scatter [tilespmem:s30], [sflag:$0x9], $0x1400, $0x38;
	[tilespmem:$0x1D000] =	vst v63  }
0x5a: {  	_ =	swait.ge [sflag:s31], $0x1400  }
0x5b: {  	[sflag:s31] =	ssyncset.done $0x0  }
0x5c: {  	s21 =	rddreg [dreg:$0xe];
	[sflag:s31] =	ssyncadd.s32 $0xFFFFEC00  }
0x5d: {  	[spmem:s21] =	stream.linear.scatter [tilespmem:s30], [sflag:$0x9], $0x1400, $0x38;
	[tilespmem:$0x1D000] =	vst v63  }
0x5e: {  	_ =	swait.ge [sflag:s31], $0x1400  }
0x5f: {  	[sflag:s31] =	ssyncset.done $0x0  }
0x60: {  	s25 =	rddreg [dreg:$0xf];
	[sflag:s31] =	ssyncadd.s32 $0xFFFFEC00  }
0x61: {  	[spmem:s25] =	stream.linear.scatter [tilespmem:s30], [sflag:$0x9], $0x1400, $0x38;
	[tilespmem:$0x1D000] =	vst v63  }
0x62: {  	_ =	swait.ge [sflag:s31], $0x1400  }
0x63: {  	[sflag:s31] =	ssyncset.done $0x0  }
0x64: {  	s17 =	rddreg [dreg:$0x10];
	[sflag:s31] =	ssyncadd.s32 $0xFFFFEC00  }
0x65: {  	[spmem:s17] =	stream.linear.scatter [tilespmem:s30], [sflag:$0x9], $0x1400, $0x38;
	[tilespmem:$0x1D000] =	vst v63  }
0x66: {  	_ =	swait.ge [sflag:s31], $0x1400  }
0x67: {  	[sflag:s31] =	ssyncset.done $0x0  }
0x68: {  	s19 =	rddreg [dreg:$0x12];
	[sflag:s31] =	ssyncadd.s32 $0xFFFFEC00  }
0x69: {  	[spmem:s19] =	stream.linear.scatter [tilespmem:s30], [sflag:$0x9], $0x1400, $0x38;
	[tilespmem:$0x1D000] =	vst v63  }
0x6a: {  	_ =	swait.ge [sflag:s31], $0x1400  }
0x6b: {  	[sflag:s31] =	ssyncset.done $0x0  }
0x6c: {  	s21 =	rddreg [dreg:$0x13];
	[sflag:s31] =	ssyncadd.s32 $0xFFFFEC00  }
0x6d: {  	[spmem:s21] =	stream.linear.scatter [tilespmem:s30], [sflag:$0x9], $0x1400, $0x38;
	[tilespmem:$0x1D000] =	vst v63  }
0x6e: {  	_ =	swait.ge [sflag:s31], $0x1400  }
0x6f: {  	[sflag:s31] =	ssyncset.done $0x0  }
0x70: {  	[sflag:s31] =	ssyncadd.s32 $0xFFFFEC00  }
0x71: {  	[bflag:$0x0] =	sbarrier.arrive $0xFFFF  }
0x72: {  	s25 =	simm.s32 $0x0;
	s17 =	rddreg [dreg:$0x11]  }
0x73: {  	[tilespmem:s25], [sflag:$0x9] =	stream.linear.gather [hbm4b:s17+s25], $0x3E80, $0x38;
	[tilespmem:$0x1D000] =	vst v63  }
0x74: {  	_ =	swait.ge [sflag:s31], $0x3E80  }
0x75: {  	[sflag:s31] =	ssyncset.done $0x0  }
0x76: {  	[sflag:s31] =	ssyncadd.s32 $0xFFFFC180  }
0x77: {  	[tilespmem:s30], [sflag:$0x1] =	stream.linear.gather [hbm4b:s20+s25], $0x1400, $0x38;
	[tilespmem:$0x1D000] =	vst v63  }
0x78: {  	_ = 	snop  }
0x79: {  	[tilespmem:s0], [sflag:$0x2] =	stream.linear.gather [hbm4b:s22+s25], $0x1400, $0x38;
	[tilespmem:$0x1D000] =	vst v63  }
0x7a: {  	_ = 	snop  }
0x7b: {  	[tilespmem:s1], [sflag:$0x3] =	stream.linear.gather [hbm4b:s26+s25], $0x1400, $0x38;
	[tilespmem:$0x1D000] =	vst v63  }
0x7c: {  	_ = 	snop  }
0x7d: {  	[tilespmem:s5], [sflag:$0x4] =	stream.linear.gather [hbm4b:s28+s25], $0x1400, $0x38;
	[tilespmem:$0x1D000] =	vst v63  }
0x7e: {  	_ =	swait.ge [sflag:s6], $0x1400  }
0x7f: {  	[sflag:s6] =	ssyncset.done $0x0  }
0x80: {  	s19 =	simm.s32 $0x0;
	[sflag:s6] =	ssyncadd.s32 $0xFFFFEC00  }
0x81: {  	[spmem:s2] =	stream.indirect.scatter.add.f32 [tilespmem:s30], [sflag:$0x5], $0x80, s19, s7, $0xb8;
	[tilespmem:$0x1D000] =	vst v63  }
0x82: {  	_ =	swait.ge [sflag:s8], $0x1400  }
0x83: {  	[sflag:s8] =	ssyncset.done $0x0  }
0x84: {  	s21 =	sadd.s32 $0xFFFFF880, s18;
	[sflag:s8] =	ssyncadd.s32 $0xFFFFEC00  }
0x85: {  	[tilespmem:s30], [sflag:$0x1] =	stream.linear.gather [hbm4b:s21+s3], $0x1400, $0x38;
	[tilespmem:$0x1D000] =	vst v63  }
0x86: {  	_ =	swait.ge [sflag:s9], $0x1400  }
0x87: {  	[sflag:s9] =	ssyncset.done $0x0  }
0x88: {  	s25 =	simm.s32 $0x80;
	[sflag:s9] =	ssyncadd.s32 $0xFFFFEC00  }
0x89: {  	[spmem:s2] =	stream.indirect.scatter.add.f32 [tilespmem:s0], [sflag:$0x6], $0x80, s25, s7, $0xb8;
	[tilespmem:$0x1D000] =	vst v63  }
0x8a: {  	_ =	swait.ge [sflag:s10], $0x1400  }
0x8b: {  	[sflag:s10] =	ssyncset.done $0x0  }
0x8c: {  	s17 =	sadd.s32 $0xFFFFFB00, s18;
	[sflag:s10] =	ssyncadd.s32 $0xFFFFEC00  }
0x8d: {  	[tilespmem:s0], [sflag:$0x2] =	stream.linear.gather [hbm4b:s17+s3], $0x1400, $0x38;
	[tilespmem:$0x1D000] =	vst v63  }
0x8e: {  	_ =	swait.ge [sflag:s11], $0x1400  }
0x8f: {  	[sflag:s11] =	ssyncset.done $0x0  }
0x90: {  	s19 =	simm.s32 $0x100;
	[sflag:s11] =	ssyncadd.s32 $0xFFFFEC00  }
0x91: {  	[spmem:s2] =	stream.indirect.scatter.add.f32 [tilespmem:s1], [sflag:$0x7], $0x80, s19, s7, $0xb8;
	[tilespmem:$0x1D000] =	vst v63  }
0x92: {  	_ =	swait.ge [sflag:s12], $0x1400  }
0x93: {  	[sflag:s12] =	ssyncset.done $0x0  }
0x94: {  	s21 =	sadd.s32 $0xFFFFFD80, s18;
	[sflag:s12] =	ssyncadd.s32 $0xFFFFEC00  }
0x95: {  	[tilespmem:s1], [sflag:$0x3] =	stream.linear.gather [hbm4b:s21+s3], $0x1400, $0x38;
	[tilespmem:$0x1D000] =	vst v63  }
0x96: {  	_ =	swait.ge [sflag:s13], $0x1400  }
0x97: {  	[sflag:s13] =	ssyncset.done $0x0  }
0x98: {  	s25 =	simm.s32 $0x180;
	[sflag:s13] =	ssyncadd.s32 $0xFFFFEC00  }
0x99: {  	[spmem:s2] =	stream.indirect.scatter.add.f32 [tilespmem:s5], [sflag:$0x8], $0x80, s25, s7, $0xb8;
	[tilespmem:$0x1D000] =	vst v63  }
0x9a: {  	_ =	swait.ge [sflag:s14], $0x1400  }
0x9b: {  	s16 =	simm.s32 $0x800;
	[sflag:s14] =	ssyncset.done $0x0  }
0x9c: {  	s17 =	sadd.s32 $0xA00, s18;
	s25 =	smov.u32 s18;
	[sflag:s14] =	ssyncadd.s32 $0xFFFFEC00  }
.LBB2_4:
0x9d: {  	[tilespmem:s5], [sflag:$0x4] =	stream.linear.gather [hbm4b:s25+s3], $0x1400, $0x38;
	[tilespmem:$0x1D000] =	vst v63  }
0x9e: {  	s19 =	smov.u32 s16;
	s25 =	smov.u32 s17  }
0x9f: {  	p0 =	sne.s32 s16, $0xE800;
	s16 =	sadd.s32 $0x800, s16;
	_ =	swait.ge [sflag:s6], $0x1400  }
0xa0: {  	[sflag:s6] =	ssyncset.done $0x0  }
0xa1: {  	s19 =	sshra.s32 s19, $0x2;
	[sflag:s6] =	ssyncadd.s32 $0xFFFFEC00  }
0xa2: {  	[spmem:s2] =	stream.indirect.scatter.add.f32 [tilespmem:s30], [sflag:$0x5], $0x80, s19, s7, $0xb8;
	[tilespmem:$0x1D000] =	vst v63  }
0xa3: {  	_ =	swait.ge [sflag:s8], $0x1400  }
0xa4: {  	[sflag:s8] =	ssyncset.done $0x0  }
0xa5: {  	s21 =	sadd.s32 $0xFFFFF880, s17;
	[sflag:s8] =	ssyncadd.s32 $0xFFFFEC00  }
0xa6: {  	[tilespmem:s30], [sflag:$0x1] =	stream.linear.gather [hbm4b:s21+s3], $0x1400, $0x38;
	[tilespmem:$0x1D000] =	vst v63  }
0xa7: {  	_ =	swait.ge [sflag:s9], $0x1400  }
0xa8: {  	[sflag:s9] =	ssyncset.done $0x0  }
0xa9: {  	s21 =	sadd.s32 $0x80, s19;
	[sflag:s9] =	ssyncadd.s32 $0xFFFFEC00  }
0xaa: {  	[spmem:s2] =	stream.indirect.scatter.add.f32 [tilespmem:s0], [sflag:$0x6], $0x80, s21, s7, $0xb8;
	[tilespmem:$0x1D000] =	vst v63  }
0xab: {  	_ =	swait.ge [sflag:s10], $0x1400  }
0xac: {  	[sflag:s10] =	ssyncset.done $0x0  }
0xad: {  	s21 =	sadd.s32 $0xFFFFFB00, s17;
	[sflag:s10] =	ssyncadd.s32 $0xFFFFEC00  }
0xae: {  	[tilespmem:s0], [sflag:$0x2] =	stream.linear.gather [hbm4b:s21+s3], $0x1400, $0x38;
	[tilespmem:$0x1D000] =	vst v63  }
0xaf: {  	_ =	swait.ge [sflag:s11], $0x1400  }
0xb0: {  	[sflag:s11] =	ssyncset.done $0x0  }
0xb1: {  	s21 =	sadd.s32 $0x100, s19;
	[sflag:s11] =	ssyncadd.s32 $0xFFFFEC00  }
0xb2: {  	[spmem:s2] =	stream.indirect.scatter.add.f32 [tilespmem:s1], [sflag:$0x7], $0x80, s21, s7, $0xb8;
	[tilespmem:$0x1D000] =	vst v63  }
0xb3: {  	_ =	swait.ge [sflag:s12], $0x1400  }
0xb4: {  	[sflag:s12] =	ssyncset.done $0x0  }
0xb5: {  	s21 =	sadd.s32 $0xFFFFFD80, s17;
	[sflag:s12] =	ssyncadd.s32 $0xFFFFEC00  }
0xb6: {  	[tilespmem:s1], [sflag:$0x3] =	stream.linear.gather [hbm4b:s21+s3], $0x1400, $0x38;
	[tilespmem:$0x1D000] =	vst v63  }
0xb7: {  	_ =	swait.ge [sflag:s13], $0x1400  }
0xb8: {  	[sflag:s13] =	ssyncset.done $0x0  }
.Ltmp1:
0xb9: {  	s19 =	sadd.s32 $0x180, s19;
	[sflag:s13] =	ssyncadd.s32 $0xFFFFEC00;
	(pc) =	sbr.rel @p0 .LBB2_4-.Ltmp1, $4  }
0xba: {  	[spmem:s2] =	stream.indirect.scatter.add.f32 [tilespmem:s5], [sflag:$0x8], $0x80, s19, s7, $0xb8;
	[tilespmem:$0x1D000] =	vst v63  }
0xbb: {  	_ =	swait.ge [sflag:s14], $0x1400  }
0xbc: {  	[sflag:s14] =	ssyncset.done $0x0  }
0xbd: {  	s17 =	sadd.s32 $0xA00, s17;
	[sflag:s14] =	ssyncadd.s32 $0xFFFFEC00  }
0xbe: {  	[tilespmem:s5], [sflag:$0x4] =	stream.linear.gather [hbm4b:s25+s3], $0x1400, $0x38;
	[tilespmem:$0x1D000] =	vst v63  }
0xbf: {  	_ =	swait.ge [sflag:s6], $0x1400  }
0xc0: {  	[sflag:s6] =	ssyncset.done $0x0  }
0xc1: {  	s16 =	simm.s32 $0x3C00;
	[sflag:s6] =	ssyncadd.s32 $0xFFFFEC00  }
0xc2: {  	[spmem:s2] =	stream.indirect.scatter.add.f32 [tilespmem:s30], [sflag:$0x5], $0x80, s16, s7, $0xb8;
	[tilespmem:$0x1D000] =	vst v63  }
0xc3: {  	_ =	swait.ge [sflag:s8], $0x1400  }
0xc4: {  	[sflag:s8] =	ssyncset.done $0x0  }
0xc5: {  	[sflag:s8] =	ssyncadd.s32 $0xFFFFEC00  }
0xc6: {  	[tilespmem:s30], [sflag:$0x1] =	stream.linear.gather [hbm4b:s29+s3], $0x1400, $0x38;
	[tilespmem:$0x1D000] =	vst v63  }
0xc7: {  	_ =	swait.ge [sflag:s9], $0x1400  }
0xc8: {  	[sflag:s9] =	ssyncset.done $0x0  }
0xc9: {  	s25 =	simm.s32 $0x3C80;
	[sflag:s9] =	ssyncadd.s32 $0xFFFFEC00  }
0xca: {  	[spmem:s2] =	stream.indirect.scatter.add.f32 [tilespmem:s0], [sflag:$0x6], $0x80, s25, s7, $0xb8;
	[tilespmem:$0x1D000] =	vst v63  }
0xcb: {  	_ =	swait.ge [sflag:s11], $0x1400  }
0xcc: {  	[sflag:s11] =	ssyncset.done $0x0  }
0xcd: {  	s17 =	simm.s32 $0x3D00;
	[sflag:s11] =	ssyncadd.s32 $0xFFFFEC00  }
0xce: {  	[spmem:s2] =	stream.indirect.scatter.add.f32 [tilespmem:s1], [sflag:$0x7], $0x80, s17, s7, $0xb8;
	[tilespmem:$0x1D000] =	vst v63  }
0xcf: {  	_ =	swait.ge [sflag:s13], $0x1400  }
0xd0: {  	[sflag:s13] =	ssyncset.done $0x0  }
0xd1: {  	s19 =	simm.s32 $0x3D80;
	[sflag:s13] =	ssyncadd.s32 $0xFFFFEC00  }
0xd2: {  	[spmem:s2] =	stream.indirect.scatter.add.f32 [tilespmem:s5], [sflag:$0x8], $0x80, s19, s7, $0xb8;
	[tilespmem:$0x1D000] =	vst v63  }
0xd3: {  	_ =	swait.ge [sflag:s6], $0x1400  }
0xd4: {  	[sflag:s6] =	ssyncset.done $0x0  }
0xd5: {  	s21 =	simm.s32 $0x3E00;
	[sflag:s6] =	ssyncadd.s32 $0xFFFFEC00  }
0xd6: {  	[spmem:s2] =	stream.indirect.scatter.add.f32 [tilespmem:s30], [sflag:$0x5], $0x80, s21, s7, $0xb8;
	[tilespmem:$0x1D000] =	vst v63  }
0xd7: {  	_ =	swait.ge [sflag:s8], $0x1400  }
0xd8: {  	[sflag:s8] =	ssyncset.done $0x0  }
0xd9: {  	[sflag:s8] =	ssyncadd.s32 $0xFFFFEC00  }
0xda: {  	_ =	swait.ge [sflag:s10], $0x1400  }
0xdb: {  	[sflag:s10] =	ssyncset.done $0x0  }
0xdc: {  	[sflag:s10] =	ssyncadd.s32 $0xFFFFEC00  }
0xdd: {  	_ =	swait.ge [sflag:s12], $0x1400  }
0xde: {  	[sflag:s12] =	ssyncset.done $0x0  }
0xdf: {  	[sflag:s12] =	ssyncadd.s32 $0xFFFFEC00  }
0xe0: {  	s25 =	stileid.u32;
	_ =	swait.ge [sflag:s14], $0x1400  }
0xe1: {  	s15 =	sadd.s32 $0x1, s15;
	s16 =	sshll.u32 s25, $0x6;
	[sflag:s14] =	ssyncset.done $0x0  }
0xe2: {  	p0 =	sne.s32 s15, s24;
	s16 =	sor.u32 $0x1C09, s16;
	[sflag:s14] =	ssyncadd.s32 $0xFFFFEC00  }
.Ltmp2:
0xe3: {  	s17 =	sshrl.u32 s4, $0x3;
	[bflag:$0x0] =	sbarrier.arrive $0xFFFF;
	(pc) =	sbr.rel @p0 .LBB2_1-.Ltmp2, $4  }
0xe4: {  	[hbm:s23], [sflag:s16] =	dma.local [spmem:s17], $0x2800  }
0xe5: {  	_ =	swait.ge [sflag:s31], $0x2800  }
0xe6: {  	[sflag:s31] =	ssyncset.done $0x0  }
0xe7: {  	[sflag:s31] =	ssyncadd.s32 $0xFFFFD800  }
0xe8: {  	_ =	sfence.sel $0x180000  }
0xe9: {  	[bflag:$0x0] =	sbarrier.arrive $0xFFFF  }
0xea: {  	_ =	strace $0x9000004D  }
0xeb: {  	s0 =	stileid.u32;
	[bflag:$0x2] =	sbarrier.arrive $0xFFFF  }
0xec: {  	p0 =	sne.s32 s0, $0x0;
	s0 =	rddreg [dreg:$0x3]  }
0xed: {  	s0 =	sadd.s32 @!p0 $0x100000, s0  }
0xee: {  	[sflag:s0] =	ssyncadd.tile.s32 @!p0 $0x1;
	_ =	shalt  }
.Lfunc_end2:
_tile_overlayer_lowered:
.L_overlay_start_2:
0xef: {  	(tag) =	ssettag $0x2  }
0xf0: {  	s0 =	rddreg [dreg:$0x0];
	s2 =	stileid.u32  }
0xf1: {  	s1 =	rddreg [dreg:$0x1];
	p0 =	sne.s32 s2, $0x0  }
0xf2: {  	s3 =	rddreg [dreg:$0x2];
	[bflag:$0x3] =	sbarrier.arrive $0xFFFF;
	s2 =	simm.s32 @!p0 $0x1C09  }
0xf3: {  	[timem:s3], [sflag:s2] =	dma.local @!p0 [hbm:s0], s1  }
0xf4: {  	s0 =	simm.s32 @!p0 $0x9  }
0xf5: {  	_ =	swait.ge @!p0 [sflag:s0], s1  }
0xf6: {  	s1 =	ssub.s32 @!p0 $0x0, s1;
	[sflag:s0] =	ssyncset.done @!p0 $0x0  }
0xf7: {  	[sflag:s0] =	ssyncadd.s32 @!p0 s1  }
0xf8: {  	[bflag:$0x3] =	sbarrier.arrive $0xFFFF  }
0xf9: {  	_ =	shalt  }

</sc_bundles>
